<compile_context>
chip_gen: v7x
topology: tpu7x:2x2x1
jax: 0.10.2.dev20260603
libtpu: 0.0.44.dev20260713+nightly
codegen_flags: <defaults>
</compile_context>

<pallas_src>
import functools

import jax
import jax.numpy as jnp
from jax import lax
from jax.experimental import pallas as pl
from jax.experimental.pallas import tpu as pltpu
from jax.experimental.pallas import tpu_sc as plsc

N = 10000
E = 320000
H = 128
G = 64
C = 10

NC = 2
NS = 16
NW = NC * NS
EB = 128
NBLK = E // EB
CS = 80
NCH = N // CS
KCH = -(-NCH // NS)

_mesh = plsc.VectorSubcoreMesh(
    core_axis_name="c", subcore_axis_name="s", num_cores=NC, num_subcores=NS)


@functools.partial(
    pl.kernel,
    out_type=jax.ShapeDtypeStruct((NC * N, H), jnp.float32),
    mesh=_mesh,
    scratch_types=[
        pltpu.VMEM_SHARED((N, H), jnp.float32),
        pltpu.VMEM((2, EB), jnp.int32),
        pltpu.VMEM((2, EB), jnp.int32),
        pltpu.VMEM((2, EB), jnp.int32),
        pltpu.VMEM((EB, H), jnp.float32),
        pltpu.VMEM((EB, H), jnp.float32),
        pltpu.VMEM((EB, H), jnp.float32),
        pltpu.SemaphoreType.DMA,
        pltpu.SemaphoreType.DMA,
        pltpu.SemaphoreType.DMA,
        pltpu.SemaphoreType.DMA,
        pltpu.SemaphoreType.DMA,
        pltpu.SemaphoreType.DMA,
    ],
)
def _sc_agg(h_hbm, eidx_hbm, out_hbm, agg_sh, idx_a, idx_b, idx_c,
            rows_a, rows_b, rows_c, sga, sgb, sgc, ssa, ssb, ssc):
    cid = lax.axis_index("c")
    sid = lax.axis_index("s")
    wid = sid * NC + cid

    def _zero_row(r, _):
        for c8 in range(H // 16):
            rows_a[r, pl.ds(c8 * 16, 16)] = jnp.zeros((16,), jnp.float32)
        return 0
    lax.fori_loop(0, CS, _zero_row, 0)
    for k in range(KCH):
        c = sid + k * NS

        @pl.when(c < NCH)
        def _z():
            pltpu.sync_copy(rows_a.at[pl.ds(0, CS)], agg_sh.at[pl.ds(c * CS, CS)])
    plsc.subcore_barrier()

    nblk = jnp.where(wid < NBLK - (NBLK // NW) * NW, NBLK // NW + 1, NBLK // NW)

    def _load_and_gather(k, idx_x, rows_x, sg_x):
        pltpu.sync_copy(eidx_hbm.at[wid + k * NW], idx_x)
        pltpu.async_copy(h_hbm.at[idx_x.at[0]], rows_x, sg_x)

    def _step(k, cur, nxt):
        idx_p, rows_p, sg_p, ss_p = cur
        idx_q, rows_q, sg_q, ss_q = nxt

        @pl.when(k + 1 < nblk)
        def _prefetch():
            @pl.when(k >= 2)
            def _drain_s():
                pltpu.make_async_copy(rows_q, agg_sh.at[idx_q.at[1]], ss_q).wait()
            _load_and_gather(k + 1, idx_q, rows_q, sg_q)
        pltpu.make_async_copy(h_hbm.at[pl.ds(0, EB)], rows_p, sg_p).wait()
        pltpu.async_copy(rows_p, agg_sh.at[idx_p.at[1]], ss_p, add=True)

    ring = ((idx_a, rows_a, sga, ssa),
            (idx_b, rows_b, sgb, ssb),
            (idx_c, rows_c, sgc, ssc))

    def _edge_block(k, _):
        for r in range(3):
            @pl.when(k % 3 == r)
            def _r(r=r):
                _step(k, ring[r], ring[(r + 1) % 3])
        return 0

    _load_and_gather(0, idx_a, rows_a, sga)
    lax.fori_loop(0, nblk, _edge_block, 0)
    for idx_x, rows_x, sg_x, ss_x in ring:
        pltpu.make_async_copy(rows_x, agg_sh.at[idx_x.at[1]], ss_x).wait()
    plsc.subcore_barrier()

    for k in range(KCH):
        c = sid + k * NS

        @pl.when(c < NCH)
        def _wb():
            pltpu.sync_copy(agg_sh.at[pl.ds(c * CS, CS)],
                            out_hbm.at[pl.ds(cid * N + c * CS, CS)])


BR = 1000
_GRID = N // BR


def _dot_t(a, w):
    return lax.dot_general(a, w, (((1,), (1,)), ((), ())),
                           preferred_element_type=jnp.float32,
                           precision=lax.Precision.HIGHEST)


def _layer_body(p0_ref, p1_ref, h_ref, wr_ref, br_ref, ws_ref, o_ref):
    agg = p0_ref[...] + p1_ref[...]
    out = _dot_t(agg, wr_ref[...]) + br_ref[...] + _dot_t(h_ref[...], ws_ref[...])
    o_ref[...] = jnp.maximum(out, 0.0)


def _tc_layer(p, h, wr, br, ws):
    return pl.pallas_call(
        _layer_body,
        grid=(_GRID,),
        in_specs=[
            pl.BlockSpec((BR, H), lambda i: (i, 0)),
            pl.BlockSpec((BR, H), lambda i: (i + _GRID, 0)),
            pl.BlockSpec((BR, H), lambda i: (i, 0)),
            pl.BlockSpec((H, H), lambda i: (0, 0)),
            pl.BlockSpec((1, H), lambda i: (0, 0)),
            pl.BlockSpec((H, H), lambda i: (0, 0)),
        ],
        out_specs=pl.BlockSpec((BR, H), lambda i: (i, 0)),
        out_shape=jax.ShapeDtypeStruct((N, H), jnp.float32),
    )(p, p, h, wr, br, ws)


def _final_body(p0_ref, p1_ref, h_ref, b_ref, wr_ref, br_ref, ws_ref,
                wc_ref, bc_ref, o_ref, acc_ref, cnt_ref):
    i = pl.program_id(0)

    @pl.when(i == 0)
    def _init():
        acc_ref[...] = jnp.zeros((G, H), jnp.float32)
        cnt_ref[...] = jnp.zeros((1, G), jnp.float32)

    agg = p0_ref[...] + p1_ref[...]
    h3 = _dot_t(agg, wr_ref[...]) + br_ref[...] + _dot_t(h_ref[...], ws_ref[...])

    seg = b_ref[0, 0, :]
    onehot = (seg[:, None] ==
              lax.broadcasted_iota(jnp.int32, (BR, G), 1)).astype(jnp.float32)
    acc_ref[...] += lax.dot_general(onehot, h3, (((0,), (0,)), ((), ())),
                                    preferred_element_type=jnp.float32,
                                    precision=lax.Precision.HIGHEST)
    cnt_ref[...] += jnp.sum(onehot, axis=0, keepdims=True)

    @pl.when(i == _GRID - 1)
    def _finish():
        cnt = cnt_ref[...]
        pooled = acc_ref[...] / jnp.where(cnt > 0.0, cnt, 1.0).reshape(G, 1)
        o_ref[...] = _dot_t(pooled, wc_ref[...]) + bc_ref[...]


def _tc_final(p, h, batch3, wr, br, ws, wc, bc):
    return pl.pallas_call(
        _final_body,
        grid=(_GRID,),
        in_specs=[
            pl.BlockSpec((BR, H), lambda i: (i, 0)),
            pl.BlockSpec((BR, H), lambda i: (i + _GRID, 0)),
            pl.BlockSpec((BR, H), lambda i: (i, 0)),
            pl.BlockSpec((1, 1, BR), lambda i: (i, 0, 0)),
            pl.BlockSpec((H, H), lambda i: (0, 0)),
            pl.BlockSpec((1, H), lambda i: (0, 0)),
            pl.BlockSpec((H, H), lambda i: (0, 0)),
            pl.BlockSpec((C, H), lambda i: (0, 0)),
            pl.BlockSpec((1, C), lambda i: (0, 0)),
        ],
        out_specs=pl.BlockSpec((G, C), lambda i: (0, 0)),
        out_shape=jax.ShapeDtypeStruct((G, C), jnp.float32),
        scratch_shapes=[
            pltpu.VMEM((G, H), jnp.float32),
            pltpu.VMEM((1, G), jnp.float32),
        ],
    )(p, p, h, batch3, wr, br, ws, wc, bc)


def kernel(x, edge_index, batch, W1r, b1r, W1s, W2r, b2r, W2s, W3r, b3r, W3s,
           Wc, bc):
    eidx = jnp.stack([edge_index[0].reshape(NBLK, EB),
                      edge_index[1].reshape(NBLK, EB)], axis=1)
    batch3 = batch.reshape(_GRID, 1, BR)

    p = _sc_agg(x, eidx)
    h1 = _tc_layer(p, x, W1r, b1r.reshape(1, H), W1s)
    p = _sc_agg(h1, eidx)
    h2 = _tc_layer(p, h1, W2r, b2r.reshape(1, H), W2s)
    p = _sc_agg(h2, eidx)
    return _tc_final(p, h2, batch3, W3r, b3r.reshape(1, H), W3s, Wc,
                     bc.reshape(1, C))

# --- scband reference (transcript-rebuilt; emitter-appended) ---
"""Pipeline reference for scband-gnn-33165737460173 (READ-ONLY COPY).

The authoritative reference and input builder live on the scoring server;
editing this copy changes nothing except your own understanding.
"""

import jax, jax.numpy as jnp
import numpy as np

N = 10000
E = 320000
D = 128
H = 128
C = 10
G = 64


def setup_inputs(seed: int = 0) -> dict:
    key = jax.random.key(seed)
    ks = jax.random.split(key, 16)
    x = jax.random.normal(ks[0], (N, D), dtype=jnp.float32)
    edge_index = jax.random.randint(ks[1], (2, E), 0, N).astype(jnp.int32)
    batch = jnp.sort(jax.random.randint(ks[2], (N,), 0, G).astype(jnp.int32))
    def lin(k, fan_out, fan_in):
        return jax.random.normal(k, (fan_out, fan_in), dtype=jnp.float32) * (1.0 / np.sqrt(fan_in))
    W1r = lin(ks[3], H, D); b1r = jnp.zeros((H,), jnp.float32); W1s = lin(ks[4], H, D)
    W2r = lin(ks[5], H, H); b2r = jnp.zeros((H,), jnp.float32); W2s = lin(ks[6], H, H)
    W3r = lin(ks[7], H, H); b3r = jnp.zeros((H,), jnp.float32); W3s = lin(ks[8], H, H)
    Wc = lin(ks[9], C, H); bc = jnp.zeros((C,), jnp.float32)
    return {"x": x, "edge_index": edge_index, "batch": batch,
            "W1r": W1r, "b1r": b1r, "W1s": W1s,
            "W2r": W2r, "b2r": b2r, "W2s": W2s,
            "W3r": W3r, "b3r": b3r, "W3s": W3s,
            "Wc": Wc, "bc": bc}


def reference(x, edge_index, batch, W1r, b1r, W1s, W2r, b2r, W2s, W3r, b3r, W3s, Wc, bc):
    # PyG GraphConv (aggr='add'): out = lin_rel(sum_{j->i} x_j) + lin_root(x_i)
    src = edge_index[0]
    dst = edge_index[1]

    def conv(h, Wr, br, Ws):
        msgs = jnp.take(h, src, axis=0)
        agg = jax.ops.segment_sum(msgs, dst, num_segments=N)
        return agg @ Wr.T + br + h @ Ws.T

    h = jax.nn.relu(conv(x, W1r, b1r, W1s))
    h = jax.nn.relu(conv(h, W2r, b2r, W2s))
    h = conv(h, W3r, b3r, W3s)

    # global_mean_pool over batch segment ids
    sums = jax.ops.segment_sum(h, batch, num_segments=G)
    cnt = jax.ops.segment_sum(jnp.ones((N,), jnp.float32), batch, num_segments=G)
    pooled = sums / jnp.where(cnt > 0, cnt, 1.0)[:, None]

    # dropout is identity in eval mode
    return pooled @ Wc.T + bc

if __name__ == "__main__":
    import jax
    _d = setup_inputs()
    print(jax.jit(kernel)(*tuple(_d.values())))

</pallas_src>

<mosaic_0001>
#map = affine_map<(d0, d1) -> (0, 0)>
#map1 = affine_map<(d0, d1) -> (0, 0, 0)>
module attributes {stable_mosaic.version = 14 : i64} {
  func.func @_sc_agg(%arg0: i32, %arg1: i32, %arg2: memref<10000x128xf32, #tpu.memory_space<hbm>>, %arg3: memref<2500x2x128xi32, #tpu.memory_space<hbm>>, %arg4: memref<20000x128xf32, #tpu.memory_space<hbm>>, %arg5: memref<10000x128xf32, #tpu.memory_space<vmem_shared>>, %arg6: memref<2x128xi32, #tpu.memory_space<vmem>>, %arg7: memref<2x128xi32, #tpu.memory_space<vmem>>, %arg8: memref<2x128xi32, #tpu.memory_space<vmem>>, %arg9: memref<128x128xf32, #tpu.memory_space<vmem>>, %arg10: memref<128x128xf32, #tpu.memory_space<vmem>>, %arg11: memref<128x128xf32, #tpu.memory_space<vmem>>, %arg12: memref<!tpu.dma_semaphore, #tpu.memory_space<semaphore_mem>>, %arg13: memref<!tpu.dma_semaphore, #tpu.memory_space<semaphore_mem>>, %arg14: memref<!tpu.dma_semaphore, #tpu.memory_space<semaphore_mem>>, %arg15: memref<!tpu.dma_semaphore, #tpu.memory_space<semaphore_mem>>, %arg16: memref<!tpu.dma_semaphore, #tpu.memory_space<semaphore_mem>>, %arg17: memref<!tpu.dma_semaphore, #tpu.memory_space<semaphore_mem>>) attributes {dimension_semantics = [#tpu.dimension_semantics<core_parallel>, #tpu.dimension_semantics<subcore_parallel>], iteration_bounds = array<i64: 2, 16>, scalar_prefetch = 0 : i64, scratch_operands = 13 : i64, tpu.core_type = #tpu.core_type<sc_vector_subcore>, window_params = [{transform_indices = #map}, {transform_indices = #map1}, {transform_indices = #map}]} {
    %mul3A = arith.constant 2 : i32
    %mul3A_0 = arith.muli %arg1, %mul3A : i32
    %add3A = arith.addi %mul3A_0, %arg0 : i32
    %scan3A = arith.constant 0 : i32
    %scan3A_1 = arith.constant 0 : i32
    %scan3A_2 = arith.constant 80 : i32
    %scan3A_3 = arith.addi %scan3A_1, %scan3A_2 : i32
    %scan3A_4 = arith.constant 1 : i32
    %scan3A_5 = scf.for %scan3A_159 = %scan3A_1 to %scan3A_3 step %scan3A_4 iter_args(%scan3A_160 = %scan3A) -> (i32)  : i32 {
      %broadcast_in_dim3A = arith.constant 0.000000e+00 : f32
      %broadcast_in_dim3A_161 = vector.broadcast %broadcast_in_dim3A : f32 to vector<16xf32>
      %swap3A = arith.index_cast %scan3A_159 : i32 to index
      %swap3A_162 = arith.constant 0 : index
      %swap3A_163 = tpu.vector_load %arg9[%swap3A, %swap3A_162] {strides = array<i32>} : memref<128x128xf32, #tpu.memory_space<vmem>>, vector<1x16xf32>,
      %swap3A_164 = vector.shape_cast %swap3A_163 : vector<1x16xf32> to vector<16xf32>
      %swap3A_165 = vector.shape_cast %broadcast_in_dim3A_161 : vector<16xf32> to vector<1x16xf32>
      tpu.vector_store %arg9[%swap3A, %swap3A_162], %swap3A_165 {strides = array<i32>} : memref<128x128xf32, #tpu.memory_space<vmem>>, vector<1x16xf32>,
      %broadcast_in_dim3A_166 = arith.constant 0.000000e+00 : f32
      %broadcast_in_dim3A_167 = vector.broadcast %broadcast_in_dim3A_166 : f32 to vector<16xf32>
      %swap3A_168 = arith.index_cast %scan3A_159 : i32 to index
      %swap3A_169 = arith.constant 16 : index
      %swap3A_170 = tpu.vector_load %arg9[%swap3A_168, %swap3A_169] {strides = array<i32>} : memref<128x128xf32, #tpu.memory_space<vmem>>, vector<1x16xf32>,
      %swap3A_171 = vector.shape_cast %swap3A_170 : vector<1x16xf32> to vector<16xf32>
      %swap3A_172 = vector.shape_cast %broadcast_in_dim3A_167 : vector<16xf32> to vector<1x16xf32>
      tpu.vector_store %arg9[%swap3A_168, %swap3A_169], %swap3A_172 {strides = array<i32>} : memref<128x128xf32, #tpu.memory_space<vmem>>, vector<1x16xf32>,
      %broadcast_in_dim3A_173 = arith.constant 0.000000e+00 : f32
      %broadcast_in_dim3A_174 = vector.broadcast %broadcast_in_dim3A_173 : f32 to vector<16xf32>
      %swap3A_175 = arith.index_cast %scan3A_159 : i32 to index
      %swap3A_176 = arith.constant 32 : index
      %swap3A_177 = tpu.vector_load %arg9[%swap3A_175, %swap3A_176] {strides = array<i32>} : memref<128x128xf32, #tpu.memory_space<vmem>>, vector<1x16xf32>,
      %swap3A_178 = vector.shape_cast %swap3A_177 : vector<1x16xf32> to vector<16xf32>
      %swap3A_179 = vector.shape_cast %broadcast_in_dim3A_174 : vector<16xf32> to vector<1x16xf32>
      tpu.vector_store %arg9[%swap3A_175, %swap3A_176], %swap3A_179 {strides = array<i32>} : memref<128x128xf32, #tpu.memory_space<vmem>>, vector<1x16xf32>,
      %broadcast_in_dim3A_180 = arith.constant 0.000000e+00 : f32
      %broadcast_in_dim3A_181 = vector.broadcast %broadcast_in_dim3A_180 : f32 to vector<16xf32>
      %swap3A_182 = arith.index_cast %scan3A_159 : i32 to index
      %swap3A_183 = arith.constant 48 : index
      %swap3A_184 = tpu.vector_load %arg9[%swap3A_182, %swap3A_183] {strides = array<i32>} : memref<128x128xf32, #tpu.memory_space<vmem>>, vector<1x16xf32>,
      %swap3A_185 = vector.shape_cast %swap3A_184 : vector<1x16xf32> to vector<16xf32>
      %swap3A_186 = vector.shape_cast %broadcast_in_dim3A_181 : vector<16xf32> to vector<1x16xf32>
      tpu.vector_store %arg9[%swap3A_182, %swap3A_183], %swap3A_186 {strides = array<i32>} : memref<128x128xf32, #tpu.memory_space<vmem>>, vector<1x16xf32>,
      %broadcast_in_dim3A_187 = arith.constant 0.000000e+00 : f32
      %broadcast_in_dim3A_188 = vector.broadcast %broadcast_in_dim3A_187 : f32 to vector<16xf32>
      %swap3A_189 = arith.index_cast %scan3A_159 : i32 to index
      %swap3A_190 = arith.constant 64 : index
      %swap3A_191 = tpu.vector_load %arg9[%swap3A_189, %swap3A_190] {strides = array<i32>} : memref<128x128xf32, #tpu.memory_space<vmem>>, vector<1x16xf32>,
      %swap3A_192 = vector.shape_cast %swap3A_191 : vector<1x16xf32> to vector<16xf32>
      %swap3A_193 = vector.shape_cast %broadcast_in_dim3A_188 : vector<16xf32> to vector<1x16xf32>
      tpu.vector_store %arg9[%swap3A_189, %swap3A_190], %swap3A_193 {strides = array<i32>} : memref<128x128xf32, #tpu.memory_space<vmem>>, vector<1x16xf32>,
      %broadcast_in_dim3A_194 = arith.constant 0.000000e+00 : f32
      %broadcast_in_dim3A_195 = vector.broadcast %broadcast_in_dim3A_194 : f32 to vector<16xf32>
      %swap3A_196 = arith.index_cast %scan3A_159 : i32 to index
      %swap3A_197 = arith.constant 80 : index
      %swap3A_198 = tpu.vector_load %arg9[%swap3A_196, %swap3A_197] {strides = array<i32>} : memref<128x128xf32, #tpu.memory_space<vmem>>, vector<1x16xf32>,
      %swap3A_199 = vector.shape_cast %swap3A_198 : vector<1x16xf32> to vector<16xf32>
      %swap3A_200 = vector.shape_cast %broadcast_in_dim3A_195 : vector<16xf32> to vector<1x16xf32>
      tpu.vector_store %arg9[%swap3A_196, %swap3A_197], %swap3A_200 {strides = array<i32>} : memref<128x128xf32, #tpu.memory_space<vmem>>, vector<1x16xf32>,
      %broadcast_in_dim3A_201 = arith.constant 0.000000e+00 : f32
      %broadcast_in_dim3A_202 = vector.broadcast %broadcast_in_dim3A_201 : f32 to vector<16xf32>
      %swap3A_203 = arith.index_cast %scan3A_159 : i32 to index
      %swap3A_204 = arith.constant 96 : index
      %swap3A_205 = tpu.vector_load %arg9[%swap3A_203, %swap3A_204] {strides = array<i32>} : memref<128x128xf32, #tpu.memory_space<vmem>>, vector<1x16xf32>,
      %swap3A_206 = vector.shape_cast %swap3A_205 : vector<1x16xf32> to vector<16xf32>
      %swap3A_207 = vector.shape_cast %broadcast_in_dim3A_202 : vector<16xf32> to vector<1x16xf32>
      tpu.vector_store %arg9[%swap3A_203, %swap3A_204], %swap3A_207 {strides = array<i32>} : memref<128x128xf32, #tpu.memory_space<vmem>>, vector<1x16xf32>,
      %broadcast_in_dim3A_208 = arith.constant 0.000000e+00 : f32
      %broadcast_in_dim3A_209 = vector.broadcast %broadcast_in_dim3A_208 : f32 to vector<16xf32>
      %swap3A_210 = arith.index_cast %scan3A_159 : i32 to index
      %swap3A_211 = arith.constant 112 : index
      %swap3A_212 = tpu.vector_load %arg9[%swap3A_210, %swap3A_211] {strides = array<i32>} : memref<128x128xf32, #tpu.memory_space<vmem>>, vector<1x16xf32>,
      %swap3A_213 = vector.shape_cast %swap3A_212 : vector<1x16xf32> to vector<16xf32>
      %swap3A_214 = vector.shape_cast %broadcast_in_dim3A_209 : vector<16xf32> to vector<1x16xf32>
      tpu.vector_store %arg9[%swap3A_210, %swap3A_211], %swap3A_214 {strides = array<i32>} : memref<128x128xf32, #tpu.memory_space<vmem>>, vector<1x16xf32>,
      %scan3A_215 = arith.constant 0 : i32
      scf.yield %scan3A_215 : i32
    }
    %scan3A_6 = arith.constant 80 : i32
    %add3A_7 = arith.constant 0 : i32
    %add3A_8 = arith.addi %arg1, %add3A_7 : i32
    %lt3A = arith.constant 125 : i32
    %lt3A_9 = arith.cmpi slt, %add3A_8, %lt3A : i32
    %convert_element_type3A = arith.extui %lt3A_9 : i1 to i32
    %cond3A = arith.constant 0 : i32
    %cond3A_10 = arith.cmpi ne, %convert_element_type3A, %cond3A : i32
    scf.if %cond3A_10 {
      %mul3A_159 = arith.constant 80 : i32
      %mul3A_160 = arith.muli %add3A_8, %mul3A_159 : i32
      "tpu.region"() ({
        %run_scoped3A = tpu.sem_alloc : memref<!tpu.dma_semaphore, #tpu.memory_space<semaphore_mem>>
        %dma_start3A_161 = arith.constant 0 : i32
        %dma_start3A_162 = arith.constant 0 : i32
        %dma_start3A_163 = tpu.memref_slice %arg9[%dma_start3A_161, %dma_start3A_162] : memref<128x128xf32, #tpu.memory_space<vmem>> -> memref<80x128xf32, #tpu.memory_space<vmem>>
        %dma_start3A_164 = arith.constant 0 : i32
        %dma_start3A_165 = tpu.memref_slice %arg5[%mul3A_160, %dma_start3A_164] : memref<10000x128xf32, #tpu.memory_space<vmem_shared>> -> memref<80x128xf32, #tpu.memory_space<vmem_shared>>
        %dma_start3A_166 = arith.constant 0 : i32
        %dma_start3A_167 = tpu.memref_slice %arg5[%mul3A_160, %dma_start3A_166] : memref<10000x128xf32, #tpu.memory_space<vmem_shared>> -> memref<80x128xf32, #tpu.memory_space<vmem_shared>>
        %dma_start3A_168 = arith.constant 0 : i32
        %dma_start3A_169 = arith.constant 0 : i32
        %dma_start3A_170 = tpu.memref_slice %arg9[%dma_start3A_168, %dma_start3A_169] : memref<128x128xf32, #tpu.memory_space<vmem>> -> memref<80x128xf32, #tpu.memory_space<vmem>>
        tpu.enqueue_dma source(%dma_start3A_170 : memref<80x128xf32, #tpu.memory_space<vmem>>) target(%dma_start3A_167 : memref<80x128xf32, #tpu.memory_space<vmem_shared>>) target_semaphore(%run_scoped3A : memref<!tpu.dma_semaphore, #tpu.memory_space<semaphore_mem>>)
        %dma_wait3A_171 = arith.constant 0 : i32
        %dma_wait3A_172 = arith.constant 0 : i32
        %dma_wait3A_173 = tpu.memref_slice %arg9[%dma_wait3A_171, %dma_wait3A_172] : memref<128x128xf32, #tpu.memory_space<vmem>> -> memref<80x128xf32, #tpu.memory_space<vmem>>
        %dma_wait3A_174 = arith.constant 0 : i32
        %dma_wait3A_175 = tpu.memref_slice %arg5[%mul3A_160, %dma_wait3A_174] : memref<10000x128xf32, #tpu.memory_space<vmem_shared>> -> memref<80x128xf32, #tpu.memory_space<vmem_shared>>
        %dma_wait3A_176 = arith.constant 0 : i32
        %dma_wait3A_177 = tpu.memref_slice %arg5[%mul3A_160, %dma_wait3A_176] : memref<10000x128xf32, #tpu.memory_space<vmem_shared>> -> memref<80x128xf32, #tpu.memory_space<vmem_shared>>
        %dma_wait3A_178 = arith.constant 0 : i32
        %dma_wait3A_179 = arith.constant 0 : i32
        %dma_wait3A_180 = tpu.memref_slice %arg9[%dma_wait3A_178, %dma_wait3A_179] : memref<128x128xf32, #tpu.memory_space<vmem>> -> memref<80x128xf32, #tpu.memory_space<vmem>>
        tpu.wait_dma2 semaphore(%run_scoped3A : memref<!tpu.dma_semaphore, #tpu.memory_space<semaphore_mem>>) src(%dma_wait3A_180 : memref<80x128xf32, #tpu.memory_space<vmem>>) dst(%dma_wait3A_177 : memref<80x128xf32, #tpu.memory_space<vmem_shared>>)
        tpu.yield
      }) : () -> ()
    } else {
    }
    %add3A_11 = arith.constant 16 : i32
    %add3A_12 = arith.addi %arg1, %add3A_11 : i32
    %lt3A_13 = arith.constant 125 : i32
    %lt3A_14 = arith.cmpi slt, %add3A_12, %lt3A_13 : i32
    %convert_element_type3A_15 = arith.extui %lt3A_14 : i1 to i32
    %cond3A_16 = arith.constant 0 : i32
    %cond3A_17 = arith.cmpi ne, %convert_element_type3A_15, %cond3A_16 : i32
    scf.if %cond3A_17 {
      %mul3A_159 = arith.constant 80 : i32
      %mul3A_160 = arith.muli %add3A_12, %mul3A_159 : i32
      "tpu.region"() ({
        %run_scoped3A = tpu.sem_alloc : memref<!tpu.dma_semaphore, #tpu.memory_space<semaphore_mem>>
        %dma_start3A_161 = arith.constant 0 : i32
        %dma_start3A_162 = arith.constant 0 : i32
        %dma_start3A_163 = tpu.memref_slice %arg9[%dma_start3A_161, %dma_start3A_162] : memref<128x128xf32, #tpu.memory_space<vmem>> -> memref<80x128xf32, #tpu.memory_space<vmem>>
        %dma_start3A_164 = arith.constant 0 : i32
        %dma_start3A_165 = tpu.memref_slice %arg5[%mul3A_160, %dma_start3A_164] : memref<10000x128xf32, #tpu.memory_space<vmem_shared>> -> memref<80x128xf32, #tpu.memory_space<vmem_shared>>
        %dma_start3A_166 = arith.constant 0 : i32
        %dma_start3A_167 = tpu.memref_slice %arg5[%mul3A_160, %dma_start3A_166] : memref<10000x128xf32, #tpu.memory_space<vmem_shared>> -> memref<80x128xf32, #tpu.memory_space<vmem_shared>>
        %dma_start3A_168 = arith.constant 0 : i32
        %dma_start3A_169 = arith.constant 0 : i32
        %dma_start3A_170 = tpu.memref_slice %arg9[%dma_start3A_168, %dma_start3A_169] : memref<128x128xf32, #tpu.memory_space<vmem>> -> memref<80x128xf32, #tpu.memory_space<vmem>>
        tpu.enqueue_dma source(%dma_start3A_170 : memref<80x128xf32, #tpu.memory_space<vmem>>) target(%dma_start3A_167 : memref<80x128xf32, #tpu.memory_space<vmem_shared>>) target_semaphore(%run_scoped3A : memref<!tpu.dma_semaphore, #tpu.memory_space<semaphore_mem>>)
        %dma_wait3A_171 = arith.constant 0 : i32
        %dma_wait3A_172 = arith.constant 0 : i32
        %dma_wait3A_173 = tpu.memref_slice %arg9[%dma_wait3A_171, %dma_wait3A_172] : memref<128x128xf32, #tpu.memory_space<vmem>> -> memref<80x128xf32, #tpu.memory_space<vmem>>
        %dma_wait3A_174 = arith.constant 0 : i32
        %dma_wait3A_175 = tpu.memref_slice %arg5[%mul3A_160, %dma_wait3A_174] : memref<10000x128xf32, #tpu.memory_space<vmem_shared>> -> memref<80x128xf32, #tpu.memory_space<vmem_shared>>
        %dma_wait3A_176 = arith.constant 0 : i32
        %dma_wait3A_177 = tpu.memref_slice %arg5[%mul3A_160, %dma_wait3A_176] : memref<10000x128xf32, #tpu.memory_space<vmem_shared>> -> memref<80x128xf32, #tpu.memory_space<vmem_shared>>
        %dma_wait3A_178 = arith.constant 0 : i32
        %dma_wait3A_179 = arith.constant 0 : i32
        %dma_wait3A_180 = tpu.memref_slice %arg9[%dma_wait3A_178, %dma_wait3A_179] : memref<128x128xf32, #tpu.memory_space<vmem>> -> memref<80x128xf32, #tpu.memory_space<vmem>>
        tpu.wait_dma2 semaphore(%run_scoped3A : memref<!tpu.dma_semaphore, #tpu.memory_space<semaphore_mem>>) src(%dma_wait3A_180 : memref<80x128xf32, #tpu.memory_space<vmem>>) dst(%dma_wait3A_177 : memref<80x128xf32, #tpu.memory_space<vmem_shared>>)
        tpu.yield
      }) : () -> ()
    } else {
    }
    %add3A_18 = arith.constant 32 : i32
    %add3A_19 = arith.addi %arg1, %add3A_18 : i32
    %lt3A_20 = arith.constant 125 : i32
    %lt3A_21 = arith.cmpi slt, %add3A_19, %lt3A_20 : i32
    %convert_element_type3A_22 = arith.extui %lt3A_21 : i1 to i32
    %cond3A_23 = arith.constant 0 : i32
    %cond3A_24 = arith.cmpi ne, %convert_element_type3A_22, %cond3A_23 : i32
    scf.if %cond3A_24 {
      %mul3A_159 = arith.constant 80 : i32
      %mul3A_160 = arith.muli %add3A_19, %mul3A_159 : i32
      "tpu.region"() ({
        %run_scoped3A = tpu.sem_alloc : memref<!tpu.dma_semaphore, #tpu.memory_space<semaphore_mem>>
        %dma_start3A_161 = arith.constant 0 : i32
        %dma_start3A_162 = arith.constant 0 : i32
        %dma_start3A_163 = tpu.memref_slice %arg9[%dma_start3A_161, %dma_start3A_162] : memref<128x128xf32, #tpu.memory_space<vmem>> -> memref<80x128xf32, #tpu.memory_space<vmem>>
        %dma_start3A_164 = arith.constant 0 : i32
        %dma_start3A_165 = tpu.memref_slice %arg5[%mul3A_160, %dma_start3A_164] : memref<10000x128xf32, #tpu.memory_space<vmem_shared>> -> memref<80x128xf32, #tpu.memory_space<vmem_shared>>
        %dma_start3A_166 = arith.constant 0 : i32
        %dma_start3A_167 = tpu.memref_slice %arg5[%mul3A_160, %dma_start3A_166] : memref<10000x128xf32, #tpu.memory_space<vmem_shared>> -> memref<80x128xf32, #tpu.memory_space<vmem_shared>>
        %dma_start3A_168 = arith.constant 0 : i32
        %dma_start3A_169 = arith.constant 0 : i32
        %dma_start3A_170 = tpu.memref_slice %arg9[%dma_start3A_168, %dma_start3A_169] : memref<128x128xf32, #tpu.memory_space<vmem>> -> memref<80x128xf32, #tpu.memory_space<vmem>>
        tpu.enqueue_dma source(%dma_start3A_170 : memref<80x128xf32, #tpu.memory_space<vmem>>) target(%dma_start3A_167 : memref<80x128xf32, #tpu.memory_space<vmem_shared>>) target_semaphore(%run_scoped3A : memref<!tpu.dma_semaphore, #tpu.memory_space<semaphore_mem>>)
        %dma_wait3A_171 = arith.constant 0 : i32
        %dma_wait3A_172 = arith.constant 0 : i32
        %dma_wait3A_173 = tpu.memref_slice %arg9[%dma_wait3A_171, %dma_wait3A_172] : memref<128x128xf32, #tpu.memory_space<vmem>> -> memref<80x128xf32, #tpu.memory_space<vmem>>
        %dma_wait3A_174 = arith.constant 0 : i32
        %dma_wait3A_175 = tpu.memref_slice %arg5[%mul3A_160, %dma_wait3A_174] : memref<10000x128xf32, #tpu.memory_space<vmem_shared>> -> memref<80x128xf32, #tpu.memory_space<vmem_shared>>
        %dma_wait3A_176 = arith.constant 0 : i32
        %dma_wait3A_177 = tpu.memref_slice %arg5[%mul3A_160, %dma_wait3A_176] : memref<10000x128xf32, #tpu.memory_space<vmem_shared>> -> memref<80x128xf32, #tpu.memory_space<vmem_shared>>
        %dma_wait3A_178 = arith.constant 0 : i32
        %dma_wait3A_179 = arith.constant 0 : i32
        %dma_wait3A_180 = tpu.memref_slice %arg9[%dma_wait3A_178, %dma_wait3A_179] : memref<128x128xf32, #tpu.memory_space<vmem>> -> memref<80x128xf32, #tpu.memory_space<vmem>>
        tpu.wait_dma2 semaphore(%run_scoped3A : memref<!tpu.dma_semaphore, #tpu.memory_space<semaphore_mem>>) src(%dma_wait3A_180 : memref<80x128xf32, #tpu.memory_space<vmem>>) dst(%dma_wait3A_177 : memref<80x128xf32, #tpu.memory_space<vmem_shared>>)
        tpu.yield
      }) : () -> ()
    } else {
    }
    %add3A_25 = arith.constant 48 : i32
    %add3A_26 = arith.addi %arg1, %add3A_25 : i32
    %lt3A_27 = arith.constant 125 : i32
    %lt3A_28 = arith.cmpi slt, %add3A_26, %lt3A_27 : i32
    %convert_element_type3A_29 = arith.extui %lt3A_28 : i1 to i32
    %cond3A_30 = arith.constant 0 : i32
    %cond3A_31 = arith.cmpi ne, %convert_element_type3A_29, %cond3A_30 : i32
    scf.if %cond3A_31 {
      %mul3A_159 = arith.constant 80 : i32
      %mul3A_160 = arith.muli %add3A_26, %mul3A_159 : i32
      "tpu.region"() ({
        %run_scoped3A = tpu.sem_alloc : memref<!tpu.dma_semaphore, #tpu.memory_space<semaphore_mem>>
        %dma_start3A_161 = arith.constant 0 : i32
        %dma_start3A_162 = arith.constant 0 : i32
        %dma_start3A_163 = tpu.memref_slice %arg9[%dma_start3A_161, %dma_start3A_162] : memref<128x128xf32, #tpu.memory_space<vmem>> -> memref<80x128xf32, #tpu.memory_space<vmem>>
        %dma_start3A_164 = arith.constant 0 : i32
        %dma_start3A_165 = tpu.memref_slice %arg5[%mul3A_160, %dma_start3A_164] : memref<10000x128xf32, #tpu.memory_space<vmem_shared>> -> memref<80x128xf32, #tpu.memory_space<vmem_shared>>
        %dma_start3A_166 = arith.constant 0 : i32
        %dma_start3A_167 = tpu.memref_slice %arg5[%mul3A_160, %dma_start3A_166] : memref<10000x128xf32, #tpu.memory_space<vmem_shared>> -> memref<80x128xf32, #tpu.memory_space<vmem_shared>>
        %dma_start3A_168 = arith.constant 0 : i32
        %dma_start3A_169 = arith.constant 0 : i32
        %dma_start3A_170 = tpu.memref_slice %arg9[%dma_start3A_168, %dma_start3A_169] : memref<128x128xf32, #tpu.memory_space<vmem>> -> memref<80x128xf32, #tpu.memory_space<vmem>>
        tpu.enqueue_dma source(%dma_start3A_170 : memref<80x128xf32, #tpu.memory_space<vmem>>) target(%dma_start3A_167 : memref<80x128xf32, #tpu.memory_space<vmem_shared>>) target_semaphore(%run_scoped3A : memref<!tpu.dma_semaphore, #tpu.memory_space<semaphore_mem>>)
        %dma_wait3A_171 = arith.constant 0 : i32
        %dma_wait3A_172 = arith.constant 0 : i32
        %dma_wait3A_173 = tpu.memref_slice %arg9[%dma_wait3A_171, %dma_wait3A_172] : memref<128x128xf32, #tpu.memory_space<vmem>> -> memref<80x128xf32, #tpu.memory_space<vmem>>
        %dma_wait3A_174 = arith.constant 0 : i32
        %dma_wait3A_175 = tpu.memref_slice %arg5[%mul3A_160, %dma_wait3A_174] : memref<10000x128xf32, #tpu.memory_space<vmem_shared>> -> memref<80x128xf32, #tpu.memory_space<vmem_shared>>
        %dma_wait3A_176 = arith.constant 0 : i32
        %dma_wait3A_177 = tpu.memref_slice %arg5[%mul3A_160, %dma_wait3A_176] : memref<10000x128xf32, #tpu.memory_space<vmem_shared>> -> memref<80x128xf32, #tpu.memory_space<vmem_shared>>
        %dma_wait3A_178 = arith.constant 0 : i32
        %dma_wait3A_179 = arith.constant 0 : i32
        %dma_wait3A_180 = tpu.memref_slice %arg9[%dma_wait3A_178, %dma_wait3A_179] : memref<128x128xf32, #tpu.memory_space<vmem>> -> memref<80x128xf32, #tpu.memory_space<vmem>>
        tpu.wait_dma2 semaphore(%run_scoped3A : memref<!tpu.dma_semaphore, #tpu.memory_space<semaphore_mem>>) src(%dma_wait3A_180 : memref<80x128xf32, #tpu.memory_space<vmem>>) dst(%dma_wait3A_177 : memref<80x128xf32, #tpu.memory_space<vmem_shared>>)
        tpu.yield
      }) : () -> ()
    } else {
    }
    %add3A_32 = arith.constant 64 : i32
    %add3A_33 = arith.addi %arg1, %add3A_32 : i32
    %lt3A_34 = arith.constant 125 : i32
    %lt3A_35 = arith.cmpi slt, %add3A_33, %lt3A_34 : i32
    %convert_element_type3A_36 = arith.extui %lt3A_35 : i1 to i32
    %cond3A_37 = arith.constant 0 : i32
    %cond3A_38 = arith.cmpi ne, %convert_element_type3A_36, %cond3A_37 : i32
    scf.if %cond3A_38 {
      %mul3A_159 = arith.constant 80 : i32
      %mul3A_160 = arith.muli %add3A_33, %mul3A_159 : i32
      "tpu.region"() ({
        %run_scoped3A = tpu.sem_alloc : memref<!tpu.dma_semaphore, #tpu.memory_space<semaphore_mem>>
        %dma_start3A_161 = arith.constant 0 : i32
        %dma_start3A_162 = arith.constant 0 : i32
        %dma_start3A_163 = tpu.memref_slice %arg9[%dma_start3A_161, %dma_start3A_162] : memref<128x128xf32, #tpu.memory_space<vmem>> -> memref<80x128xf32, #tpu.memory_space<vmem>>
        %dma_start3A_164 = arith.constant 0 : i32
        %dma_start3A_165 = tpu.memref_slice %arg5[%mul3A_160, %dma_start3A_164] : memref<10000x128xf32, #tpu.memory_space<vmem_shared>> -> memref<80x128xf32, #tpu.memory_space<vmem_shared>>
        %dma_start3A_166 = arith.constant 0 : i32
        %dma_start3A_167 = tpu.memref_slice %arg5[%mul3A_160, %dma_start3A_166] : memref<10000x128xf32, #tpu.memory_space<vmem_shared>> -> memref<80x128xf32, #tpu.memory_space<vmem_shared>>
        %dma_start3A_168 = arith.constant 0 : i32
        %dma_start3A_169 = arith.constant 0 : i32
        %dma_start3A_170 = tpu.memref_slice %arg9[%dma_start3A_168, %dma_start3A_169] : memref<128x128xf32, #tpu.memory_space<vmem>> -> memref<80x128xf32, #tpu.memory_space<vmem>>
        tpu.enqueue_dma source(%dma_start3A_170 : memref<80x128xf32, #tpu.memory_space<vmem>>) target(%dma_start3A_167 : memref<80x128xf32, #tpu.memory_space<vmem_shared>>) target_semaphore(%run_scoped3A : memref<!tpu.dma_semaphore, #tpu.memory_space<semaphore_mem>>)
        %dma_wait3A_171 = arith.constant 0 : i32
        %dma_wait3A_172 = arith.constant 0 : i32
        %dma_wait3A_173 = tpu.memref_slice %arg9[%dma_wait3A_171, %dma_wait3A_172] : memref<128x128xf32, #tpu.memory_space<vmem>> -> memref<80x128xf32, #tpu.memory_space<vmem>>
        %dma_wait3A_174 = arith.constant 0 : i32
        %dma_wait3A_175 = tpu.memref_slice %arg5[%mul3A_160, %dma_wait3A_174] : memref<10000x128xf32, #tpu.memory_space<vmem_shared>> -> memref<80x128xf32, #tpu.memory_space<vmem_shared>>
        %dma_wait3A_176 = arith.constant 0 : i32
        %dma_wait3A_177 = tpu.memref_slice %arg5[%mul3A_160, %dma_wait3A_176] : memref<10000x128xf32, #tpu.memory_space<vmem_shared>> -> memref<80x128xf32, #tpu.memory_space<vmem_shared>>
        %dma_wait3A_178 = arith.constant 0 : i32
        %dma_wait3A_179 = arith.constant 0 : i32
        %dma_wait3A_180 = tpu.memref_slice %arg9[%dma_wait3A_178, %dma_wait3A_179] : memref<128x128xf32, #tpu.memory_space<vmem>> -> memref<80x128xf32, #tpu.memory_space<vmem>>
        tpu.wait_dma2 semaphore(%run_scoped3A : memref<!tpu.dma_semaphore, #tpu.memory_space<semaphore_mem>>) src(%dma_wait3A_180 : memref<80x128xf32, #tpu.memory_space<vmem>>) dst(%dma_wait3A_177 : memref<80x128xf32, #tpu.memory_space<vmem_shared>>)
        tpu.yield
      }) : () -> ()
    } else {
    }
    %add3A_39 = arith.constant 80 : i32
    %add3A_40 = arith.addi %arg1, %add3A_39 : i32
    %lt3A_41 = arith.constant 125 : i32
    %lt3A_42 = arith.cmpi slt, %add3A_40, %lt3A_41 : i32
    %convert_element_type3A_43 = arith.extui %lt3A_42 : i1 to i32
    %cond3A_44 = arith.constant 0 : i32
    %cond3A_45 = arith.cmpi ne, %convert_element_type3A_43, %cond3A_44 : i32
    scf.if %cond3A_45 {
      %mul3A_159 = arith.constant 80 : i32
      %mul3A_160 = arith.muli %add3A_40, %mul3A_159 : i32
      "tpu.region"() ({
        %run_scoped3A = tpu.sem_alloc : memref<!tpu.dma_semaphore, #tpu.memory_space<semaphore_mem>>
        %dma_start3A_161 = arith.constant 0 : i32
        %dma_start3A_162 = arith.constant 0 : i32
        %dma_start3A_163 = tpu.memref_slice %arg9[%dma_start3A_161, %dma_start3A_162] : memref<128x128xf32, #tpu.memory_space<vmem>> -> memref<80x128xf32, #tpu.memory_space<vmem>>
        %dma_start3A_164 = arith.constant 0 : i32
        %dma_start3A_165 = tpu.memref_slice %arg5[%mul3A_160, %dma_start3A_164] : memref<10000x128xf32, #tpu.memory_space<vmem_shared>> -> memref<80x128xf32, #tpu.memory_space<vmem_shared>>
        %dma_start3A_166 = arith.constant 0 : i32
        %dma_start3A_167 = tpu.memref_slice %arg5[%mul3A_160, %dma_start3A_166] : memref<10000x128xf32, #tpu.memory_space<vmem_shared>> -> memref<80x128xf32, #tpu.memory_space<vmem_shared>>
        %dma_start3A_168 = arith.constant 0 : i32
        %dma_start3A_169 = arith.constant 0 : i32
        %dma_start3A_170 = tpu.memref_slice %arg9[%dma_start3A_168, %dma_start3A_169] : memref<128x128xf32, #tpu.memory_space<vmem>> -> memref<80x128xf32, #tpu.memory_space<vmem>>
        tpu.enqueue_dma source(%dma_start3A_170 : memref<80x128xf32, #tpu.memory_space<vmem>>) target(%dma_start3A_167 : memref<80x128xf32, #tpu.memory_space<vmem_shared>>) target_semaphore(%run_scoped3A : memref<!tpu.dma_semaphore, #tpu.memory_space<semaphore_mem>>)
        %dma_wait3A_171 = arith.constant 0 : i32
        %dma_wait3A_172 = arith.constant 0 : i32
        %dma_wait3A_173 = tpu.memref_slice %arg9[%dma_wait3A_171, %dma_wait3A_172] : memref<128x128xf32, #tpu.memory_space<vmem>> -> memref<80x128xf32, #tpu.memory_space<vmem>>
        %dma_wait3A_174 = arith.constant 0 : i32
        %dma_wait3A_175 = tpu.memref_slice %arg5[%mul3A_160, %dma_wait3A_174] : memref<10000x128xf32, #tpu.memory_space<vmem_shared>> -> memref<80x128xf32, #tpu.memory_space<vmem_shared>>
        %dma_wait3A_176 = arith.constant 0 : i32
        %dma_wait3A_177 = tpu.memref_slice %arg5[%mul3A_160, %dma_wait3A_176] : memref<10000x128xf32, #tpu.memory_space<vmem_shared>> -> memref<80x128xf32, #tpu.memory_space<vmem_shared>>
        %dma_wait3A_178 = arith.constant 0 : i32
        %dma_wait3A_179 = arith.constant 0 : i32
        %dma_wait3A_180 = tpu.memref_slice %arg9[%dma_wait3A_178, %dma_wait3A_179] : memref<128x128xf32, #tpu.memory_space<vmem>> -> memref<80x128xf32, #tpu.memory_space<vmem>>
        tpu.wait_dma2 semaphore(%run_scoped3A : memref<!tpu.dma_semaphore, #tpu.memory_space<semaphore_mem>>) src(%dma_wait3A_180 : memref<80x128xf32, #tpu.memory_space<vmem>>) dst(%dma_wait3A_177 : memref<80x128xf32, #tpu.memory_space<vmem_shared>>)
        tpu.yield
      }) : () -> ()
    } else {
    }
    %add3A_46 = arith.constant 96 : i32
    %add3A_47 = arith.addi %arg1, %add3A_46 : i32
    %lt3A_48 = arith.constant 125 : i32
    %lt3A_49 = arith.cmpi slt, %add3A_47, %lt3A_48 : i32
    %convert_element_type3A_50 = arith.extui %lt3A_49 : i1 to i32
    %cond3A_51 = arith.constant 0 : i32
    %cond3A_52 = arith.cmpi ne, %convert_element_type3A_50, %cond3A_51 : i32
    scf.if %cond3A_52 {
      %mul3A_159 = arith.constant 80 : i32
      %mul3A_160 = arith.muli %add3A_47, %mul3A_159 : i32
      "tpu.region"() ({
        %run_scoped3A = tpu.sem_alloc : memref<!tpu.dma_semaphore, #tpu.memory_space<semaphore_mem>>
        %dma_start3A_161 = arith.constant 0 : i32
        %dma_start3A_162 = arith.constant 0 : i32
        %dma_start3A_163 = tpu.memref_slice %arg9[%dma_start3A_161, %dma_start3A_162] : memref<128x128xf32, #tpu.memory_space<vmem>> -> memref<80x128xf32, #tpu.memory_space<vmem>>
        %dma_start3A_164 = arith.constant 0 : i32
        %dma_start3A_165 = tpu.memref_slice %arg5[%mul3A_160, %dma_start3A_164] : memref<10000x128xf32, #tpu.memory_space<vmem_shared>> -> memref<80x128xf32, #tpu.memory_space<vmem_shared>>
        %dma_start3A_166 = arith.constant 0 : i32
        %dma_start3A_167 = tpu.memref_slice %arg5[%mul3A_160, %dma_start3A_166] : memref<10000x128xf32, #tpu.memory_space<vmem_shared>> -> memref<80x128xf32, #tpu.memory_space<vmem_shared>>
        %dma_start3A_168 = arith.constant 0 : i32
        %dma_start3A_169 = arith.constant 0 : i32
        %dma_start3A_170 = tpu.memref_slice %arg9[%dma_start3A_168, %dma_start3A_169] : memref<128x128xf32, #tpu.memory_space<vmem>> -> memref<80x128xf32, #tpu.memory_space<vmem>>
        tpu.enqueue_dma source(%dma_start3A_170 : memref<80x128xf32, #tpu.memory_space<vmem>>) target(%dma_start3A_167 : memref<80x128xf32, #tpu.memory_space<vmem_shared>>) target_semaphore(%run_scoped3A : memref<!tpu.dma_semaphore, #tpu.memory_space<semaphore_mem>>)
        %dma_wait3A_171 = arith.constant 0 : i32
        %dma_wait3A_172 = arith.constant 0 : i32
        %dma_wait3A_173 = tpu.memref_slice %arg9[%dma_wait3A_171, %dma_wait3A_172] : memref<128x128xf32, #tpu.memory_space<vmem>> -> memref<80x128xf32, #tpu.memory_space<vmem>>
        %dma_wait3A_174 = arith.constant 0 : i32
        %dma_wait3A_175 = tpu.memref_slice %arg5[%mul3A_160, %dma_wait3A_174] : memref<10000x128xf32, #tpu.memory_space<vmem_shared>> -> memref<80x128xf32, #tpu.memory_space<vmem_shared>>
        %dma_wait3A_176 = arith.constant 0 : i32
        %dma_wait3A_177 = tpu.memref_slice %arg5[%mul3A_160, %dma_wait3A_176] : memref<10000x128xf32, #tpu.memory_space<vmem_shared>> -> memref<80x128xf32, #tpu.memory_space<vmem_shared>>
        %dma_wait3A_178 = arith.constant 0 : i32
        %dma_wait3A_179 = arith.constant 0 : i32
        %dma_wait3A_180 = tpu.memref_slice %arg9[%dma_wait3A_178, %dma_wait3A_179] : memref<128x128xf32, #tpu.memory_space<vmem>> -> memref<80x128xf32, #tpu.memory_space<vmem>>
        tpu.wait_dma2 semaphore(%run_scoped3A : memref<!tpu.dma_semaphore, #tpu.memory_space<semaphore_mem>>) src(%dma_wait3A_180 : memref<80x128xf32, #tpu.memory_space<vmem>>) dst(%dma_wait3A_177 : memref<80x128xf32, #tpu.memory_space<vmem_shared>>)
        tpu.yield
      }) : () -> ()
    } else {
    }
    %add3A_53 = arith.constant 112 : i32
    %add3A_54 = arith.addi %arg1, %add3A_53 : i32
    %lt3A_55 = arith.constant 125 : i32
    %lt3A_56 = arith.cmpi slt, %add3A_54, %lt3A_55 : i32
    %convert_element_type3A_57 = arith.extui %lt3A_56 : i1 to i32
    %cond3A_58 = arith.constant 0 : i32
    %cond3A_59 = arith.cmpi ne, %convert_element_type3A_57, %cond3A_58 : i32
    scf.if %cond3A_59 {
      %mul3A_159 = arith.constant 80 : i32
      %mul3A_160 = arith.muli %add3A_54, %mul3A_159 : i32
      "tpu.region"() ({
        %run_scoped3A = tpu.sem_alloc : memref<!tpu.dma_semaphore, #tpu.memory_space<semaphore_mem>>
        %dma_start3A_161 = arith.constant 0 : i32
        %dma_start3A_162 = arith.constant 0 : i32
        %dma_start3A_163 = tpu.memref_slice %arg9[%dma_start3A_161, %dma_start3A_162] : memref<128x128xf32, #tpu.memory_space<vmem>> -> memref<80x128xf32, #tpu.memory_space<vmem>>
        %dma_start3A_164 = arith.constant 0 : i32
        %dma_start3A_165 = tpu.memref_slice %arg5[%mul3A_160, %dma_start3A_164] : memref<10000x128xf32, #tpu.memory_space<vmem_shared>> -> memref<80x128xf32, #tpu.memory_space<vmem_shared>>
        %dma_start3A_166 = arith.constant 0 : i32
        %dma_start3A_167 = tpu.memref_slice %arg5[%mul3A_160, %dma_start3A_166] : memref<10000x128xf32, #tpu.memory_space<vmem_shared>> -> memref<80x128xf32, #tpu.memory_space<vmem_shared>>
        %dma_start3A_168 = arith.constant 0 : i32
        %dma_start3A_169 = arith.constant 0 : i32
        %dma_start3A_170 = tpu.memref_slice %arg9[%dma_start3A_168, %dma_start3A_169] : memref<128x128xf32, #tpu.memory_space<vmem>> -> memref<80x128xf32, #tpu.memory_space<vmem>>
        tpu.enqueue_dma source(%dma_start3A_170 : memref<80x128xf32, #tpu.memory_space<vmem>>) target(%dma_start3A_167 : memref<80x128xf32, #tpu.memory_space<vmem_shared>>) target_semaphore(%run_scoped3A : memref<!tpu.dma_semaphore, #tpu.memory_space<semaphore_mem>>)
        %dma_wait3A_171 = arith.constant 0 : i32
        %dma_wait3A_172 = arith.constant 0 : i32
        %dma_wait3A_173 = tpu.memref_slice %arg9[%dma_wait3A_171, %dma_wait3A_172] : memref<128x128xf32, #tpu.memory_space<vmem>> -> memref<80x128xf32, #tpu.memory_space<vmem>>
        %dma_wait3A_174 = arith.constant 0 : i32
        %dma_wait3A_175 = tpu.memref_slice %arg5[%mul3A_160, %dma_wait3A_174] : memref<10000x128xf32, #tpu.memory_space<vmem_shared>> -> memref<80x128xf32, #tpu.memory_space<vmem_shared>>
        %dma_wait3A_176 = arith.constant 0 : i32
        %dma_wait3A_177 = tpu.memref_slice %arg5[%mul3A_160, %dma_wait3A_176] : memref<10000x128xf32, #tpu.memory_space<vmem_shared>> -> memref<80x128xf32, #tpu.memory_space<vmem_shared>>
        %dma_wait3A_178 = arith.constant 0 : i32
        %dma_wait3A_179 = arith.constant 0 : i32
        %dma_wait3A_180 = tpu.memref_slice %arg9[%dma_wait3A_178, %dma_wait3A_179] : memref<128x128xf32, #tpu.memory_space<vmem>> -> memref<80x128xf32, #tpu.memory_space<vmem>>
        tpu.wait_dma2 semaphore(%run_scoped3A : memref<!tpu.dma_semaphore, #tpu.memory_space<semaphore_mem>>) src(%dma_wait3A_180 : memref<80x128xf32, #tpu.memory_space<vmem>>) dst(%dma_wait3A_177 : memref<80x128xf32, #tpu.memory_space<vmem_shared>>)
        tpu.yield
      }) : () -> ()
    } else {
    }
    %barrier3A = arith.constant 0 : index
    tpu.barrier barrier_id(%barrier3A)
    %lt3A_60 = arith.constant 4 : i32
    %lt3A_61 = arith.cmpi slt, %add3A, %lt3A_60 : i32
    %jit3A = arith.constant 79 : i32
    %jit3A_62 = arith.constant 78 : i32
    %select_n3A = arith.select %lt3A_61, %jit3A, %jit3A_62 : i32
    %add3A_63 = arith.constant 0 : i32
    %add3A_64 = arith.addi %add3A, %add3A_63 : i32
    "tpu.region"() ({
      %run_scoped3A = tpu.sem_alloc : memref<!tpu.dma_semaphore, #tpu.memory_space<semaphore_mem>>
      %dma_start3A_159 = arith.constant 0 : i32
      %dma_start3A_160 = arith.constant 0 : i32
      %dma_start3A_161 = tpu.memref_slice %arg3[%add3A_64, %dma_start3A_159, %dma_start3A_160] : memref<2500x2x128xi32, #tpu.memory_space<hbm>> -> memref<1x2x128xi32, #tpu.memory_space<hbm>>
      %dma_start3A_162 = tpu.memref_squeeze %dma_start3A_161 : memref<1x2x128xi32, #tpu.memory_space<hbm>> -> memref<2x128xi32, #tpu.memory_space<hbm>>
      %dma_start3A_163 = arith.constant 0 : i32
      %dma_start3A_164 = arith.constant 0 : i32
      %dma_start3A_165 = tpu.memref_slice %arg3[%add3A_64, %dma_start3A_163, %dma_start3A_164] : memref<2500x2x128xi32, #tpu.memory_space<hbm>> -> memref<1x2x128xi32, #tpu.memory_space<hbm>>
      %dma_start3A_166 = tpu.memref_squeeze %dma_start3A_165 : memref<1x2x128xi32, #tpu.memory_space<hbm>> -> memref<2x128xi32, #tpu.memory_space<hbm>>
      tpu.enqueue_dma source(%dma_start3A_166 : memref<2x128xi32, #tpu.memory_space<hbm>>) target(%arg6 : memref<2x128xi32, #tpu.memory_space<vmem>>) target_semaphore(%run_scoped3A : memref<!tpu.dma_semaphore, #tpu.memory_space<semaphore_mem>>)
      %dma_wait3A_167 = arith.constant 0 : i32
      %dma_wait3A_168 = arith.constant 0 : i32
      %dma_wait3A_169 = tpu.memref_slice %arg3[%add3A_64, %dma_wait3A_167, %dma_wait3A_168] : memref<2500x2x128xi32, #tpu.memory_space<hbm>> -> memref<1x2x128xi32, #tpu.memory_space<hbm>>
      %dma_wait3A_170 = tpu.memref_squeeze %dma_wait3A_169 : memref<1x2x128xi32, #tpu.memory_space<hbm>> -> memref<2x128xi32, #tpu.memory_space<hbm>>
      %dma_wait3A_171 = arith.constant 0 : i32
      %dma_wait3A_172 = arith.constant 0 : i32
      %dma_wait3A_173 = tpu.memref_slice %arg3[%add3A_64, %dma_wait3A_171, %dma_wait3A_172] : memref<2500x2x128xi32, #tpu.memory_space<hbm>> -> memref<1x2x128xi32, #tpu.memory_space<hbm>>
      %dma_wait3A_174 = tpu.memref_squeeze %dma_wait3A_173 : memref<1x2x128xi32, #tpu.memory_space<hbm>> -> memref<2x128xi32, #tpu.memory_space<hbm>>
      tpu.wait_dma2 semaphore(%run_scoped3A : memref<!tpu.dma_semaphore, #tpu.memory_space<semaphore_mem>>) src(%dma_wait3A_174 : memref<2x128xi32, #tpu.memory_space<hbm>>) dst(%arg6 : memref<2x128xi32, #tpu.memory_space<vmem>>)
      tpu.yield
    }) : () -> ()
    %dma_start3A = arith.constant 0 : i32
    %dma_start3A_65 = arith.constant 0 : i32
    %dma_start3A_66 = tpu.memref_slice %arg6[%dma_start3A, %dma_start3A_65] : memref<2x128xi32, #tpu.memory_space<vmem>> -> memref<1x128xi32, #tpu.memory_space<vmem>>
    %dma_start3A_67 = tpu.memref_squeeze %dma_start3A_66 : memref<1x128xi32, #tpu.memory_space<vmem>> -> memref<128xi32, #tpu.memory_space<vmem>>
    %dma_start3A_68 = arith.constant 0 : i32
    %dma_start3A_69 = arith.constant 0 : i32
    %dma_start3A_70 = tpu.memref_slice %arg2[%dma_start3A_68, %dma_start3A_69] : memref<10000x128xf32, #tpu.memory_space<hbm>> -> memref<10000x128xf32, #tpu.memory_space<hbm>>
    tpu.enqueue_indirect_dma source(%dma_start3A_70 : memref<10000x128xf32, #tpu.memory_space<hbm>>) target(%arg9 : memref<128x128xf32, #tpu.memory_space<vmem>>) offsets(%dma_start3A_67 : memref<128xi32, #tpu.memory_space<vmem>>) semaphore(%arg12 : memref<!tpu.dma_semaphore, #tpu.memory_space<semaphore_mem>>)
    %while3A = arith.constant 0 : i32
    %while3A_71 = arith.constant 0 : i32
    %while3A_72 = arith.subi %select_n3A, %while3A : i32
    %while3A_73 = arith.addi %while3A, %while3A_72 : i32
    %while3A_74 = arith.constant 1 : i32
    %while3A_75 = arith.divsi %while3A_72, %while3A_74 : i32
    %while3A_76 = arith.muli %while3A_75, %while3A_74 : i32
    %while3A_77 = arith.addi %while3A, %while3A_76 : i32
    %while3A_78 = arith.constant 1 : i32
    %while3A_79 = scf.for %while3A_159 = %while3A to %while3A_77 step %while3A_78 iter_args(%while3A_160 = %while3A_71) -> (i32)  : i32 {
      %jit3A_161 = arith.constant 3 : i32
      %eq3A = arith.constant 0 : i32
      %eq3A_162 = arith.cmpi eq, %jit3A_161, %eq3A : i32
      %jit3A_163 = arith.constant 1 : i32
      %select_n3A_164 = arith.select %eq3A_162, %jit3A_163, %jit3A_161 : i32
      %rem3A = arith.remsi %while3A_159, %select_n3A_164 : i32
      %ne3A = arith.constant 0 : i32
      %ne3A_165 = arith.cmpi ne, %rem3A, %ne3A : i32
      %lt3A_166 = arith.constant 0 : i32
      %lt3A_167 = arith.cmpi slt, %rem3A, %lt3A_166 : i32
      %lt3A_168 = arith.constant 0 : i32
      %lt3A_169 = arith.cmpi slt, %select_n3A_164, %lt3A_168 : i32
      %ne3A_170 = arith.xori %lt3A_167, %lt3A_169 : i1
      %and3A = arith.andi %ne3A_170, %ne3A_165 : i1
      %add3A_171 = arith.addi %rem3A, %select_n3A_164 : i32
      %select_n3A_172 = arith.select %and3A, %add3A_171, %rem3A : i32
      %eq3A_173 = arith.constant 0 : i32
      %eq3A_174 = arith.cmpi eq, %select_n3A_172, %eq3A_173 : i32
      %convert_element_type3A_175 = arith.extui %eq3A_174 : i1 to i32
      %cond3A_176 = arith.constant 0 : i32
      %cond3A_177 = arith.cmpi ne, %convert_element_type3A_175, %cond3A_176 : i32
      scf.if %cond3A_177 {
        %add3A_221 = arith.constant 1 : i32
        %add3A_222 = arith.addi %while3A_159, %add3A_221 : i32
        %lt3A_223 = arith.cmpi slt, %add3A_222, %select_n3A : i32
        %convert_element_type3A_224 = arith.extui %lt3A_223 : i1 to i32
        %cond3A_225 = arith.constant 0 : i32
        %cond3A_226 = arith.cmpi ne, %convert_element_type3A_224, %cond3A_225 : i32
        scf.if %cond3A_226 {
          %ge3A = arith.constant 2 : i32
          %ge3A_240 = arith.cmpi sge, %while3A_159, %ge3A : i32
          %convert_element_type3A_241 = arith.extui %ge3A_240 : i1 to i32
          %cond3A_242 = arith.constant 0 : i32
          %cond3A_243 = arith.cmpi ne, %convert_element_type3A_241, %cond3A_242 : i32
          scf.if %cond3A_243 {
            %dma_wait3A_256 = arith.constant 1 : i32
            %dma_wait3A_257 = arith.constant 0 : i32
            %dma_wait3A_258 = tpu.memref_slice %arg7[%dma_wait3A_256, %dma_wait3A_257] : memref<2x128xi32, #tpu.memory_space<vmem>> -> memref<1x128xi32, #tpu.memory_space<vmem>>
            %dma_wait3A_259 = tpu.memref_squeeze %dma_wait3A_258 : memref<1x128xi32, #tpu.memory_space<vmem>> -> memref<128xi32, #tpu.memory_space<vmem>>
            %dma_wait3A_260 = arith.constant 0 : i32
            %dma_wait3A_261 = arith.constant 0 : i32
            %dma_wait3A_262 = tpu.memref_slice %arg5[%dma_wait3A_260, %dma_wait3A_261] : memref<10000x128xf32, #tpu.memory_space<vmem_shared>> -> memref<10000x128xf32, #tpu.memory_space<vmem_shared>>
            tpu.wait_indirect_dma semaphore(%arg16 : memref<!tpu.dma_semaphore, #tpu.memory_space<semaphore_mem>>) src(%arg10 : memref<128x128xf32, #tpu.memory_space<vmem>>) dst(%dma_wait3A_262 : memref<10000x128xf32, #tpu.memory_space<vmem_shared>>)
          } else {
          }
          %add3A_244 = arith.constant 1 : i32
          %add3A_245 = arith.addi %while3A_159, %add3A_244 : i32
          %mul3A_246 = arith.constant 32 : i32
          %mul3A_247 = arith.muli %add3A_245, %mul3A_246 : i32
          %add3A_248 = arith.addi %add3A, %mul3A_247 : i32
          "tpu.region"() ({
            %run_scoped3A = tpu.sem_alloc : memref<!tpu.dma_semaphore, #tpu.memory_space<semaphore_mem>>
            %dma_start3A_256 = arith.constant 0 : i32
            %dma_start3A_257 = arith.constant 0 : i32
            %dma_start3A_258 = tpu.memref_slice %arg3[%add3A_248, %dma_start3A_256, %dma_start3A_257] : memref<2500x2x128xi32, #tpu.memory_space<hbm>> -> memref<1x2x128xi32, #tpu.memory_space<hbm>>
            %dma_start3A_259 = tpu.memref_squeeze %dma_start3A_258 : memref<1x2x128xi32, #tpu.memory_space<hbm>> -> memref<2x128xi32, #tpu.memory_space<hbm>>
            %dma_start3A_260 = arith.constant 0 : i32
            %dma_start3A_261 = arith.constant 0 : i32
            %dma_start3A_262 = tpu.memref_slice %arg3[%add3A_248, %dma_start3A_260, %dma_start3A_261] : memref<2500x2x128xi32, #tpu.memory_space<hbm>> -> memref<1x2x128xi32, #tpu.memory_space<hbm>>
            %dma_start3A_263 = tpu.memref_squeeze %dma_start3A_262 : memref<1x2x128xi32, #tpu.memory_space<hbm>> -> memref<2x128xi32, #tpu.memory_space<hbm>>
            tpu.enqueue_dma source(%dma_start3A_263 : memref<2x128xi32, #tpu.memory_space<hbm>>) target(%arg7 : memref<2x128xi32, #tpu.memory_space<vmem>>) target_semaphore(%run_scoped3A : memref<!tpu.dma_semaphore, #tpu.memory_space<semaphore_mem>>)
            %dma_wait3A_264 = arith.constant 0 : i32
            %dma_wait3A_265 = arith.constant 0 : i32
            %dma_wait3A_266 = tpu.memref_slice %arg3[%add3A_248, %dma_wait3A_264, %dma_wait3A_265] : memref<2500x2x128xi32, #tpu.memory_space<hbm>> -> memref<1x2x128xi32, #tpu.memory_space<hbm>>
            %dma_wait3A_267 = tpu.memref_squeeze %dma_wait3A_266 : memref<1x2x128xi32, #tpu.memory_space<hbm>> -> memref<2x128xi32, #tpu.memory_space<hbm>>
            %dma_wait3A_268 = arith.constant 0 : i32
            %dma_wait3A_269 = arith.constant 0 : i32
            %dma_wait3A_270 = tpu.memref_slice %arg3[%add3A_248, %dma_wait3A_268, %dma_wait3A_269] : memref<2500x2x128xi32, #tpu.memory_space<hbm>> -> memref<1x2x128xi32, #tpu.memory_space<hbm>>
            %dma_wait3A_271 = tpu.memref_squeeze %dma_wait3A_270 : memref<1x2x128xi32, #tpu.memory_space<hbm>> -> memref<2x128xi32, #tpu.memory_space<hbm>>
            tpu.wait_dma2 semaphore(%run_scoped3A : memref<!tpu.dma_semaphore, #tpu.memory_space<semaphore_mem>>) src(%dma_wait3A_271 : memref<2x128xi32, #tpu.memory_space<hbm>>) dst(%arg7 : memref<2x128xi32, #tpu.memory_space<vmem>>)
            tpu.yield
          }) : () -> ()
          %dma_start3A_249 = arith.constant 0 : i32
          %dma_start3A_250 = arith.constant 0 : i32
          %dma_start3A_251 = tpu.memref_slice %arg7[%dma_start3A_249, %dma_start3A_250] : memref<2x128xi32, #tpu.memory_space<vmem>> -> memref<1x128xi32, #tpu.memory_space<vmem>>
          %dma_start3A_252 = tpu.memref_squeeze %dma_start3A_251 : memref<1x128xi32, #tpu.memory_space<vmem>> -> memref<128xi32, #tpu.memory_space<vmem>>
          %dma_start3A_253 = arith.constant 0 : i32
          %dma_start3A_254 = arith.constant 0 : i32
          %dma_start3A_255 = tpu.memref_slice %arg2[%dma_start3A_253, %dma_start3A_254] : memref<10000x128xf32, #tpu.memory_space<hbm>> -> memref<10000x128xf32, #tpu.memory_space<hbm>>
          tpu.enqueue_indirect_dma source(%dma_start3A_255 : memref<10000x128xf32, #tpu.memory_space<hbm>>) target(%arg10 : memref<128x128xf32, #tpu.memory_space<vmem>>) offsets(%dma_start3A_252 : memref<128xi32, #tpu.memory_space<vmem>>) semaphore(%arg13 : memref<!tpu.dma_semaphore, #tpu.memory_space<semaphore_mem>>)
        } else {
        }
        %dma_wait3A_227 = arith.constant 0 : i32
        %dma_wait3A_228 = arith.constant 0 : i32
        %dma_wait3A_229 = tpu.memref_slice %arg2[%dma_wait3A_227, %dma_wait3A_228] : memref<10000x128xf32, #tpu.memory_space<hbm>> -> memref<128x128xf32, #tpu.memory_space<hbm>>
        %dma_wait3A_230 = arith.constant 0 : i32
        %dma_wait3A_231 = arith.constant 0 : i32
        %dma_wait3A_232 = tpu.memref_slice %arg2[%dma_wait3A_230, %dma_wait3A_231] : memref<10000x128xf32, #tpu.memory_space<hbm>> -> memref<128x128xf32, #tpu.memory_space<hbm>>
        tpu.wait_dma2 semaphore(%arg12 : memref<!tpu.dma_semaphore, #tpu.memory_space<semaphore_mem>>) src(%dma_wait3A_232 : memref<128x128xf32, #tpu.memory_space<hbm>>) dst(%arg9 : memref<128x128xf32, #tpu.memory_space<vmem>>)
        %dma_start3A_233 = arith.constant 1 : i32
        %dma_start3A_234 = arith.constant 0 : i32
        %dma_start3A_235 = tpu.memref_slice %arg6[%dma_start3A_233, %dma_start3A_234] : memref<2x128xi32, #tpu.memory_space<vmem>> -> memref<1x128xi32, #tpu.memory_space<vmem>>
        %dma_start3A_236 = tpu.memref_squeeze %dma_start3A_235 : memref<1x128xi32, #tpu.memory_space<vmem>> -> memref<128xi32, #tpu.memory_space<vmem>>
        %dma_start3A_237 = arith.constant 0 : i32
        %dma_start3A_238 = arith.constant 0 : i32
        %dma_start3A_239 = tpu.memref_slice %arg5[%dma_start3A_237, %dma_start3A_238] : memref<10000x128xf32, #tpu.memory_space<vmem_shared>> -> memref<10000x128xf32, #tpu.memory_space<vmem_shared>>
        tpu.enqueue_indirect_dma source(%arg9 : memref<128x128xf32, #tpu.memory_space<vmem>>) target(%dma_start3A_239 : memref<10000x128xf32, #tpu.memory_space<vmem_shared>>) offsets(%dma_start3A_236 : memref<128xi32, #tpu.memory_space<vmem>>) semaphore(%arg15 : memref<!tpu.dma_semaphore, #tpu.memory_space<semaphore_mem>>) {add = true}
      } else {
      }
      %jit3A_178 = arith.constant 3 : i32
      %eq3A_179 = arith.constant 0 : i32
      %eq3A_180 = arith.cmpi eq, %jit3A_178, %eq3A_179 : i32
      %jit3A_181 = arith.constant 1 : i32
      %select_n3A_182 = arith.select %eq3A_180, %jit3A_181, %jit3A_178 : i32
      %rem3A_183 = arith.remsi %while3A_159, %select_n3A_182 : i32
      %ne3A_184 = arith.constant 0 : i32
      %ne3A_185 = arith.cmpi ne, %rem3A_183, %ne3A_184 : i32
      %lt3A_186 = arith.constant 0 : i32
      %lt3A_187 = arith.cmpi slt, %rem3A_183, %lt3A_186 : i32
      %lt3A_188 = arith.constant 0 : i32
      %lt3A_189 = arith.cmpi slt, %select_n3A_182, %lt3A_188 : i32
      %ne3A_190 = arith.xori %lt3A_187, %lt3A_189 : i1
      %and3A_191 = arith.andi %ne3A_190, %ne3A_185 : i1
      %add3A_192 = arith.addi %rem3A_183, %select_n3A_182 : i32
      %select_n3A_193 = arith.select %and3A_191, %add3A_192, %rem3A_183 : i32
      %eq3A_194 = arith.constant 1 : i32
      %eq3A_195 = arith.cmpi eq, %select_n3A_193, %eq3A_194 : i32
      %convert_element_type3A_196 = arith.extui %eq3A_195 : i1 to i32
      %cond3A_197 = arith.constant 0 : i32
      %cond3A_198 = arith.cmpi ne, %convert_element_type3A_196, %cond3A_197 : i32
      scf.if %cond3A_198 {
        %add3A_221 = arith.constant 1 : i32
        %add3A_222 = arith.addi %while3A_159, %add3A_221 : i32
        %lt3A_223 = arith.cmpi slt, %add3A_222, %select_n3A : i32
        %convert_element_type3A_224 = arith.extui %lt3A_223 : i1 to i32
        %cond3A_225 = arith.constant 0 : i32
        %cond3A_226 = arith.cmpi ne, %convert_element_type3A_224, %cond3A_225 : i32
        scf.if %cond3A_226 {
          %ge3A = arith.constant 2 : i32
          %ge3A_240 = arith.cmpi sge, %while3A_159, %ge3A : i32
          %convert_element_type3A_241 = arith.extui %ge3A_240 : i1 to i32
          %cond3A_242 = arith.constant 0 : i32
          %cond3A_243 = arith.cmpi ne, %convert_element_type3A_241, %cond3A_242 : i32
          scf.if %cond3A_243 {
            %dma_wait3A_256 = arith.constant 1 : i32
            %dma_wait3A_257 = arith.constant 0 : i32
            %dma_wait3A_258 = tpu.memref_slice %arg8[%dma_wait3A_256, %dma_wait3A_257] : memref<2x128xi32, #tpu.memory_space<vmem>> -> memref<1x128xi32, #tpu.memory_space<vmem>>
            %dma_wait3A_259 = tpu.memref_squeeze %dma_wait3A_258 : memref<1x128xi32, #tpu.memory_space<vmem>> -> memref<128xi32, #tpu.memory_space<vmem>>
            %dma_wait3A_260 = arith.constant 0 : i32
            %dma_wait3A_261 = arith.constant 0 : i32
            %dma_wait3A_262 = tpu.memref_slice %arg5[%dma_wait3A_260, %dma_wait3A_261] : memref<10000x128xf32, #tpu.memory_space<vmem_shared>> -> memref<10000x128xf32, #tpu.memory_space<vmem_shared>>
            tpu.wait_indirect_dma semaphore(%arg17 : memref<!tpu.dma_semaphore, #tpu.memory_space<semaphore_mem>>) src(%arg11 : memref<128x128xf32, #tpu.memory_space<vmem>>) dst(%dma_wait3A_262 : memref<10000x128xf32, #tpu.memory_space<vmem_shared>>)
          } else {
          }
          %add3A_244 = arith.constant 1 : i32
          %add3A_245 = arith.addi %while3A_159, %add3A_244 : i32
          %mul3A_246 = arith.constant 32 : i32
          %mul3A_247 = arith.muli %add3A_245, %mul3A_246 : i32
          %add3A_248 = arith.addi %add3A, %mul3A_247 : i32
          "tpu.region"() ({
            %run_scoped3A = tpu.sem_alloc : memref<!tpu.dma_semaphore, #tpu.memory_space<semaphore_mem>>
            %dma_start3A_256 = arith.constant 0 : i32
            %dma_start3A_257 = arith.constant 0 : i32
            %dma_start3A_258 = tpu.memref_slice %arg3[%add3A_248, %dma_start3A_256, %dma_start3A_257] : memref<2500x2x128xi32, #tpu.memory_space<hbm>> -> memref<1x2x128xi32, #tpu.memory_space<hbm>>
            %dma_start3A_259 = tpu.memref_squeeze %dma_start3A_258 : memref<1x2x128xi32, #tpu.memory_space<hbm>> -> memref<2x128xi32, #tpu.memory_space<hbm>>
            %dma_start3A_260 = arith.constant 0 : i32
            %dma_start3A_261 = arith.constant 0 : i32
            %dma_start3A_262 = tpu.memref_slice %arg3[%add3A_248, %dma_start3A_260, %dma_start3A_261] : memref<2500x2x128xi32, #tpu.memory_space<hbm>> -> memref<1x2x128xi32, #tpu.memory_space<hbm>>
            %dma_start3A_263 = tpu.memref_squeeze %dma_start3A_262 : memref<1x2x128xi32, #tpu.memory_space<hbm>> -> memref<2x128xi32, #tpu.memory_space<hbm>>
            tpu.enqueue_dma source(%dma_start3A_263 : memref<2x128xi32, #tpu.memory_space<hbm>>) target(%arg8 : memref<2x128xi32, #tpu.memory_space<vmem>>) target_semaphore(%run_scoped3A : memref<!tpu.dma_semaphore, #tpu.memory_space<semaphore_mem>>)
            %dma_wait3A_264 = arith.constant 0 : i32
            %dma_wait3A_265 = arith.constant 0 : i32
            %dma_wait3A_266 = tpu.memref_slice %arg3[%add3A_248, %dma_wait3A_264, %dma_wait3A_265] : memref<2500x2x128xi32, #tpu.memory_space<hbm>> -> memref<1x2x128xi32, #tpu.memory_space<hbm>>
            %dma_wait3A_267 = tpu.memref_squeeze %dma_wait3A_266 : memref<1x2x128xi32, #tpu.memory_space<hbm>> -> memref<2x128xi32, #tpu.memory_space<hbm>>
            %dma_wait3A_268 = arith.constant 0 : i32
            %dma_wait3A_269 = arith.constant 0 : i32
            %dma_wait3A_270 = tpu.memref_slice %arg3[%add3A_248, %dma_wait3A_268, %dma_wait3A_269] : memref<2500x2x128xi32, #tpu.memory_space<hbm>> -> memref<1x2x128xi32, #tpu.memory_space<hbm>>
            %dma_wait3A_271 = tpu.memref_squeeze %dma_wait3A_270 : memref<1x2x128xi32, #tpu.memory_space<hbm>> -> memref<2x128xi32, #tpu.memory_space<hbm>>
            tpu.wait_dma2 semaphore(%run_scoped3A : memref<!tpu.dma_semaphore, #tpu.memory_space<semaphore_mem>>) src(%dma_wait3A_271 : memref<2x128xi32, #tpu.memory_space<hbm>>) dst(%arg8 : memref<2x128xi32, #tpu.memory_space<vmem>>)
            tpu.yield
          }) : () -> ()
          %dma_start3A_249 = arith.constant 0 : i32
          %dma_start3A_250 = arith.constant 0 : i32
          %dma_start3A_251 = tpu.memref_slice %arg8[%dma_start3A_249, %dma_start3A_250] : memref<2x128xi32, #tpu.memory_space<vmem>> -> memref<1x128xi32, #tpu.memory_space<vmem>>
          %dma_start3A_252 = tpu.memref_squeeze %dma_start3A_251 : memref<1x128xi32, #tpu.memory_space<vmem>> -> memref<128xi32, #tpu.memory_space<vmem>>
          %dma_start3A_253 = arith.constant 0 : i32
          %dma_start3A_254 = arith.constant 0 : i32
          %dma_start3A_255 = tpu.memref_slice %arg2[%dma_start3A_253, %dma_start3A_254] : memref<10000x128xf32, #tpu.memory_space<hbm>> -> memref<10000x128xf32, #tpu.memory_space<hbm>>
          tpu.enqueue_indirect_dma source(%dma_start3A_255 : memref<10000x128xf32, #tpu.memory_space<hbm>>) target(%arg11 : memref<128x128xf32, #tpu.memory_space<vmem>>) offsets(%dma_start3A_252 : memref<128xi32, #tpu.memory_space<vmem>>) semaphore(%arg14 : memref<!tpu.dma_semaphore, #tpu.memory_space<semaphore_mem>>)
        } else {
        }
        %dma_wait3A_227 = arith.constant 0 : i32
        %dma_wait3A_228 = arith.constant 0 : i32
        %dma_wait3A_229 = tpu.memref_slice %arg2[%dma_wait3A_227, %dma_wait3A_228] : memref<10000x128xf32, #tpu.memory_space<hbm>> -> memref<128x128xf32, #tpu.memory_space<hbm>>
        %dma_wait3A_230 = arith.constant 0 : i32
        %dma_wait3A_231 = arith.constant 0 : i32
        %dma_wait3A_232 = tpu.memref_slice %arg2[%dma_wait3A_230, %dma_wait3A_231] : memref<10000x128xf32, #tpu.memory_space<hbm>> -> memref<128x128xf32, #tpu.memory_space<hbm>>
        tpu.wait_dma2 semaphore(%arg13 : memref<!tpu.dma_semaphore, #tpu.memory_space<semaphore_mem>>) src(%dma_wait3A_232 : memref<128x128xf32, #tpu.memory_space<hbm>>) dst(%arg10 : memref<128x128xf32, #tpu.memory_space<vmem>>)
        %dma_start3A_233 = arith.constant 1 : i32
        %dma_start3A_234 = arith.constant 0 : i32
        %dma_start3A_235 = tpu.memref_slice %arg7[%dma_start3A_233, %dma_start3A_234] : memref<2x128xi32, #tpu.memory_space<vmem>> -> memref<1x128xi32, #tpu.memory_space<vmem>>
        %dma_start3A_236 = tpu.memref_squeeze %dma_start3A_235 : memref<1x128xi32, #tpu.memory_space<vmem>> -> memref<128xi32, #tpu.memory_space<vmem>>
        %dma_start3A_237 = arith.constant 0 : i32
        %dma_start3A_238 = arith.constant 0 : i32
        %dma_start3A_239 = tpu.memref_slice %arg5[%dma_start3A_237, %dma_start3A_238] : memref<10000x128xf32, #tpu.memory_space<vmem_shared>> -> memref<10000x128xf32, #tpu.memory_space<vmem_shared>>
        tpu.enqueue_indirect_dma source(%arg10 : memref<128x128xf32, #tpu.memory_space<vmem>>) target(%dma_start3A_239 : memref<10000x128xf32, #tpu.memory_space<vmem_shared>>) offsets(%dma_start3A_236 : memref<128xi32, #tpu.memory_space<vmem>>) semaphore(%arg16 : memref<!tpu.dma_semaphore, #tpu.memory_space<semaphore_mem>>) {add = true}
      } else {
      }
      %jit3A_199 = arith.constant 3 : i32
      %eq3A_200 = arith.constant 0 : i32
      %eq3A_201 = arith.cmpi eq, %jit3A_199, %eq3A_200 : i32
      %jit3A_202 = arith.constant 1 : i32
      %select_n3A_203 = arith.select %eq3A_201, %jit3A_202, %jit3A_199 : i32
      %rem3A_204 = arith.remsi %while3A_159, %select_n3A_203 : i32
      %ne3A_205 = arith.constant 0 : i32
      %ne3A_206 = arith.cmpi ne, %rem3A_204, %ne3A_205 : i32
      %lt3A_207 = arith.constant 0 : i32
      %lt3A_208 = arith.cmpi slt, %rem3A_204, %lt3A_207 : i32
      %lt3A_209 = arith.constant 0 : i32
      %lt3A_210 = arith.cmpi slt, %select_n3A_203, %lt3A_209 : i32
      %ne3A_211 = arith.xori %lt3A_208, %lt3A_210 : i1
      %and3A_212 = arith.andi %ne3A_211, %ne3A_206 : i1
      %add3A_213 = arith.addi %rem3A_204, %select_n3A_203 : i32
      %select_n3A_214 = arith.select %and3A_212, %add3A_213, %rem3A_204 : i32
      %eq3A_215 = arith.constant 2 : i32
      %eq3A_216 = arith.cmpi eq, %select_n3A_214, %eq3A_215 : i32
      %convert_element_type3A_217 = arith.extui %eq3A_216 : i1 to i32
      %cond3A_218 = arith.constant 0 : i32
      %cond3A_219 = arith.cmpi ne, %convert_element_type3A_217, %cond3A_218 : i32
      scf.if %cond3A_219 {
        %add3A_221 = arith.constant 1 : i32
        %add3A_222 = arith.addi %while3A_159, %add3A_221 : i32
        %lt3A_223 = arith.cmpi slt, %add3A_222, %select_n3A : i32
        %convert_element_type3A_224 = arith.extui %lt3A_223 : i1 to i32
        %cond3A_225 = arith.constant 0 : i32
        %cond3A_226 = arith.cmpi ne, %convert_element_type3A_224, %cond3A_225 : i32
        scf.if %cond3A_226 {
          %ge3A = arith.constant 2 : i32
          %ge3A_240 = arith.cmpi sge, %while3A_159, %ge3A : i32
          %convert_element_type3A_241 = arith.extui %ge3A_240 : i1 to i32
          %cond3A_242 = arith.constant 0 : i32
          %cond3A_243 = arith.cmpi ne, %convert_element_type3A_241, %cond3A_242 : i32
          scf.if %cond3A_243 {
            %dma_wait3A_256 = arith.constant 1 : i32
            %dma_wait3A_257 = arith.constant 0 : i32
            %dma_wait3A_258 = tpu.memref_slice %arg6[%dma_wait3A_256, %dma_wait3A_257] : memref<2x128xi32, #tpu.memory_space<vmem>> -> memref<1x128xi32, #tpu.memory_space<vmem>>
            %dma_wait3A_259 = tpu.memref_squeeze %dma_wait3A_258 : memref<1x128xi32, #tpu.memory_space<vmem>> -> memref<128xi32, #tpu.memory_space<vmem>>
            %dma_wait3A_260 = arith.constant 0 : i32
            %dma_wait3A_261 = arith.constant 0 : i32
            %dma_wait3A_262 = tpu.memref_slice %arg5[%dma_wait3A_260, %dma_wait3A_261] : memref<10000x128xf32, #tpu.memory_space<vmem_shared>> -> memref<10000x128xf32, #tpu.memory_space<vmem_shared>>
            tpu.wait_indirect_dma semaphore(%arg15 : memref<!tpu.dma_semaphore, #tpu.memory_space<semaphore_mem>>) src(%arg9 : memref<128x128xf32, #tpu.memory_space<vmem>>) dst(%dma_wait3A_262 : memref<10000x128xf32, #tpu.memory_space<vmem_shared>>)
          } else {
          }
          %add3A_244 = arith.constant 1 : i32
          %add3A_245 = arith.addi %while3A_159, %add3A_244 : i32
          %mul3A_246 = arith.constant 32 : i32
          %mul3A_247 = arith.muli %add3A_245, %mul3A_246 : i32
          %add3A_248 = arith.addi %add3A, %mul3A_247 : i32
          "tpu.region"() ({
            %run_scoped3A = tpu.sem_alloc : memref<!tpu.dma_semaphore, #tpu.memory_space<semaphore_mem>>
            %dma_start3A_256 = arith.constant 0 : i32
            %dma_start3A_257 = arith.constant 0 : i32
            %dma_start3A_258 = tpu.memref_slice %arg3[%add3A_248, %dma_start3A_256, %dma_start3A_257] : memref<2500x2x128xi32, #tpu.memory_space<hbm>> -> memref<1x2x128xi32, #tpu.memory_space<hbm>>
            %dma_start3A_259 = tpu.memref_squeeze %dma_start3A_258 : memref<1x2x128xi32, #tpu.memory_space<hbm>> -> memref<2x128xi32, #tpu.memory_space<hbm>>
            %dma_start3A_260 = arith.constant 0 : i32
            %dma_start3A_261 = arith.constant 0 : i32
            %dma_start3A_262 = tpu.memref_slice %arg3[%add3A_248, %dma_start3A_260, %dma_start3A_261] : memref<2500x2x128xi32, #tpu.memory_space<hbm>> -> memref<1x2x128xi32, #tpu.memory_space<hbm>>
            %dma_start3A_263 = tpu.memref_squeeze %dma_start3A_262 : memref<1x2x128xi32, #tpu.memory_space<hbm>> -> memref<2x128xi32, #tpu.memory_space<hbm>>
            tpu.enqueue_dma source(%dma_start3A_263 : memref<2x128xi32, #tpu.memory_space<hbm>>) target(%arg6 : memref<2x128xi32, #tpu.memory_space<vmem>>) target_semaphore(%run_scoped3A : memref<!tpu.dma_semaphore, #tpu.memory_space<semaphore_mem>>)
            %dma_wait3A_264 = arith.constant 0 : i32
            %dma_wait3A_265 = arith.constant 0 : i32
            %dma_wait3A_266 = tpu.memref_slice %arg3[%add3A_248, %dma_wait3A_264, %dma_wait3A_265] : memref<2500x2x128xi32, #tpu.memory_space<hbm>> -> memref<1x2x128xi32, #tpu.memory_space<hbm>>
            %dma_wait3A_267 = tpu.memref_squeeze %dma_wait3A_266 : memref<1x2x128xi32, #tpu.memory_space<hbm>> -> memref<2x128xi32, #tpu.memory_space<hbm>>
            %dma_wait3A_268 = arith.constant 0 : i32
            %dma_wait3A_269 = arith.constant 0 : i32
            %dma_wait3A_270 = tpu.memref_slice %arg3[%add3A_248, %dma_wait3A_268, %dma_wait3A_269] : memref<2500x2x128xi32, #tpu.memory_space<hbm>> -> memref<1x2x128xi32, #tpu.memory_space<hbm>>
            %dma_wait3A_271 = tpu.memref_squeeze %dma_wait3A_270 : memref<1x2x128xi32, #tpu.memory_space<hbm>> -> memref<2x128xi32, #tpu.memory_space<hbm>>
            tpu.wait_dma2 semaphore(%run_scoped3A : memref<!tpu.dma_semaphore, #tpu.memory_space<semaphore_mem>>) src(%dma_wait3A_271 : memref<2x128xi32, #tpu.memory_space<hbm>>) dst(%arg6 : memref<2x128xi32, #tpu.memory_space<vmem>>)
            tpu.yield
          }) : () -> ()
          %dma_start3A_249 = arith.constant 0 : i32
          %dma_start3A_250 = arith.constant 0 : i32
          %dma_start3A_251 = tpu.memref_slice %arg6[%dma_start3A_249, %dma_start3A_250] : memref<2x128xi32, #tpu.memory_space<vmem>> -> memref<1x128xi32, #tpu.memory_space<vmem>>
          %dma_start3A_252 = tpu.memref_squeeze %dma_start3A_251 : memref<1x128xi32, #tpu.memory_space<vmem>> -> memref<128xi32, #tpu.memory_space<vmem>>
          %dma_start3A_253 = arith.constant 0 : i32
          %dma_start3A_254 = arith.constant 0 : i32
          %dma_start3A_255 = tpu.memref_slice %arg2[%dma_start3A_253, %dma_start3A_254] : memref<10000x128xf32, #tpu.memory_space<hbm>> -> memref<10000x128xf32, #tpu.memory_space<hbm>>
          tpu.enqueue_indirect_dma source(%dma_start3A_255 : memref<10000x128xf32, #tpu.memory_space<hbm>>) target(%arg9 : memref<128x128xf32, #tpu.memory_space<vmem>>) offsets(%dma_start3A_252 : memref<128xi32, #tpu.memory_space<vmem>>) semaphore(%arg12 : memref<!tpu.dma_semaphore, #tpu.memory_space<semaphore_mem>>)
        } else {
        }
        %dma_wait3A_227 = arith.constant 0 : i32
        %dma_wait3A_228 = arith.constant 0 : i32
        %dma_wait3A_229 = tpu.memref_slice %arg2[%dma_wait3A_227, %dma_wait3A_228] : memref<10000x128xf32, #tpu.memory_space<hbm>> -> memref<128x128xf32, #tpu.memory_space<hbm>>
        %dma_wait3A_230 = arith.constant 0 : i32
        %dma_wait3A_231 = arith.constant 0 : i32
        %dma_wait3A_232 = tpu.memref_slice %arg2[%dma_wait3A_230, %dma_wait3A_231] : memref<10000x128xf32, #tpu.memory_space<hbm>> -> memref<128x128xf32, #tpu.memory_space<hbm>>
        tpu.wait_dma2 semaphore(%arg14 : memref<!tpu.dma_semaphore, #tpu.memory_space<semaphore_mem>>) src(%dma_wait3A_232 : memref<128x128xf32, #tpu.memory_space<hbm>>) dst(%arg11 : memref<128x128xf32, #tpu.memory_space<vmem>>)
        %dma_start3A_233 = arith.constant 1 : i32
        %dma_start3A_234 = arith.constant 0 : i32
        %dma_start3A_235 = tpu.memref_slice %arg8[%dma_start3A_233, %dma_start3A_234] : memref<2x128xi32, #tpu.memory_space<vmem>> -> memref<1x128xi32, #tpu.memory_space<vmem>>
        %dma_start3A_236 = tpu.memref_squeeze %dma_start3A_235 : memref<1x128xi32, #tpu.memory_space<vmem>> -> memref<128xi32, #tpu.memory_space<vmem>>
        %dma_start3A_237 = arith.constant 0 : i32
        %dma_start3A_238 = arith.constant 0 : i32
        %dma_start3A_239 = tpu.memref_slice %arg5[%dma_start3A_237, %dma_start3A_238] : memref<10000x128xf32, #tpu.memory_space<vmem_shared>> -> memref<10000x128xf32, #tpu.memory_space<vmem_shared>>
        tpu.enqueue_indirect_dma source(%arg11 : memref<128x128xf32, #tpu.memory_space<vmem>>) target(%dma_start3A_239 : memref<10000x128xf32, #tpu.memory_space<vmem_shared>>) offsets(%dma_start3A_236 : memref<128xi32, #tpu.memory_space<vmem>>) semaphore(%arg17 : memref<!tpu.dma_semaphore, #tpu.memory_space<semaphore_mem>>) {add = true}
      } else {
      }
      %while3A_220 = arith.constant 0 : i32
      scf.yield %while3A_220 : i32
    }
    %while3A_80 = arith.constant 1 : i32
    %while3A_81 = scf.for %while3A_159 = %while3A_77 to %while3A_73 step %while3A_80 iter_args(%while3A_160 = %while3A_79) -> (i32)  : i32 {
      %jit3A_161 = arith.constant 3 : i32
      %eq3A = arith.constant 0 : i32
      %eq3A_162 = arith.cmpi eq, %jit3A_161, %eq3A : i32
      %jit3A_163 = arith.constant 1 : i32
      %select_n3A_164 = arith.select %eq3A_162, %jit3A_163, %jit3A_161 : i32
      %rem3A = arith.remsi %while3A_159, %select_n3A_164 : i32
      %ne3A = arith.constant 0 : i32
      %ne3A_165 = arith.cmpi ne, %rem3A, %ne3A : i32
      %lt3A_166 = arith.constant 0 : i32
      %lt3A_167 = arith.cmpi slt, %rem3A, %lt3A_166 : i32
      %lt3A_168 = arith.constant 0 : i32
      %lt3A_169 = arith.cmpi slt, %select_n3A_164, %lt3A_168 : i32
      %ne3A_170 = arith.xori %lt3A_167, %lt3A_169 : i1
      %and3A = arith.andi %ne3A_170, %ne3A_165 : i1
      %add3A_171 = arith.addi %rem3A, %select_n3A_164 : i32
      %select_n3A_172 = arith.select %and3A, %add3A_171, %rem3A : i32
      %eq3A_173 = arith.constant 0 : i32
      %eq3A_174 = arith.cmpi eq, %select_n3A_172, %eq3A_173 : i32
      %convert_element_type3A_175 = arith.extui %eq3A_174 : i1 to i32
      %cond3A_176 = arith.constant 0 : i32
      %cond3A_177 = arith.cmpi ne, %convert_element_type3A_175, %cond3A_176 : i32
      scf.if %cond3A_177 {
        %add3A_221 = arith.constant 1 : i32
        %add3A_222 = arith.addi %while3A_159, %add3A_221 : i32
        %lt3A_223 = arith.cmpi slt, %add3A_222, %select_n3A : i32
        %convert_element_type3A_224 = arith.extui %lt3A_223 : i1 to i32
        %cond3A_225 = arith.constant 0 : i32
        %cond3A_226 = arith.cmpi ne, %convert_element_type3A_224, %cond3A_225 : i32
        scf.if %cond3A_226 {
          %ge3A = arith.constant 2 : i32
          %ge3A_240 = arith.cmpi sge, %while3A_159, %ge3A : i32
          %convert_element_type3A_241 = arith.extui %ge3A_240 : i1 to i32
          %cond3A_242 = arith.constant 0 : i32
          %cond3A_243 = arith.cmpi ne, %convert_element_type3A_241, %cond3A_242 : i32
          scf.if %cond3A_243 {
            %dma_wait3A_256 = arith.constant 1 : i32
            %dma_wait3A_257 = arith.constant 0 : i32
            %dma_wait3A_258 = tpu.memref_slice %arg7[%dma_wait3A_256, %dma_wait3A_257] : memref<2x128xi32, #tpu.memory_space<vmem>> -> memref<1x128xi32, #tpu.memory_space<vmem>>
            %dma_wait3A_259 = tpu.memref_squeeze %dma_wait3A_258 : memref<1x128xi32, #tpu.memory_space<vmem>> -> memref<128xi32, #tpu.memory_space<vmem>>
            %dma_wait3A_260 = arith.constant 0 : i32
            %dma_wait3A_261 = arith.constant 0 : i32
            %dma_wait3A_262 = tpu.memref_slice %arg5[%dma_wait3A_260, %dma_wait3A_261] : memref<10000x128xf32, #tpu.memory_space<vmem_shared>> -> memref<10000x128xf32, #tpu.memory_space<vmem_shared>>
            tpu.wait_indirect_dma semaphore(%arg16 : memref<!tpu.dma_semaphore, #tpu.memory_space<semaphore_mem>>) src(%arg10 : memref<128x128xf32, #tpu.memory_space<vmem>>) dst(%dma_wait3A_262 : memref<10000x128xf32, #tpu.memory_space<vmem_shared>>)
          } else {
          }
          %add3A_244 = arith.constant 1 : i32
          %add3A_245 = arith.addi %while3A_159, %add3A_244 : i32
          %mul3A_246 = arith.constant 32 : i32
          %mul3A_247 = arith.muli %add3A_245, %mul3A_246 : i32
          %add3A_248 = arith.addi %add3A, %mul3A_247 : i32
          "tpu.region"() ({
            %run_scoped3A = tpu.sem_alloc : memref<!tpu.dma_semaphore, #tpu.memory_space<semaphore_mem>>
            %dma_start3A_256 = arith.constant 0 : i32
            %dma_start3A_257 = arith.constant 0 : i32
            %dma_start3A_258 = tpu.memref_slice %arg3[%add3A_248, %dma_start3A_256, %dma_start3A_257] : memref<2500x2x128xi32, #tpu.memory_space<hbm>> -> memref<1x2x128xi32, #tpu.memory_space<hbm>>
            %dma_start3A_259 = tpu.memref_squeeze %dma_start3A_258 : memref<1x2x128xi32, #tpu.memory_space<hbm>> -> memref<2x128xi32, #tpu.memory_space<hbm>>
            %dma_start3A_260 = arith.constant 0 : i32
            %dma_start3A_261 = arith.constant 0 : i32
            %dma_start3A_262 = tpu.memref_slice %arg3[%add3A_248, %dma_start3A_260, %dma_start3A_261] : memref<2500x2x128xi32, #tpu.memory_space<hbm>> -> memref<1x2x128xi32, #tpu.memory_space<hbm>>
            %dma_start3A_263 = tpu.memref_squeeze %dma_start3A_262 : memref<1x2x128xi32, #tpu.memory_space<hbm>> -> memref<2x128xi32, #tpu.memory_space<hbm>>
            tpu.enqueue_dma source(%dma_start3A_263 : memref<2x128xi32, #tpu.memory_space<hbm>>) target(%arg7 : memref<2x128xi32, #tpu.memory_space<vmem>>) target_semaphore(%run_scoped3A : memref<!tpu.dma_semaphore, #tpu.memory_space<semaphore_mem>>)
            %dma_wait3A_264 = arith.constant 0 : i32
            %dma_wait3A_265 = arith.constant 0 : i32
            %dma_wait3A_266 = tpu.memref_slice %arg3[%add3A_248, %dma_wait3A_264, %dma_wait3A_265] : memref<2500x2x128xi32, #tpu.memory_space<hbm>> -> memref<1x2x128xi32, #tpu.memory_space<hbm>>
            %dma_wait3A_267 = tpu.memref_squeeze %dma_wait3A_266 : memref<1x2x128xi32, #tpu.memory_space<hbm>> -> memref<2x128xi32, #tpu.memory_space<hbm>>
            %dma_wait3A_268 = arith.constant 0 : i32
            %dma_wait3A_269 = arith.constant 0 : i32
            %dma_wait3A_270 = tpu.memref_slice %arg3[%add3A_248, %dma_wait3A_268, %dma_wait3A_269] : memref<2500x2x128xi32, #tpu.memory_space<hbm>> -> memref<1x2x128xi32, #tpu.memory_space<hbm>>
            %dma_wait3A_271 = tpu.memref_squeeze %dma_wait3A_270 : memref<1x2x128xi32, #tpu.memory_space<hbm>> -> memref<2x128xi32, #tpu.memory_space<hbm>>
            tpu.wait_dma2 semaphore(%run_scoped3A : memref<!tpu.dma_semaphore, #tpu.memory_space<semaphore_mem>>) src(%dma_wait3A_271 : memref<2x128xi32, #tpu.memory_space<hbm>>) dst(%arg7 : memref<2x128xi32, #tpu.memory_space<vmem>>)
            tpu.yield
          }) : () -> ()
          %dma_start3A_249 = arith.constant 0 : i32
          %dma_start3A_250 = arith.constant 0 : i32
          %dma_start3A_251 = tpu.memref_slice %arg7[%dma_start3A_249, %dma_start3A_250] : memref<2x128xi32, #tpu.memory_space<vmem>> -> memref<1x128xi32, #tpu.memory_space<vmem>>
          %dma_start3A_252 = tpu.memref_squeeze %dma_start3A_251 : memref<1x128xi32, #tpu.memory_space<vmem>> -> memref<128xi32, #tpu.memory_space<vmem>>
          %dma_start3A_253 = arith.constant 0 : i32
          %dma_start3A_254 = arith.constant 0 : i32
          %dma_start3A_255 = tpu.memref_slice %arg2[%dma_start3A_253, %dma_start3A_254] : memref<10000x128xf32, #tpu.memory_space<hbm>> -> memref<10000x128xf32, #tpu.memory_space<hbm>>
          tpu.enqueue_indirect_dma source(%dma_start3A_255 : memref<10000x128xf32, #tpu.memory_space<hbm>>) target(%arg10 : memref<128x128xf32, #tpu.memory_space<vmem>>) offsets(%dma_start3A_252 : memref<128xi32, #tpu.memory_space<vmem>>) semaphore(%arg13 : memref<!tpu.dma_semaphore, #tpu.memory_space<semaphore_mem>>)
        } else {
        }
        %dma_wait3A_227 = arith.constant 0 : i32
        %dma_wait3A_228 = arith.constant 0 : i32
        %dma_wait3A_229 = tpu.memref_slice %arg2[%dma_wait3A_227, %dma_wait3A_228] : memref<10000x128xf32, #tpu.memory_space<hbm>> -> memref<128x128xf32, #tpu.memory_space<hbm>>
        %dma_wait3A_230 = arith.constant 0 : i32
        %dma_wait3A_231 = arith.constant 0 : i32
        %dma_wait3A_232 = tpu.memref_slice %arg2[%dma_wait3A_230, %dma_wait3A_231] : memref<10000x128xf32, #tpu.memory_space<hbm>> -> memref<128x128xf32, #tpu.memory_space<hbm>>
        tpu.wait_dma2 semaphore(%arg12 : memref<!tpu.dma_semaphore, #tpu.memory_space<semaphore_mem>>) src(%dma_wait3A_232 : memref<128x128xf32, #tpu.memory_space<hbm>>) dst(%arg9 : memref<128x128xf32, #tpu.memory_space<vmem>>)
        %dma_start3A_233 = arith.constant 1 : i32
        %dma_start3A_234 = arith.constant 0 : i32
        %dma_start3A_235 = tpu.memref_slice %arg6[%dma_start3A_233, %dma_start3A_234] : memref<2x128xi32, #tpu.memory_space<vmem>> -> memref<1x128xi32, #tpu.memory_space<vmem>>
        %dma_start3A_236 = tpu.memref_squeeze %dma_start3A_235 : memref<1x128xi32, #tpu.memory_space<vmem>> -> memref<128xi32, #tpu.memory_space<vmem>>
        %dma_start3A_237 = arith.constant 0 : i32
        %dma_start3A_238 = arith.constant 0 : i32
        %dma_start3A_239 = tpu.memref_slice %arg5[%dma_start3A_237, %dma_start3A_238] : memref<10000x128xf32, #tpu.memory_space<vmem_shared>> -> memref<10000x128xf32, #tpu.memory_space<vmem_shared>>
        tpu.enqueue_indirect_dma source(%arg9 : memref<128x128xf32, #tpu.memory_space<vmem>>) target(%dma_start3A_239 : memref<10000x128xf32, #tpu.memory_space<vmem_shared>>) offsets(%dma_start3A_236 : memref<128xi32, #tpu.memory_space<vmem>>) semaphore(%arg15 : memref<!tpu.dma_semaphore, #tpu.memory_space<semaphore_mem>>) {add = true}
      } else {
      }
      %jit3A_178 = arith.constant 3 : i32
      %eq3A_179 = arith.constant 0 : i32
      %eq3A_180 = arith.cmpi eq, %jit3A_178, %eq3A_179 : i32
      %jit3A_181 = arith.constant 1 : i32
      %select_n3A_182 = arith.select %eq3A_180, %jit3A_181, %jit3A_178 : i32
      %rem3A_183 = arith.remsi %while3A_159, %select_n3A_182 : i32
      %ne3A_184 = arith.constant 0 : i32
      %ne3A_185 = arith.cmpi ne, %rem3A_183, %ne3A_184 : i32
      %lt3A_186 = arith.constant 0 : i32
      %lt3A_187 = arith.cmpi slt, %rem3A_183, %lt3A_186 : i32
      %lt3A_188 = arith.constant 0 : i32
      %lt3A_189 = arith.cmpi slt, %select_n3A_182, %lt3A_188 : i32
      %ne3A_190 = arith.xori %lt3A_187, %lt3A_189 : i1
      %and3A_191 = arith.andi %ne3A_190, %ne3A_185 : i1
      %add3A_192 = arith.addi %rem3A_183, %select_n3A_182 : i32
      %select_n3A_193 = arith.select %and3A_191, %add3A_192, %rem3A_183 : i32
      %eq3A_194 = arith.constant 1 : i32
      %eq3A_195 = arith.cmpi eq, %select_n3A_193, %eq3A_194 : i32
      %convert_element_type3A_196 = arith.extui %eq3A_195 : i1 to i32
      %cond3A_197 = arith.constant 0 : i32
      %cond3A_198 = arith.cmpi ne, %convert_element_type3A_196, %cond3A_197 : i32
      scf.if %cond3A_198 {
        %add3A_221 = arith.constant 1 : i32
        %add3A_222 = arith.addi %while3A_159, %add3A_221 : i32
        %lt3A_223 = arith.cmpi slt, %add3A_222, %select_n3A : i32
        %convert_element_type3A_224 = arith.extui %lt3A_223 : i1 to i32
        %cond3A_225 = arith.constant 0 : i32
        %cond3A_226 = arith.cmpi ne, %convert_element_type3A_224, %cond3A_225 : i32
        scf.if %cond3A_226 {
          %ge3A = arith.constant 2 : i32
          %ge3A_240 = arith.cmpi sge, %while3A_159, %ge3A : i32
          %convert_element_type3A_241 = arith.extui %ge3A_240 : i1 to i32
          %cond3A_242 = arith.constant 0 : i32
          %cond3A_243 = arith.cmpi ne, %convert_element_type3A_241, %cond3A_242 : i32
          scf.if %cond3A_243 {
            %dma_wait3A_256 = arith.constant 1 : i32
            %dma_wait3A_257 = arith.constant 0 : i32
            %dma_wait3A_258 = tpu.memref_slice %arg8[%dma_wait3A_256, %dma_wait3A_257] : memref<2x128xi32, #tpu.memory_space<vmem>> -> memref<1x128xi32, #tpu.memory_space<vmem>>
            %dma_wait3A_259 = tpu.memref_squeeze %dma_wait3A_258 : memref<1x128xi32, #tpu.memory_space<vmem>> -> memref<128xi32, #tpu.memory_space<vmem>>
            %dma_wait3A_260 = arith.constant 0 : i32
            %dma_wait3A_261 = arith.constant 0 : i32
            %dma_wait3A_262 = tpu.memref_slice %arg5[%dma_wait3A_260, %dma_wait3A_261] : memref<10000x128xf32, #tpu.memory_space<vmem_shared>> -> memref<10000x128xf32, #tpu.memory_space<vmem_shared>>
            tpu.wait_indirect_dma semaphore(%arg17 : memref<!tpu.dma_semaphore, #tpu.memory_space<semaphore_mem>>) src(%arg11 : memref<128x128xf32, #tpu.memory_space<vmem>>) dst(%dma_wait3A_262 : memref<10000x128xf32, #tpu.memory_space<vmem_shared>>)
          } else {
          }
          %add3A_244 = arith.constant 1 : i32
          %add3A_245 = arith.addi %while3A_159, %add3A_244 : i32
          %mul3A_246 = arith.constant 32 : i32
          %mul3A_247 = arith.muli %add3A_245, %mul3A_246 : i32
          %add3A_248 = arith.addi %add3A, %mul3A_247 : i32
          "tpu.region"() ({
            %run_scoped3A = tpu.sem_alloc : memref<!tpu.dma_semaphore, #tpu.memory_space<semaphore_mem>>
            %dma_start3A_256 = arith.constant 0 : i32
            %dma_start3A_257 = arith.constant 0 : i32
            %dma_start3A_258 = tpu.memref_slice %arg3[%add3A_248, %dma_start3A_256, %dma_start3A_257] : memref<2500x2x128xi32, #tpu.memory_space<hbm>> -> memref<1x2x128xi32, #tpu.memory_space<hbm>>
            %dma_start3A_259 = tpu.memref_squeeze %dma_start3A_258 : memref<1x2x128xi32, #tpu.memory_space<hbm>> -> memref<2x128xi32, #tpu.memory_space<hbm>>
            %dma_start3A_260 = arith.constant 0 : i32
            %dma_start3A_261 = arith.constant 0 : i32
            %dma_start3A_262 = tpu.memref_slice %arg3[%add3A_248, %dma_start3A_260, %dma_start3A_261] : memref<2500x2x128xi32, #tpu.memory_space<hbm>> -> memref<1x2x128xi32, #tpu.memory_space<hbm>>
            %dma_start3A_263 = tpu.memref_squeeze %dma_start3A_262 : memref<1x2x128xi32, #tpu.memory_space<hbm>> -> memref<2x128xi32, #tpu.memory_space<hbm>>
            tpu.enqueue_dma source(%dma_start3A_263 : memref<2x128xi32, #tpu.memory_space<hbm>>) target(%arg8 : memref<2x128xi32, #tpu.memory_space<vmem>>) target_semaphore(%run_scoped3A : memref<!tpu.dma_semaphore, #tpu.memory_space<semaphore_mem>>)
            %dma_wait3A_264 = arith.constant 0 : i32
            %dma_wait3A_265 = arith.constant 0 : i32
            %dma_wait3A_266 = tpu.memref_slice %arg3[%add3A_248, %dma_wait3A_264, %dma_wait3A_265] : memref<2500x2x128xi32, #tpu.memory_space<hbm>> -> memref<1x2x128xi32, #tpu.memory_space<hbm>>
            %dma_wait3A_267 = tpu.memref_squeeze %dma_wait3A_266 : memref<1x2x128xi32, #tpu.memory_space<hbm>> -> memref<2x128xi32, #tpu.memory_space<hbm>>
            %dma_wait3A_268 = arith.constant 0 : i32
            %dma_wait3A_269 = arith.constant 0 : i32
            %dma_wait3A_270 = tpu.memref_slice %arg3[%add3A_248, %dma_wait3A_268, %dma_wait3A_269] : memref<2500x2x128xi32, #tpu.memory_space<hbm>> -> memref<1x2x128xi32, #tpu.memory_space<hbm>>
            %dma_wait3A_271 = tpu.memref_squeeze %dma_wait3A_270 : memref<1x2x128xi32, #tpu.memory_space<hbm>> -> memref<2x128xi32, #tpu.memory_space<hbm>>
            tpu.wait_dma2 semaphore(%run_scoped3A : memref<!tpu.dma_semaphore, #tpu.memory_space<semaphore_mem>>) src(%dma_wait3A_271 : memref<2x128xi32, #tpu.memory_space<hbm>>) dst(%arg8 : memref<2x128xi32, #tpu.memory_space<vmem>>)
            tpu.yield
          }) : () -> ()
          %dma_start3A_249 = arith.constant 0 : i32
          %dma_start3A_250 = arith.constant 0 : i32
          %dma_start3A_251 = tpu.memref_slice %arg8[%dma_start3A_249, %dma_start3A_250] : memref<2x128xi32, #tpu.memory_space<vmem>> -> memref<1x128xi32, #tpu.memory_space<vmem>>
          %dma_start3A_252 = tpu.memref_squeeze %dma_start3A_251 : memref<1x128xi32, #tpu.memory_space<vmem>> -> memref<128xi32, #tpu.memory_space<vmem>>
          %dma_start3A_253 = arith.constant 0 : i32
          %dma_start3A_254 = arith.constant 0 : i32
          %dma_start3A_255 = tpu.memref_slice %arg2[%dma_start3A_253, %dma_start3A_254] : memref<10000x128xf32, #tpu.memory_space<hbm>> -> memref<10000x128xf32, #tpu.memory_space<hbm>>
          tpu.enqueue_indirect_dma source(%dma_start3A_255 : memref<10000x128xf32, #tpu.memory_space<hbm>>) target(%arg11 : memref<128x128xf32, #tpu.memory_space<vmem>>) offsets(%dma_start3A_252 : memref<128xi32, #tpu.memory_space<vmem>>) semaphore(%arg14 : memref<!tpu.dma_semaphore, #tpu.memory_space<semaphore_mem>>)
        } else {
        }
        %dma_wait3A_227 = arith.constant 0 : i32
        %dma_wait3A_228 = arith.constant 0 : i32
        %dma_wait3A_229 = tpu.memref_slice %arg2[%dma_wait3A_227, %dma_wait3A_228] : memref<10000x128xf32, #tpu.memory_space<hbm>> -> memref<128x128xf32, #tpu.memory_space<hbm>>
        %dma_wait3A_230 = arith.constant 0 : i32
        %dma_wait3A_231 = arith.constant 0 : i32
        %dma_wait3A_232 = tpu.memref_slice %arg2[%dma_wait3A_230, %dma_wait3A_231] : memref<10000x128xf32, #tpu.memory_space<hbm>> -> memref<128x128xf32, #tpu.memory_space<hbm>>
        tpu.wait_dma2 semaphore(%arg13 : memref<!tpu.dma_semaphore, #tpu.memory_space<semaphore_mem>>) src(%dma_wait3A_232 : memref<128x128xf32, #tpu.memory_space<hbm>>) dst(%arg10 : memref<128x128xf32, #tpu.memory_space<vmem>>)
        %dma_start3A_233 = arith.constant 1 : i32
        %dma_start3A_234 = arith.constant 0 : i32
        %dma_start3A_235 = tpu.memref_slice %arg7[%dma_start3A_233, %dma_start3A_234] : memref<2x128xi32, #tpu.memory_space<vmem>> -> memref<1x128xi32, #tpu.memory_space<vmem>>
        %dma_start3A_236 = tpu.memref_squeeze %dma_start3A_235 : memref<1x128xi32, #tpu.memory_space<vmem>> -> memref<128xi32, #tpu.memory_space<vmem>>
        %dma_start3A_237 = arith.constant 0 : i32
        %dma_start3A_238 = arith.constant 0 : i32
        %dma_start3A_239 = tpu.memref_slice %arg5[%dma_start3A_237, %dma_start3A_238] : memref<10000x128xf32, #tpu.memory_space<vmem_shared>> -> memref<10000x128xf32, #tpu.memory_space<vmem_shared>>
        tpu.enqueue_indirect_dma source(%arg10 : memref<128x128xf32, #tpu.memory_space<vmem>>) target(%dma_start3A_239 : memref<10000x128xf32, #tpu.memory_space<vmem_shared>>) offsets(%dma_start3A_236 : memref<128xi32, #tpu.memory_space<vmem>>) semaphore(%arg16 : memref<!tpu.dma_semaphore, #tpu.memory_space<semaphore_mem>>) {add = true}
      } else {
      }
      %jit3A_199 = arith.constant 3 : i32
      %eq3A_200 = arith.constant 0 : i32
      %eq3A_201 = arith.cmpi eq, %jit3A_199, %eq3A_200 : i32
      %jit3A_202 = arith.constant 1 : i32
      %select_n3A_203 = arith.select %eq3A_201, %jit3A_202, %jit3A_199 : i32
      %rem3A_204 = arith.remsi %while3A_159, %select_n3A_203 : i32
      %ne3A_205 = arith.constant 0 : i32
      %ne3A_206 = arith.cmpi ne, %rem3A_204, %ne3A_205 : i32
      %lt3A_207 = arith.constant 0 : i32
      %lt3A_208 = arith.cmpi slt, %rem3A_204, %lt3A_207 : i32
      %lt3A_209 = arith.constant 0 : i32
      %lt3A_210 = arith.cmpi slt, %select_n3A_203, %lt3A_209 : i32
      %ne3A_211 = arith.xori %lt3A_208, %lt3A_210 : i1
      %and3A_212 = arith.andi %ne3A_211, %ne3A_206 : i1
      %add3A_213 = arith.addi %rem3A_204, %select_n3A_203 : i32
      %select_n3A_214 = arith.select %and3A_212, %add3A_213, %rem3A_204 : i32
      %eq3A_215 = arith.constant 2 : i32
      %eq3A_216 = arith.cmpi eq, %select_n3A_214, %eq3A_215 : i32
      %convert_element_type3A_217 = arith.extui %eq3A_216 : i1 to i32
      %cond3A_218 = arith.constant 0 : i32
      %cond3A_219 = arith.cmpi ne, %convert_element_type3A_217, %cond3A_218 : i32
      scf.if %cond3A_219 {
        %add3A_221 = arith.constant 1 : i32
        %add3A_222 = arith.addi %while3A_159, %add3A_221 : i32
        %lt3A_223 = arith.cmpi slt, %add3A_222, %select_n3A : i32
        %convert_element_type3A_224 = arith.extui %lt3A_223 : i1 to i32
        %cond3A_225 = arith.constant 0 : i32
        %cond3A_226 = arith.cmpi ne, %convert_element_type3A_224, %cond3A_225 : i32
        scf.if %cond3A_226 {
          %ge3A = arith.constant 2 : i32
          %ge3A_240 = arith.cmpi sge, %while3A_159, %ge3A : i32
          %convert_element_type3A_241 = arith.extui %ge3A_240 : i1 to i32
          %cond3A_242 = arith.constant 0 : i32
          %cond3A_243 = arith.cmpi ne, %convert_element_type3A_241, %cond3A_242 : i32
          scf.if %cond3A_243 {
            %dma_wait3A_256 = arith.constant 1 : i32
            %dma_wait3A_257 = arith.constant 0 : i32
            %dma_wait3A_258 = tpu.memref_slice %arg6[%dma_wait3A_256, %dma_wait3A_257] : memref<2x128xi32, #tpu.memory_space<vmem>> -> memref<1x128xi32, #tpu.memory_space<vmem>>
            %dma_wait3A_259 = tpu.memref_squeeze %dma_wait3A_258 : memref<1x128xi32, #tpu.memory_space<vmem>> -> memref<128xi32, #tpu.memory_space<vmem>>
            %dma_wait3A_260 = arith.constant 0 : i32
            %dma_wait3A_261 = arith.constant 0 : i32
            %dma_wait3A_262 = tpu.memref_slice %arg5[%dma_wait3A_260, %dma_wait3A_261] : memref<10000x128xf32, #tpu.memory_space<vmem_shared>> -> memref<10000x128xf32, #tpu.memory_space<vmem_shared>>
            tpu.wait_indirect_dma semaphore(%arg15 : memref<!tpu.dma_semaphore, #tpu.memory_space<semaphore_mem>>) src(%arg9 : memref<128x128xf32, #tpu.memory_space<vmem>>) dst(%dma_wait3A_262 : memref<10000x128xf32, #tpu.memory_space<vmem_shared>>)
          } else {
          }
          %add3A_244 = arith.constant 1 : i32
          %add3A_245 = arith.addi %while3A_159, %add3A_244 : i32
          %mul3A_246 = arith.constant 32 : i32
          %mul3A_247 = arith.muli %add3A_245, %mul3A_246 : i32
          %add3A_248 = arith.addi %add3A, %mul3A_247 : i32
          "tpu.region"() ({
            %run_scoped3A = tpu.sem_alloc : memref<!tpu.dma_semaphore, #tpu.memory_space<semaphore_mem>>
            %dma_start3A_256 = arith.constant 0 : i32
            %dma_start3A_257 = arith.constant 0 : i32
            %dma_start3A_258 = tpu.memref_slice %arg3[%add3A_248, %dma_start3A_256, %dma_start3A_257] : memref<2500x2x128xi32, #tpu.memory_space<hbm>> -> memref<1x2x128xi32, #tpu.memory_space<hbm>>
            %dma_start3A_259 = tpu.memref_squeeze %dma_start3A_258 : memref<1x2x128xi32, #tpu.memory_space<hbm>> -> memref<2x128xi32, #tpu.memory_space<hbm>>
            %dma_start3A_260 = arith.constant 0 : i32
            %dma_start3A_261 = arith.constant 0 : i32
            %dma_start3A_262 = tpu.memref_slice %arg3[%add3A_248, %dma_start3A_260, %dma_start3A_261] : memref<2500x2x128xi32, #tpu.memory_space<hbm>> -> memref<1x2x128xi32, #tpu.memory_space<hbm>>
            %dma_start3A_263 = tpu.memref_squeeze %dma_start3A_262 : memref<1x2x128xi32, #tpu.memory_space<hbm>> -> memref<2x128xi32, #tpu.memory_space<hbm>>
            tpu.enqueue_dma source(%dma_start3A_263 : memref<2x128xi32, #tpu.memory_space<hbm>>) target(%arg6 : memref<2x128xi32, #tpu.memory_space<vmem>>) target_semaphore(%run_scoped3A : memref<!tpu.dma_semaphore, #tpu.memory_space<semaphore_mem>>)
            %dma_wait3A_264 = arith.constant 0 : i32
            %dma_wait3A_265 = arith.constant 0 : i32
            %dma_wait3A_266 = tpu.memref_slice %arg3[%add3A_248, %dma_wait3A_264, %dma_wait3A_265] : memref<2500x2x128xi32, #tpu.memory_space<hbm>> -> memref<1x2x128xi32, #tpu.memory_space<hbm>>
            %dma_wait3A_267 = tpu.memref_squeeze %dma_wait3A_266 : memref<1x2x128xi32, #tpu.memory_space<hbm>> -> memref<2x128xi32, #tpu.memory_space<hbm>>
            %dma_wait3A_268 = arith.constant 0 : i32
            %dma_wait3A_269 = arith.constant 0 : i32
            %dma_wait3A_270 = tpu.memref_slice %arg3[%add3A_248, %dma_wait3A_268, %dma_wait3A_269] : memref<2500x2x128xi32, #tpu.memory_space<hbm>> -> memref<1x2x128xi32, #tpu.memory_space<hbm>>
            %dma_wait3A_271 = tpu.memref_squeeze %dma_wait3A_270 : memref<1x2x128xi32, #tpu.memory_space<hbm>> -> memref<2x128xi32, #tpu.memory_space<hbm>>
            tpu.wait_dma2 semaphore(%run_scoped3A : memref<!tpu.dma_semaphore, #tpu.memory_space<semaphore_mem>>) src(%dma_wait3A_271 : memref<2x128xi32, #tpu.memory_space<hbm>>) dst(%arg6 : memref<2x128xi32, #tpu.memory_space<vmem>>)
            tpu.yield
          }) : () -> ()
          %dma_start3A_249 = arith.constant 0 : i32
          %dma_start3A_250 = arith.constant 0 : i32
          %dma_start3A_251 = tpu.memref_slice %arg6[%dma_start3A_249, %dma_start3A_250] : memref<2x128xi32, #tpu.memory_space<vmem>> -> memref<1x128xi32, #tpu.memory_space<vmem>>
          %dma_start3A_252 = tpu.memref_squeeze %dma_start3A_251 : memref<1x128xi32, #tpu.memory_space<vmem>> -> memref<128xi32, #tpu.memory_space<vmem>>
          %dma_start3A_253 = arith.constant 0 : i32
          %dma_start3A_254 = arith.constant 0 : i32
          %dma_start3A_255 = tpu.memref_slice %arg2[%dma_start3A_253, %dma_start3A_254] : memref<10000x128xf32, #tpu.memory_space<hbm>> -> memref<10000x128xf32, #tpu.memory_space<hbm>>
          tpu.enqueue_indirect_dma source(%dma_start3A_255 : memref<10000x128xf32, #tpu.memory_space<hbm>>) target(%arg9 : memref<128x128xf32, #tpu.memory_space<vmem>>) offsets(%dma_start3A_252 : memref<128xi32, #tpu.memory_space<vmem>>) semaphore(%arg12 : memref<!tpu.dma_semaphore, #tpu.memory_space<semaphore_mem>>)
        } else {
        }
        %dma_wait3A_227 = arith.constant 0 : i32
        %dma_wait3A_228 = arith.constant 0 : i32
        %dma_wait3A_229 = tpu.memref_slice %arg2[%dma_wait3A_227, %dma_wait3A_228] : memref<10000x128xf32, #tpu.memory_space<hbm>> -> memref<128x128xf32, #tpu.memory_space<hbm>>
        %dma_wait3A_230 = arith.constant 0 : i32
        %dma_wait3A_231 = arith.constant 0 : i32
        %dma_wait3A_232 = tpu.memref_slice %arg2[%dma_wait3A_230, %dma_wait3A_231] : memref<10000x128xf32, #tpu.memory_space<hbm>> -> memref<128x128xf32, #tpu.memory_space<hbm>>
        tpu.wait_dma2 semaphore(%arg14 : memref<!tpu.dma_semaphore, #tpu.memory_space<semaphore_mem>>) src(%dma_wait3A_232 : memref<128x128xf32, #tpu.memory_space<hbm>>) dst(%arg11 : memref<128x128xf32, #tpu.memory_space<vmem>>)
        %dma_start3A_233 = arith.constant 1 : i32
        %dma_start3A_234 = arith.constant 0 : i32
        %dma_start3A_235 = tpu.memref_slice %arg8[%dma_start3A_233, %dma_start3A_234] : memref<2x128xi32, #tpu.memory_space<vmem>> -> memref<1x128xi32, #tpu.memory_space<vmem>>
        %dma_start3A_236 = tpu.memref_squeeze %dma_start3A_235 : memref<1x128xi32, #tpu.memory_space<vmem>> -> memref<128xi32, #tpu.memory_space<vmem>>
        %dma_start3A_237 = arith.constant 0 : i32
        %dma_start3A_238 = arith.constant 0 : i32
        %dma_start3A_239 = tpu.memref_slice %arg5[%dma_start3A_237, %dma_start3A_238] : memref<10000x128xf32, #tpu.memory_space<vmem_shared>> -> memref<10000x128xf32, #tpu.memory_space<vmem_shared>>
        tpu.enqueue_indirect_dma source(%arg11 : memref<128x128xf32, #tpu.memory_space<vmem>>) target(%dma_start3A_239 : memref<10000x128xf32, #tpu.memory_space<vmem_shared>>) offsets(%dma_start3A_236 : memref<128xi32, #tpu.memory_space<vmem>>) semaphore(%arg17 : memref<!tpu.dma_semaphore, #tpu.memory_space<semaphore_mem>>) {add = true}
      } else {
      }
      %while3A_220 = arith.constant 0 : i32
      scf.yield %while3A_220 : i32
    }
    %dma_wait3A = arith.constant 1 : i32
    %dma_wait3A_82 = arith.constant 0 : i32
    %dma_wait3A_83 = tpu.memref_slice %arg6[%dma_wait3A, %dma_wait3A_82] : memref<2x128xi32, #tpu.memory_space<vmem>> -> memref<1x128xi32, #tpu.memory_space<vmem>>
    %dma_wait3A_84 = tpu.memref_squeeze %dma_wait3A_83 : memref<1x128xi32, #tpu.memory_space<vmem>> -> memref<128xi32, #tpu.memory_space<vmem>>
    %dma_wait3A_85 = arith.constant 0 : i32
    %dma_wait3A_86 = arith.constant 0 : i32
    %dma_wait3A_87 = tpu.memref_slice %arg5[%dma_wait3A_85, %dma_wait3A_86] : memref<10000x128xf32, #tpu.memory_space<vmem_shared>> -> memref<10000x128xf32, #tpu.memory_space<vmem_shared>>
    tpu.wait_indirect_dma semaphore(%arg15 : memref<!tpu.dma_semaphore, #tpu.memory_space<semaphore_mem>>) src(%arg9 : memref<128x128xf32, #tpu.memory_space<vmem>>) dst(%dma_wait3A_87 : memref<10000x128xf32, #tpu.memory_space<vmem_shared>>)
    %dma_wait3A_88 = arith.constant 1 : i32
    %dma_wait3A_89 = arith.constant 0 : i32
    %dma_wait3A_90 = tpu.memref_slice %arg7[%dma_wait3A_88, %dma_wait3A_89] : memref<2x128xi32, #tpu.memory_space<vmem>> -> memref<1x128xi32, #tpu.memory_space<vmem>>
    %dma_wait3A_91 = tpu.memref_squeeze %dma_wait3A_90 : memref<1x128xi32, #tpu.memory_space<vmem>> -> memref<128xi32, #tpu.memory_space<vmem>>
    %dma_wait3A_92 = arith.constant 0 : i32
    %dma_wait3A_93 = arith.constant 0 : i32
    %dma_wait3A_94 = tpu.memref_slice %arg5[%dma_wait3A_92, %dma_wait3A_93] : memref<10000x128xf32, #tpu.memory_space<vmem_shared>> -> memref<10000x128xf32, #tpu.memory_space<vmem_shared>>
    tpu.wait_indirect_dma semaphore(%arg16 : memref<!tpu.dma_semaphore, #tpu.memory_space<semaphore_mem>>) src(%arg10 : memref<128x128xf32, #tpu.memory_space<vmem>>) dst(%dma_wait3A_94 : memref<10000x128xf32, #tpu.memory_space<vmem_shared>>)
    %dma_wait3A_95 = arith.constant 1 : i32
    %dma_wait3A_96 = arith.constant 0 : i32
    %dma_wait3A_97 = tpu.memref_slice %arg8[%dma_wait3A_95, %dma_wait3A_96] : memref<2x128xi32, #tpu.memory_space<vmem>> -> memref<1x128xi32, #tpu.memory_space<vmem>>
    %dma_wait3A_98 = tpu.memref_squeeze %dma_wait3A_97 : memref<1x128xi32, #tpu.memory_space<vmem>> -> memref<128xi32, #tpu.memory_space<vmem>>
    %dma_wait3A_99 = arith.constant 0 : i32
    %dma_wait3A_100 = arith.constant 0 : i32
    %dma_wait3A_101 = tpu.memref_slice %arg5[%dma_wait3A_99, %dma_wait3A_100] : memref<10000x128xf32, #tpu.memory_space<vmem_shared>> -> memref<10000x128xf32, #tpu.memory_space<vmem_shared>>
    tpu.wait_indirect_dma semaphore(%arg17 : memref<!tpu.dma_semaphore, #tpu.memory_space<semaphore_mem>>) src(%arg11 : memref<128x128xf32, #tpu.memory_space<vmem>>) dst(%dma_wait3A_101 : memref<10000x128xf32, #tpu.memory_space<vmem_shared>>)
    %barrier3A_102 = arith.constant 0 : index
    tpu.barrier barrier_id(%barrier3A_102)
    %add3A_103 = arith.constant 0 : i32
    %add3A_104 = arith.addi %arg1, %add3A_103 : i32
    %lt3A_105 = arith.constant 125 : i32
    %lt3A_106 = arith.cmpi slt, %add3A_104, %lt3A_105 : i32
    %convert_element_type3A_107 = arith.extui %lt3A_106 : i1 to i32
    %cond3A_108 = arith.constant 0 : i32
    %cond3A_109 = arith.cmpi ne, %convert_element_type3A_107, %cond3A_108 : i32
    scf.if %cond3A_109 {
      %mul3A_159 = arith.constant 80 : i32
      %mul3A_160 = arith.muli %add3A_104, %mul3A_159 : i32
      %mul3A_161 = arith.constant 10000 : i32
      %mul3A_162 = arith.muli %arg0, %mul3A_161 : i32
      %mul3A_163 = arith.constant 80 : i32
      %mul3A_164 = arith.muli %add3A_104, %mul3A_163 : i32
      %add3A_165 = arith.addi %mul3A_162, %mul3A_164 : i32
      "tpu.region"() ({
        %run_scoped3A = tpu.sem_alloc : memref<!tpu.dma_semaphore, #tpu.memory_space<semaphore_mem>>
        %dma_start3A_166 = arith.constant 0 : i32
        %dma_start3A_167 = tpu.memref_slice %arg4[%add3A_165, %dma_start3A_166] : memref<20000x128xf32, #tpu.memory_space<hbm>> -> memref<80x128xf32, #tpu.memory_space<hbm>>
        %dma_start3A_168 = arith.constant 0 : i32
        %dma_start3A_169 = tpu.memref_slice %arg5[%mul3A_160, %dma_start3A_168] : memref<10000x128xf32, #tpu.memory_space<vmem_shared>> -> memref<80x128xf32, #tpu.memory_space<vmem_shared>>
        tpu.enqueue_dma source(%dma_start3A_169 : memref<80x128xf32, #tpu.memory_space<vmem_shared>>) target(%dma_start3A_167 : memref<80x128xf32, #tpu.memory_space<hbm>>) target_semaphore(%run_scoped3A : memref<!tpu.dma_semaphore, #tpu.memory_space<semaphore_mem>>)
        %dma_wait3A_170 = arith.constant 0 : i32
        %dma_wait3A_171 = tpu.memref_slice %arg4[%add3A_165, %dma_wait3A_170] : memref<20000x128xf32, #tpu.memory_space<hbm>> -> memref<80x128xf32, #tpu.memory_space<hbm>>
        %dma_wait3A_172 = arith.constant 0 : i32
        %dma_wait3A_173 = tpu.memref_slice %arg5[%mul3A_160, %dma_wait3A_172] : memref<10000x128xf32, #tpu.memory_space<vmem_shared>> -> memref<80x128xf32, #tpu.memory_space<vmem_shared>>
        tpu.wait_dma2 semaphore(%run_scoped3A : memref<!tpu.dma_semaphore, #tpu.memory_space<semaphore_mem>>) src(%dma_wait3A_173 : memref<80x128xf32, #tpu.memory_space<vmem_shared>>) dst(%dma_wait3A_171 : memref<80x128xf32, #tpu.memory_space<hbm>>)
        tpu.yield
      }) : () -> ()
    } else {
    }
    %add3A_110 = arith.constant 16 : i32
    %add3A_111 = arith.addi %arg1, %add3A_110 : i32
    %lt3A_112 = arith.constant 125 : i32
    %lt3A_113 = arith.cmpi slt, %add3A_111, %lt3A_112 : i32
    %convert_element_type3A_114 = arith.extui %lt3A_113 : i1 to i32
    %cond3A_115 = arith.constant 0 : i32
    %cond3A_116 = arith.cmpi ne, %convert_element_type3A_114, %cond3A_115 : i32
    scf.if %cond3A_116 {
      %mul3A_159 = arith.constant 80 : i32
      %mul3A_160 = arith.muli %add3A_111, %mul3A_159 : i32
      %mul3A_161 = arith.constant 10000 : i32
      %mul3A_162 = arith.muli %arg0, %mul3A_161 : i32
      %mul3A_163 = arith.constant 80 : i32
      %mul3A_164 = arith.muli %add3A_111, %mul3A_163 : i32
      %add3A_165 = arith.addi %mul3A_162, %mul3A_164 : i32
      "tpu.region"() ({
        %run_scoped3A = tpu.sem_alloc : memref<!tpu.dma_semaphore, #tpu.memory_space<semaphore_mem>>
        %dma_start3A_166 = arith.constant 0 : i32
        %dma_start3A_167 = tpu.memref_slice %arg4[%add3A_165, %dma_start3A_166] : memref<20000x128xf32, #tpu.memory_space<hbm>> -> memref<80x128xf32, #tpu.memory_space<hbm>>
        %dma_start3A_168 = arith.constant 0 : i32
        %dma_start3A_169 = tpu.memref_slice %arg5[%mul3A_160, %dma_start3A_168] : memref<10000x128xf32, #tpu.memory_space<vmem_shared>> -> memref<80x128xf32, #tpu.memory_space<vmem_shared>>
        tpu.enqueue_dma source(%dma_start3A_169 : memref<80x128xf32, #tpu.memory_space<vmem_shared>>) target(%dma_start3A_167 : memref<80x128xf32, #tpu.memory_space<hbm>>) target_semaphore(%run_scoped3A : memref<!tpu.dma_semaphore, #tpu.memory_space<semaphore_mem>>)
        %dma_wait3A_170 = arith.constant 0 : i32
        %dma_wait3A_171 = tpu.memref_slice %arg4[%add3A_165, %dma_wait3A_170] : memref<20000x128xf32, #tpu.memory_space<hbm>> -> memref<80x128xf32, #tpu.memory_space<hbm>>
        %dma_wait3A_172 = arith.constant 0 : i32
        %dma_wait3A_173 = tpu.memref_slice %arg5[%mul3A_160, %dma_wait3A_172] : memref<10000x128xf32, #tpu.memory_space<vmem_shared>> -> memref<80x128xf32, #tpu.memory_space<vmem_shared>>
        tpu.wait_dma2 semaphore(%run_scoped3A : memref<!tpu.dma_semaphore, #tpu.memory_space<semaphore_mem>>) src(%dma_wait3A_173 : memref<80x128xf32, #tpu.memory_space<vmem_shared>>) dst(%dma_wait3A_171 : memref<80x128xf32, #tpu.memory_space<hbm>>)
        tpu.yield
      }) : () -> ()
    } else {
    }
    %add3A_117 = arith.constant 32 : i32
    %add3A_118 = arith.addi %arg1, %add3A_117 : i32
    %lt3A_119 = arith.constant 125 : i32
    %lt3A_120 = arith.cmpi slt, %add3A_118, %lt3A_119 : i32
    %convert_element_type3A_121 = arith.extui %lt3A_120 : i1 to i32
    %cond3A_122 = arith.constant 0 : i32
    %cond3A_123 = arith.cmpi ne, %convert_element_type3A_121, %cond3A_122 : i32
    scf.if %cond3A_123 {
      %mul3A_159 = arith.constant 80 : i32
      %mul3A_160 = arith.muli %add3A_118, %mul3A_159 : i32
      %mul3A_161 = arith.constant 10000 : i32
      %mul3A_162 = arith.muli %arg0, %mul3A_161 : i32
      %mul3A_163 = arith.constant 80 : i32
      %mul3A_164 = arith.muli %add3A_118, %mul3A_163 : i32
      %add3A_165 = arith.addi %mul3A_162, %mul3A_164 : i32
      "tpu.region"() ({
        %run_scoped3A = tpu.sem_alloc : memref<!tpu.dma_semaphore, #tpu.memory_space<semaphore_mem>>
        %dma_start3A_166 = arith.constant 0 : i32
        %dma_start3A_167 = tpu.memref_slice %arg4[%add3A_165, %dma_start3A_166] : memref<20000x128xf32, #tpu.memory_space<hbm>> -> memref<80x128xf32, #tpu.memory_space<hbm>>
        %dma_start3A_168 = arith.constant 0 : i32
        %dma_start3A_169 = tpu.memref_slice %arg5[%mul3A_160, %dma_start3A_168] : memref<10000x128xf32, #tpu.memory_space<vmem_shared>> -> memref<80x128xf32, #tpu.memory_space<vmem_shared>>
        tpu.enqueue_dma source(%dma_start3A_169 : memref<80x128xf32, #tpu.memory_space<vmem_shared>>) target(%dma_start3A_167 : memref<80x128xf32, #tpu.memory_space<hbm>>) target_semaphore(%run_scoped3A : memref<!tpu.dma_semaphore, #tpu.memory_space<semaphore_mem>>)
        %dma_wait3A_170 = arith.constant 0 : i32
        %dma_wait3A_171 = tpu.memref_slice %arg4[%add3A_165, %dma_wait3A_170] : memref<20000x128xf32, #tpu.memory_space<hbm>> -> memref<80x128xf32, #tpu.memory_space<hbm>>
        %dma_wait3A_172 = arith.constant 0 : i32
        %dma_wait3A_173 = tpu.memref_slice %arg5[%mul3A_160, %dma_wait3A_172] : memref<10000x128xf32, #tpu.memory_space<vmem_shared>> -> memref<80x128xf32, #tpu.memory_space<vmem_shared>>
        tpu.wait_dma2 semaphore(%run_scoped3A : memref<!tpu.dma_semaphore, #tpu.memory_space<semaphore_mem>>) src(%dma_wait3A_173 : memref<80x128xf32, #tpu.memory_space<vmem_shared>>) dst(%dma_wait3A_171 : memref<80x128xf32, #tpu.memory_space<hbm>>)
        tpu.yield
      }) : () -> ()
    } else {
    }
    %add3A_124 = arith.constant 48 : i32
    %add3A_125 = arith.addi %arg1, %add3A_124 : i32
    %lt3A_126 = arith.constant 125 : i32
    %lt3A_127 = arith.cmpi slt, %add3A_125, %lt3A_126 : i32
    %convert_element_type3A_128 = arith.extui %lt3A_127 : i1 to i32
    %cond3A_129 = arith.constant 0 : i32
    %cond3A_130 = arith.cmpi ne, %convert_element_type3A_128, %cond3A_129 : i32
    scf.if %cond3A_130 {
      %mul3A_159 = arith.constant 80 : i32
      %mul3A_160 = arith.muli %add3A_125, %mul3A_159 : i32
      %mul3A_161 = arith.constant 10000 : i32
      %mul3A_162 = arith.muli %arg0, %mul3A_161 : i32
      %mul3A_163 = arith.constant 80 : i32
      %mul3A_164 = arith.muli %add3A_125, %mul3A_163 : i32
      %add3A_165 = arith.addi %mul3A_162, %mul3A_164 : i32
      "tpu.region"() ({
        %run_scoped3A = tpu.sem_alloc : memref<!tpu.dma_semaphore, #tpu.memory_space<semaphore_mem>>
        %dma_start3A_166 = arith.constant 0 : i32
        %dma_start3A_167 = tpu.memref_slice %arg4[%add3A_165, %dma_start3A_166] : memref<20000x128xf32, #tpu.memory_space<hbm>> -> memref<80x128xf32, #tpu.memory_space<hbm>>
        %dma_start3A_168 = arith.constant 0 : i32
        %dma_start3A_169 = tpu.memref_slice %arg5[%mul3A_160, %dma_start3A_168] : memref<10000x128xf32, #tpu.memory_space<vmem_shared>> -> memref<80x128xf32, #tpu.memory_space<vmem_shared>>
        tpu.enqueue_dma source(%dma_start3A_169 : memref<80x128xf32, #tpu.memory_space<vmem_shared>>) target(%dma_start3A_167 : memref<80x128xf32, #tpu.memory_space<hbm>>) target_semaphore(%run_scoped3A : memref<!tpu.dma_semaphore, #tpu.memory_space<semaphore_mem>>)
        %dma_wait3A_170 = arith.constant 0 : i32
        %dma_wait3A_171 = tpu.memref_slice %arg4[%add3A_165, %dma_wait3A_170] : memref<20000x128xf32, #tpu.memory_space<hbm>> -> memref<80x128xf32, #tpu.memory_space<hbm>>
        %dma_wait3A_172 = arith.constant 0 : i32
        %dma_wait3A_173 = tpu.memref_slice %arg5[%mul3A_160, %dma_wait3A_172] : memref<10000x128xf32, #tpu.memory_space<vmem_shared>> -> memref<80x128xf32, #tpu.memory_space<vmem_shared>>
        tpu.wait_dma2 semaphore(%run_scoped3A : memref<!tpu.dma_semaphore, #tpu.memory_space<semaphore_mem>>) src(%dma_wait3A_173 : memref<80x128xf32, #tpu.memory_space<vmem_shared>>) dst(%dma_wait3A_171 : memref<80x128xf32, #tpu.memory_space<hbm>>)
        tpu.yield
      }) : () -> ()
    } else {
    }
    %add3A_131 = arith.constant 64 : i32
    %add3A_132 = arith.addi %arg1, %add3A_131 : i32
    %lt3A_133 = arith.constant 125 : i32
    %lt3A_134 = arith.cmpi slt, %add3A_132, %lt3A_133 : i32
    %convert_element_type3A_135 = arith.extui %lt3A_134 : i1 to i32
    %cond3A_136 = arith.constant 0 : i32
    %cond3A_137 = arith.cmpi ne, %convert_element_type3A_135, %cond3A_136 : i32
    scf.if %cond3A_137 {
      %mul3A_159 = arith.constant 80 : i32
      %mul3A_160 = arith.muli %add3A_132, %mul3A_159 : i32
      %mul3A_161 = arith.constant 10000 : i32
      %mul3A_162 = arith.muli %arg0, %mul3A_161 : i32
      %mul3A_163 = arith.constant 80 : i32
      %mul3A_164 = arith.muli %add3A_132, %mul3A_163 : i32
      %add3A_165 = arith.addi %mul3A_162, %mul3A_164 : i32
      "tpu.region"() ({
        %run_scoped3A = tpu.sem_alloc : memref<!tpu.dma_semaphore, #tpu.memory_space<semaphore_mem>>
        %dma_start3A_166 = arith.constant 0 : i32
        %dma_start3A_167 = tpu.memref_slice %arg4[%add3A_165, %dma_start3A_166] : memref<20000x128xf32, #tpu.memory_space<hbm>> -> memref<80x128xf32, #tpu.memory_space<hbm>>
        %dma_start3A_168 = arith.constant 0 : i32
        %dma_start3A_169 = tpu.memref_slice %arg5[%mul3A_160, %dma_start3A_168] : memref<10000x128xf32, #tpu.memory_space<vmem_shared>> -> memref<80x128xf32, #tpu.memory_space<vmem_shared>>
        tpu.enqueue_dma source(%dma_start3A_169 : memref<80x128xf32, #tpu.memory_space<vmem_shared>>) target(%dma_start3A_167 : memref<80x128xf32, #tpu.memory_space<hbm>>) target_semaphore(%run_scoped3A : memref<!tpu.dma_semaphore, #tpu.memory_space<semaphore_mem>>)
        %dma_wait3A_170 = arith.constant 0 : i32
        %dma_wait3A_171 = tpu.memref_slice %arg4[%add3A_165, %dma_wait3A_170] : memref<20000x128xf32, #tpu.memory_space<hbm>> -> memref<80x128xf32, #tpu.memory_space<hbm>>
        %dma_wait3A_172 = arith.constant 0 : i32
        %dma_wait3A_173 = tpu.memref_slice %arg5[%mul3A_160, %dma_wait3A_172] : memref<10000x128xf32, #tpu.memory_space<vmem_shared>> -> memref<80x128xf32, #tpu.memory_space<vmem_shared>>
        tpu.wait_dma2 semaphore(%run_scoped3A : memref<!tpu.dma_semaphore, #tpu.memory_space<semaphore_mem>>) src(%dma_wait3A_173 : memref<80x128xf32, #tpu.memory_space<vmem_shared>>) dst(%dma_wait3A_171 : memref<80x128xf32, #tpu.memory_space<hbm>>)
        tpu.yield
      }) : () -> ()
    } else {
    }
    %add3A_138 = arith.constant 80 : i32
    %add3A_139 = arith.addi %arg1, %add3A_138 : i32
    %lt3A_140 = arith.constant 125 : i32
    %lt3A_141 = arith.cmpi slt, %add3A_139, %lt3A_140 : i32
    %convert_element_type3A_142 = arith.extui %lt3A_141 : i1 to i32
    %cond3A_143 = arith.constant 0 : i32
    %cond3A_144 = arith.cmpi ne, %convert_element_type3A_142, %cond3A_143 : i32
    scf.if %cond3A_144 {
      %mul3A_159 = arith.constant 80 : i32
      %mul3A_160 = arith.muli %add3A_139, %mul3A_159 : i32
      %mul3A_161 = arith.constant 10000 : i32
      %mul3A_162 = arith.muli %arg0, %mul3A_161 : i32
      %mul3A_163 = arith.constant 80 : i32
      %mul3A_164 = arith.muli %add3A_139, %mul3A_163 : i32
      %add3A_165 = arith.addi %mul3A_162, %mul3A_164 : i32
      "tpu.region"() ({
        %run_scoped3A = tpu.sem_alloc : memref<!tpu.dma_semaphore, #tpu.memory_space<semaphore_mem>>
        %dma_start3A_166 = arith.constant 0 : i32
        %dma_start3A_167 = tpu.memref_slice %arg4[%add3A_165, %dma_start3A_166] : memref<20000x128xf32, #tpu.memory_space<hbm>> -> memref<80x128xf32, #tpu.memory_space<hbm>>
        %dma_start3A_168 = arith.constant 0 : i32
        %dma_start3A_169 = tpu.memref_slice %arg5[%mul3A_160, %dma_start3A_168] : memref<10000x128xf32, #tpu.memory_space<vmem_shared>> -> memref<80x128xf32, #tpu.memory_space<vmem_shared>>
        tpu.enqueue_dma source(%dma_start3A_169 : memref<80x128xf32, #tpu.memory_space<vmem_shared>>) target(%dma_start3A_167 : memref<80x128xf32, #tpu.memory_space<hbm>>) target_semaphore(%run_scoped3A : memref<!tpu.dma_semaphore, #tpu.memory_space<semaphore_mem>>)
        %dma_wait3A_170 = arith.constant 0 : i32
        %dma_wait3A_171 = tpu.memref_slice %arg4[%add3A_165, %dma_wait3A_170] : memref<20000x128xf32, #tpu.memory_space<hbm>> -> memref<80x128xf32, #tpu.memory_space<hbm>>
        %dma_wait3A_172 = arith.constant 0 : i32
        %dma_wait3A_173 = tpu.memref_slice %arg5[%mul3A_160, %dma_wait3A_172] : memref<10000x128xf32, #tpu.memory_space<vmem_shared>> -> memref<80x128xf32, #tpu.memory_space<vmem_shared>>
        tpu.wait_dma2 semaphore(%run_scoped3A : memref<!tpu.dma_semaphore, #tpu.memory_space<semaphore_mem>>) src(%dma_wait3A_173 : memref<80x128xf32, #tpu.memory_space<vmem_shared>>) dst(%dma_wait3A_171 : memref<80x128xf32, #tpu.memory_space<hbm>>)
        tpu.yield
      }) : () -> ()
    } else {
    }
    %add3A_145 = arith.constant 96 : i32
    %add3A_146 = arith.addi %arg1, %add3A_145 : i32
    %lt3A_147 = arith.constant 125 : i32
    %lt3A_148 = arith.cmpi slt, %add3A_146, %lt3A_147 : i32
    %convert_element_type3A_149 = arith.extui %lt3A_148 : i1 to i32
    %cond3A_150 = arith.constant 0 : i32
    %cond3A_151 = arith.cmpi ne, %convert_element_type3A_149, %cond3A_150 : i32
    scf.if %cond3A_151 {
      %mul3A_159 = arith.constant 80 : i32
      %mul3A_160 = arith.muli %add3A_146, %mul3A_159 : i32
      %mul3A_161 = arith.constant 10000 : i32
      %mul3A_162 = arith.muli %arg0, %mul3A_161 : i32
      %mul3A_163 = arith.constant 80 : i32
      %mul3A_164 = arith.muli %add3A_146, %mul3A_163 : i32
      %add3A_165 = arith.addi %mul3A_162, %mul3A_164 : i32
      "tpu.region"() ({
        %run_scoped3A = tpu.sem_alloc : memref<!tpu.dma_semaphore, #tpu.memory_space<semaphore_mem>>
        %dma_start3A_166 = arith.constant 0 : i32
        %dma_start3A_167 = tpu.memref_slice %arg4[%add3A_165, %dma_start3A_166] : memref<20000x128xf32, #tpu.memory_space<hbm>> -> memref<80x128xf32, #tpu.memory_space<hbm>>
        %dma_start3A_168 = arith.constant 0 : i32
        %dma_start3A_169 = tpu.memref_slice %arg5[%mul3A_160, %dma_start3A_168] : memref<10000x128xf32, #tpu.memory_space<vmem_shared>> -> memref<80x128xf32, #tpu.memory_space<vmem_shared>>
        tpu.enqueue_dma source(%dma_start3A_169 : memref<80x128xf32, #tpu.memory_space<vmem_shared>>) target(%dma_start3A_167 : memref<80x128xf32, #tpu.memory_space<hbm>>) target_semaphore(%run_scoped3A : memref<!tpu.dma_semaphore, #tpu.memory_space<semaphore_mem>>)
        %dma_wait3A_170 = arith.constant 0 : i32
        %dma_wait3A_171 = tpu.memref_slice %arg4[%add3A_165, %dma_wait3A_170] : memref<20000x128xf32, #tpu.memory_space<hbm>> -> memref<80x128xf32, #tpu.memory_space<hbm>>
        %dma_wait3A_172 = arith.constant 0 : i32
        %dma_wait3A_173 = tpu.memref_slice %arg5[%mul3A_160, %dma_wait3A_172] : memref<10000x128xf32, #tpu.memory_space<vmem_shared>> -> memref<80x128xf32, #tpu.memory_space<vmem_shared>>
        tpu.wait_dma2 semaphore(%run_scoped3A : memref<!tpu.dma_semaphore, #tpu.memory_space<semaphore_mem>>) src(%dma_wait3A_173 : memref<80x128xf32, #tpu.memory_space<vmem_shared>>) dst(%dma_wait3A_171 : memref<80x128xf32, #tpu.memory_space<hbm>>)
        tpu.yield
      }) : () -> ()
    } else {
    }
    %add3A_152 = arith.constant 112 : i32
    %add3A_153 = arith.addi %arg1, %add3A_152 : i32
    %lt3A_154 = arith.constant 125 : i32
    %lt3A_155 = arith.cmpi slt, %add3A_153, %lt3A_154 : i32
    %convert_element_type3A_156 = arith.extui %lt3A_155 : i1 to i32
    %cond3A_157 = arith.constant 0 : i32
    %cond3A_158 = arith.cmpi ne, %convert_element_type3A_156, %cond3A_157 : i32
    scf.if %cond3A_158 {
      %mul3A_159 = arith.constant 80 : i32
      %mul3A_160 = arith.muli %add3A_153, %mul3A_159 : i32
      %mul3A_161 = arith.constant 10000 : i32
      %mul3A_162 = arith.muli %arg0, %mul3A_161 : i32
      %mul3A_163 = arith.constant 80 : i32
      %mul3A_164 = arith.muli %add3A_153, %mul3A_163 : i32
      %add3A_165 = arith.addi %mul3A_162, %mul3A_164 : i32
      "tpu.region"() ({
        %run_scoped3A = tpu.sem_alloc : memref<!tpu.dma_semaphore, #tpu.memory_space<semaphore_mem>>
        %dma_start3A_166 = arith.constant 0 : i32
        %dma_start3A_167 = tpu.memref_slice %arg4[%add3A_165, %dma_start3A_166] : memref<20000x128xf32, #tpu.memory_space<hbm>> -> memref<80x128xf32, #tpu.memory_space<hbm>>
        %dma_start3A_168 = arith.constant 0 : i32
        %dma_start3A_169 = tpu.memref_slice %arg5[%mul3A_160, %dma_start3A_168] : memref<10000x128xf32, #tpu.memory_space<vmem_shared>> -> memref<80x128xf32, #tpu.memory_space<vmem_shared>>
        tpu.enqueue_dma source(%dma_start3A_169 : memref<80x128xf32, #tpu.memory_space<vmem_shared>>) target(%dma_start3A_167 : memref<80x128xf32, #tpu.memory_space<hbm>>) target_semaphore(%run_scoped3A : memref<!tpu.dma_semaphore, #tpu.memory_space<semaphore_mem>>)
        %dma_wait3A_170 = arith.constant 0 : i32
        %dma_wait3A_171 = tpu.memref_slice %arg4[%add3A_165, %dma_wait3A_170] : memref<20000x128xf32, #tpu.memory_space<hbm>> -> memref<80x128xf32, #tpu.memory_space<hbm>>
        %dma_wait3A_172 = arith.constant 0 : i32
        %dma_wait3A_173 = tpu.memref_slice %arg5[%mul3A_160, %dma_wait3A_172] : memref<10000x128xf32, #tpu.memory_space<vmem_shared>> -> memref<80x128xf32, #tpu.memory_space<vmem_shared>>
        tpu.wait_dma2 semaphore(%run_scoped3A : memref<!tpu.dma_semaphore, #tpu.memory_space<semaphore_mem>>) src(%dma_wait3A_173 : memref<80x128xf32, #tpu.memory_space<vmem_shared>>) dst(%dma_wait3A_171 : memref<80x128xf32, #tpu.memory_space<hbm>>)
        tpu.yield
      }) : () -> ()
    } else {
    }
    return
  }
}

#map = affine_map<(d0, d1) -> (0, 0)>
#map1 = affine_map<(d0, d1) -> (0, 0, 0)>
module attributes {stable_mosaic.version = 14 : i64} {
  func.func @_sc_agg(%arg0: i32, %arg1: i32, %arg2: memref<10000x128xf32, #tpu.memory_space<hbm>>, %arg3: memref<2500x2x128xi32, #tpu.memory_space<hbm>>, %arg4: memref<20000x128xf32, #tpu.memory_space<hbm>>, %arg5: memref<10000x128xf32, #tpu.memory_space<vmem_shared>>, %arg6: memref<2x128xi32, #tpu.memory_space<vmem>>, %arg7: memref<2x128xi32, #tpu.memory_space<vmem>>, %arg8: memref<2x128xi32, #tpu.memory_space<vmem>>, %arg9: memref<128x128xf32, #tpu.memory_space<vmem>>, %arg10: memref<128x128xf32, #tpu.memory_space<vmem>>, %arg11: memref<128x128xf32, #tpu.memory_space<vmem>>, %arg12: memref<!tpu.dma_semaphore, #tpu.memory_space<semaphore_mem>>, %arg13: memref<!tpu.dma_semaphore, #tpu.memory_space<semaphore_mem>>, %arg14: memref<!tpu.dma_semaphore, #tpu.memory_space<semaphore_mem>>, %arg15: memref<!tpu.dma_semaphore, #tpu.memory_space<semaphore_mem>>, %arg16: memref<!tpu.dma_semaphore, #tpu.memory_space<semaphore_mem>>, %arg17: memref<!tpu.dma_semaphore, #tpu.memory_space<semaphore_mem>>) attributes {dimension_semantics = [#tpu.dimension_semantics<core_parallel>, #tpu.dimension_semantics<subcore_parallel>], iteration_bounds = array<i64: 2, 16>, scalar_prefetch = 0 : i64, scratch_operands = 13 : i64, tpu.core_type = #tpu.core_type<sc_vector_subcore>, window_params = [{transform_indices = #map}, {transform_indices = #map1}, {transform_indices = #map}]} {
    %mul3A = arith.constant 2 : i32
    %mul3A_0 = arith.muli %arg1, %mul3A : i32
    %add3A = arith.addi %mul3A_0, %arg0 : i32
    %scan3A = arith.constant 0 : i32
    %scan3A_1 = arith.constant 0 : i32
    %scan3A_2 = arith.constant 80 : i32
    %scan3A_3 = arith.addi %scan3A_1, %scan3A_2 : i32
    %scan3A_4 = arith.constant 1 : i32
    %scan3A_5 = scf.for %scan3A_159 = %scan3A_1 to %scan3A_3 step %scan3A_4 iter_args(%scan3A_160 = %scan3A) -> (i32)  : i32 {
      %broadcast_in_dim3A = arith.constant 0.000000e+00 : f32
      %broadcast_in_dim3A_161 = vector.broadcast %broadcast_in_dim3A : f32 to vector<16xf32>
      %swap3A = arith.index_cast %scan3A_159 : i32 to index
      %swap3A_162 = arith.constant 0 : index
      %swap3A_163 = tpu.vector_load %arg9[%swap3A, %swap3A_162] {strides = array<i32>} : memref<128x128xf32, #tpu.memory_space<vmem>>, vector<1x16xf32>,
      %swap3A_164 = vector.shape_cast %swap3A_163 : vector<1x16xf32> to vector<16xf32>
      %swap3A_165 = vector.shape_cast %broadcast_in_dim3A_161 : vector<16xf32> to vector<1x16xf32>
      tpu.vector_store %arg9[%swap3A, %swap3A_162], %swap3A_165 {strides = array<i32>} : memref<128x128xf32, #tpu.memory_space<vmem>>, vector<1x16xf32>,
      %broadcast_in_dim3A_166 = arith.constant 0.000000e+00 : f32
      %broadcast_in_dim3A_167 = vector.broadcast %broadcast_in_dim3A_166 : f32 to vector<16xf32>
      %swap3A_168 = arith.index_cast %scan3A_159 : i32 to index
      %swap3A_169 = arith.constant 16 : index
      %swap3A_170 = tpu.vector_load %arg9[%swap3A_168, %swap3A_169] {strides = array<i32>} : memref<128x128xf32, #tpu.memory_space<vmem>>, vector<1x16xf32>,
      %swap3A_171 = vector.shape_cast %swap3A_170 : vector<1x16xf32> to vector<16xf32>
      %swap3A_172 = vector.shape_cast %broadcast_in_dim3A_167 : vector<16xf32> to vector<1x16xf32>
      tpu.vector_store %arg9[%swap3A_168, %swap3A_169], %swap3A_172 {strides = array<i32>} : memref<128x128xf32, #tpu.memory_space<vmem>>, vector<1x16xf32>,
      %broadcast_in_dim3A_173 = arith.constant 0.000000e+00 : f32
      %broadcast_in_dim3A_174 = vector.broadcast %broadcast_in_dim3A_173 : f32 to vector<16xf32>
      %swap3A_175 = arith.index_cast %scan3A_159 : i32 to index
      %swap3A_176 = arith.constant 32 : index
      %swap3A_177 = tpu.vector_load %arg9[%swap3A_175, %swap3A_176] {strides = array<i32>} : memref<128x128xf32, #tpu.memory_space<vmem>>, vector<1x16xf32>,
      %swap3A_178 = vector.shape_cast %swap3A_177 : vector<1x16xf32> to vector<16xf32>
      %swap3A_179 = vector.shape_cast %broadcast_in_dim3A_174 : vector<16xf32> to vector<1x16xf32>
      tpu.vector_store %arg9[%swap3A_175, %swap3A_176], %swap3A_179 {strides = array<i32>} : memref<128x128xf32, #tpu.memory_space<vmem>>, vector<1x16xf32>,
      %broadcast_in_dim3A_180 = arith.constant 0.000000e+00 : f32
      %broadcast_in_dim3A_181 = vector.broadcast %broadcast_in_dim3A_180 : f32 to vector<16xf32>
      %swap3A_182 = arith.index_cast %scan3A_159 : i32 to index
      %swap3A_183 = arith.constant 48 : index
      %swap3A_184 = tpu.vector_load %arg9[%swap3A_182, %swap3A_183] {strides = array<i32>} : memref<128x128xf32, #tpu.memory_space<vmem>>, vector<1x16xf32>,
      %swap3A_185 = vector.shape_cast %swap3A_184 : vector<1x16xf32> to vector<16xf32>
      %swap3A_186 = vector.shape_cast %broadcast_in_dim3A_181 : vector<16xf32> to vector<1x16xf32>
      tpu.vector_store %arg9[%swap3A_182, %swap3A_183], %swap3A_186 {strides = array<i32>} : memref<128x128xf32, #tpu.memory_space<vmem>>, vector<1x16xf32>,
      %broadcast_in_dim3A_187 = arith.constant 0.000000e+00 : f32
      %broadcast_in_dim3A_188 = vector.broadcast %broadcast_in_dim3A_187 : f32 to vector<16xf32>
      %swap3A_189 = arith.index_cast %scan3A_159 : i32 to index
      %swap3A_190 = arith.constant 64 : index
      %swap3A_191 = tpu.vector_load %arg9[%swap3A_189, %swap3A_190] {strides = array<i32>} : memref<128x128xf32, #tpu.memory_space<vmem>>, vector<1x16xf32>,
      %swap3A_192 = vector.shape_cast %swap3A_191 : vector<1x16xf32> to vector<16xf32>
      %swap3A_193 = vector.shape_cast %broadcast_in_dim3A_188 : vector<16xf32> to vector<1x16xf32>
      tpu.vector_store %arg9[%swap3A_189, %swap3A_190], %swap3A_193 {strides = array<i32>} : memref<128x128xf32, #tpu.memory_space<vmem>>, vector<1x16xf32>,
      %broadcast_in_dim3A_194 = arith.constant 0.000000e+00 : f32
      %broadcast_in_dim3A_195 = vector.broadcast %broadcast_in_dim3A_194 : f32 to vector<16xf32>
      %swap3A_196 = arith.index_cast %scan3A_159 : i32 to index
      %swap3A_197 = arith.constant 80 : index
      %swap3A_198 = tpu.vector_load %arg9[%swap3A_196, %swap3A_197] {strides = array<i32>} : memref<128x128xf32, #tpu.memory_space<vmem>>, vector<1x16xf32>,
      %swap3A_199 = vector.shape_cast %swap3A_198 : vector<1x16xf32> to vector<16xf32>
      %swap3A_200 = vector.shape_cast %broadcast_in_dim3A_195 : vector<16xf32> to vector<1x16xf32>
      tpu.vector_store %arg9[%swap3A_196, %swap3A_197], %swap3A_200 {strides = array<i32>} : memref<128x128xf32, #tpu.memory_space<vmem>>, vector<1x16xf32>,
      %broadcast_in_dim3A_201 = arith.constant 0.000000e+00 : f32
      %broadcast_in_dim3A_202 = vector.broadcast %broadcast_in_dim3A_201 : f32 to vector<16xf32>
      %swap3A_203 = arith.index_cast %scan3A_159 : i32 to index
      %swap3A_204 = arith.constant 96 : index
      %swap3A_205 = tpu.vector_load %arg9[%swap3A_203, %swap3A_204] {strides = array<i32>} : memref<128x128xf32, #tpu.memory_space<vmem>>, vector<1x16xf32>,
      %swap3A_206 = vector.shape_cast %swap3A_205 : vector<1x16xf32> to vector<16xf32>
      %swap3A_207 = vector.shape_cast %broadcast_in_dim3A_202 : vector<16xf32> to vector<1x16xf32>
      tpu.vector_store %arg9[%swap3A_203, %swap3A_204], %swap3A_207 {strides = array<i32>} : memref<128x128xf32, #tpu.memory_space<vmem>>, vector<1x16xf32>,
      %broadcast_in_dim3A_208 = arith.constant 0.000000e+00 : f32
      %broadcast_in_dim3A_209 = vector.broadcast %broadcast_in_dim3A_208 : f32 to vector<16xf32>
      %swap3A_210 = arith.index_cast %scan3A_159 : i32 to index
      %swap3A_211 = arith.constant 112 : index
      %swap3A_212 = tpu.vector_load %arg9[%swap3A_210, %swap3A_211] {strides = array<i32>} : memref<128x128xf32, #tpu.memory_space<vmem>>, vector<1x16xf32>,
      %swap3A_213 = vector.shape_cast %swap3A_212 : vector<1x16xf32> to vector<16xf32>
      %swap3A_214 = vector.shape_cast %broadcast_in_dim3A_209 : vector<16xf32> to vector<1x16xf32>
      tpu.vector_store %arg9[%swap3A_210, %swap3A_211], %swap3A_214 {strides = array<i32>} : memref<128x128xf32, #tpu.memory_space<vmem>>, vector<1x16xf32>,
      %scan3A_215 = arith.constant 0 : i32
      scf.yield %scan3A_215 : i32
    }
    %scan3A_6 = arith.constant 80 : i32
    %add3A_7 = arith.constant 0 : i32
    %add3A_8 = arith.addi %arg1, %add3A_7 : i32
    %lt3A = arith.constant 125 : i32
    %lt3A_9 = arith.cmpi slt, %add3A_8, %lt3A : i32
    %convert_element_type3A = arith.extui %lt3A_9 : i1 to i32
    %cond3A = arith.constant 0 : i32
    %cond3A_10 = arith.cmpi ne, %convert_element_type3A, %cond3A : i32
    scf.if %cond3A_10 {
      %mul3A_159 = arith.constant 80 : i32
      %mul3A_160 = arith.muli %add3A_8, %mul3A_159 : i32
      "tpu.region"() ({
        %run_scoped3A = tpu.sem_alloc : memref<!tpu.dma_semaphore, #tpu.memory_space<semaphore_mem>>
        %dma_start3A_161 = arith.constant 0 : i32
        %dma_start3A_162 = arith.constant 0 : i32
        %dma_start3A_163 = tpu.memref_slice %arg9[%dma_start3A_161, %dma_start3A_162] : memref<128x128xf32, #tpu.memory_space<vmem>> -> memref<80x128xf32, #tpu.memory_space<vmem>>
        %dma_start3A_164 = arith.constant 0 : i32
        %dma_start3A_165 = tpu.memref_slice %arg5[%mul3A_160, %dma_start3A_164] : memref<10000x128xf32, #tpu.memory_space<vmem_shared>> -> memref<80x128xf32, #tpu.memory_space<vmem_shared>>
        %dma_start3A_166 = arith.constant 0 : i32
        %dma_start3A_167 = tpu.memref_slice %arg5[%mul3A_160, %dma_start3A_166] : memref<10000x128xf32, #tpu.memory_space<vmem_shared>> -> memref<80x128xf32, #tpu.memory_space<vmem_shared>>
        %dma_start3A_168 = arith.constant 0 : i32
        %dma_start3A_169 = arith.constant 0 : i32
        %dma_start3A_170 = tpu.memref_slice %arg9[%dma_start3A_168, %dma_start3A_169] : memref<128x128xf32, #tpu.memory_space<vmem>> -> memref<80x128xf32, #tpu.memory_space<vmem>>
        tpu.enqueue_dma source(%dma_start3A_170 : memref<80x128xf32, #tpu.memory_space<vmem>>) target(%dma_start3A_167 : memref<80x128xf32, #tpu.memory_space<vmem_shared>>) target_semaphore(%run_scoped3A : memref<!tpu.dma_semaphore, #tpu.memory_space<semaphore_mem>>)
        %dma_wait3A_171 = arith.constant 0 : i32
        %dma_wait3A_172 = arith.constant 0 : i32
        %dma_wait3A_173 = tpu.memref_slice %arg9[%dma_wait3A_171, %dma_wait3A_172] : memref<128x128xf32, #tpu.memory_space<vmem>> -> memref<80x128xf32, #tpu.memory_space<vmem>>
        %dma_wait3A_174 = arith.constant 0 : i32
        %dma_wait3A_175 = tpu.memref_slice %arg5[%mul3A_160, %dma_wait3A_174] : memref<10000x128xf32, #tpu.memory_space<vmem_shared>> -> memref<80x128xf32, #tpu.memory_space<vmem_shared>>
        %dma_wait3A_176 = arith.constant 0 : i32
        %dma_wait3A_177 = tpu.memref_slice %arg5[%mul3A_160, %dma_wait3A_176] : memref<10000x128xf32, #tpu.memory_space<vmem_shared>> -> memref<80x128xf32, #tpu.memory_space<vmem_shared>>
        %dma_wait3A_178 = arith.constant 0 : i32
        %dma_wait3A_179 = arith.constant 0 : i32
        %dma_wait3A_180 = tpu.memref_slice %arg9[%dma_wait3A_178, %dma_wait3A_179] : memref<128x128xf32, #tpu.memory_space<vmem>> -> memref<80x128xf32, #tpu.memory_space<vmem>>
        tpu.wait_dma2 semaphore(%run_scoped3A : memref<!tpu.dma_semaphore, #tpu.memory_space<semaphore_mem>>) src(%dma_wait3A_180 : memref<80x128xf32, #tpu.memory_space<vmem>>) dst(%dma_wait3A_177 : memref<80x128xf32, #tpu.memory_space<vmem_shared>>)
        tpu.yield
      }) : () -> ()
    } else {
    }
    %add3A_11 = arith.constant 16 : i32
    %add3A_12 = arith.addi %arg1, %add3A_11 : i32
    %lt3A_13 = arith.constant 125 : i32
    %lt3A_14 = arith.cmpi slt, %add3A_12, %lt3A_13 : i32
    %convert_element_type3A_15 = arith.extui %lt3A_14 : i1 to i32
    %cond3A_16 = arith.constant 0 : i32
    %cond3A_17 = arith.cmpi ne, %convert_element_type3A_15, %cond3A_16 : i32
    scf.if %cond3A_17 {
      %mul3A_159 = arith.constant 80 : i32
      %mul3A_160 = arith.muli %add3A_12, %mul3A_159 : i32
      "tpu.region"() ({
        %run_scoped3A = tpu.sem_alloc : memref<!tpu.dma_semaphore, #tpu.memory_space<semaphore_mem>>
        %dma_start3A_161 = arith.constant 0 : i32
        %dma_start3A_162 = arith.constant 0 : i32
        %dma_start3A_163 = tpu.memref_slice %arg9[%dma_start3A_161, %dma_start3A_162] : memref<128x128xf32, #tpu.memory_space<vmem>> -> memref<80x128xf32, #tpu.memory_space<vmem>>
        %dma_start3A_164 = arith.constant 0 : i32
        %dma_start3A_165 = tpu.memref_slice %arg5[%mul3A_160, %dma_start3A_164] : memref<10000x128xf32, #tpu.memory_space<vmem_shared>> -> memref<80x128xf32, #tpu.memory_space<vmem_shared>>
        %dma_start3A_166 = arith.constant 0 : i32
        %dma_start3A_167 = tpu.memref_slice %arg5[%mul3A_160, %dma_start3A_166] : memref<10000x128xf32, #tpu.memory_space<vmem_shared>> -> memref<80x128xf32, #tpu.memory_space<vmem_shared>>
        %dma_start3A_168 = arith.constant 0 : i32
        %dma_start3A_169 = arith.constant 0 : i32
        %dma_start3A_170 = tpu.memref_slice %arg9[%dma_start3A_168, %dma_start3A_169] : memref<128x128xf32, #tpu.memory_space<vmem>> -> memref<80x128xf32, #tpu.memory_space<vmem>>
        tpu.enqueue_dma source(%dma_start3A_170 : memref<80x128xf32, #tpu.memory_space<vmem>>) target(%dma_start3A_167 : memref<80x128xf32, #tpu.memory_space<vmem_shared>>) target_semaphore(%run_scoped3A : memref<!tpu.dma_semaphore, #tpu.memory_space<semaphore_mem>>)
        %dma_wait3A_171 = arith.constant 0 : i32
        %dma_wait3A_172 = arith.constant 0 : i32
        %dma_wait3A_173 = tpu.memref_slice %arg9[%dma_wait3A_171, %dma_wait3A_172] : memref<128x128xf32, #tpu.memory_space<vmem>> -> memref<80x128xf32, #tpu.memory_space<vmem>>
        %dma_wait3A_174 = arith.constant 0 : i32
        %dma_wait3A_175 = tpu.memref_slice %arg5[%mul3A_160, %dma_wait3A_174] : memref<10000x128xf32, #tpu.memory_space<vmem_shared>> -> memref<80x128xf32, #tpu.memory_space<vmem_shared>>
        %dma_wait3A_176 = arith.constant 0 : i32
        %dma_wait3A_177 = tpu.memref_slice %arg5[%mul3A_160, %dma_wait3A_176] : memref<10000x128xf32, #tpu.memory_space<vmem_shared>> -> memref<80x128xf32, #tpu.memory_space<vmem_shared>>
        %dma_wait3A_178 = arith.constant 0 : i32
        %dma_wait3A_179 = arith.constant 0 : i32
        %dma_wait3A_180 = tpu.memref_slice %arg9[%dma_wait3A_178, %dma_wait3A_179] : memref<128x128xf32, #tpu.memory_space<vmem>> -> memref<80x128xf32, #tpu.memory_space<vmem>>
        tpu.wait_dma2 semaphore(%run_scoped3A : memref<!tpu.dma_semaphore, #tpu.memory_space<semaphore_mem>>) src(%dma_wait3A_180 : memref<80x128xf32, #tpu.memory_space<vmem>>) dst(%dma_wait3A_177 : memref<80x128xf32, #tpu.memory_space<vmem_shared>>)
        tpu.yield
      }) : () -> ()
    } else {
    }
    %add3A_18 = arith.constant 32 : i32
    %add3A_19 = arith.addi %arg1, %add3A_18 : i32
    %lt3A_20 = arith.constant 125 : i32
    %lt3A_21 = arith.cmpi slt, %add3A_19, %lt3A_20 : i32
    %convert_element_type3A_22 = arith.extui %lt3A_21 : i1 to i32
    %cond3A_23 = arith.constant 0 : i32
    %cond3A_24 = arith.cmpi ne, %convert_element_type3A_22, %cond3A_23 : i32
    scf.if %cond3A_24 {
      %mul3A_159 = arith.constant 80 : i32
      %mul3A_160 = arith.muli %add3A_19, %mul3A_159 : i32
      "tpu.region"() ({
        %run_scoped3A = tpu.sem_alloc : memref<!tpu.dma_semaphore, #tpu.memory_space<semaphore_mem>>
        %dma_start3A_161 = arith.constant 0 : i32
        %dma_start3A_162 = arith.constant 0 : i32
        %dma_start3A_163 = tpu.memref_slice %arg9[%dma_start3A_161, %dma_start3A_162] : memref<128x128xf32, #tpu.memory_space<vmem>> -> memref<80x128xf32, #tpu.memory_space<vmem>>
        %dma_start3A_164 = arith.constant 0 : i32
        %dma_start3A_165 = tpu.memref_slice %arg5[%mul3A_160, %dma_start3A_164] : memref<10000x128xf32, #tpu.memory_space<vmem_shared>> -> memref<80x128xf32, #tpu.memory_space<vmem_shared>>
        %dma_start3A_166 = arith.constant 0 : i32
        %dma_start3A_167 = tpu.memref_slice %arg5[%mul3A_160, %dma_start3A_166] : memref<10000x128xf32, #tpu.memory_space<vmem_shared>> -> memref<80x128xf32, #tpu.memory_space<vmem_shared>>
        %dma_start3A_168 = arith.constant 0 : i32
        %dma_start3A_169 = arith.constant 0 : i32
        %dma_start3A_170 = tpu.memref_slice %arg9[%dma_start3A_168, %dma_start3A_169] : memref<128x128xf32, #tpu.memory_space<vmem>> -> memref<80x128xf32, #tpu.memory_space<vmem>>
        tpu.enqueue_dma source(%dma_start3A_170 : memref<80x128xf32, #tpu.memory_space<vmem>>) target(%dma_start3A_167 : memref<80x128xf32, #tpu.memory_space<vmem_shared>>) target_semaphore(%run_scoped3A : memref<!tpu.dma_semaphore, #tpu.memory_space<semaphore_mem>>)
        %dma_wait3A_171 = arith.constant 0 : i32
        %dma_wait3A_172 = arith.constant 0 : i32
        %dma_wait3A_173 = tpu.memref_slice %arg9[%dma_wait3A_171, %dma_wait3A_172] : memref<128x128xf32, #tpu.memory_space<vmem>> -> memref<80x128xf32, #tpu.memory_space<vmem>>
        %dma_wait3A_174 = arith.constant 0 : i32
        %dma_wait3A_175 = tpu.memref_slice %arg5[%mul3A_160, %dma_wait3A_174] : memref<10000x128xf32, #tpu.memory_space<vmem_shared>> -> memref<80x128xf32, #tpu.memory_space<vmem_shared>>
        %dma_wait3A_176 = arith.constant 0 : i32
        %dma_wait3A_177 = tpu.memref_slice %arg5[%mul3A_160, %dma_wait3A_176] : memref<10000x128xf32, #tpu.memory_space<vmem_shared>> -> memref<80x128xf32, #tpu.memory_space<vmem_shared>>
        %dma_wait3A_178 = arith.constant 0 : i32
        %dma_wait3A_179 = arith.constant 0 : i32
        %dma_wait3A_180 = tpu.memref_slice %arg9[%dma_wait3A_178, %dma_wait3A_179] : memref<128x128xf32, #tpu.memory_space<vmem>> -> memref<80x128xf32, #tpu.memory_space<vmem>>
        tpu.wait_dma2 semaphore(%run_scoped3A : memref<!tpu.dma_semaphore, #tpu.memory_space<semaphore_mem>>) src(%dma_wait3A_180 : memref<80x128xf32, #tpu.memory_space<vmem>>) dst(%dma_wait3A_177 : memref<80x128xf32, #tpu.memory_space<vmem_shared>>)
        tpu.yield
      }) : () -> ()
    } else {
    }
    %add3A_25 = arith.constant 48 : i32
    %add3A_26 = arith.addi %arg1, %add3A_25 : i32
    %lt3A_27 = arith.constant 125 : i32
    %lt3A_28 = arith.cmpi slt, %add3A_26, %lt3A_27 : i32
    %convert_element_type3A_29 = arith.extui %lt3A_28 : i1 to i32
    %cond3A_30 = arith.constant 0 : i32
    %cond3A_31 = arith.cmpi ne, %convert_element_type3A_29, %cond3A_30 : i32
    scf.if %cond3A_31 {
      %mul3A_159 = arith.constant 80 : i32
      %mul3A_160 = arith.muli %add3A_26, %mul3A_159 : i32
      "tpu.region"() ({
        %run_scoped3A = tpu.sem_alloc : memref<!tpu.dma_semaphore, #tpu.memory_space<semaphore_mem>>
        %dma_start3A_161 = arith.constant 0 : i32
        %dma_start3A_162 = arith.constant 0 : i32
        %dma_start3A_163 = tpu.memref_slice %arg9[%dma_start3A_161, %dma_start3A_162] : memref<128x128xf32, #tpu.memory_space<vmem>> -> memref<80x128xf32, #tpu.memory_space<vmem>>
        %dma_start3A_164 = arith.constant 0 : i32
        %dma_start3A_165 = tpu.memref_slice %arg5[%mul3A_160, %dma_start3A_164] : memref<10000x128xf32, #tpu.memory_space<vmem_shared>> -> memref<80x128xf32, #tpu.memory_space<vmem_shared>>
        %dma_start3A_166 = arith.constant 0 : i32
        %dma_start3A_167 = tpu.memref_slice %arg5[%mul3A_160, %dma_start3A_166] : memref<10000x128xf32, #tpu.memory_space<vmem_shared>> -> memref<80x128xf32, #tpu.memory_space<vmem_shared>>
        %dma_start3A_168 = arith.constant 0 : i32
        %dma_start3A_169 = arith.constant 0 : i32
        %dma_start3A_170 = tpu.memref_slice %arg9[%dma_start3A_168, %dma_start3A_169] : memref<128x128xf32, #tpu.memory_space<vmem>> -> memref<80x128xf32, #tpu.memory_space<vmem>>
        tpu.enqueue_dma source(%dma_start3A_170 : memref<80x128xf32, #tpu.memory_space<vmem>>) target(%dma_start3A_167 : memref<80x128xf32, #tpu.memory_space<vmem_shared>>) target_semaphore(%run_scoped3A : memref<!tpu.dma_semaphore, #tpu.memory_space<semaphore_mem>>)
        %dma_wait3A_171 = arith.constant 0 : i32
        %dma_wait3A_172 = arith.constant 0 : i32
        %dma_wait3A_173 = tpu.memref_slice %arg9[%dma_wait3A_171, %dma_wait3A_172] : memref<128x128xf32, #tpu.memory_space<vmem>> -> memref<80x128xf32, #tpu.memory_space<vmem>>
        %dma_wait3A_174 = arith.constant 0 : i32
        %dma_wait3A_175 = tpu.memref_slice %arg5[%mul3A_160, %dma_wait3A_174] : memref<10000x128xf32, #tpu.memory_space<vmem_shared>> -> memref<80x128xf32, #tpu.memory_space<vmem_shared>>
        %dma_wait3A_176 = arith.constant 0 : i32
        %dma_wait3A_177 = tpu.memref_slice %arg5[%mul3A_160, %dma_wait3A_176] : memref<10000x128xf32, #tpu.memory_space<vmem_shared>> -> memref<80x128xf32, #tpu.memory_space<vmem_shared>>
        %dma_wait3A_178 = arith.constant 0 : i32
        %dma_wait3A_179 = arith.constant 0 : i32
        %dma_wait3A_180 = tpu.memref_slice %arg9[%dma_wait3A_178, %dma_wait3A_179] : memref<128x128xf32, #tpu.memory_space<vmem>> -> memref<80x128xf32, #tpu.memory_space<vmem>>
        tpu.wait_dma2 semaphore(%run_scoped3A : memref<!tpu.dma_semaphore, #tpu.memory_space<semaphore_mem>>) src(%dma_wait3A_180 : memref<80x128xf32, #tpu.memory_space<vmem>>) dst(%dma_wait3A_177 : memref<80x128xf32, #tpu.memory_space<vmem_shared>>)
        tpu.yield
      }) : () -> ()
    } else {
    }
    %add3A_32 = arith.constant 64 : i32
    %add3A_33 = arith.addi %arg1, %add3A_32 : i32
    %lt3A_34 = arith.constant 125 : i32
    %lt3A_35 = arith.cmpi slt, %add3A_33, %lt3A_34 : i32
    %convert_element_type3A_36 = arith.extui %lt3A_35 : i1 to i32
    %cond3A_37 = arith.constant 0 : i32
    %cond3A_38 = arith.cmpi ne, %convert_element_type3A_36, %cond3A_37 : i32
    scf.if %cond3A_38 {
      %mul3A_159 = arith.constant 80 : i32
      %mul3A_160 = arith.muli %add3A_33, %mul3A_159 : i32
      "tpu.region"() ({
        %run_scoped3A = tpu.sem_alloc : memref<!tpu.dma_semaphore, #tpu.memory_space<semaphore_mem>>
        %dma_start3A_161 = arith.constant 0 : i32
        %dma_start3A_162 = arith.constant 0 : i32
        %dma_start3A_163 = tpu.memref_slice %arg9[%dma_start3A_161, %dma_start3A_162] : memref<128x128xf32, #tpu.memory_space<vmem>> -> memref<80x128xf32, #tpu.memory_space<vmem>>
        %dma_start3A_164 = arith.constant 0 : i32
        %dma_start3A_165 = tpu.memref_slice %arg5[%mul3A_160, %dma_start3A_164] : memref<10000x128xf32, #tpu.memory_space<vmem_shared>> -> memref<80x128xf32, #tpu.memory_space<vmem_shared>>
        %dma_start3A_166 = arith.constant 0 : i32
        %dma_start3A_167 = tpu.memref_slice %arg5[%mul3A_160, %dma_start3A_166] : memref<10000x128xf32, #tpu.memory_space<vmem_shared>> -> memref<80x128xf32, #tpu.memory_space<vmem_shared>>
        %dma_start3A_168 = arith.constant 0 : i32
        %dma_start3A_169 = arith.constant 0 : i32
        %dma_start3A_170 = tpu.memref_slice %arg9[%dma_start3A_168, %dma_start3A_169] : memref<128x128xf32, #tpu.memory_space<vmem>> -> memref<80x128xf32, #tpu.memory_space<vmem>>
        tpu.enqueue_dma source(%dma_start3A_170 : memref<80x128xf32, #tpu.memory_space<vmem>>) target(%dma_start3A_167 : memref<80x128xf32, #tpu.memory_space<vmem_shared>>) target_semaphore(%run_scoped3A : memref<!tpu.dma_semaphore, #tpu.memory_space<semaphore_mem>>)
        %dma_wait3A_171 = arith.constant 0 : i32
        %dma_wait3A_172 = arith.constant 0 : i32
        %dma_wait3A_173 = tpu.memref_slice %arg9[%dma_wait3A_171, %dma_wait3A_172] : memref<128x128xf32, #tpu.memory_space<vmem>> -> memref<80x128xf32, #tpu.memory_space<vmem>>
        %dma_wait3A_174 = arith.constant 0 : i32
        %dma_wait3A_175 = tpu.memref_slice %arg5[%mul3A_160, %dma_wait3A_174] : memref<10000x128xf32, #tpu.memory_space<vmem_shared>> -> memref<80x128xf32, #tpu.memory_space<vmem_shared>>
        %dma_wait3A_176 = arith.constant 0 : i32
        %dma_wait3A_177 = tpu.memref_slice %arg5[%mul3A_160, %dma_wait3A_176] : memref<10000x128xf32, #tpu.memory_space<vmem_shared>> -> memref<80x128xf32, #tpu.memory_space<vmem_shared>>
        %dma_wait3A_178 = arith.constant 0 : i32
        %dma_wait3A_179 = arith.constant 0 : i32
        %dma_wait3A_180 = tpu.memref_slice %arg9[%dma_wait3A_178, %dma_wait3A_179] : memref<128x128xf32, #tpu.memory_space<vmem>> -> memref<80x128xf32, #tpu.memory_space<vmem>>
        tpu.wait_dma2 semaphore(%run_scoped3A : memref<!tpu.dma_semaphore, #tpu.memory_space<semaphore_mem>>) src(%dma_wait3A_180 : memref<80x128xf32, #tpu.memory_space<vmem>>) dst(%dma_wait3A_177 : memref<80x128xf32, #tpu.memory_space<vmem_shared>>)
        tpu.yield
      }) : () -> ()
    } else {
    }
    %add3A_39 = arith.constant 80 : i32
    %add3A_40 = arith.addi %arg1, %add3A_39 : i32
    %lt3A_41 = arith.constant 125 : i32
    %lt3A_42 = arith.cmpi slt, %add3A_40, %lt3A_41 : i32
    %convert_element_type3A_43 = arith.extui %lt3A_42 : i1 to i32
    %cond3A_44 = arith.constant 0 : i32
    %cond3A_45 = arith.cmpi ne, %convert_element_type3A_43, %cond3A_44 : i32
    scf.if %cond3A_45 {
      %mul3A_159 = arith.constant 80 : i32
      %mul3A_160 = arith.muli %add3A_40, %mul3A_159 : i32
      "tpu.region"() ({
        %run_scoped3A = tpu.sem_alloc : memref<!tpu.dma_semaphore, #tpu.memory_space<semaphore_mem>>
        %dma_start3A_161 = arith.constant 0 : i32
        %dma_start3A_162 = arith.constant 0 : i32
        %dma_start3A_163 = tpu.memref_slice %arg9[%dma_start3A_161, %dma_start3A_162] : memref<128x128xf32, #tpu.memory_space<vmem>> -> memref<80x128xf32, #tpu.memory_space<vmem>>
        %dma_start3A_164 = arith.constant 0 : i32
        %dma_start3A_165 = tpu.memref_slice %arg5[%mul3A_160, %dma_start3A_164] : memref<10000x128xf32, #tpu.memory_space<vmem_shared>> -> memref<80x128xf32, #tpu.memory_space<vmem_shared>>
        %dma_start3A_166 = arith.constant 0 : i32
        %dma_start3A_167 = tpu.memref_slice %arg5[%mul3A_160, %dma_start3A_166] : memref<10000x128xf32, #tpu.memory_space<vmem_shared>> -> memref<80x128xf32, #tpu.memory_space<vmem_shared>>
        %dma_start3A_168 = arith.constant 0 : i32
        %dma_start3A_169 = arith.constant 0 : i32
        %dma_start3A_170 = tpu.memref_slice %arg9[%dma_start3A_168, %dma_start3A_169] : memref<128x128xf32, #tpu.memory_space<vmem>> -> memref<80x128xf32, #tpu.memory_space<vmem>>
        tpu.enqueue_dma source(%dma_start3A_170 : memref<80x128xf32, #tpu.memory_space<vmem>>) target(%dma_start3A_167 : memref<80x128xf32, #tpu.memory_space<vmem_shared>>) target_semaphore(%run_scoped3A : memref<!tpu.dma_semaphore, #tpu.memory_space<semaphore_mem>>)
        %dma_wait3A_171 = arith.constant 0 : i32
        %dma_wait3A_172 = arith.constant 0 : i32
        %dma_wait3A_173 = tpu.memref_slice %arg9[%dma_wait3A_171, %dma_wait3A_172] : memref<128x128xf32, #tpu.memory_space<vmem>> -> memref<80x128xf32, #tpu.memory_space<vmem>>
        %dma_wait3A_174 = arith.constant 0 : i32
        %dma_wait3A_175 = tpu.memref_slice %arg5[%mul3A_160, %dma_wait3A_174] : memref<10000x128xf32, #tpu.memory_space<vmem_shared>> -> memref<80x128xf32, #tpu.memory_space<vmem_shared>>
        %dma_wait3A_176 = arith.constant 0 : i32
        %dma_wait3A_177 = tpu.memref_slice %arg5[%mul3A_160, %dma_wait3A_176] : memref<10000x128xf32, #tpu.memory_space<vmem_shared>> -> memref<80x128xf32, #tpu.memory_space<vmem_shared>>
        %dma_wait3A_178 = arith.constant 0 : i32
        %dma_wait3A_179 = arith.constant 0 : i32
        %dma_wait3A_180 = tpu.memref_slice %arg9[%dma_wait3A_178, %dma_wait3A_179] : memref<128x128xf32, #tpu.memory_space<vmem>> -> memref<80x128xf32, #tpu.memory_space<vmem>>
        tpu.wait_dma2 semaphore(%run_scoped3A : memref<!tpu.dma_semaphore, #tpu.memory_space<semaphore_mem>>) src(%dma_wait3A_180 : memref<80x128xf32, #tpu.memory_space<vmem>>) dst(%dma_wait3A_177 : memref<80x128xf32, #tpu.memory_space<vmem_shared>>)
        tpu.yield
      }) : () -> ()
    } else {
    }
    %add3A_46 = arith.constant 96 : i32
    %add3A_47 = arith.addi %arg1, %add3A_46 : i32
    %lt3A_48 = arith.constant 125 : i32
    %lt3A_49 = arith.cmpi slt, %add3A_47, %lt3A_48 : i32
    %convert_element_type3A_50 = arith.extui %lt3A_49 : i1 to i32
    %cond3A_51 = arith.constant 0 : i32
    %cond3A_52 = arith.cmpi ne, %convert_element_type3A_50, %cond3A_51 : i32
    scf.if %cond3A_52 {
      %mul3A_159 = arith.constant 80 : i32
      %mul3A_160 = arith.muli %add3A_47, %mul3A_159 : i32
      "tpu.region"() ({
        %run_scoped3A = tpu.sem_alloc : memref<!tpu.dma_semaphore, #tpu.memory_space<semaphore_mem>>
        %dma_start3A_161 = arith.constant 0 : i32
        %dma_start3A_162 = arith.constant 0 : i32
        %dma_start3A_163 = tpu.memref_slice %arg9[%dma_start3A_161, %dma_start3A_162] : memref<128x128xf32, #tpu.memory_space<vmem>> -> memref<80x128xf32, #tpu.memory_space<vmem>>
        %dma_start3A_164 = arith.constant 0 : i32
        %dma_start3A_165 = tpu.memref_slice %arg5[%mul3A_160, %dma_start3A_164] : memref<10000x128xf32, #tpu.memory_space<vmem_shared>> -> memref<80x128xf32, #tpu.memory_space<vmem_shared>>
        %dma_start3A_166 = arith.constant 0 : i32
        %dma_start3A_167 = tpu.memref_slice %arg5[%mul3A_160, %dma_start3A_166] : memref<10000x128xf32, #tpu.memory_space<vmem_shared>> -> memref<80x128xf32, #tpu.memory_space<vmem_shared>>
        %dma_start3A_168 = arith.constant 0 : i32
        %dma_start3A_169 = arith.constant 0 : i32
        %dma_start3A_170 = tpu.memref_slice %arg9[%dma_start3A_168, %dma_start3A_169] : memref<128x128xf32, #tpu.memory_space<vmem>> -> memref<80x128xf32, #tpu.memory_space<vmem>>
        tpu.enqueue_dma source(%dma_start3A_170 : memref<80x128xf32, #tpu.memory_space<vmem>>) target(%dma_start3A_167 : memref<80x128xf32, #tpu.memory_space<vmem_shared>>) target_semaphore(%run_scoped3A : memref<!tpu.dma_semaphore, #tpu.memory_space<semaphore_mem>>)
        %dma_wait3A_171 = arith.constant 0 : i32
        %dma_wait3A_172 = arith.constant 0 : i32
        %dma_wait3A_173 = tpu.memref_slice %arg9[%dma_wait3A_171, %dma_wait3A_172] : memref<128x128xf32, #tpu.memory_space<vmem>> -> memref<80x128xf32, #tpu.memory_space<vmem>>
        %dma_wait3A_174 = arith.constant 0 : i32
        %dma_wait3A_175 = tpu.memref_slice %arg5[%mul3A_160, %dma_wait3A_174] : memref<10000x128xf32, #tpu.memory_space<vmem_shared>> -> memref<80x128xf32, #tpu.memory_space<vmem_shared>>
        %dma_wait3A_176 = arith.constant 0 : i32
        %dma_wait3A_177 = tpu.memref_slice %arg5[%mul3A_160, %dma_wait3A_176] : memref<10000x128xf32, #tpu.memory_space<vmem_shared>> -> memref<80x128xf32, #tpu.memory_space<vmem_shared>>
        %dma_wait3A_178 = arith.constant 0 : i32
        %dma_wait3A_179 = arith.constant 0 : i32
        %dma_wait3A_180 = tpu.memref_slice %arg9[%dma_wait3A_178, %dma_wait3A_179] : memref<128x128xf32, #tpu.memory_space<vmem>> -> memref<80x128xf32, #tpu.memory_space<vmem>>
        tpu.wait_dma2 semaphore(%run_scoped3A : memref<!tpu.dma_semaphore, #tpu.memory_space<semaphore_mem>>) src(%dma_wait3A_180 : memref<80x128xf32, #tpu.memory_space<vmem>>) dst(%dma_wait3A_177 : memref<80x128xf32, #tpu.memory_space<vmem_shared>>)
        tpu.yield
      }) : () -> ()
    } else {
    }
    %add3A_53 = arith.constant 112 : i32
    %add3A_54 = arith.addi %arg1, %add3A_53 : i32
    %lt3A_55 = arith.constant 125 : i32
    %lt3A_56 = arith.cmpi slt, %add3A_54, %lt3A_55 : i32
    %convert_element_type3A_57 = arith.extui %lt3A_56 : i1 to i32
    %cond3A_58 = arith.constant 0 : i32
    %cond3A_59 = arith.cmpi ne, %convert_element_type3A_57, %cond3A_58 : i32
    scf.if %cond3A_59 {
      %mul3A_159 = arith.constant 80 : i32
      %mul3A_160 = arith.muli %add3A_54, %mul3A_159 : i32
      "tpu.region"() ({
        %run_scoped3A = tpu.sem_alloc : memref<!tpu.dma_semaphore, #tpu.memory_space<semaphore_mem>>
        %dma_start3A_161 = arith.constant 0 : i32
        %dma_start3A_162 = arith.constant 0 : i32
        %dma_start3A_163 = tpu.memref_slice %arg9[%dma_start3A_161, %dma_start3A_162] : memref<128x128xf32, #tpu.memory_space<vmem>> -> memref<80x128xf32, #tpu.memory_space<vmem>>
        %dma_start3A_164 = arith.constant 0 : i32
        %dma_start3A_165 = tpu.memref_slice %arg5[%mul3A_160, %dma_start3A_164] : memref<10000x128xf32, #tpu.memory_space<vmem_shared>> -> memref<80x128xf32, #tpu.memory_space<vmem_shared>>
        %dma_start3A_166 = arith.constant 0 : i32
        %dma_start3A_167 = tpu.memref_slice %arg5[%mul3A_160, %dma_start3A_166] : memref<10000x128xf32, #tpu.memory_space<vmem_shared>> -> memref<80x128xf32, #tpu.memory_space<vmem_shared>>
        %dma_start3A_168 = arith.constant 0 : i32
        %dma_start3A_169 = arith.constant 0 : i32
        %dma_start3A_170 = tpu.memref_slice %arg9[%dma_start3A_168, %dma_start3A_169] : memref<128x128xf32, #tpu.memory_space<vmem>> -> memref<80x128xf32, #tpu.memory_space<vmem>>
        tpu.enqueue_dma source(%dma_start3A_170 : memref<80x128xf32, #tpu.memory_space<vmem>>) target(%dma_start3A_167 : memref<80x128xf32, #tpu.memory_space<vmem_shared>>) target_semaphore(%run_scoped3A : memref<!tpu.dma_semaphore, #tpu.memory_space<semaphore_mem>>)
        %dma_wait3A_171 = arith.constant 0 : i32
        %dma_wait3A_172 = arith.constant 0 : i32
        %dma_wait3A_173 = tpu.memref_slice %arg9[%dma_wait3A_171, %dma_wait3A_172] : memref<128x128xf32, #tpu.memory_space<vmem>> -> memref<80x128xf32, #tpu.memory_space<vmem>>
        %dma_wait3A_174 = arith.constant 0 : i32
        %dma_wait3A_175 = tpu.memref_slice %arg5[%mul3A_160, %dma_wait3A_174] : memref<10000x128xf32, #tpu.memory_space<vmem_shared>> -> memref<80x128xf32, #tpu.memory_space<vmem_shared>>
        %dma_wait3A_176 = arith.constant 0 : i32
        %dma_wait3A_177 = tpu.memref_slice %arg5[%mul3A_160, %dma_wait3A_176] : memref<10000x128xf32, #tpu.memory_space<vmem_shared>> -> memref<80x128xf32, #tpu.memory_space<vmem_shared>>
        %dma_wait3A_178 = arith.constant 0 : i32
        %dma_wait3A_179 = arith.constant 0 : i32
        %dma_wait3A_180 = tpu.memref_slice %arg9[%dma_wait3A_178, %dma_wait3A_179] : memref<128x128xf32, #tpu.memory_space<vmem>> -> memref<80x128xf32, #tpu.memory_space<vmem>>
        tpu.wait_dma2 semaphore(%run_scoped3A : memref<!tpu.dma_semaphore, #tpu.memory_space<semaphore_mem>>) src(%dma_wait3A_180 : memref<80x128xf32, #tpu.memory_space<vmem>>) dst(%dma_wait3A_177 : memref<80x128xf32, #tpu.memory_space<vmem_shared>>)
        tpu.yield
      }) : () -> ()
    } else {
    }
    %barrier3A = arith.constant 0 : index
    tpu.barrier barrier_id(%barrier3A)
    %lt3A_60 = arith.constant 4 : i32
    %lt3A_61 = arith.cmpi slt, %add3A, %lt3A_60 : i32
    %jit3A = arith.constant 79 : i32
    %jit3A_62 = arith.constant 78 : i32
    %select_n3A = arith.select %lt3A_61, %jit3A, %jit3A_62 : i32
    %add3A_63 = arith.constant 0 : i32
    %add3A_64 = arith.addi %add3A, %add3A_63 : i32
    "tpu.region"() ({
      %run_scoped3A = tpu.sem_alloc : memref<!tpu.dma_semaphore, #tpu.memory_space<semaphore_mem>>
      %dma_start3A_159 = arith.constant 0 : i32
      %dma_start3A_160 = arith.constant 0 : i32
      %dma_start3A_161 = tpu.memref_slice %arg3[%add3A_64, %dma_start3A_159, %dma_start3A_160] : memref<2500x2x128xi32, #tpu.memory_space<hbm>> -> memref<1x2x128xi32, #tpu.memory_space<hbm>>
      %dma_start3A_162 = tpu.memref_squeeze %dma_start3A_161 : memref<1x2x128xi32, #tpu.memory_space<hbm>> -> memref<2x128xi32, #tpu.memory_space<hbm>>
      %dma_start3A_163 = arith.constant 0 : i32
      %dma_start3A_164 = arith.constant 0 : i32
      %dma_start3A_165 = tpu.memref_slice %arg3[%add3A_64, %dma_start3A_163, %dma_start3A_164] : memref<2500x2x128xi32, #tpu.memory_space<hbm>> -> memref<1x2x128xi32, #tpu.memory_space<hbm>>
      %dma_start3A_166 = tpu.memref_squeeze %dma_start3A_165 : memref<1x2x128xi32, #tpu.memory_space<hbm>> -> memref<2x128xi32, #tpu.memory_space<hbm>>
      tpu.enqueue_dma source(%dma_start3A_166 : memref<2x128xi32, #tpu.memory_space<hbm>>) target(%arg6 : memref<2x128xi32, #tpu.memory_space<vmem>>) target_semaphore(%run_scoped3A : memref<!tpu.dma_semaphore, #tpu.memory_space<semaphore_mem>>)
      %dma_wait3A_167 = arith.constant 0 : i32
      %dma_wait3A_168 = arith.constant 0 : i32
      %dma_wait3A_169 = tpu.memref_slice %arg3[%add3A_64, %dma_wait3A_167, %dma_wait3A_168] : memref<2500x2x128xi32, #tpu.memory_space<hbm>> -> memref<1x2x128xi32, #tpu.memory_space<hbm>>
      %dma_wait3A_170 = tpu.memref_squeeze %dma_wait3A_169 : memref<1x2x128xi32, #tpu.memory_space<hbm>> -> memref<2x128xi32, #tpu.memory_space<hbm>>
      %dma_wait3A_171 = arith.constant 0 : i32
      %dma_wait3A_172 = arith.constant 0 : i32
      %dma_wait3A_173 = tpu.memref_slice %arg3[%add3A_64, %dma_wait3A_171, %dma_wait3A_172] : memref<2500x2x128xi32, #tpu.memory_space<hbm>> -> memref<1x2x128xi32, #tpu.memory_space<hbm>>
      %dma_wait3A_174 = tpu.memref_squeeze %dma_wait3A_173 : memref<1x2x128xi32, #tpu.memory_space<hbm>> -> memref<2x128xi32, #tpu.memory_space<hbm>>
      tpu.wait_dma2 semaphore(%run_scoped3A : memref<!tpu.dma_semaphore, #tpu.memory_space<semaphore_mem>>) src(%dma_wait3A_174 : memref<2x128xi32, #tpu.memory_space<hbm>>) dst(%arg6 : memref<2x128xi32, #tpu.memory_space<vmem>>)
      tpu.yield
    }) : () -> ()
    %dma_start3A = arith.constant 0 : i32
    %dma_start3A_65 = arith.constant 0 : i32
    %dma_start3A_66 = tpu.memref_slice %arg6[%dma_start3A, %dma_start3A_65] : memref<2x128xi32, #tpu.memory_space<vmem>> -> memref<1x128xi32, #tpu.memory_space<vmem>>
    %dma_start3A_67 = tpu.memref_squeeze %dma_start3A_66 : memref<1x128xi32, #tpu.memory_space<vmem>> -> memref<128xi32, #tpu.memory_space<vmem>>
    %dma_start3A_68 = arith.constant 0 : i32
    %dma_start3A_69 = arith.constant 0 : i32
    %dma_start3A_70 = tpu.memref_slice %arg2[%dma_start3A_68, %dma_start3A_69] : memref<10000x128xf32, #tpu.memory_space<hbm>> -> memref<10000x128xf32, #tpu.memory_space<hbm>>
    tpu.enqueue_indirect_dma source(%dma_start3A_70 : memref<10000x128xf32, #tpu.memory_space<hbm>>) target(%arg9 : memref<128x128xf32, #tpu.memory_space<vmem>>) offsets(%dma_start3A_67 : memref<128xi32, #tpu.memory_space<vmem>>) semaphore(%arg12 : memref<!tpu.dma_semaphore, #tpu.memory_space<semaphore_mem>>)
    %while3A = arith.constant 0 : i32
    %while3A_71 = arith.constant 0 : i32
    %while3A_72 = arith.subi %select_n3A, %while3A : i32
    %while3A_73 = arith.addi %while3A, %while3A_72 : i32
    %while3A_74 = arith.constant 1 : i32
    %while3A_75 = arith.divsi %while3A_72, %while3A_74 : i32
    %while3A_76 = arith.muli %while3A_75, %while3A_74 : i32
    %while3A_77 = arith.addi %while3A, %while3A_76 : i32
    %while3A_78 = arith.constant 1 : i32
    %while3A_79 = scf.for %while3A_159 = %while3A to %while3A_77 step %while3A_78 iter_args(%while3A_160 = %while3A_71) -> (i32)  : i32 {
      %jit3A_161 = arith.constant 3 : i32
      %eq3A = arith.constant 0 : i32
      %eq3A_162 = arith.cmpi eq, %jit3A_161, %eq3A : i32
      %jit3A_163 = arith.constant 1 : i32
      %select_n3A_164 = arith.select %eq3A_162, %jit3A_163, %jit3A_161 : i32
      %rem3A = arith.remsi %while3A_159, %select_n3A_164 : i32
      %ne3A = arith.constant 0 : i32
      %ne3A_165 = arith.cmpi ne, %rem3A, %ne3A : i32
      %lt3A_166 = arith.constant 0 : i32
      %lt3A_167 = arith.cmpi slt, %rem3A, %lt3A_166 : i32
      %lt3A_168 = arith.constant 0 : i32
      %lt3A_169 = arith.cmpi slt, %select_n3A_164, %lt3A_168 : i32
      %ne3A_170 = arith.xori %lt3A_167, %lt3A_169 : i1
      %and3A = arith.andi %ne3A_170, %ne3A_165 : i1
      %add3A_171 = arith.addi %rem3A, %select_n3A_164 : i32
      %select_n3A_172 = arith.select %and3A, %add3A_171, %rem3A : i32
      %eq3A_173 = arith.constant 0 : i32
      %eq3A_174 = arith.cmpi eq, %select_n3A_172, %eq3A_173 : i32
      %convert_element_type3A_175 = arith.extui %eq3A_174 : i1 to i32
      %cond3A_176 = arith.constant 0 : i32
      %cond3A_177 = arith.cmpi ne, %convert_element_type3A_175, %cond3A_176 : i32
      scf.if %cond3A_177 {
        %add3A_221 = arith.constant 1 : i32
        %add3A_222 = arith.addi %while3A_159, %add3A_221 : i32
        %lt3A_223 = arith.cmpi slt, %add3A_222, %select_n3A : i32
        %convert_element_type3A_224 = arith.extui %lt3A_223 : i1 to i32
        %cond3A_225 = arith.constant 0 : i32
        %cond3A_226 = arith.cmpi ne, %convert_element_type3A_224, %cond3A_225 : i32
        scf.if %cond3A_226 {
          %ge3A = arith.constant 2 : i32
          %ge3A_240 = arith.cmpi sge, %while3A_159, %ge3A : i32
          %convert_element_type3A_241 = arith.extui %ge3A_240 : i1 to i32
          %cond3A_242 = arith.constant 0 : i32
          %cond3A_243 = arith.cmpi ne, %convert_element_type3A_241, %cond3A_242 : i32
          scf.if %cond3A_243 {
            %dma_wait3A_256 = arith.constant 1 : i32
            %dma_wait3A_257 = arith.constant 0 : i32
            %dma_wait3A_258 = tpu.memref_slice %arg7[%dma_wait3A_256, %dma_wait3A_257] : memref<2x128xi32, #tpu.memory_space<vmem>> -> memref<1x128xi32, #tpu.memory_space<vmem>>
            %dma_wait3A_259 = tpu.memref_squeeze %dma_wait3A_258 : memref<1x128xi32, #tpu.memory_space<vmem>> -> memref<128xi32, #tpu.memory_space<vmem>>
            %dma_wait3A_260 = arith.constant 0 : i32
            %dma_wait3A_261 = arith.constant 0 : i32
            %dma_wait3A_262 = tpu.memref_slice %arg5[%dma_wait3A_260, %dma_wait3A_261] : memref<10000x128xf32, #tpu.memory_space<vmem_shared>> -> memref<10000x128xf32, #tpu.memory_space<vmem_shared>>
            tpu.wait_indirect_dma semaphore(%arg16 : memref<!tpu.dma_semaphore, #tpu.memory_space<semaphore_mem>>) src(%arg10 : memref<128x128xf32, #tpu.memory_space<vmem>>) dst(%dma_wait3A_262 : memref<10000x128xf32, #tpu.memory_space<vmem_shared>>)
          } else {
          }
          %add3A_244 = arith.constant 1 : i32
          %add3A_245 = arith.addi %while3A_159, %add3A_244 : i32
          %mul3A_246 = arith.constant 32 : i32
          %mul3A_247 = arith.muli %add3A_245, %mul3A_246 : i32
          %add3A_248 = arith.addi %add3A, %mul3A_247 : i32
          "tpu.region"() ({
            %run_scoped3A = tpu.sem_alloc : memref<!tpu.dma_semaphore, #tpu.memory_space<semaphore_mem>>
            %dma_start3A_256 = arith.constant 0 : i32
            %dma_start3A_257 = arith.constant 0 : i32
            %dma_start3A_258 = tpu.memref_slice %arg3[%add3A_248, %dma_start3A_256, %dma_start3A_257] : memref<2500x2x128xi32, #tpu.memory_space<hbm>> -> memref<1x2x128xi32, #tpu.memory_space<hbm>>
            %dma_start3A_259 = tpu.memref_squeeze %dma_start3A_258 : memref<1x2x128xi32, #tpu.memory_space<hbm>> -> memref<2x128xi32, #tpu.memory_space<hbm>>
            %dma_start3A_260 = arith.constant 0 : i32
            %dma_start3A_261 = arith.constant 0 : i32
            %dma_start3A_262 = tpu.memref_slice %arg3[%add3A_248, %dma_start3A_260, %dma_start3A_261] : memref<2500x2x128xi32, #tpu.memory_space<hbm>> -> memref<1x2x128xi32, #tpu.memory_space<hbm>>
            %dma_start3A_263 = tpu.memref_squeeze %dma_start3A_262 : memref<1x2x128xi32, #tpu.memory_space<hbm>> -> memref<2x128xi32, #tpu.memory_space<hbm>>
            tpu.enqueue_dma source(%dma_start3A_263 : memref<2x128xi32, #tpu.memory_space<hbm>>) target(%arg7 : memref<2x128xi32, #tpu.memory_space<vmem>>) target_semaphore(%run_scoped3A : memref<!tpu.dma_semaphore, #tpu.memory_space<semaphore_mem>>)
            %dma_wait3A_264 = arith.constant 0 : i32
            %dma_wait3A_265 = arith.constant 0 : i32
            %dma_wait3A_266 = tpu.memref_slice %arg3[%add3A_248, %dma_wait3A_264, %dma_wait3A_265] : memref<2500x2x128xi32, #tpu.memory_space<hbm>> -> memref<1x2x128xi32, #tpu.memory_space<hbm>>
            %dma_wait3A_267 = tpu.memref_squeeze %dma_wait3A_266 : memref<1x2x128xi32, #tpu.memory_space<hbm>> -> memref<2x128xi32, #tpu.memory_space<hbm>>
            %dma_wait3A_268 = arith.constant 0 : i32
            %dma_wait3A_269 = arith.constant 0 : i32
            %dma_wait3A_270 = tpu.memref_slice %arg3[%add3A_248, %dma_wait3A_268, %dma_wait3A_269] : memref<2500x2x128xi32, #tpu.memory_space<hbm>> -> memref<1x2x128xi32, #tpu.memory_space<hbm>>
            %dma_wait3A_271 = tpu.memref_squeeze %dma_wait3A_270 : memref<1x2x128xi32, #tpu.memory_space<hbm>> -> memref<2x128xi32, #tpu.memory_space<hbm>>
            tpu.wait_dma2 semaphore(%run_scoped3A : memref<!tpu.dma_semaphore, #tpu.memory_space<semaphore_mem>>) src(%dma_wait3A_271 : memref<2x128xi32, #tpu.memory_space<hbm>>) dst(%arg7 : memref<2x128xi32, #tpu.memory_space<vmem>>)
            tpu.yield
          }) : () -> ()
          %dma_start3A_249 = arith.constant 0 : i32
          %dma_start3A_250 = arith.constant 0 : i32
          %dma_start3A_251 = tpu.memref_slice %arg7[%dma_start3A_249, %dma_start3A_250] : memref<2x128xi32, #tpu.memory_space<vmem>> -> memref<1x128xi32, #tpu.memory_space<vmem>>
          %dma_start3A_252 = tpu.memref_squeeze %dma_start3A_251 : memref<1x128xi32, #tpu.memory_space<vmem>> -> memref<128xi32, #tpu.memory_space<vmem>>
          %dma_start3A_253 = arith.constant 0 : i32
          %dma_start3A_254 = arith.constant 0 : i32
          %dma_start3A_255 = tpu.memref_slice %arg2[%dma_start3A_253, %dma_start3A_254] : memref<10000x128xf32, #tpu.memory_space<hbm>> -> memref<10000x128xf32, #tpu.memory_space<hbm>>
          tpu.enqueue_indirect_dma source(%dma_start3A_255 : memref<10000x128xf32, #tpu.memory_space<hbm>>) target(%arg10 : memref<128x128xf32, #tpu.memory_space<vmem>>) offsets(%dma_start3A_252 : memref<128xi32, #tpu.memory_space<vmem>>) semaphore(%arg13 : memref<!tpu.dma_semaphore, #tpu.memory_space<semaphore_mem>>)
        } else {
        }
        %dma_wait3A_227 = arith.constant 0 : i32
        %dma_wait3A_228 = arith.constant 0 : i32
        %dma_wait3A_229 = tpu.memref_slice %arg2[%dma_wait3A_227, %dma_wait3A_228] : memref<10000x128xf32, #tpu.memory_space<hbm>> -> memref<128x128xf32, #tpu.memory_space<hbm>>
        %dma_wait3A_230 = arith.constant 0 : i32
        %dma_wait3A_231 = arith.constant 0 : i32
        %dma_wait3A_232 = tpu.memref_slice %arg2[%dma_wait3A_230, %dma_wait3A_231] : memref<10000x128xf32, #tpu.memory_space<hbm>> -> memref<128x128xf32, #tpu.memory_space<hbm>>
        tpu.wait_dma2 semaphore(%arg12 : memref<!tpu.dma_semaphore, #tpu.memory_space<semaphore_mem>>) src(%dma_wait3A_232 : memref<128x128xf32, #tpu.memory_space<hbm>>) dst(%arg9 : memref<128x128xf32, #tpu.memory_space<vmem>>)
        %dma_start3A_233 = arith.constant 1 : i32
        %dma_start3A_234 = arith.constant 0 : i32
        %dma_start3A_235 = tpu.memref_slice %arg6[%dma_start3A_233, %dma_start3A_234] : memref<2x128xi32, #tpu.memory_space<vmem>> -> memref<1x128xi32, #tpu.memory_space<vmem>>
        %dma_start3A_236 = tpu.memref_squeeze %dma_start3A_235 : memref<1x128xi32, #tpu.memory_space<vmem>> -> memref<128xi32, #tpu.memory_space<vmem>>
        %dma_start3A_237 = arith.constant 0 : i32
        %dma_start3A_238 = arith.constant 0 : i32
        %dma_start3A_239 = tpu.memref_slice %arg5[%dma_start3A_237, %dma_start3A_238] : memref<10000x128xf32, #tpu.memory_space<vmem_shared>> -> memref<10000x128xf32, #tpu.memory_space<vmem_shared>>
        tpu.enqueue_indirect_dma source(%arg9 : memref<128x128xf32, #tpu.memory_space<vmem>>) target(%dma_start3A_239 : memref<10000x128xf32, #tpu.memory_space<vmem_shared>>) offsets(%dma_start3A_236 : memref<128xi32, #tpu.memory_space<vmem>>) semaphore(%arg15 : memref<!tpu.dma_semaphore, #tpu.memory_space<semaphore_mem>>) {add = true}
      } else {
      }
      %jit3A_178 = arith.constant 3 : i32
      %eq3A_179 = arith.constant 0 : i32
      %eq3A_180 = arith.cmpi eq, %jit3A_178, %eq3A_179 : i32
      %jit3A_181 = arith.constant 1 : i32
      %select_n3A_182 = arith.select %eq3A_180, %jit3A_181, %jit3A_178 : i32
      %rem3A_183 = arith.remsi %while3A_159, %select_n3A_182 : i32
      %ne3A_184 = arith.constant 0 : i32
      %ne3A_185 = arith.cmpi ne, %rem3A_183, %ne3A_184 : i32
      %lt3A_186 = arith.constant 0 : i32
      %lt3A_187 = arith.cmpi slt, %rem3A_183, %lt3A_186 : i32
      %lt3A_188 = arith.constant 0 : i32
      %lt3A_189 = arith.cmpi slt, %select_n3A_182, %lt3A_188 : i32
      %ne3A_190 = arith.xori %lt3A_187, %lt3A_189 : i1
      %and3A_191 = arith.andi %ne3A_190, %ne3A_185 : i1
      %add3A_192 = arith.addi %rem3A_183, %select_n3A_182 : i32
      %select_n3A_193 = arith.select %and3A_191, %add3A_192, %rem3A_183 : i32
      %eq3A_194 = arith.constant 1 : i32
      %eq3A_195 = arith.cmpi eq, %select_n3A_193, %eq3A_194 : i32
      %convert_element_type3A_196 = arith.extui %eq3A_195 : i1 to i32
      %cond3A_197 = arith.constant 0 : i32
      %cond3A_198 = arith.cmpi ne, %convert_element_type3A_196, %cond3A_197 : i32
      scf.if %cond3A_198 {
        %add3A_221 = arith.constant 1 : i32
        %add3A_222 = arith.addi %while3A_159, %add3A_221 : i32
        %lt3A_223 = arith.cmpi slt, %add3A_222, %select_n3A : i32
        %convert_element_type3A_224 = arith.extui %lt3A_223 : i1 to i32
        %cond3A_225 = arith.constant 0 : i32
        %cond3A_226 = arith.cmpi ne, %convert_element_type3A_224, %cond3A_225 : i32
        scf.if %cond3A_226 {
          %ge3A = arith.constant 2 : i32
          %ge3A_240 = arith.cmpi sge, %while3A_159, %ge3A : i32
          %convert_element_type3A_241 = arith.extui %ge3A_240 : i1 to i32
          %cond3A_242 = arith.constant 0 : i32
          %cond3A_243 = arith.cmpi ne, %convert_element_type3A_241, %cond3A_242 : i32
          scf.if %cond3A_243 {
            %dma_wait3A_256 = arith.constant 1 : i32
            %dma_wait3A_257 = arith.constant 0 : i32
            %dma_wait3A_258 = tpu.memref_slice %arg8[%dma_wait3A_256, %dma_wait3A_257] : memref<2x128xi32, #tpu.memory_space<vmem>> -> memref<1x128xi32, #tpu.memory_space<vmem>>
            %dma_wait3A_259 = tpu.memref_squeeze %dma_wait3A_258 : memref<1x128xi32, #tpu.memory_space<vmem>> -> memref<128xi32, #tpu.memory_space<vmem>>
            %dma_wait3A_260 = arith.constant 0 : i32
            %dma_wait3A_261 = arith.constant 0 : i32
            %dma_wait3A_262 = tpu.memref_slice %arg5[%dma_wait3A_260, %dma_wait3A_261] : memref<10000x128xf32, #tpu.memory_space<vmem_shared>> -> memref<10000x128xf32, #tpu.memory_space<vmem_shared>>
            tpu.wait_indirect_dma semaphore(%arg17 : memref<!tpu.dma_semaphore, #tpu.memory_space<semaphore_mem>>) src(%arg11 : memref<128x128xf32, #tpu.memory_space<vmem>>) dst(%dma_wait3A_262 : memref<10000x128xf32, #tpu.memory_space<vmem_shared>>)
          } else {
          }
          %add3A_244 = arith.constant 1 : i32
          %add3A_245 = arith.addi %while3A_159, %add3A_244 : i32
          %mul3A_246 = arith.constant 32 : i32
          %mul3A_247 = arith.muli %add3A_245, %mul3A_246 : i32
          %add3A_248 = arith.addi %add3A, %mul3A_247 : i32
          "tpu.region"() ({
            %run_scoped3A = tpu.sem_alloc : memref<!tpu.dma_semaphore, #tpu.memory_space<semaphore_mem>>
            %dma_start3A_256 = arith.constant 0 : i32
            %dma_start3A_257 = arith.constant 0 : i32
            %dma_start3A_258 = tpu.memref_slice %arg3[%add3A_248, %dma_start3A_256, %dma_start3A_257] : memref<2500x2x128xi32, #tpu.memory_space<hbm>> -> memref<1x2x128xi32, #tpu.memory_space<hbm>>
            %dma_start3A_259 = tpu.memref_squeeze %dma_start3A_258 : memref<1x2x128xi32, #tpu.memory_space<hbm>> -> memref<2x128xi32, #tpu.memory_space<hbm>>
            %dma_start3A_260 = arith.constant 0 : i32
            %dma_start3A_261 = arith.constant 0 : i32
            %dma_start3A_262 = tpu.memref_slice %arg3[%add3A_248, %dma_start3A_260, %dma_start3A_261] : memref<2500x2x128xi32, #tpu.memory_space<hbm>> -> memref<1x2x128xi32, #tpu.memory_space<hbm>>
            %dma_start3A_263 = tpu.memref_squeeze %dma_start3A_262 : memref<1x2x128xi32, #tpu.memory_space<hbm>> -> memref<2x128xi32, #tpu.memory_space<hbm>>
            tpu.enqueue_dma source(%dma_start3A_263 : memref<2x128xi32, #tpu.memory_space<hbm>>) target(%arg8 : memref<2x128xi32, #tpu.memory_space<vmem>>) target_semaphore(%run_scoped3A : memref<!tpu.dma_semaphore, #tpu.memory_space<semaphore_mem>>)
            %dma_wait3A_264 = arith.constant 0 : i32
            %dma_wait3A_265 = arith.constant 0 : i32
            %dma_wait3A_266 = tpu.memref_slice %arg3[%add3A_248, %dma_wait3A_264, %dma_wait3A_265] : memref<2500x2x128xi32, #tpu.memory_space<hbm>> -> memref<1x2x128xi32, #tpu.memory_space<hbm>>
            %dma_wait3A_267 = tpu.memref_squeeze %dma_wait3A_266 : memref<1x2x128xi32, #tpu.memory_space<hbm>> -> memref<2x128xi32, #tpu.memory_space<hbm>>
            %dma_wait3A_268 = arith.constant 0 : i32
            %dma_wait3A_269 = arith.constant 0 : i32
            %dma_wait3A_270 = tpu.memref_slice %arg3[%add3A_248, %dma_wait3A_268, %dma_wait3A_269] : memref<2500x2x128xi32, #tpu.memory_space<hbm>> -> memref<1x2x128xi32, #tpu.memory_space<hbm>>
            %dma_wait3A_271 = tpu.memref_squeeze %dma_wait3A_270 : memref<1x2x128xi32, #tpu.memory_space<hbm>> -> memref<2x128xi32, #tpu.memory_space<hbm>>
            tpu.wait_dma2 semaphore(%run_scoped3A : memref<!tpu.dma_semaphore, #tpu.memory_space<semaphore_mem>>) src(%dma_wait3A_271 : memref<2x128xi32, #tpu.memory_space<hbm>>) dst(%arg8 : memref<2x128xi32, #tpu.memory_space<vmem>>)
            tpu.yield
          }) : () -> ()
          %dma_start3A_249 = arith.constant 0 : i32
          %dma_start3A_250 = arith.constant 0 : i32
          %dma_start3A_251 = tpu.memref_slice %arg8[%dma_start3A_249, %dma_start3A_250] : memref<2x128xi32, #tpu.memory_space<vmem>> -> memref<1x128xi32, #tpu.memory_space<vmem>>
          %dma_start3A_252 = tpu.memref_squeeze %dma_start3A_251 : memref<1x128xi32, #tpu.memory_space<vmem>> -> memref<128xi32, #tpu.memory_space<vmem>>
          %dma_start3A_253 = arith.constant 0 : i32
          %dma_start3A_254 = arith.constant 0 : i32
          %dma_start3A_255 = tpu.memref_slice %arg2[%dma_start3A_253, %dma_start3A_254] : memref<10000x128xf32, #tpu.memory_space<hbm>> -> memref<10000x128xf32, #tpu.memory_space<hbm>>
          tpu.enqueue_indirect_dma source(%dma_start3A_255 : memref<10000x128xf32, #tpu.memory_space<hbm>>) target(%arg11 : memref<128x128xf32, #tpu.memory_space<vmem>>) offsets(%dma_start3A_252 : memref<128xi32, #tpu.memory_space<vmem>>) semaphore(%arg14 : memref<!tpu.dma_semaphore, #tpu.memory_space<semaphore_mem>>)
        } else {
        }
        %dma_wait3A_227 = arith.constant 0 : i32
        %dma_wait3A_228 = arith.constant 0 : i32
        %dma_wait3A_229 = tpu.memref_slice %arg2[%dma_wait3A_227, %dma_wait3A_228] : memref<10000x128xf32, #tpu.memory_space<hbm>> -> memref<128x128xf32, #tpu.memory_space<hbm>>
        %dma_wait3A_230 = arith.constant 0 : i32
        %dma_wait3A_231 = arith.constant 0 : i32
        %dma_wait3A_232 = tpu.memref_slice %arg2[%dma_wait3A_230, %dma_wait3A_231] : memref<10000x128xf32, #tpu.memory_space<hbm>> -> memref<128x128xf32, #tpu.memory_space<hbm>>
        tpu.wait_dma2 semaphore(%arg13 : memref<!tpu.dma_semaphore, #tpu.memory_space<semaphore_mem>>) src(%dma_wait3A_232 : memref<128x128xf32, #tpu.memory_space<hbm>>) dst(%arg10 : memref<128x128xf32, #tpu.memory_space<vmem>>)
        %dma_start3A_233 = arith.constant 1 : i32
        %dma_start3A_234 = arith.constant 0 : i32
        %dma_start3A_235 = tpu.memref_slice %arg7[%dma_start3A_233, %dma_start3A_234] : memref<2x128xi32, #tpu.memory_space<vmem>> -> memref<1x128xi32, #tpu.memory_space<vmem>>
        %dma_start3A_236 = tpu.memref_squeeze %dma_start3A_235 : memref<1x128xi32, #tpu.memory_space<vmem>> -> memref<128xi32, #tpu.memory_space<vmem>>
        %dma_start3A_237 = arith.constant 0 : i32
        %dma_start3A_238 = arith.constant 0 : i32
        %dma_start3A_239 = tpu.memref_slice %arg5[%dma_start3A_237, %dma_start3A_238] : memref<10000x128xf32, #tpu.memory_space<vmem_shared>> -> memref<10000x128xf32, #tpu.memory_space<vmem_shared>>
        tpu.enqueue_indirect_dma source(%arg10 : memref<128x128xf32, #tpu.memory_space<vmem>>) target(%dma_start3A_239 : memref<10000x128xf32, #tpu.memory_space<vmem_shared>>) offsets(%dma_start3A_236 : memref<128xi32, #tpu.memory_space<vmem>>) semaphore(%arg16 : memref<!tpu.dma_semaphore, #tpu.memory_space<semaphore_mem>>) {add = true}
      } else {
      }
      %jit3A_199 = arith.constant 3 : i32
      %eq3A_200 = arith.constant 0 : i32
      %eq3A_201 = arith.cmpi eq, %jit3A_199, %eq3A_200 : i32
      %jit3A_202 = arith.constant 1 : i32
      %select_n3A_203 = arith.select %eq3A_201, %jit3A_202, %jit3A_199 : i32
      %rem3A_204 = arith.remsi %while3A_159, %select_n3A_203 : i32
      %ne3A_205 = arith.constant 0 : i32
      %ne3A_206 = arith.cmpi ne, %rem3A_204, %ne3A_205 : i32
      %lt3A_207 = arith.constant 0 : i32
      %lt3A_208 = arith.cmpi slt, %rem3A_204, %lt3A_207 : i32
      %lt3A_209 = arith.constant 0 : i32
      %lt3A_210 = arith.cmpi slt, %select_n3A_203, %lt3A_209 : i32
      %ne3A_211 = arith.xori %lt3A_208, %lt3A_210 : i1
      %and3A_212 = arith.andi %ne3A_211, %ne3A_206 : i1
      %add3A_213 = arith.addi %rem3A_204, %select_n3A_203 : i32
      %select_n3A_214 = arith.select %and3A_212, %add3A_213, %rem3A_204 : i32
      %eq3A_215 = arith.constant 2 : i32
      %eq3A_216 = arith.cmpi eq, %select_n3A_214, %eq3A_215 : i32
      %convert_element_type3A_217 = arith.extui %eq3A_216 : i1 to i32
      %cond3A_218 = arith.constant 0 : i32
      %cond3A_219 = arith.cmpi ne, %convert_element_type3A_217, %cond3A_218 : i32
      scf.if %cond3A_219 {
        %add3A_221 = arith.constant 1 : i32
        %add3A_222 = arith.addi %while3A_159, %add3A_221 : i32
        %lt3A_223 = arith.cmpi slt, %add3A_222, %select_n3A : i32
        %convert_element_type3A_224 = arith.extui %lt3A_223 : i1 to i32
        %cond3A_225 = arith.constant 0 : i32
        %cond3A_226 = arith.cmpi ne, %convert_element_type3A_224, %cond3A_225 : i32
        scf.if %cond3A_226 {
          %ge3A = arith.constant 2 : i32
          %ge3A_240 = arith.cmpi sge, %while3A_159, %ge3A : i32
          %convert_element_type3A_241 = arith.extui %ge3A_240 : i1 to i32
          %cond3A_242 = arith.constant 0 : i32
          %cond3A_243 = arith.cmpi ne, %convert_element_type3A_241, %cond3A_242 : i32
          scf.if %cond3A_243 {
            %dma_wait3A_256 = arith.constant 1 : i32
            %dma_wait3A_257 = arith.constant 0 : i32
            %dma_wait3A_258 = tpu.memref_slice %arg6[%dma_wait3A_256, %dma_wait3A_257] : memref<2x128xi32, #tpu.memory_space<vmem>> -> memref<1x128xi32, #tpu.memory_space<vmem>>
            %dma_wait3A_259 = tpu.memref_squeeze %dma_wait3A_258 : memref<1x128xi32, #tpu.memory_space<vmem>> -> memref<128xi32, #tpu.memory_space<vmem>>
            %dma_wait3A_260 = arith.constant 0 : i32
            %dma_wait3A_261 = arith.constant 0 : i32
            %dma_wait3A_262 = tpu.memref_slice %arg5[%dma_wait3A_260, %dma_wait3A_261] : memref<10000x128xf32, #tpu.memory_space<vmem_shared>> -> memref<10000x128xf32, #tpu.memory_space<vmem_shared>>
            tpu.wait_indirect_dma semaphore(%arg15 : memref<!tpu.dma_semaphore, #tpu.memory_space<semaphore_mem>>) src(%arg9 : memref<128x128xf32, #tpu.memory_space<vmem>>) dst(%dma_wait3A_262 : memref<10000x128xf32, #tpu.memory_space<vmem_shared>>)
          } else {
          }
          %add3A_244 = arith.constant 1 : i32
          %add3A_245 = arith.addi %while3A_159, %add3A_244 : i32
          %mul3A_246 = arith.constant 32 : i32
          %mul3A_247 = arith.muli %add3A_245, %mul3A_246 : i32
          %add3A_248 = arith.addi %add3A, %mul3A_247 : i32
          "tpu.region"() ({
            %run_scoped3A = tpu.sem_alloc : memref<!tpu.dma_semaphore, #tpu.memory_space<semaphore_mem>>
            %dma_start3A_256 = arith.constant 0 : i32
            %dma_start3A_257 = arith.constant 0 : i32
            %dma_start3A_258 = tpu.memref_slice %arg3[%add3A_248, %dma_start3A_256, %dma_start3A_257] : memref<2500x2x128xi32, #tpu.memory_space<hbm>> -> memref<1x2x128xi32, #tpu.memory_space<hbm>>
            %dma_start3A_259 = tpu.memref_squeeze %dma_start3A_258 : memref<1x2x128xi32, #tpu.memory_space<hbm>> -> memref<2x128xi32, #tpu.memory_space<hbm>>
            %dma_start3A_260 = arith.constant 0 : i32
            %dma_start3A_261 = arith.constant 0 : i32
            %dma_start3A_262 = tpu.memref_slice %arg3[%add3A_248, %dma_start3A_260, %dma_start3A_261] : memref<2500x2x128xi32, #tpu.memory_space<hbm>> -> memref<1x2x128xi32, #tpu.memory_space<hbm>>
            %dma_start3A_263 = tpu.memref_squeeze %dma_start3A_262 : memref<1x2x128xi32, #tpu.memory_space<hbm>> -> memref<2x128xi32, #tpu.memory_space<hbm>>
            tpu.enqueue_dma source(%dma_start3A_263 : memref<2x128xi32, #tpu.memory_space<hbm>>) target(%arg6 : memref<2x128xi32, #tpu.memory_space<vmem>>) target_semaphore(%run_scoped3A : memref<!tpu.dma_semaphore, #tpu.memory_space<semaphore_mem>>)
            %dma_wait3A_264 = arith.constant 0 : i32
            %dma_wait3A_265 = arith.constant 0 : i32
            %dma_wait3A_266 = tpu.memref_slice %arg3[%add3A_248, %dma_wait3A_264, %dma_wait3A_265] : memref<2500x2x128xi32, #tpu.memory_space<hbm>> -> memref<1x2x128xi32, #tpu.memory_space<hbm>>
            %dma_wait3A_267 = tpu.memref_squeeze %dma_wait3A_266 : memref<1x2x128xi32, #tpu.memory_space<hbm>> -> memref<2x128xi32, #tpu.memory_space<hbm>>
            %dma_wait3A_268 = arith.constant 0 : i32
            %dma_wait3A_269 = arith.constant 0 : i32
            %dma_wait3A_270 = tpu.memref_slice %arg3[%add3A_248, %dma_wait3A_268, %dma_wait3A_269] : memref<2500x2x128xi32, #tpu.memory_space<hbm>> -> memref<1x2x128xi32, #tpu.memory_space<hbm>>
            %dma_wait3A_271 = tpu.memref_squeeze %dma_wait3A_270 : memref<1x2x128xi32, #tpu.memory_space<hbm>> -> memref<2x128xi32, #tpu.memory_space<hbm>>
            tpu.wait_dma2 semaphore(%run_scoped3A : memref<!tpu.dma_semaphore, #tpu.memory_space<semaphore_mem>>) src(%dma_wait3A_271 : memref<2x128xi32, #tpu.memory_space<hbm>>) dst(%arg6 : memref<2x128xi32, #tpu.memory_space<vmem>>)
            tpu.yield
          }) : () -> ()
          %dma_start3A_249 = arith.constant 0 : i32
          %dma_start3A_250 = arith.constant 0 : i32
          %dma_start3A_251 = tpu.memref_slice %arg6[%dma_start3A_249, %dma_start3A_250] : memref<2x128xi32, #tpu.memory_space<vmem>> -> memref<1x128xi32, #tpu.memory_space<vmem>>
          %dma_start3A_252 = tpu.memref_squeeze %dma_start3A_251 : memref<1x128xi32, #tpu.memory_space<vmem>> -> memref<128xi32, #tpu.memory_space<vmem>>
          %dma_start3A_253 = arith.constant 0 : i32
          %dma_start3A_254 = arith.constant 0 : i32
          %dma_start3A_255 = tpu.memref_slice %arg2[%dma_start3A_253, %dma_start3A_254] : memref<10000x128xf32, #tpu.memory_space<hbm>> -> memref<10000x128xf32, #tpu.memory_space<hbm>>
          tpu.enqueue_indirect_dma source(%dma_start3A_255 : memref<10000x128xf32, #tpu.memory_space<hbm>>) target(%arg9 : memref<128x128xf32, #tpu.memory_space<vmem>>) offsets(%dma_start3A_252 : memref<128xi32, #tpu.memory_space<vmem>>) semaphore(%arg12 : memref<!tpu.dma_semaphore, #tpu.memory_space<semaphore_mem>>)
        } else {
        }
        %dma_wait3A_227 = arith.constant 0 : i32
        %dma_wait3A_228 = arith.constant 0 : i32
        %dma_wait3A_229 = tpu.memref_slice %arg2[%dma_wait3A_227, %dma_wait3A_228] : memref<10000x128xf32, #tpu.memory_space<hbm>> -> memref<128x128xf32, #tpu.memory_space<hbm>>
        %dma_wait3A_230 = arith.constant 0 : i32
        %dma_wait3A_231 = arith.constant 0 : i32
        %dma_wait3A_232 = tpu.memref_slice %arg2[%dma_wait3A_230, %dma_wait3A_231] : memref<10000x128xf32, #tpu.memory_space<hbm>> -> memref<128x128xf32, #tpu.memory_space<hbm>>
        tpu.wait_dma2 semaphore(%arg14 : memref<!tpu.dma_semaphore, #tpu.memory_space<semaphore_mem>>) src(%dma_wait3A_232 : memref<128x128xf32, #tpu.memory_space<hbm>>) dst(%arg11 : memref<128x128xf32, #tpu.memory_space<vmem>>)
        %dma_start3A_233 = arith.constant 1 : i32
        %dma_start3A_234 = arith.constant 0 : i32
        %dma_start3A_235 = tpu.memref_slice %arg8[%dma_start3A_233, %dma_start3A_234] : memref<2x128xi32, #tpu.memory_space<vmem>> -> memref<1x128xi32, #tpu.memory_space<vmem>>
        %dma_start3A_236 = tpu.memref_squeeze %dma_start3A_235 : memref<1x128xi32, #tpu.memory_space<vmem>> -> memref<128xi32, #tpu.memory_space<vmem>>
        %dma_start3A_237 = arith.constant 0 : i32
        %dma_start3A_238 = arith.constant 0 : i32
        %dma_start3A_239 = tpu.memref_slice %arg5[%dma_start3A_237, %dma_start3A_238] : memref<10000x128xf32, #tpu.memory_space<vmem_shared>> -> memref<10000x128xf32, #tpu.memory_space<vmem_shared>>
        tpu.enqueue_indirect_dma source(%arg11 : memref<128x128xf32, #tpu.memory_space<vmem>>) target(%dma_start3A_239 : memref<10000x128xf32, #tpu.memory_space<vmem_shared>>) offsets(%dma_start3A_236 : memref<128xi32, #tpu.memory_space<vmem>>) semaphore(%arg17 : memref<!tpu.dma_semaphore, #tpu.memory_space<semaphore_mem>>) {add = true}
      } else {
      }
      %while3A_220 = arith.constant 0 : i32
      scf.yield %while3A_220 : i32
    }
    %while3A_80 = arith.constant 1 : i32
    %while3A_81 = scf.for %while3A_159 = %while3A_77 to %while3A_73 step %while3A_80 iter_args(%while3A_160 = %while3A_79) -> (i32)  : i32 {
      %jit3A_161 = arith.constant 3 : i32
      %eq3A = arith.constant 0 : i32
      %eq3A_162 = arith.cmpi eq, %jit3A_161, %eq3A : i32
      %jit3A_163 = arith.constant 1 : i32
      %select_n3A_164 = arith.select %eq3A_162, %jit3A_163, %jit3A_161 : i32
      %rem3A = arith.remsi %while3A_159, %select_n3A_164 : i32
      %ne3A = arith.constant 0 : i32
      %ne3A_165 = arith.cmpi ne, %rem3A, %ne3A : i32
      %lt3A_166 = arith.constant 0 : i32
      %lt3A_167 = arith.cmpi slt, %rem3A, %lt3A_166 : i32
      %lt3A_168 = arith.constant 0 : i32
      %lt3A_169 = arith.cmpi slt, %select_n3A_164, %lt3A_168 : i32
      %ne3A_170 = arith.xori %lt3A_167, %lt3A_169 : i1
      %and3A = arith.andi %ne3A_170, %ne3A_165 : i1
      %add3A_171 = arith.addi %rem3A, %select_n3A_164 : i32
      %select_n3A_172 = arith.select %and3A, %add3A_171, %rem3A : i32
      %eq3A_173 = arith.constant 0 : i32
      %eq3A_174 = arith.cmpi eq, %select_n3A_172, %eq3A_173 : i32
      %convert_element_type3A_175 = arith.extui %eq3A_174 : i1 to i32
      %cond3A_176 = arith.constant 0 : i32
      %cond3A_177 = arith.cmpi ne, %convert_element_type3A_175, %cond3A_176 : i32
      scf.if %cond3A_177 {
        %add3A_221 = arith.constant 1 : i32
        %add3A_222 = arith.addi %while3A_159, %add3A_221 : i32
        %lt3A_223 = arith.cmpi slt, %add3A_222, %select_n3A : i32
        %convert_element_type3A_224 = arith.extui %lt3A_223 : i1 to i32
        %cond3A_225 = arith.constant 0 : i32
        %cond3A_226 = arith.cmpi ne, %convert_element_type3A_224, %cond3A_225 : i32
        scf.if %cond3A_226 {
          %ge3A = arith.constant 2 : i32
          %ge3A_240 = arith.cmpi sge, %while3A_159, %ge3A : i32
          %convert_element_type3A_241 = arith.extui %ge3A_240 : i1 to i32
          %cond3A_242 = arith.constant 0 : i32
          %cond3A_243 = arith.cmpi ne, %convert_element_type3A_241, %cond3A_242 : i32
          scf.if %cond3A_243 {
            %dma_wait3A_256 = arith.constant 1 : i32
            %dma_wait3A_257 = arith.constant 0 : i32
            %dma_wait3A_258 = tpu.memref_slice %arg7[%dma_wait3A_256, %dma_wait3A_257] : memref<2x128xi32, #tpu.memory_space<vmem>> -> memref<1x128xi32, #tpu.memory_space<vmem>>
            %dma_wait3A_259 = tpu.memref_squeeze %dma_wait3A_258 : memref<1x128xi32, #tpu.memory_space<vmem>> -> memref<128xi32, #tpu.memory_space<vmem>>
            %dma_wait3A_260 = arith.constant 0 : i32
            %dma_wait3A_261 = arith.constant 0 : i32
            %dma_wait3A_262 = tpu.memref_slice %arg5[%dma_wait3A_260, %dma_wait3A_261] : memref<10000x128xf32, #tpu.memory_space<vmem_shared>> -> memref<10000x128xf32, #tpu.memory_space<vmem_shared>>
            tpu.wait_indirect_dma semaphore(%arg16 : memref<!tpu.dma_semaphore, #tpu.memory_space<semaphore_mem>>) src(%arg10 : memref<128x128xf32, #tpu.memory_space<vmem>>) dst(%dma_wait3A_262 : memref<10000x128xf32, #tpu.memory_space<vmem_shared>>)
          } else {
          }
          %add3A_244 = arith.constant 1 : i32
          %add3A_245 = arith.addi %while3A_159, %add3A_244 : i32
          %mul3A_246 = arith.constant 32 : i32
          %mul3A_247 = arith.muli %add3A_245, %mul3A_246 : i32
          %add3A_248 = arith.addi %add3A, %mul3A_247 : i32
          "tpu.region"() ({
            %run_scoped3A = tpu.sem_alloc : memref<!tpu.dma_semaphore, #tpu.memory_space<semaphore_mem>>
            %dma_start3A_256 = arith.constant 0 : i32
            %dma_start3A_257 = arith.constant 0 : i32
            %dma_start3A_258 = tpu.memref_slice %arg3[%add3A_248, %dma_start3A_256, %dma_start3A_257] : memref<2500x2x128xi32, #tpu.memory_space<hbm>> -> memref<1x2x128xi32, #tpu.memory_space<hbm>>
            %dma_start3A_259 = tpu.memref_squeeze %dma_start3A_258 : memref<1x2x128xi32, #tpu.memory_space<hbm>> -> memref<2x128xi32, #tpu.memory_space<hbm>>
            %dma_start3A_260 = arith.constant 0 : i32
            %dma_start3A_261 = arith.constant 0 : i32
            %dma_start3A_262 = tpu.memref_slice %arg3[%add3A_248, %dma_start3A_260, %dma_start3A_261] : memref<2500x2x128xi32, #tpu.memory_space<hbm>> -> memref<1x2x128xi32, #tpu.memory_space<hbm>>
            %dma_start3A_263 = tpu.memref_squeeze %dma_start3A_262 : memref<1x2x128xi32, #tpu.memory_space<hbm>> -> memref<2x128xi32, #tpu.memory_space<hbm>>
            tpu.enqueue_dma source(%dma_start3A_263 : memref<2x128xi32, #tpu.memory_space<hbm>>) target(%arg7 : memref<2x128xi32, #tpu.memory_space<vmem>>) target_semaphore(%run_scoped3A : memref<!tpu.dma_semaphore, #tpu.memory_space<semaphore_mem>>)
            %dma_wait3A_264 = arith.constant 0 : i32
            %dma_wait3A_265 = arith.constant 0 : i32
            %dma_wait3A_266 = tpu.memref_slice %arg3[%add3A_248, %dma_wait3A_264, %dma_wait3A_265] : memref<2500x2x128xi32, #tpu.memory_space<hbm>> -> memref<1x2x128xi32, #tpu.memory_space<hbm>>
            %dma_wait3A_267 = tpu.memref_squeeze %dma_wait3A_266 : memref<1x2x128xi32, #tpu.memory_space<hbm>> -> memref<2x128xi32, #tpu.memory_space<hbm>>
            %dma_wait3A_268 = arith.constant 0 : i32
            %dma_wait3A_269 = arith.constant 0 : i32
            %dma_wait3A_270 = tpu.memref_slice %arg3[%add3A_248, %dma_wait3A_268, %dma_wait3A_269] : memref<2500x2x128xi32, #tpu.memory_space<hbm>> -> memref<1x2x128xi32, #tpu.memory_space<hbm>>
            %dma_wait3A_271 = tpu.memref_squeeze %dma_wait3A_270 : memref<1x2x128xi32, #tpu.memory_space<hbm>> -> memref<2x128xi32, #tpu.memory_space<hbm>>
            tpu.wait_dma2 semaphore(%run_scoped3A : memref<!tpu.dma_semaphore, #tpu.memory_space<semaphore_mem>>) src(%dma_wait3A_271 : memref<2x128xi32, #tpu.memory_space<hbm>>) dst(%arg7 : memref<2x128xi32, #tpu.memory_space<vmem>>)
            tpu.yield
          }) : () -> ()
          %dma_start3A_249 = arith.constant 0 : i32
          %dma_start3A_250 = arith.constant 0 : i32
          %dma_start3A_251 = tpu.memref_slice %arg7[%dma_start3A_249, %dma_start3A_250] : memref<2x128xi32, #tpu.memory_space<vmem>> -> memref<1x128xi32, #tpu.memory_space<vmem>>
          %dma_start3A_252 = tpu.memref_squeeze %dma_start3A_251 : memref<1x128xi32, #tpu.memory_space<vmem>> -> memref<128xi32, #tpu.memory_space<vmem>>
          %dma_start3A_253 = arith.constant 0 : i32
          %dma_start3A_254 = arith.constant 0 : i32
          %dma_start3A_255 = tpu.memref_slice %arg2[%dma_start3A_253, %dma_start3A_254] : memref<10000x128xf32, #tpu.memory_space<hbm>> -> memref<10000x128xf32, #tpu.memory_space<hbm>>
          tpu.enqueue_indirect_dma source(%dma_start3A_255 : memref<10000x128xf32, #tpu.memory_space<hbm>>) target(%arg10 : memref<128x128xf32, #tpu.memory_space<vmem>>) offsets(%dma_start3A_252 : memref<128xi32, #tpu.memory_space<vmem>>) semaphore(%arg13 : memref<!tpu.dma_semaphore, #tpu.memory_space<semaphore_mem>>)
        } else {
        }
        %dma_wait3A_227 = arith.constant 0 : i32
        %dma_wait3A_228 = arith.constant 0 : i32
        %dma_wait3A_229 = tpu.memref_slice %arg2[%dma_wait3A_227, %dma_wait3A_228] : memref<10000x128xf32, #tpu.memory_space<hbm>> -> memref<128x128xf32, #tpu.memory_space<hbm>>
        %dma_wait3A_230 = arith.constant 0 : i32
        %dma_wait3A_231 = arith.constant 0 : i32
        %dma_wait3A_232 = tpu.memref_slice %arg2[%dma_wait3A_230, %dma_wait3A_231] : memref<10000x128xf32, #tpu.memory_space<hbm>> -> memref<128x128xf32, #tpu.memory_space<hbm>>
        tpu.wait_dma2 semaphore(%arg12 : memref<!tpu.dma_semaphore, #tpu.memory_space<semaphore_mem>>) src(%dma_wait3A_232 : memref<128x128xf32, #tpu.memory_space<hbm>>) dst(%arg9 : memref<128x128xf32, #tpu.memory_space<vmem>>)
        %dma_start3A_233 = arith.constant 1 : i32
        %dma_start3A_234 = arith.constant 0 : i32
        %dma_start3A_235 = tpu.memref_slice %arg6[%dma_start3A_233, %dma_start3A_234] : memref<2x128xi32, #tpu.memory_space<vmem>> -> memref<1x128xi32, #tpu.memory_space<vmem>>
        %dma_start3A_236 = tpu.memref_squeeze %dma_start3A_235 : memref<1x128xi32, #tpu.memory_space<vmem>> -> memref<128xi32, #tpu.memory_space<vmem>>
        %dma_start3A_237 = arith.constant 0 : i32
        %dma_start3A_238 = arith.constant 0 : i32
        %dma_start3A_239 = tpu.memref_slice %arg5[%dma_start3A_237, %dma_start3A_238] : memref<10000x128xf32, #tpu.memory_space<vmem_shared>> -> memref<10000x128xf32, #tpu.memory_space<vmem_shared>>
        tpu.enqueue_indirect_dma source(%arg9 : memref<128x128xf32, #tpu.memory_space<vmem>>) target(%dma_start3A_239 : memref<10000x128xf32, #tpu.memory_space<vmem_shared>>) offsets(%dma_start3A_236 : memref<128xi32, #tpu.memory_space<vmem>>) semaphore(%arg15 : memref<!tpu.dma_semaphore, #tpu.memory_space<semaphore_mem>>) {add = true}
      } else {
      }
      %jit3A_178 = arith.constant 3 : i32
      %eq3A_179 = arith.constant 0 : i32
      %eq3A_180 = arith.cmpi eq, %jit3A_178, %eq3A_179 : i32
      %jit3A_181 = arith.constant 1 : i32
      %select_n3A_182 = arith.select %eq3A_180, %jit3A_181, %jit3A_178 : i32
      %rem3A_183 = arith.remsi %while3A_159, %select_n3A_182 : i32
      %ne3A_184 = arith.constant 0 : i32
      %ne3A_185 = arith.cmpi ne, %rem3A_183, %ne3A_184 : i32
      %lt3A_186 = arith.constant 0 : i32
      %lt3A_187 = arith.cmpi slt, %rem3A_183, %lt3A_186 : i32
      %lt3A_188 = arith.constant 0 : i32
      %lt3A_189 = arith.cmpi slt, %select_n3A_182, %lt3A_188 : i32
      %ne3A_190 = arith.xori %lt3A_187, %lt3A_189 : i1
      %and3A_191 = arith.andi %ne3A_190, %ne3A_185 : i1
      %add3A_192 = arith.addi %rem3A_183, %select_n3A_182 : i32
      %select_n3A_193 = arith.select %and3A_191, %add3A_192, %rem3A_183 : i32
      %eq3A_194 = arith.constant 1 : i32
      %eq3A_195 = arith.cmpi eq, %select_n3A_193, %eq3A_194 : i32
      %convert_element_type3A_196 = arith.extui %eq3A_195 : i1 to i32
      %cond3A_197 = arith.constant 0 : i32
      %cond3A_198 = arith.cmpi ne, %convert_element_type3A_196, %cond3A_197 : i32
      scf.if %cond3A_198 {
        %add3A_221 = arith.constant 1 : i32
        %add3A_222 = arith.addi %while3A_159, %add3A_221 : i32
        %lt3A_223 = arith.cmpi slt, %add3A_222, %select_n3A : i32
        %convert_element_type3A_224 = arith.extui %lt3A_223 : i1 to i32
        %cond3A_225 = arith.constant 0 : i32
        %cond3A_226 = arith.cmpi ne, %convert_element_type3A_224, %cond3A_225 : i32
        scf.if %cond3A_226 {
          %ge3A = arith.constant 2 : i32
          %ge3A_240 = arith.cmpi sge, %while3A_159, %ge3A : i32
          %convert_element_type3A_241 = arith.extui %ge3A_240 : i1 to i32
          %cond3A_242 = arith.constant 0 : i32
          %cond3A_243 = arith.cmpi ne, %convert_element_type3A_241, %cond3A_242 : i32
          scf.if %cond3A_243 {
            %dma_wait3A_256 = arith.constant 1 : i32
            %dma_wait3A_257 = arith.constant 0 : i32
            %dma_wait3A_258 = tpu.memref_slice %arg8[%dma_wait3A_256, %dma_wait3A_257] : memref<2x128xi32, #tpu.memory_space<vmem>> -> memref<1x128xi32, #tpu.memory_space<vmem>>
            %dma_wait3A_259 = tpu.memref_squeeze %dma_wait3A_258 : memref<1x128xi32, #tpu.memory_space<vmem>> -> memref<128xi32, #tpu.memory_space<vmem>>
            %dma_wait3A_260 = arith.constant 0 : i32
            %dma_wait3A_261 = arith.constant 0 : i32
            %dma_wait3A_262 = tpu.memref_slice %arg5[%dma_wait3A_260, %dma_wait3A_261] : memref<10000x128xf32, #tpu.memory_space<vmem_shared>> -> memref<10000x128xf32, #tpu.memory_space<vmem_shared>>
            tpu.wait_indirect_dma semaphore(%arg17 : memref<!tpu.dma_semaphore, #tpu.memory_space<semaphore_mem>>) src(%arg11 : memref<128x128xf32, #tpu.memory_space<vmem>>) dst(%dma_wait3A_262 : memref<10000x128xf32, #tpu.memory_space<vmem_shared>>)
          } else {
          }
          %add3A_244 = arith.constant 1 : i32
          %add3A_245 = arith.addi %while3A_159, %add3A_244 : i32
          %mul3A_246 = arith.constant 32 : i32
          %mul3A_247 = arith.muli %add3A_245, %mul3A_246 : i32
          %add3A_248 = arith.addi %add3A, %mul3A_247 : i32
          "tpu.region"() ({
            %run_scoped3A = tpu.sem_alloc : memref<!tpu.dma_semaphore, #tpu.memory_space<semaphore_mem>>
            %dma_start3A_256 = arith.constant 0 : i32
            %dma_start3A_257 = arith.constant 0 : i32
            %dma_start3A_258 = tpu.memref_slice %arg3[%add3A_248, %dma_start3A_256, %dma_start3A_257] : memref<2500x2x128xi32, #tpu.memory_space<hbm>> -> memref<1x2x128xi32, #tpu.memory_space<hbm>>
            %dma_start3A_259 = tpu.memref_squeeze %dma_start3A_258 : memref<1x2x128xi32, #tpu.memory_space<hbm>> -> memref<2x128xi32, #tpu.memory_space<hbm>>
            %dma_start3A_260 = arith.constant 0 : i32
            %dma_start3A_261 = arith.constant 0 : i32
            %dma_start3A_262 = tpu.memref_slice %arg3[%add3A_248, %dma_start3A_260, %dma_start3A_261] : memref<2500x2x128xi32, #tpu.memory_space<hbm>> -> memref<1x2x128xi32, #tpu.memory_space<hbm>>
            %dma_start3A_263 = tpu.memref_squeeze %dma_start3A_262 : memref<1x2x128xi32, #tpu.memory_space<hbm>> -> memref<2x128xi32, #tpu.memory_space<hbm>>
            tpu.enqueue_dma source(%dma_start3A_263 : memref<2x128xi32, #tpu.memory_space<hbm>>) target(%arg8 : memref<2x128xi32, #tpu.memory_space<vmem>>) target_semaphore(%run_scoped3A : memref<!tpu.dma_semaphore, #tpu.memory_space<semaphore_mem>>)
            %dma_wait3A_264 = arith.constant 0 : i32
            %dma_wait3A_265 = arith.constant 0 : i32
            %dma_wait3A_266 = tpu.memref_slice %arg3[%add3A_248, %dma_wait3A_264, %dma_wait3A_265] : memref<2500x2x128xi32, #tpu.memory_space<hbm>> -> memref<1x2x128xi32, #tpu.memory_space<hbm>>
            %dma_wait3A_267 = tpu.memref_squeeze %dma_wait3A_266 : memref<1x2x128xi32, #tpu.memory_space<hbm>> -> memref<2x128xi32, #tpu.memory_space<hbm>>
            %dma_wait3A_268 = arith.constant 0 : i32
            %dma_wait3A_269 = arith.constant 0 : i32
            %dma_wait3A_270 = tpu.memref_slice %arg3[%add3A_248, %dma_wait3A_268, %dma_wait3A_269] : memref<2500x2x128xi32, #tpu.memory_space<hbm>> -> memref<1x2x128xi32, #tpu.memory_space<hbm>>
            %dma_wait3A_271 = tpu.memref_squeeze %dma_wait3A_270 : memref<1x2x128xi32, #tpu.memory_space<hbm>> -> memref<2x128xi32, #tpu.memory_space<hbm>>
            tpu.wait_dma2 semaphore(%run_scoped3A : memref<!tpu.dma_semaphore, #tpu.memory_space<semaphore_mem>>) src(%dma_wait3A_271 : memref<2x128xi32, #tpu.memory_space<hbm>>) dst(%arg8 : memref<2x128xi32, #tpu.memory_space<vmem>>)
            tpu.yield
          }) : () -> ()
          %dma_start3A_249 = arith.constant 0 : i32
          %dma_start3A_250 = arith.constant 0 : i32
          %dma_start3A_251 = tpu.memref_slice %arg8[%dma_start3A_249, %dma_start3A_250] : memref<2x128xi32, #tpu.memory_space<vmem>> -> memref<1x128xi32, #tpu.memory_space<vmem>>
          %dma_start3A_252 = tpu.memref_squeeze %dma_start3A_251 : memref<1x128xi32, #tpu.memory_space<vmem>> -> memref<128xi32, #tpu.memory_space<vmem>>
          %dma_start3A_253 = arith.constant 0 : i32
          %dma_start3A_254 = arith.constant 0 : i32
          %dma_start3A_255 = tpu.memref_slice %arg2[%dma_start3A_253, %dma_start3A_254] : memref<10000x128xf32, #tpu.memory_space<hbm>> -> memref<10000x128xf32, #tpu.memory_space<hbm>>
          tpu.enqueue_indirect_dma source(%dma_start3A_255 : memref<10000x128xf32, #tpu.memory_space<hbm>>) target(%arg11 : memref<128x128xf32, #tpu.memory_space<vmem>>) offsets(%dma_start3A_252 : memref<128xi32, #tpu.memory_space<vmem>>) semaphore(%arg14 : memref<!tpu.dma_semaphore, #tpu.memory_space<semaphore_mem>>)
        } else {
        }
        %dma_wait3A_227 = arith.constant 0 : i32
        %dma_wait3A_228 = arith.constant 0 : i32
        %dma_wait3A_229 = tpu.memref_slice %arg2[%dma_wait3A_227, %dma_wait3A_228] : memref<10000x128xf32, #tpu.memory_space<hbm>> -> memref<128x128xf32, #tpu.memory_space<hbm>>
        %dma_wait3A_230 = arith.constant 0 : i32
        %dma_wait3A_231 = arith.constant 0 : i32
        %dma_wait3A_232 = tpu.memref_slice %arg2[%dma_wait3A_230, %dma_wait3A_231] : memref<10000x128xf32, #tpu.memory_space<hbm>> -> memref<128x128xf32, #tpu.memory_space<hbm>>
        tpu.wait_dma2 semaphore(%arg13 : memref<!tpu.dma_semaphore, #tpu.memory_space<semaphore_mem>>) src(%dma_wait3A_232 : memref<128x128xf32, #tpu.memory_space<hbm>>) dst(%arg10 : memref<128x128xf32, #tpu.memory_space<vmem>>)
        %dma_start3A_233 = arith.constant 1 : i32
        %dma_start3A_234 = arith.constant 0 : i32
        %dma_start3A_235 = tpu.memref_slice %arg7[%dma_start3A_233, %dma_start3A_234] : memref<2x128xi32, #tpu.memory_space<vmem>> -> memref<1x128xi32, #tpu.memory_space<vmem>>
        %dma_start3A_236 = tpu.memref_squeeze %dma_start3A_235 : memref<1x128xi32, #tpu.memory_space<vmem>> -> memref<128xi32, #tpu.memory_space<vmem>>
        %dma_start3A_237 = arith.constant 0 : i32
        %dma_start3A_238 = arith.constant 0 : i32
        %dma_start3A_239 = tpu.memref_slice %arg5[%dma_start3A_237, %dma_start3A_238] : memref<10000x128xf32, #tpu.memory_space<vmem_shared>> -> memref<10000x128xf32, #tpu.memory_space<vmem_shared>>
        tpu.enqueue_indirect_dma source(%arg10 : memref<128x128xf32, #tpu.memory_space<vmem>>) target(%dma_start3A_239 : memref<10000x128xf32, #tpu.memory_space<vmem_shared>>) offsets(%dma_start3A_236 : memref<128xi32, #tpu.memory_space<vmem>>) semaphore(%arg16 : memref<!tpu.dma_semaphore, #tpu.memory_space<semaphore_mem>>) {add = true}
      } else {
      }
      %jit3A_199 = arith.constant 3 : i32
      %eq3A_200 = arith.constant 0 : i32
      %eq3A_201 = arith.cmpi eq, %jit3A_199, %eq3A_200 : i32
      %jit3A_202 = arith.constant 1 : i32
      %select_n3A_203 = arith.select %eq3A_201, %jit3A_202, %jit3A_199 : i32
      %rem3A_204 = arith.remsi %while3A_159, %select_n3A_203 : i32
      %ne3A_205 = arith.constant 0 : i32
      %ne3A_206 = arith.cmpi ne, %rem3A_204, %ne3A_205 : i32
      %lt3A_207 = arith.constant 0 : i32
      %lt3A_208 = arith.cmpi slt, %rem3A_204, %lt3A_207 : i32
      %lt3A_209 = arith.constant 0 : i32
      %lt3A_210 = arith.cmpi slt, %select_n3A_203, %lt3A_209 : i32
      %ne3A_211 = arith.xori %lt3A_208, %lt3A_210 : i1
      %and3A_212 = arith.andi %ne3A_211, %ne3A_206 : i1
      %add3A_213 = arith.addi %rem3A_204, %select_n3A_203 : i32
      %select_n3A_214 = arith.select %and3A_212, %add3A_213, %rem3A_204 : i32
      %eq3A_215 = arith.constant 2 : i32
      %eq3A_216 = arith.cmpi eq, %select_n3A_214, %eq3A_215 : i32
      %convert_element_type3A_217 = arith.extui %eq3A_216 : i1 to i32
      %cond3A_218 = arith.constant 0 : i32
      %cond3A_219 = arith.cmpi ne, %convert_element_type3A_217, %cond3A_218 : i32
      scf.if %cond3A_219 {
        %add3A_221 = arith.constant 1 : i32
        %add3A_222 = arith.addi %while3A_159, %add3A_221 : i32
        %lt3A_223 = arith.cmpi slt, %add3A_222, %select_n3A : i32
        %convert_element_type3A_224 = arith.extui %lt3A_223 : i1 to i32
        %cond3A_225 = arith.constant 0 : i32
        %cond3A_226 = arith.cmpi ne, %convert_element_type3A_224, %cond3A_225 : i32
        scf.if %cond3A_226 {
          %ge3A = arith.constant 2 : i32
          %ge3A_240 = arith.cmpi sge, %while3A_159, %ge3A : i32
          %convert_element_type3A_241 = arith.extui %ge3A_240 : i1 to i32
          %cond3A_242 = arith.constant 0 : i32
          %cond3A_243 = arith.cmpi ne, %convert_element_type3A_241, %cond3A_242 : i32
          scf.if %cond3A_243 {
            %dma_wait3A_256 = arith.constant 1 : i32
            %dma_wait3A_257 = arith.constant 0 : i32
            %dma_wait3A_258 = tpu.memref_slice %arg6[%dma_wait3A_256, %dma_wait3A_257] : memref<2x128xi32, #tpu.memory_space<vmem>> -> memref<1x128xi32, #tpu.memory_space<vmem>>
            %dma_wait3A_259 = tpu.memref_squeeze %dma_wait3A_258 : memref<1x128xi32, #tpu.memory_space<vmem>> -> memref<128xi32, #tpu.memory_space<vmem>>
            %dma_wait3A_260 = arith.constant 0 : i32
            %dma_wait3A_261 = arith.constant 0 : i32
            %dma_wait3A_262 = tpu.memref_slice %arg5[%dma_wait3A_260, %dma_wait3A_261] : memref<10000x128xf32, #tpu.memory_space<vmem_shared>> -> memref<10000x128xf32, #tpu.memory_space<vmem_shared>>
            tpu.wait_indirect_dma semaphore(%arg15 : memref<!tpu.dma_semaphore, #tpu.memory_space<semaphore_mem>>) src(%arg9 : memref<128x128xf32, #tpu.memory_space<vmem>>) dst(%dma_wait3A_262 : memref<10000x128xf32, #tpu.memory_space<vmem_shared>>)
          } else {
          }
          %add3A_244 = arith.constant 1 : i32
          %add3A_245 = arith.addi %while3A_159, %add3A_244 : i32
          %mul3A_246 = arith.constant 32 : i32
          %mul3A_247 = arith.muli %add3A_245, %mul3A_246 : i32
          %add3A_248 = arith.addi %add3A, %mul3A_247 : i32
          "tpu.region"() ({
            %run_scoped3A = tpu.sem_alloc : memref<!tpu.dma_semaphore, #tpu.memory_space<semaphore_mem>>
            %dma_start3A_256 = arith.constant 0 : i32
            %dma_start3A_257 = arith.constant 0 : i32
            %dma_start3A_258 = tpu.memref_slice %arg3[%add3A_248, %dma_start3A_256, %dma_start3A_257] : memref<2500x2x128xi32, #tpu.memory_space<hbm>> -> memref<1x2x128xi32, #tpu.memory_space<hbm>>
            %dma_start3A_259 = tpu.memref_squeeze %dma_start3A_258 : memref<1x2x128xi32, #tpu.memory_space<hbm>> -> memref<2x128xi32, #tpu.memory_space<hbm>>
            %dma_start3A_260 = arith.constant 0 : i32
            %dma_start3A_261 = arith.constant 0 : i32
            %dma_start3A_262 = tpu.memref_slice %arg3[%add3A_248, %dma_start3A_260, %dma_start3A_261] : memref<2500x2x128xi32, #tpu.memory_space<hbm>> -> memref<1x2x128xi32, #tpu.memory_space<hbm>>
            %dma_start3A_263 = tpu.memref_squeeze %dma_start3A_262 : memref<1x2x128xi32, #tpu.memory_space<hbm>> -> memref<2x128xi32, #tpu.memory_space<hbm>>
            tpu.enqueue_dma source(%dma_start3A_263 : memref<2x128xi32, #tpu.memory_space<hbm>>) target(%arg6 : memref<2x128xi32, #tpu.memory_space<vmem>>) target_semaphore(%run_scoped3A : memref<!tpu.dma_semaphore, #tpu.memory_space<semaphore_mem>>)
            %dma_wait3A_264 = arith.constant 0 : i32
            %dma_wait3A_265 = arith.constant 0 : i32
            %dma_wait3A_266 = tpu.memref_slice %arg3[%add3A_248, %dma_wait3A_264, %dma_wait3A_265] : memref<2500x2x128xi32, #tpu.memory_space<hbm>> -> memref<1x2x128xi32, #tpu.memory_space<hbm>>
            %dma_wait3A_267 = tpu.memref_squeeze %dma_wait3A_266 : memref<1x2x128xi32, #tpu.memory_space<hbm>> -> memref<2x128xi32, #tpu.memory_space<hbm>>
            %dma_wait3A_268 = arith.constant 0 : i32
            %dma_wait3A_269 = arith.constant 0 : i32
            %dma_wait3A_270 = tpu.memref_slice %arg3[%add3A_248, %dma_wait3A_268, %dma_wait3A_269] : memref<2500x2x128xi32, #tpu.memory_space<hbm>> -> memref<1x2x128xi32, #tpu.memory_space<hbm>>
            %dma_wait3A_271 = tpu.memref_squeeze %dma_wait3A_270 : memref<1x2x128xi32, #tpu.memory_space<hbm>> -> memref<2x128xi32, #tpu.memory_space<hbm>>
            tpu.wait_dma2 semaphore(%run_scoped3A : memref<!tpu.dma_semaphore, #tpu.memory_space<semaphore_mem>>) src(%dma_wait3A_271 : memref<2x128xi32, #tpu.memory_space<hbm>>) dst(%arg6 : memref<2x128xi32, #tpu.memory_space<vmem>>)
            tpu.yield
          }) : () -> ()
          %dma_start3A_249 = arith.constant 0 : i32
          %dma_start3A_250 = arith.constant 0 : i32
          %dma_start3A_251 = tpu.memref_slice %arg6[%dma_start3A_249, %dma_start3A_250] : memref<2x128xi32, #tpu.memory_space<vmem>> -> memref<1x128xi32, #tpu.memory_space<vmem>>
          %dma_start3A_252 = tpu.memref_squeeze %dma_start3A_251 : memref<1x128xi32, #tpu.memory_space<vmem>> -> memref<128xi32, #tpu.memory_space<vmem>>
          %dma_start3A_253 = arith.constant 0 : i32
          %dma_start3A_254 = arith.constant 0 : i32
          %dma_start3A_255 = tpu.memref_slice %arg2[%dma_start3A_253, %dma_start3A_254] : memref<10000x128xf32, #tpu.memory_space<hbm>> -> memref<10000x128xf32, #tpu.memory_space<hbm>>
          tpu.enqueue_indirect_dma source(%dma_start3A_255 : memref<10000x128xf32, #tpu.memory_space<hbm>>) target(%arg9 : memref<128x128xf32, #tpu.memory_space<vmem>>) offsets(%dma_start3A_252 : memref<128xi32, #tpu.memory_space<vmem>>) semaphore(%arg12 : memref<!tpu.dma_semaphore, #tpu.memory_space<semaphore_mem>>)
        } else {
        }
        %dma_wait3A_227 = arith.constant 0 : i32
        %dma_wait3A_228 = arith.constant 0 : i32
        %dma_wait3A_229 = tpu.memref_slice %arg2[%dma_wait3A_227, %dma_wait3A_228] : memref<10000x128xf32, #tpu.memory_space<hbm>> -> memref<128x128xf32, #tpu.memory_space<hbm>>
        %dma_wait3A_230 = arith.constant 0 : i32
        %dma_wait3A_231 = arith.constant 0 : i32
        %dma_wait3A_232 = tpu.memref_slice %arg2[%dma_wait3A_230, %dma_wait3A_231] : memref<10000x128xf32, #tpu.memory_space<hbm>> -> memref<128x128xf32, #tpu.memory_space<hbm>>
        tpu.wait_dma2 semaphore(%arg14 : memref<!tpu.dma_semaphore, #tpu.memory_space<semaphore_mem>>) src(%dma_wait3A_232 : memref<128x128xf32, #tpu.memory_space<hbm>>) dst(%arg11 : memref<128x128xf32, #tpu.memory_space<vmem>>)
        %dma_start3A_233 = arith.constant 1 : i32
        %dma_start3A_234 = arith.constant 0 : i32
        %dma_start3A_235 = tpu.memref_slice %arg8[%dma_start3A_233, %dma_start3A_234] : memref<2x128xi32, #tpu.memory_space<vmem>> -> memref<1x128xi32, #tpu.memory_space<vmem>>
        %dma_start3A_236 = tpu.memref_squeeze %dma_start3A_235 : memref<1x128xi32, #tpu.memory_space<vmem>> -> memref<128xi32, #tpu.memory_space<vmem>>
        %dma_start3A_237 = arith.constant 0 : i32
        %dma_start3A_238 = arith.constant 0 : i32
        %dma_start3A_239 = tpu.memref_slice %arg5[%dma_start3A_237, %dma_start3A_238] : memref<10000x128xf32, #tpu.memory_space<vmem_shared>> -> memref<10000x128xf32, #tpu.memory_space<vmem_shared>>
        tpu.enqueue_indirect_dma source(%arg11 : memref<128x128xf32, #tpu.memory_space<vmem>>) target(%dma_start3A_239 : memref<10000x128xf32, #tpu.memory_space<vmem_shared>>) offsets(%dma_start3A_236 : memref<128xi32, #tpu.memory_space<vmem>>) semaphore(%arg17 : memref<!tpu.dma_semaphore, #tpu.memory_space<semaphore_mem>>) {add = true}
      } else {
      }
      %while3A_220 = arith.constant 0 : i32
      scf.yield %while3A_220 : i32
    }
    %dma_wait3A = arith.constant 1 : i32
    %dma_wait3A_82 = arith.constant 0 : i32
    %dma_wait3A_83 = tpu.memref_slice %arg6[%dma_wait3A, %dma_wait3A_82] : memref<2x128xi32, #tpu.memory_space<vmem>> -> memref<1x128xi32, #tpu.memory_space<vmem>>
    %dma_wait3A_84 = tpu.memref_squeeze %dma_wait3A_83 : memref<1x128xi32, #tpu.memory_space<vmem>> -> memref<128xi32, #tpu.memory_space<vmem>>
    %dma_wait3A_85 = arith.constant 0 : i32
    %dma_wait3A_86 = arith.constant 0 : i32
    %dma_wait3A_87 = tpu.memref_slice %arg5[%dma_wait3A_85, %dma_wait3A_86] : memref<10000x128xf32, #tpu.memory_space<vmem_shared>> -> memref<10000x128xf32, #tpu.memory_space<vmem_shared>>
    tpu.wait_indirect_dma semaphore(%arg15 : memref<!tpu.dma_semaphore, #tpu.memory_space<semaphore_mem>>) src(%arg9 : memref<128x128xf32, #tpu.memory_space<vmem>>) dst(%dma_wait3A_87 : memref<10000x128xf32, #tpu.memory_space<vmem_shared>>)
    %dma_wait3A_88 = arith.constant 1 : i32
    %dma_wait3A_89 = arith.constant 0 : i32
    %dma_wait3A_90 = tpu.memref_slice %arg7[%dma_wait3A_88, %dma_wait3A_89] : memref<2x128xi32, #tpu.memory_space<vmem>> -> memref<1x128xi32, #tpu.memory_space<vmem>>
    %dma_wait3A_91 = tpu.memref_squeeze %dma_wait3A_90 : memref<1x128xi32, #tpu.memory_space<vmem>> -> memref<128xi32, #tpu.memory_space<vmem>>
    %dma_wait3A_92 = arith.constant 0 : i32
    %dma_wait3A_93 = arith.constant 0 : i32
    %dma_wait3A_94 = tpu.memref_slice %arg5[%dma_wait3A_92, %dma_wait3A_93] : memref<10000x128xf32, #tpu.memory_space<vmem_shared>> -> memref<10000x128xf32, #tpu.memory_space<vmem_shared>>
    tpu.wait_indirect_dma semaphore(%arg16 : memref<!tpu.dma_semaphore, #tpu.memory_space<semaphore_mem>>) src(%arg10 : memref<128x128xf32, #tpu.memory_space<vmem>>) dst(%dma_wait3A_94 : memref<10000x128xf32, #tpu.memory_space<vmem_shared>>)
    %dma_wait3A_95 = arith.constant 1 : i32
    %dma_wait3A_96 = arith.constant 0 : i32
    %dma_wait3A_97 = tpu.memref_slice %arg8[%dma_wait3A_95, %dma_wait3A_96] : memref<2x128xi32, #tpu.memory_space<vmem>> -> memref<1x128xi32, #tpu.memory_space<vmem>>
    %dma_wait3A_98 = tpu.memref_squeeze %dma_wait3A_97 : memref<1x128xi32, #tpu.memory_space<vmem>> -> memref<128xi32, #tpu.memory_space<vmem>>
    %dma_wait3A_99 = arith.constant 0 : i32
    %dma_wait3A_100 = arith.constant 0 : i32
    %dma_wait3A_101 = tpu.memref_slice %arg5[%dma_wait3A_99, %dma_wait3A_100] : memref<10000x128xf32, #tpu.memory_space<vmem_shared>> -> memref<10000x128xf32, #tpu.memory_space<vmem_shared>>
    tpu.wait_indirect_dma semaphore(%arg17 : memref<!tpu.dma_semaphore, #tpu.memory_space<semaphore_mem>>) src(%arg11 : memref<128x128xf32, #tpu.memory_space<vmem>>) dst(%dma_wait3A_101 : memref<10000x128xf32, #tpu.memory_space<vmem_shared>>)
    %barrier3A_102 = arith.constant 0 : index
    tpu.barrier barrier_id(%barrier3A_102)
    %add3A_103 = arith.constant 0 : i32
    %add3A_104 = arith.addi %arg1, %add3A_103 : i32
    %lt3A_105 = arith.constant 125 : i32
    %lt3A_106 = arith.cmpi slt, %add3A_104, %lt3A_105 : i32
    %convert_element_type3A_107 = arith.extui %lt3A_106 : i1 to i32
    %cond3A_108 = arith.constant 0 : i32
    %cond3A_109 = arith.cmpi ne, %convert_element_type3A_107, %cond3A_108 : i32
    scf.if %cond3A_109 {
      %mul3A_159 = arith.constant 80 : i32
      %mul3A_160 = arith.muli %add3A_104, %mul3A_159 : i32
      %mul3A_161 = arith.constant 10000 : i32
      %mul3A_162 = arith.muli %arg0, %mul3A_161 : i32
      %mul3A_163 = arith.constant 80 : i32
      %mul3A_164 = arith.muli %add3A_104, %mul3A_163 : i32
      %add3A_165 = arith.addi %mul3A_162, %mul3A_164 : i32
      "tpu.region"() ({
        %run_scoped3A = tpu.sem_alloc : memref<!tpu.dma_semaphore, #tpu.memory_space<semaphore_mem>>
        %dma_start3A_166 = arith.constant 0 : i32
        %dma_start3A_167 = tpu.memref_slice %arg4[%add3A_165, %dma_start3A_166] : memref<20000x128xf32, #tpu.memory_space<hbm>> -> memref<80x128xf32, #tpu.memory_space<hbm>>
        %dma_start3A_168 = arith.constant 0 : i32
        %dma_start3A_169 = tpu.memref_slice %arg5[%mul3A_160, %dma_start3A_168] : memref<10000x128xf32, #tpu.memory_space<vmem_shared>> -> memref<80x128xf32, #tpu.memory_space<vmem_shared>>
        tpu.enqueue_dma source(%dma_start3A_169 : memref<80x128xf32, #tpu.memory_space<vmem_shared>>) target(%dma_start3A_167 : memref<80x128xf32, #tpu.memory_space<hbm>>) target_semaphore(%run_scoped3A : memref<!tpu.dma_semaphore, #tpu.memory_space<semaphore_mem>>)
        %dma_wait3A_170 = arith.constant 0 : i32
        %dma_wait3A_171 = tpu.memref_slice %arg4[%add3A_165, %dma_wait3A_170] : memref<20000x128xf32, #tpu.memory_space<hbm>> -> memref<80x128xf32, #tpu.memory_space<hbm>>
        %dma_wait3A_172 = arith.constant 0 : i32
        %dma_wait3A_173 = tpu.memref_slice %arg5[%mul3A_160, %dma_wait3A_172] : memref<10000x128xf32, #tpu.memory_space<vmem_shared>> -> memref<80x128xf32, #tpu.memory_space<vmem_shared>>
        tpu.wait_dma2 semaphore(%run_scoped3A : memref<!tpu.dma_semaphore, #tpu.memory_space<semaphore_mem>>) src(%dma_wait3A_173 : memref<80x128xf32, #tpu.memory_space<vmem_shared>>) dst(%dma_wait3A_171 : memref<80x128xf32, #tpu.memory_space<hbm>>)
        tpu.yield
      }) : () -> ()
    } else {
    }
    %add3A_110 = arith.constant 16 : i32
    %add3A_111 = arith.addi %arg1, %add3A_110 : i32
    %lt3A_112 = arith.constant 125 : i32
    %lt3A_113 = arith.cmpi slt, %add3A_111, %lt3A_112 : i32
    %convert_element_type3A_114 = arith.extui %lt3A_113 : i1 to i32
    %cond3A_115 = arith.constant 0 : i32
    %cond3A_116 = arith.cmpi ne, %convert_element_type3A_114, %cond3A_115 : i32
    scf.if %cond3A_116 {
      %mul3A_159 = arith.constant 80 : i32
      %mul3A_160 = arith.muli %add3A_111, %mul3A_159 : i32
      %mul3A_161 = arith.constant 10000 : i32
      %mul3A_162 = arith.muli %arg0, %mul3A_161 : i32
      %mul3A_163 = arith.constant 80 : i32
      %mul3A_164 = arith.muli %add3A_111, %mul3A_163 : i32
      %add3A_165 = arith.addi %mul3A_162, %mul3A_164 : i32
      "tpu.region"() ({
        %run_scoped3A = tpu.sem_alloc : memref<!tpu.dma_semaphore, #tpu.memory_space<semaphore_mem>>
        %dma_start3A_166 = arith.constant 0 : i32
        %dma_start3A_167 = tpu.memref_slice %arg4[%add3A_165, %dma_start3A_166] : memref<20000x128xf32, #tpu.memory_space<hbm>> -> memref<80x128xf32, #tpu.memory_space<hbm>>
        %dma_start3A_168 = arith.constant 0 : i32
        %dma_start3A_169 = tpu.memref_slice %arg5[%mul3A_160, %dma_start3A_168] : memref<10000x128xf32, #tpu.memory_space<vmem_shared>> -> memref<80x128xf32, #tpu.memory_space<vmem_shared>>
        tpu.enqueue_dma source(%dma_start3A_169 : memref<80x128xf32, #tpu.memory_space<vmem_shared>>) target(%dma_start3A_167 : memref<80x128xf32, #tpu.memory_space<hbm>>) target_semaphore(%run_scoped3A : memref<!tpu.dma_semaphore, #tpu.memory_space<semaphore_mem>>)
        %dma_wait3A_170 = arith.constant 0 : i32
        %dma_wait3A_171 = tpu.memref_slice %arg4[%add3A_165, %dma_wait3A_170] : memref<20000x128xf32, #tpu.memory_space<hbm>> -> memref<80x128xf32, #tpu.memory_space<hbm>>
        %dma_wait3A_172 = arith.constant 0 : i32
        %dma_wait3A_173 = tpu.memref_slice %arg5[%mul3A_160, %dma_wait3A_172] : memref<10000x128xf32, #tpu.memory_space<vmem_shared>> -> memref<80x128xf32, #tpu.memory_space<vmem_shared>>
        tpu.wait_dma2 semaphore(%run_scoped3A : memref<!tpu.dma_semaphore, #tpu.memory_space<semaphore_mem>>) src(%dma_wait3A_173 : memref<80x128xf32, #tpu.memory_space<vmem_shared>>) dst(%dma_wait3A_171 : memref<80x128xf32, #tpu.memory_space<hbm>>)
        tpu.yield
      }) : () -> ()
    } else {
    }
    %add3A_117 = arith.constant 32 : i32
    %add3A_118 = arith.addi %arg1, %add3A_117 : i32
    %lt3A_119 = arith.constant 125 : i32
    %lt3A_120 = arith.cmpi slt, %add3A_118, %lt3A_119 : i32
    %convert_element_type3A_121 = arith.extui %lt3A_120 : i1 to i32
    %cond3A_122 = arith.constant 0 : i32
    %cond3A_123 = arith.cmpi ne, %convert_element_type3A_121, %cond3A_122 : i32
    scf.if %cond3A_123 {
      %mul3A_159 = arith.constant 80 : i32
      %mul3A_160 = arith.muli %add3A_118, %mul3A_159 : i32
      %mul3A_161 = arith.constant 10000 : i32
      %mul3A_162 = arith.muli %arg0, %mul3A_161 : i32
      %mul3A_163 = arith.constant 80 : i32
      %mul3A_164 = arith.muli %add3A_118, %mul3A_163 : i32
      %add3A_165 = arith.addi %mul3A_162, %mul3A_164 : i32
      "tpu.region"() ({
        %run_scoped3A = tpu.sem_alloc : memref<!tpu.dma_semaphore, #tpu.memory_space<semaphore_mem>>
        %dma_start3A_166 = arith.constant 0 : i32
        %dma_start3A_167 = tpu.memref_slice %arg4[%add3A_165, %dma_start3A_166] : memref<20000x128xf32, #tpu.memory_space<hbm>> -> memref<80x128xf32, #tpu.memory_space<hbm>>
        %dma_start3A_168 = arith.constant 0 : i32
        %dma_start3A_169 = tpu.memref_slice %arg5[%mul3A_160, %dma_start3A_168] : memref<10000x128xf32, #tpu.memory_space<vmem_shared>> -> memref<80x128xf32, #tpu.memory_space<vmem_shared>>
        tpu.enqueue_dma source(%dma_start3A_169 : memref<80x128xf32, #tpu.memory_space<vmem_shared>>) target(%dma_start3A_167 : memref<80x128xf32, #tpu.memory_space<hbm>>) target_semaphore(%run_scoped3A : memref<!tpu.dma_semaphore, #tpu.memory_space<semaphore_mem>>)
        %dma_wait3A_170 = arith.constant 0 : i32
        %dma_wait3A_171 = tpu.memref_slice %arg4[%add3A_165, %dma_wait3A_170] : memref<20000x128xf32, #tpu.memory_space<hbm>> -> memref<80x128xf32, #tpu.memory_space<hbm>>
        %dma_wait3A_172 = arith.constant 0 : i32
        %dma_wait3A_173 = tpu.memref_slice %arg5[%mul3A_160, %dma_wait3A_172] : memref<10000x128xf32, #tpu.memory_space<vmem_shared>> -> memref<80x128xf32, #tpu.memory_space<vmem_shared>>
        tpu.wait_dma2 semaphore(%run_scoped3A : memref<!tpu.dma_semaphore, #tpu.memory_space<semaphore_mem>>) src(%dma_wait3A_173 : memref<80x128xf32, #tpu.memory_space<vmem_shared>>) dst(%dma_wait3A_171 : memref<80x128xf32, #tpu.memory_space<hbm>>)
        tpu.yield
      }) : () -> ()
    } else {
    }
    %add3A_124 = arith.constant 48 : i32
    %add3A_125 = arith.addi %arg1, %add3A_124 : i32
    %lt3A_126 = arith.constant 125 : i32
    %lt3A_127 = arith.cmpi slt, %add3A_125, %lt3A_126 : i32
    %convert_element_type3A_128 = arith.extui %lt3A_127 : i1 to i32
    %cond3A_129 = arith.constant 0 : i32
    %cond3A_130 = arith.cmpi ne, %convert_element_type3A_128, %cond3A_129 : i32
    scf.if %cond3A_130 {
      %mul3A_159 = arith.constant 80 : i32
      %mul3A_160 = arith.muli %add3A_125, %mul3A_159 : i32
      %mul3A_161 = arith.constant 10000 : i32
      %mul3A_162 = arith.muli %arg0, %mul3A_161 : i32
      %mul3A_163 = arith.constant 80 : i32
      %mul3A_164 = arith.muli %add3A_125, %mul3A_163 : i32
      %add3A_165 = arith.addi %mul3A_162, %mul3A_164 : i32
      "tpu.region"() ({
        %run_scoped3A = tpu.sem_alloc : memref<!tpu.dma_semaphore, #tpu.memory_space<semaphore_mem>>
        %dma_start3A_166 = arith.constant 0 : i32
        %dma_start3A_167 = tpu.memref_slice %arg4[%add3A_165, %dma_start3A_166] : memref<20000x128xf32, #tpu.memory_space<hbm>> -> memref<80x128xf32, #tpu.memory_space<hbm>>
        %dma_start3A_168 = arith.constant 0 : i32
        %dma_start3A_169 = tpu.memref_slice %arg5[%mul3A_160, %dma_start3A_168] : memref<10000x128xf32, #tpu.memory_space<vmem_shared>> -> memref<80x128xf32, #tpu.memory_space<vmem_shared>>
        tpu.enqueue_dma source(%dma_start3A_169 : memref<80x128xf32, #tpu.memory_space<vmem_shared>>) target(%dma_start3A_167 : memref<80x128xf32, #tpu.memory_space<hbm>>) target_semaphore(%run_scoped3A : memref<!tpu.dma_semaphore, #tpu.memory_space<semaphore_mem>>)
        %dma_wait3A_170 = arith.constant 0 : i32
        %dma_wait3A_171 = tpu.memref_slice %arg4[%add3A_165, %dma_wait3A_170] : memref<20000x128xf32, #tpu.memory_space<hbm>> -> memref<80x128xf32, #tpu.memory_space<hbm>>
        %dma_wait3A_172 = arith.constant 0 : i32
        %dma_wait3A_173 = tpu.memref_slice %arg5[%mul3A_160, %dma_wait3A_172] : memref<10000x128xf32, #tpu.memory_space<vmem_shared>> -> memref<80x128xf32, #tpu.memory_space<vmem_shared>>
        tpu.wait_dma2 semaphore(%run_scoped3A : memref<!tpu.dma_semaphore, #tpu.memory_space<semaphore_mem>>) src(%dma_wait3A_173 : memref<80x128xf32, #tpu.memory_space<vmem_shared>>) dst(%dma_wait3A_171 : memref<80x128xf32, #tpu.memory_space<hbm>>)
        tpu.yield
      }) : () -> ()
    } else {
    }
    %add3A_131 = arith.constant 64 : i32
    %add3A_132 = arith.addi %arg1, %add3A_131 : i32
    %lt3A_133 = arith.constant 125 : i32
    %lt3A_134 = arith.cmpi slt, %add3A_132, %lt3A_133 : i32
    %convert_element_type3A_135 = arith.extui %lt3A_134 : i1 to i32
    %cond3A_136 = arith.constant 0 : i32
    %cond3A_137 = arith.cmpi ne, %convert_element_type3A_135, %cond3A_136 : i32
    scf.if %cond3A_137 {
      %mul3A_159 = arith.constant 80 : i32
      %mul3A_160 = arith.muli %add3A_132, %mul3A_159 : i32
      %mul3A_161 = arith.constant 10000 : i32
      %mul3A_162 = arith.muli %arg0, %mul3A_161 : i32
      %mul3A_163 = arith.constant 80 : i32
      %mul3A_164 = arith.muli %add3A_132, %mul3A_163 : i32
      %add3A_165 = arith.addi %mul3A_162, %mul3A_164 : i32
      "tpu.region"() ({
        %run_scoped3A = tpu.sem_alloc : memref<!tpu.dma_semaphore, #tpu.memory_space<semaphore_mem>>
        %dma_start3A_166 = arith.constant 0 : i32
        %dma_start3A_167 = tpu.memref_slice %arg4[%add3A_165, %dma_start3A_166] : memref<20000x128xf32, #tpu.memory_space<hbm>> -> memref<80x128xf32, #tpu.memory_space<hbm>>
        %dma_start3A_168 = arith.constant 0 : i32
        %dma_start3A_169 = tpu.memref_slice %arg5[%mul3A_160, %dma_start3A_168] : memref<10000x128xf32, #tpu.memory_space<vmem_shared>> -> memref<80x128xf32, #tpu.memory_space<vmem_shared>>
        tpu.enqueue_dma source(%dma_start3A_169 : memref<80x128xf32, #tpu.memory_space<vmem_shared>>) target(%dma_start3A_167 : memref<80x128xf32, #tpu.memory_space<hbm>>) target_semaphore(%run_scoped3A : memref<!tpu.dma_semaphore, #tpu.memory_space<semaphore_mem>>)
        %dma_wait3A_170 = arith.constant 0 : i32
        %dma_wait3A_171 = tpu.memref_slice %arg4[%add3A_165, %dma_wait3A_170] : memref<20000x128xf32, #tpu.memory_space<hbm>> -> memref<80x128xf32, #tpu.memory_space<hbm>>
        %dma_wait3A_172 = arith.constant 0 : i32
        %dma_wait3A_173 = tpu.memref_slice %arg5[%mul3A_160, %dma_wait3A_172] : memref<10000x128xf32, #tpu.memory_space<vmem_shared>> -> memref<80x128xf32, #tpu.memory_space<vmem_shared>>
        tpu.wait_dma2 semaphore(%run_scoped3A : memref<!tpu.dma_semaphore, #tpu.memory_space<semaphore_mem>>) src(%dma_wait3A_173 : memref<80x128xf32, #tpu.memory_space<vmem_shared>>) dst(%dma_wait3A_171 : memref<80x128xf32, #tpu.memory_space<hbm>>)
        tpu.yield
      }) : () -> ()
    } else {
    }
    %add3A_138 = arith.constant 80 : i32
    %add3A_139 = arith.addi %arg1, %add3A_138 : i32
    %lt3A_140 = arith.constant 125 : i32
    %lt3A_141 = arith.cmpi slt, %add3A_139, %lt3A_140 : i32
    %convert_element_type3A_142 = arith.extui %lt3A_141 : i1 to i32
    %cond3A_143 = arith.constant 0 : i32
    %cond3A_144 = arith.cmpi ne, %convert_element_type3A_142, %cond3A_143 : i32
    scf.if %cond3A_144 {
      %mul3A_159 = arith.constant 80 : i32
      %mul3A_160 = arith.muli %add3A_139, %mul3A_159 : i32
      %mul3A_161 = arith.constant 10000 : i32
      %mul3A_162 = arith.muli %arg0, %mul3A_161 : i32
      %mul3A_163 = arith.constant 80 : i32
      %mul3A_164 = arith.muli %add3A_139, %mul3A_163 : i32
      %add3A_165 = arith.addi %mul3A_162, %mul3A_164 : i32
      "tpu.region"() ({
        %run_scoped3A = tpu.sem_alloc : memref<!tpu.dma_semaphore, #tpu.memory_space<semaphore_mem>>
        %dma_start3A_166 = arith.constant 0 : i32
        %dma_start3A_167 = tpu.memref_slice %arg4[%add3A_165, %dma_start3A_166] : memref<20000x128xf32, #tpu.memory_space<hbm>> -> memref<80x128xf32, #tpu.memory_space<hbm>>
        %dma_start3A_168 = arith.constant 0 : i32
        %dma_start3A_169 = tpu.memref_slice %arg5[%mul3A_160, %dma_start3A_168] : memref<10000x128xf32, #tpu.memory_space<vmem_shared>> -> memref<80x128xf32, #tpu.memory_space<vmem_shared>>
        tpu.enqueue_dma source(%dma_start3A_169 : memref<80x128xf32, #tpu.memory_space<vmem_shared>>) target(%dma_start3A_167 : memref<80x128xf32, #tpu.memory_space<hbm>>) target_semaphore(%run_scoped3A : memref<!tpu.dma_semaphore, #tpu.memory_space<semaphore_mem>>)
        %dma_wait3A_170 = arith.constant 0 : i32
        %dma_wait3A_171 = tpu.memref_slice %arg4[%add3A_165, %dma_wait3A_170] : memref<20000x128xf32, #tpu.memory_space<hbm>> -> memref<80x128xf32, #tpu.memory_space<hbm>>
        %dma_wait3A_172 = arith.constant 0 : i32
        %dma_wait3A_173 = tpu.memref_slice %arg5[%mul3A_160, %dma_wait3A_172] : memref<10000x128xf32, #tpu.memory_space<vmem_shared>> -> memref<80x128xf32, #tpu.memory_space<vmem_shared>>
        tpu.wait_dma2 semaphore(%run_scoped3A : memref<!tpu.dma_semaphore, #tpu.memory_space<semaphore_mem>>) src(%dma_wait3A_173 : memref<80x128xf32, #tpu.memory_space<vmem_shared>>) dst(%dma_wait3A_171 : memref<80x128xf32, #tpu.memory_space<hbm>>)
        tpu.yield
      }) : () -> ()
    } else {
    }
    %add3A_145 = arith.constant 96 : i32
    %add3A_146 = arith.addi %arg1, %add3A_145 : i32
    %lt3A_147 = arith.constant 125 : i32
    %lt3A_148 = arith.cmpi slt, %add3A_146, %lt3A_147 : i32
    %convert_element_type3A_149 = arith.extui %lt3A_148 : i1 to i32
    %cond3A_150 = arith.constant 0 : i32
    %cond3A_151 = arith.cmpi ne, %convert_element_type3A_149, %cond3A_150 : i32
    scf.if %cond3A_151 {
      %mul3A_159 = arith.constant 80 : i32
      %mul3A_160 = arith.muli %add3A_146, %mul3A_159 : i32
      %mul3A_161 = arith.constant 10000 : i32
      %mul3A_162 = arith.muli %arg0, %mul3A_161 : i32
      %mul3A_163 = arith.constant 80 : i32
      %mul3A_164 = arith.muli %add3A_146, %mul3A_163 : i32
      %add3A_165 = arith.addi %mul3A_162, %mul3A_164 : i32
      "tpu.region"() ({
        %run_scoped3A = tpu.sem_alloc : memref<!tpu.dma_semaphore, #tpu.memory_space<semaphore_mem>>
        %dma_start3A_166 = arith.constant 0 : i32
        %dma_start3A_167 = tpu.memref_slice %arg4[%add3A_165, %dma_start3A_166] : memref<20000x128xf32, #tpu.memory_space<hbm>> -> memref<80x128xf32, #tpu.memory_space<hbm>>
        %dma_start3A_168 = arith.constant 0 : i32
        %dma_start3A_169 = tpu.memref_slice %arg5[%mul3A_160, %dma_start3A_168] : memref<10000x128xf32, #tpu.memory_space<vmem_shared>> -> memref<80x128xf32, #tpu.memory_space<vmem_shared>>
        tpu.enqueue_dma source(%dma_start3A_169 : memref<80x128xf32, #tpu.memory_space<vmem_shared>>) target(%dma_start3A_167 : memref<80x128xf32, #tpu.memory_space<hbm>>) target_semaphore(%run_scoped3A : memref<!tpu.dma_semaphore, #tpu.memory_space<semaphore_mem>>)
        %dma_wait3A_170 = arith.constant 0 : i32
        %dma_wait3A_171 = tpu.memref_slice %arg4[%add3A_165, %dma_wait3A_170] : memref<20000x128xf32, #tpu.memory_space<hbm>> -> memref<80x128xf32, #tpu.memory_space<hbm>>
        %dma_wait3A_172 = arith.constant 0 : i32
        %dma_wait3A_173 = tpu.memref_slice %arg5[%mul3A_160, %dma_wait3A_172] : memref<10000x128xf32, #tpu.memory_space<vmem_shared>> -> memref<80x128xf32, #tpu.memory_space<vmem_shared>>
        tpu.wait_dma2 semaphore(%run_scoped3A : memref<!tpu.dma_semaphore, #tpu.memory_space<semaphore_mem>>) src(%dma_wait3A_173 : memref<80x128xf32, #tpu.memory_space<vmem_shared>>) dst(%dma_wait3A_171 : memref<80x128xf32, #tpu.memory_space<hbm>>)
        tpu.yield
      }) : () -> ()
    } else {
    }
    %add3A_152 = arith.constant 112 : i32
    %add3A_153 = arith.addi %arg1, %add3A_152 : i32
    %lt3A_154 = arith.constant 125 : i32
    %lt3A_155 = arith.cmpi slt, %add3A_153, %lt3A_154 : i32
    %convert_element_type3A_156 = arith.extui %lt3A_155 : i1 to i32
    %cond3A_157 = arith.constant 0 : i32
    %cond3A_158 = arith.cmpi ne, %convert_element_type3A_156, %cond3A_157 : i32
    scf.if %cond3A_158 {
      %mul3A_159 = arith.constant 80 : i32
      %mul3A_160 = arith.muli %add3A_153, %mul3A_159 : i32
      %mul3A_161 = arith.constant 10000 : i32
      %mul3A_162 = arith.muli %arg0, %mul3A_161 : i32
      %mul3A_163 = arith.constant 80 : i32
      %mul3A_164 = arith.muli %add3A_153, %mul3A_163 : i32
      %add3A_165 = arith.addi %mul3A_162, %mul3A_164 : i32
      "tpu.region"() ({
        %run_scoped3A = tpu.sem_alloc : memref<!tpu.dma_semaphore, #tpu.memory_space<semaphore_mem>>
        %dma_start3A_166 = arith.constant 0 : i32
        %dma_start3A_167 = tpu.memref_slice %arg4[%add3A_165, %dma_start3A_166] : memref<20000x128xf32, #tpu.memory_space<hbm>> -> memref<80x128xf32, #tpu.memory_space<hbm>>
        %dma_start3A_168 = arith.constant 0 : i32
        %dma_start3A_169 = tpu.memref_slice %arg5[%mul3A_160, %dma_start3A_168] : memref<10000x128xf32, #tpu.memory_space<vmem_shared>> -> memref<80x128xf32, #tpu.memory_space<vmem_shared>>
        tpu.enqueue_dma source(%dma_start3A_169 : memref<80x128xf32, #tpu.memory_space<vmem_shared>>) target(%dma_start3A_167 : memref<80x128xf32, #tpu.memory_space<hbm>>) target_semaphore(%run_scoped3A : memref<!tpu.dma_semaphore, #tpu.memory_space<semaphore_mem>>)
        %dma_wait3A_170 = arith.constant 0 : i32
        %dma_wait3A_171 = tpu.memref_slice %arg4[%add3A_165, %dma_wait3A_170] : memref<20000x128xf32, #tpu.memory_space<hbm>> -> memref<80x128xf32, #tpu.memory_space<hbm>>
        %dma_wait3A_172 = arith.constant 0 : i32
        %dma_wait3A_173 = tpu.memref_slice %arg5[%mul3A_160, %dma_wait3A_172] : memref<10000x128xf32, #tpu.memory_space<vmem_shared>> -> memref<80x128xf32, #tpu.memory_space<vmem_shared>>
        tpu.wait_dma2 semaphore(%run_scoped3A : memref<!tpu.dma_semaphore, #tpu.memory_space<semaphore_mem>>) src(%dma_wait3A_173 : memref<80x128xf32, #tpu.memory_space<vmem_shared>>) dst(%dma_wait3A_171 : memref<80x128xf32, #tpu.memory_space<hbm>>)
        tpu.yield
      }) : () -> ()
    } else {
    }
    return
  }
}

#map = affine_map<(d0, d1) -> (0, 0)>
#map1 = affine_map<(d0, d1) -> (0, 0, 0)>
module attributes {stable_mosaic.version = 14 : i64} {
  func.func @_sc_agg(%arg0: i32, %arg1: i32, %arg2: memref<10000x128xf32, #tpu.memory_space<hbm>>, %arg3: memref<2500x2x128xi32, #tpu.memory_space<hbm>>, %arg4: memref<20000x128xf32, #tpu.memory_space<hbm>>, %arg5: memref<10000x128xf32, #tpu.memory_space<vmem_shared>>, %arg6: memref<2x128xi32, #tpu.memory_space<vmem>>, %arg7: memref<2x128xi32, #tpu.memory_space<vmem>>, %arg8: memref<2x128xi32, #tpu.memory_space<vmem>>, %arg9: memref<128x128xf32, #tpu.memory_space<vmem>>, %arg10: memref<128x128xf32, #tpu.memory_space<vmem>>, %arg11: memref<128x128xf32, #tpu.memory_space<vmem>>, %arg12: memref<!tpu.dma_semaphore, #tpu.memory_space<semaphore_mem>>, %arg13: memref<!tpu.dma_semaphore, #tpu.memory_space<semaphore_mem>>, %arg14: memref<!tpu.dma_semaphore, #tpu.memory_space<semaphore_mem>>, %arg15: memref<!tpu.dma_semaphore, #tpu.memory_space<semaphore_mem>>, %arg16: memref<!tpu.dma_semaphore, #tpu.memory_space<semaphore_mem>>, %arg17: memref<!tpu.dma_semaphore, #tpu.memory_space<semaphore_mem>>) attributes {dimension_semantics = [#tpu.dimension_semantics<core_parallel>, #tpu.dimension_semantics<subcore_parallel>], iteration_bounds = array<i64: 2, 16>, scalar_prefetch = 0 : i64, scratch_operands = 13 : i64, tpu.core_type = #tpu.core_type<sc_vector_subcore>, window_params = [{transform_indices = #map}, {transform_indices = #map1}, {transform_indices = #map}]} {
    %mul3A = arith.constant 2 : i32
    %mul3A_0 = arith.muli %arg1, %mul3A : i32
    %add3A = arith.addi %mul3A_0, %arg0 : i32
    %scan3A = arith.constant 0 : i32
    %scan3A_1 = arith.constant 0 : i32
    %scan3A_2 = arith.constant 80 : i32
    %scan3A_3 = arith.addi %scan3A_1, %scan3A_2 : i32
    %scan3A_4 = arith.constant 1 : i32
    %scan3A_5 = scf.for %scan3A_159 = %scan3A_1 to %scan3A_3 step %scan3A_4 iter_args(%scan3A_160 = %scan3A) -> (i32)  : i32 {
      %broadcast_in_dim3A = arith.constant 0.000000e+00 : f32
      %broadcast_in_dim3A_161 = vector.broadcast %broadcast_in_dim3A : f32 to vector<16xf32>
      %swap3A = arith.index_cast %scan3A_159 : i32 to index
      %swap3A_162 = arith.constant 0 : index
      %swap3A_163 = tpu.vector_load %arg9[%swap3A, %swap3A_162] {strides = array<i32>} : memref<128x128xf32, #tpu.memory_space<vmem>>, vector<1x16xf32>,
      %swap3A_164 = vector.shape_cast %swap3A_163 : vector<1x16xf32> to vector<16xf32>
      %swap3A_165 = vector.shape_cast %broadcast_in_dim3A_161 : vector<16xf32> to vector<1x16xf32>
      tpu.vector_store %arg9[%swap3A, %swap3A_162], %swap3A_165 {strides = array<i32>} : memref<128x128xf32, #tpu.memory_space<vmem>>, vector<1x16xf32>,
      %broadcast_in_dim3A_166 = arith.constant 0.000000e+00 : f32
      %broadcast_in_dim3A_167 = vector.broadcast %broadcast_in_dim3A_166 : f32 to vector<16xf32>
      %swap3A_168 = arith.index_cast %scan3A_159 : i32 to index
      %swap3A_169 = arith.constant 16 : index
      %swap3A_170 = tpu.vector_load %arg9[%swap3A_168, %swap3A_169] {strides = array<i32>} : memref<128x128xf32, #tpu.memory_space<vmem>>, vector<1x16xf32>,
      %swap3A_171 = vector.shape_cast %swap3A_170 : vector<1x16xf32> to vector<16xf32>
      %swap3A_172 = vector.shape_cast %broadcast_in_dim3A_167 : vector<16xf32> to vector<1x16xf32>
      tpu.vector_store %arg9[%swap3A_168, %swap3A_169], %swap3A_172 {strides = array<i32>} : memref<128x128xf32, #tpu.memory_space<vmem>>, vector<1x16xf32>,
      %broadcast_in_dim3A_173 = arith.constant 0.000000e+00 : f32
      %broadcast_in_dim3A_174 = vector.broadcast %broadcast_in_dim3A_173 : f32 to vector<16xf32>
      %swap3A_175 = arith.index_cast %scan3A_159 : i32 to index
      %swap3A_176 = arith.constant 32 : index
      %swap3A_177 = tpu.vector_load %arg9[%swap3A_175, %swap3A_176] {strides = array<i32>} : memref<128x128xf32, #tpu.memory_space<vmem>>, vector<1x16xf32>,
      %swap3A_178 = vector.shape_cast %swap3A_177 : vector<1x16xf32> to vector<16xf32>
      %swap3A_179 = vector.shape_cast %broadcast_in_dim3A_174 : vector<16xf32> to vector<1x16xf32>
      tpu.vector_store %arg9[%swap3A_175, %swap3A_176], %swap3A_179 {strides = array<i32>} : memref<128x128xf32, #tpu.memory_space<vmem>>, vector<1x16xf32>,
      %broadcast_in_dim3A_180 = arith.constant 0.000000e+00 : f32
      %broadcast_in_dim3A_181 = vector.broadcast %broadcast_in_dim3A_180 : f32 to vector<16xf32>
      %swap3A_182 = arith.index_cast %scan3A_159 : i32 to index
      %swap3A_183 = arith.constant 48 : index
      %swap3A_184 = tpu.vector_load %arg9[%swap3A_182, %swap3A_183] {strides = array<i32>} : memref<128x128xf32, #tpu.memory_space<vmem>>, vector<1x16xf32>,
      %swap3A_185 = vector.shape_cast %swap3A_184 : vector<1x16xf32> to vector<16xf32>
      %swap3A_186 = vector.shape_cast %broadcast_in_dim3A_181 : vector<16xf32> to vector<1x16xf32>
      tpu.vector_store %arg9[%swap3A_182, %swap3A_183], %swap3A_186 {strides = array<i32>} : memref<128x128xf32, #tpu.memory_space<vmem>>, vector<1x16xf32>,
      %broadcast_in_dim3A_187 = arith.constant 0.000000e+00 : f32
      %broadcast_in_dim3A_188 = vector.broadcast %broadcast_in_dim3A_187 : f32 to vector<16xf32>
      %swap3A_189 = arith.index_cast %scan3A_159 : i32 to index
      %swap3A_190 = arith.constant 64 : index
      %swap3A_191 = tpu.vector_load %arg9[%swap3A_189, %swap3A_190] {strides = array<i32>} : memref<128x128xf32, #tpu.memory_space<vmem>>, vector<1x16xf32>,
      %swap3A_192 = vector.shape_cast %swap3A_191 : vector<1x16xf32> to vector<16xf32>
      %swap3A_193 = vector.shape_cast %broadcast_in_dim3A_188 : vector<16xf32> to vector<1x16xf32>
      tpu.vector_store %arg9[%swap3A_189, %swap3A_190], %swap3A_193 {strides = array<i32>} : memref<128x128xf32, #tpu.memory_space<vmem>>, vector<1x16xf32>,
      %broadcast_in_dim3A_194 = arith.constant 0.000000e+00 : f32
      %broadcast_in_dim3A_195 = vector.broadcast %broadcast_in_dim3A_194 : f32 to vector<16xf32>
      %swap3A_196 = arith.index_cast %scan3A_159 : i32 to index
      %swap3A_197 = arith.constant 80 : index
      %swap3A_198 = tpu.vector_load %arg9[%swap3A_196, %swap3A_197] {strides = array<i32>} : memref<128x128xf32, #tpu.memory_space<vmem>>, vector<1x16xf32>,
      %swap3A_199 = vector.shape_cast %swap3A_198 : vector<1x16xf32> to vector<16xf32>
      %swap3A_200 = vector.shape_cast %broadcast_in_dim3A_195 : vector<16xf32> to vector<1x16xf32>
      tpu.vector_store %arg9[%swap3A_196, %swap3A_197], %swap3A_200 {strides = array<i32>} : memref<128x128xf32, #tpu.memory_space<vmem>>, vector<1x16xf32>,
      %broadcast_in_dim3A_201 = arith.constant 0.000000e+00 : f32
      %broadcast_in_dim3A_202 = vector.broadcast %broadcast_in_dim3A_201 : f32 to vector<16xf32>
      %swap3A_203 = arith.index_cast %scan3A_159 : i32 to index
      %swap3A_204 = arith.constant 96 : index
      %swap3A_205 = tpu.vector_load %arg9[%swap3A_203, %swap3A_204] {strides = array<i32>} : memref<128x128xf32, #tpu.memory_space<vmem>>, vector<1x16xf32>,
      %swap3A_206 = vector.shape_cast %swap3A_205 : vector<1x16xf32> to vector<16xf32>
      %swap3A_207 = vector.shape_cast %broadcast_in_dim3A_202 : vector<16xf32> to vector<1x16xf32>
      tpu.vector_store %arg9[%swap3A_203, %swap3A_204], %swap3A_207 {strides = array<i32>} : memref<128x128xf32, #tpu.memory_space<vmem>>, vector<1x16xf32>,
      %broadcast_in_dim3A_208 = arith.constant 0.000000e+00 : f32
      %broadcast_in_dim3A_209 = vector.broadcast %broadcast_in_dim3A_208 : f32 to vector<16xf32>
      %swap3A_210 = arith.index_cast %scan3A_159 : i32 to index
      %swap3A_211 = arith.constant 112 : index
      %swap3A_212 = tpu.vector_load %arg9[%swap3A_210, %swap3A_211] {strides = array<i32>} : memref<128x128xf32, #tpu.memory_space<vmem>>, vector<1x16xf32>,
      %swap3A_213 = vector.shape_cast %swap3A_212 : vector<1x16xf32> to vector<16xf32>
      %swap3A_214 = vector.shape_cast %broadcast_in_dim3A_209 : vector<16xf32> to vector<1x16xf32>
      tpu.vector_store %arg9[%swap3A_210, %swap3A_211], %swap3A_214 {strides = array<i32>} : memref<128x128xf32, #tpu.memory_space<vmem>>, vector<1x16xf32>,
      %scan3A_215 = arith.constant 0 : i32
      scf.yield %scan3A_215 : i32
    }
    %scan3A_6 = arith.constant 80 : i32
    %add3A_7 = arith.constant 0 : i32
    %add3A_8 = arith.addi %arg1, %add3A_7 : i32
    %lt3A = arith.constant 125 : i32
    %lt3A_9 = arith.cmpi slt, %add3A_8, %lt3A : i32
    %convert_element_type3A = arith.extui %lt3A_9 : i1 to i32
    %cond3A = arith.constant 0 : i32
    %cond3A_10 = arith.cmpi ne, %convert_element_type3A, %cond3A : i32
    scf.if %cond3A_10 {
      %mul3A_159 = arith.constant 80 : i32
      %mul3A_160 = arith.muli %add3A_8, %mul3A_159 : i32
      "tpu.region"() ({
        %run_scoped3A = tpu.sem_alloc : memref<!tpu.dma_semaphore, #tpu.memory_space<semaphore_mem>>
        %dma_start3A_161 = arith.constant 0 : i32
        %dma_start3A_162 = arith.constant 0 : i32
        %dma_start3A_163 = tpu.memref_slice %arg9[%dma_start3A_161, %dma_start3A_162] : memref<128x128xf32, #tpu.memory_space<vmem>> -> memref<80x128xf32, #tpu.memory_space<vmem>>
        %dma_start3A_164 = arith.constant 0 : i32
        %dma_start3A_165 = tpu.memref_slice %arg5[%mul3A_160, %dma_start3A_164] : memref<10000x128xf32, #tpu.memory_space<vmem_shared>> -> memref<80x128xf32, #tpu.memory_space<vmem_shared>>
        %dma_start3A_166 = arith.constant 0 : i32
        %dma_start3A_167 = tpu.memref_slice %arg5[%mul3A_160, %dma_start3A_166] : memref<10000x128xf32, #tpu.memory_space<vmem_shared>> -> memref<80x128xf32, #tpu.memory_space<vmem_shared>>
        %dma_start3A_168 = arith.constant 0 : i32
        %dma_start3A_169 = arith.constant 0 : i32
        %dma_start3A_170 = tpu.memref_slice %arg9[%dma_start3A_168, %dma_start3A_169] : memref<128x128xf32, #tpu.memory_space<vmem>> -> memref<80x128xf32, #tpu.memory_space<vmem>>
        tpu.enqueue_dma source(%dma_start3A_170 : memref<80x128xf32, #tpu.memory_space<vmem>>) target(%dma_start3A_167 : memref<80x128xf32, #tpu.memory_space<vmem_shared>>) target_semaphore(%run_scoped3A : memref<!tpu.dma_semaphore, #tpu.memory_space<semaphore_mem>>)
        %dma_wait3A_171 = arith.constant 0 : i32
        %dma_wait3A_172 = arith.constant 0 : i32
        %dma_wait3A_173 = tpu.memref_slice %arg9[%dma_wait3A_171, %dma_wait3A_172] : memref<128x128xf32, #tpu.memory_space<vmem>> -> memref<80x128xf32, #tpu.memory_space<vmem>>
        %dma_wait3A_174 = arith.constant 0 : i32
        %dma_wait3A_175 = tpu.memref_slice %arg5[%mul3A_160, %dma_wait3A_174] : memref<10000x128xf32, #tpu.memory_space<vmem_shared>> -> memref<80x128xf32, #tpu.memory_space<vmem_shared>>
        %dma_wait3A_176 = arith.constant 0 : i32
        %dma_wait3A_177 = tpu.memref_slice %arg5[%mul3A_160, %dma_wait3A_176] : memref<10000x128xf32, #tpu.memory_space<vmem_shared>> -> memref<80x128xf32, #tpu.memory_space<vmem_shared>>
        %dma_wait3A_178 = arith.constant 0 : i32
        %dma_wait3A_179 = arith.constant 0 : i32
        %dma_wait3A_180 = tpu.memref_slice %arg9[%dma_wait3A_178, %dma_wait3A_179] : memref<128x128xf32, #tpu.memory_space<vmem>> -> memref<80x128xf32, #tpu.memory_space<vmem>>
        tpu.wait_dma2 semaphore(%run_scoped3A : memref<!tpu.dma_semaphore, #tpu.memory_space<semaphore_mem>>) src(%dma_wait3A_180 : memref<80x128xf32, #tpu.memory_space<vmem>>) dst(%dma_wait3A_177 : memref<80x128xf32, #tpu.memory_space<vmem_shared>>)
        tpu.yield
      }) : () -> ()
    } else {
    }
    %add3A_11 = arith.constant 16 : i32
    %add3A_12 = arith.addi %arg1, %add3A_11 : i32
    %lt3A_13 = arith.constant 125 : i32
    %lt3A_14 = arith.cmpi slt, %add3A_12, %lt3A_13 : i32
    %convert_element_type3A_15 = arith.extui %lt3A_14 : i1 to i32
    %cond3A_16 = arith.constant 0 : i32
    %cond3A_17 = arith.cmpi ne, %convert_element_type3A_15, %cond3A_16 : i32
    scf.if %cond3A_17 {
      %mul3A_159 = arith.constant 80 : i32
      %mul3A_160 = arith.muli %add3A_12, %mul3A_159 : i32
      "tpu.region"() ({
        %run_scoped3A = tpu.sem_alloc : memref<!tpu.dma_semaphore, #tpu.memory_space<semaphore_mem>>
        %dma_start3A_161 = arith.constant 0 : i32
        %dma_start3A_162 = arith.constant 0 : i32
        %dma_start3A_163 = tpu.memref_slice %arg9[%dma_start3A_161, %dma_start3A_162] : memref<128x128xf32, #tpu.memory_space<vmem>> -> memref<80x128xf32, #tpu.memory_space<vmem>>
        %dma_start3A_164 = arith.constant 0 : i32
        %dma_start3A_165 = tpu.memref_slice %arg5[%mul3A_160, %dma_start3A_164] : memref<10000x128xf32, #tpu.memory_space<vmem_shared>> -> memref<80x128xf32, #tpu.memory_space<vmem_shared>>
        %dma_start3A_166 = arith.constant 0 : i32
        %dma_start3A_167 = tpu.memref_slice %arg5[%mul3A_160, %dma_start3A_166] : memref<10000x128xf32, #tpu.memory_space<vmem_shared>> -> memref<80x128xf32, #tpu.memory_space<vmem_shared>>
        %dma_start3A_168 = arith.constant 0 : i32
        %dma_start3A_169 = arith.constant 0 : i32
        %dma_start3A_170 = tpu.memref_slice %arg9[%dma_start3A_168, %dma_start3A_169] : memref<128x128xf32, #tpu.memory_space<vmem>> -> memref<80x128xf32, #tpu.memory_space<vmem>>
        tpu.enqueue_dma source(%dma_start3A_170 : memref<80x128xf32, #tpu.memory_space<vmem>>) target(%dma_start3A_167 : memref<80x128xf32, #tpu.memory_space<vmem_shared>>) target_semaphore(%run_scoped3A : memref<!tpu.dma_semaphore, #tpu.memory_space<semaphore_mem>>)
        %dma_wait3A_171 = arith.constant 0 : i32
        %dma_wait3A_172 = arith.constant 0 : i32
        %dma_wait3A_173 = tpu.memref_slice %arg9[%dma_wait3A_171, %dma_wait3A_172] : memref<128x128xf32, #tpu.memory_space<vmem>> -> memref<80x128xf32, #tpu.memory_space<vmem>>
        %dma_wait3A_174 = arith.constant 0 : i32
        %dma_wait3A_175 = tpu.memref_slice %arg5[%mul3A_160, %dma_wait3A_174] : memref<10000x128xf32, #tpu.memory_space<vmem_shared>> -> memref<80x128xf32, #tpu.memory_space<vmem_shared>>
        %dma_wait3A_176 = arith.constant 0 : i32
        %dma_wait3A_177 = tpu.memref_slice %arg5[%mul3A_160, %dma_wait3A_176] : memref<10000x128xf32, #tpu.memory_space<vmem_shared>> -> memref<80x128xf32, #tpu.memory_space<vmem_shared>>
        %dma_wait3A_178 = arith.constant 0 : i32
        %dma_wait3A_179 = arith.constant 0 : i32
        %dma_wait3A_180 = tpu.memref_slice %arg9[%dma_wait3A_178, %dma_wait3A_179] : memref<128x128xf32, #tpu.memory_space<vmem>> -> memref<80x128xf32, #tpu.memory_space<vmem>>
        tpu.wait_dma2 semaphore(%run_scoped3A : memref<!tpu.dma_semaphore, #tpu.memory_space<semaphore_mem>>) src(%dma_wait3A_180 : memref<80x128xf32, #tpu.memory_space<vmem>>) dst(%dma_wait3A_177 : memref<80x128xf32, #tpu.memory_space<vmem_shared>>)
        tpu.yield
      }) : () -> ()
    } else {
    }
    %add3A_18 = arith.constant 32 : i32
    %add3A_19 = arith.addi %arg1, %add3A_18 : i32
    %lt3A_20 = arith.constant 125 : i32
    %lt3A_21 = arith.cmpi slt, %add3A_19, %lt3A_20 : i32
    %convert_element_type3A_22 = arith.extui %lt3A_21 : i1 to i32
    %cond3A_23 = arith.constant 0 : i32
    %cond3A_24 = arith.cmpi ne, %convert_element_type3A_22, %cond3A_23 : i32
    scf.if %cond3A_24 {
      %mul3A_159 = arith.constant 80 : i32
      %mul3A_160 = arith.muli %add3A_19, %mul3A_159 : i32
      "tpu.region"() ({
        %run_scoped3A = tpu.sem_alloc : memref<!tpu.dma_semaphore, #tpu.memory_space<semaphore_mem>>
        %dma_start3A_161 = arith.constant 0 : i32
        %dma_start3A_162 = arith.constant 0 : i32
        %dma_start3A_163 = tpu.memref_slice %arg9[%dma_start3A_161, %dma_start3A_162] : memref<128x128xf32, #tpu.memory_space<vmem>> -> memref<80x128xf32, #tpu.memory_space<vmem>>
        %dma_start3A_164 = arith.constant 0 : i32
        %dma_start3A_165 = tpu.memref_slice %arg5[%mul3A_160, %dma_start3A_164] : memref<10000x128xf32, #tpu.memory_space<vmem_shared>> -> memref<80x128xf32, #tpu.memory_space<vmem_shared>>
        %dma_start3A_166 = arith.constant 0 : i32
        %dma_start3A_167 = tpu.memref_slice %arg5[%mul3A_160, %dma_start3A_166] : memref<10000x128xf32, #tpu.memory_space<vmem_shared>> -> memref<80x128xf32, #tpu.memory_space<vmem_shared>>
        %dma_start3A_168 = arith.constant 0 : i32
        %dma_start3A_169 = arith.constant 0 : i32
        %dma_start3A_170 = tpu.memref_slice %arg9[%dma_start3A_168, %dma_start3A_169] : memref<128x128xf32, #tpu.memory_space<vmem>> -> memref<80x128xf32, #tpu.memory_space<vmem>>
        tpu.enqueue_dma source(%dma_start3A_170 : memref<80x128xf32, #tpu.memory_space<vmem>>) target(%dma_start3A_167 : memref<80x128xf32, #tpu.memory_space<vmem_shared>>) target_semaphore(%run_scoped3A : memref<!tpu.dma_semaphore, #tpu.memory_space<semaphore_mem>>)
        %dma_wait3A_171 = arith.constant 0 : i32
        %dma_wait3A_172 = arith.constant 0 : i32
        %dma_wait3A_173 = tpu.memref_slice %arg9[%dma_wait3A_171, %dma_wait3A_172] : memref<128x128xf32, #tpu.memory_space<vmem>> -> memref<80x128xf32, #tpu.memory_space<vmem>>
        %dma_wait3A_174 = arith.constant 0 : i32
        %dma_wait3A_175 = tpu.memref_slice %arg5[%mul3A_160, %dma_wait3A_174] : memref<10000x128xf32, #tpu.memory_space<vmem_shared>> -> memref<80x128xf32, #tpu.memory_space<vmem_shared>>
        %dma_wait3A_176 = arith.constant 0 : i32
        %dma_wait3A_177 = tpu.memref_slice %arg5[%mul3A_160, %dma_wait3A_176] : memref<10000x128xf32, #tpu.memory_space<vmem_shared>> -> memref<80x128xf32, #tpu.memory_space<vmem_shared>>
        %dma_wait3A_178 = arith.constant 0 : i32
        %dma_wait3A_179 = arith.constant 0 : i32
        %dma_wait3A_180 = tpu.memref_slice %arg9[%dma_wait3A_178, %dma_wait3A_179] : memref<128x128xf32, #tpu.memory_space<vmem>> -> memref<80x128xf32, #tpu.memory_space<vmem>>
        tpu.wait_dma2 semaphore(%run_scoped3A : memref<!tpu.dma_semaphore, #tpu.memory_space<semaphore_mem>>) src(%dma_wait3A_180 : memref<80x128xf32, #tpu.memory_space<vmem>>) dst(%dma_wait3A_177 : memref<80x128xf32, #tpu.memory_space<vmem_shared>>)
        tpu.yield
      }) : () -> ()
    } else {
    }
    %add3A_25 = arith.constant 48 : i32
    %add3A_26 = arith.addi %arg1, %add3A_25 : i32
    %lt3A_27 = arith.constant 125 : i32
    %lt3A_28 = arith.cmpi slt, %add3A_26, %lt3A_27 : i32
    %convert_element_type3A_29 = arith.extui %lt3A_28 : i1 to i32
    %cond3A_30 = arith.constant 0 : i32
    %cond3A_31 = arith.cmpi ne, %convert_element_type3A_29, %cond3A_30 : i32
    scf.if %cond3A_31 {
      %mul3A_159 = arith.constant 80 : i32
      %mul3A_160 = arith.muli %add3A_26, %mul3A_159 : i32
      "tpu.region"() ({
        %run_scoped3A = tpu.sem_alloc : memref<!tpu.dma_semaphore, #tpu.memory_space<semaphore_mem>>
        %dma_start3A_161 = arith.constant 0 : i32
        %dma_start3A_162 = arith.constant 0 : i32
        %dma_start3A_163 = tpu.memref_slice %arg9[%dma_start3A_161, %dma_start3A_162] : memref<128x128xf32, #tpu.memory_space<vmem>> -> memref<80x128xf32, #tpu.memory_space<vmem>>
        %dma_start3A_164 = arith.constant 0 : i32
        %dma_start3A_165 = tpu.memref_slice %arg5[%mul3A_160, %dma_start3A_164] : memref<10000x128xf32, #tpu.memory_space<vmem_shared>> -> memref<80x128xf32, #tpu.memory_space<vmem_shared>>
        %dma_start3A_166 = arith.constant 0 : i32
        %dma_start3A_167 = tpu.memref_slice %arg5[%mul3A_160, %dma_start3A_166] : memref<10000x128xf32, #tpu.memory_space<vmem_shared>> -> memref<80x128xf32, #tpu.memory_space<vmem_shared>>
        %dma_start3A_168 = arith.constant 0 : i32
        %dma_start3A_169 = arith.constant 0 : i32
        %dma_start3A_170 = tpu.memref_slice %arg9[%dma_start3A_168, %dma_start3A_169] : memref<128x128xf32, #tpu.memory_space<vmem>> -> memref<80x128xf32, #tpu.memory_space<vmem>>
        tpu.enqueue_dma source(%dma_start3A_170 : memref<80x128xf32, #tpu.memory_space<vmem>>) target(%dma_start3A_167 : memref<80x128xf32, #tpu.memory_space<vmem_shared>>) target_semaphore(%run_scoped3A : memref<!tpu.dma_semaphore, #tpu.memory_space<semaphore_mem>>)
        %dma_wait3A_171 = arith.constant 0 : i32
        %dma_wait3A_172 = arith.constant 0 : i32
        %dma_wait3A_173 = tpu.memref_slice %arg9[%dma_wait3A_171, %dma_wait3A_172] : memref<128x128xf32, #tpu.memory_space<vmem>> -> memref<80x128xf32, #tpu.memory_space<vmem>>
        %dma_wait3A_174 = arith.constant 0 : i32
        %dma_wait3A_175 = tpu.memref_slice %arg5[%mul3A_160, %dma_wait3A_174] : memref<10000x128xf32, #tpu.memory_space<vmem_shared>> -> memref<80x128xf32, #tpu.memory_space<vmem_shared>>
        %dma_wait3A_176 = arith.constant 0 : i32
        %dma_wait3A_177 = tpu.memref_slice %arg5[%mul3A_160, %dma_wait3A_176] : memref<10000x128xf32, #tpu.memory_space<vmem_shared>> -> memref<80x128xf32, #tpu.memory_space<vmem_shared>>
        %dma_wait3A_178 = arith.constant 0 : i32
        %dma_wait3A_179 = arith.constant 0 : i32
        %dma_wait3A_180 = tpu.memref_slice %arg9[%dma_wait3A_178, %dma_wait3A_179] : memref<128x128xf32, #tpu.memory_space<vmem>> -> memref<80x128xf32, #tpu.memory_space<vmem>>
        tpu.wait_dma2 semaphore(%run_scoped3A : memref<!tpu.dma_semaphore, #tpu.memory_space<semaphore_mem>>) src(%dma_wait3A_180 : memref<80x128xf32, #tpu.memory_space<vmem>>) dst(%dma_wait3A_177 : memref<80x128xf32, #tpu.memory_space<vmem_shared>>)
        tpu.yield
      }) : () -> ()
    } else {
    }
    %add3A_32 = arith.constant 64 : i32
    %add3A_33 = arith.addi %arg1, %add3A_32 : i32
    %lt3A_34 = arith.constant 125 : i32
    %lt3A_35 = arith.cmpi slt, %add3A_33, %lt3A_34 : i32
    %convert_element_type3A_36 = arith.extui %lt3A_35 : i1 to i32
    %cond3A_37 = arith.constant 0 : i32
    %cond3A_38 = arith.cmpi ne, %convert_element_type3A_36, %cond3A_37 : i32
    scf.if %cond3A_38 {
      %mul3A_159 = arith.constant 80 : i32
      %mul3A_160 = arith.muli %add3A_33, %mul3A_159 : i32
      "tpu.region"() ({
        %run_scoped3A = tpu.sem_alloc : memref<!tpu.dma_semaphore, #tpu.memory_space<semaphore_mem>>
        %dma_start3A_161 = arith.constant 0 : i32
        %dma_start3A_162 = arith.constant 0 : i32
        %dma_start3A_163 = tpu.memref_slice %arg9[%dma_start3A_161, %dma_start3A_162] : memref<128x128xf32, #tpu.memory_space<vmem>> -> memref<80x128xf32, #tpu.memory_space<vmem>>
        %dma_start3A_164 = arith.constant 0 : i32
        %dma_start3A_165 = tpu.memref_slice %arg5[%mul3A_160, %dma_start3A_164] : memref<10000x128xf32, #tpu.memory_space<vmem_shared>> -> memref<80x128xf32, #tpu.memory_space<vmem_shared>>
        %dma_start3A_166 = arith.constant 0 : i32
        %dma_start3A_167 = tpu.memref_slice %arg5[%mul3A_160, %dma_start3A_166] : memref<10000x128xf32, #tpu.memory_space<vmem_shared>> -> memref<80x128xf32, #tpu.memory_space<vmem_shared>>
        %dma_start3A_168 = arith.constant 0 : i32
        %dma_start3A_169 = arith.constant 0 : i32
        %dma_start3A_170 = tpu.memref_slice %arg9[%dma_start3A_168, %dma_start3A_169] : memref<128x128xf32, #tpu.memory_space<vmem>> -> memref<80x128xf32, #tpu.memory_space<vmem>>
        tpu.enqueue_dma source(%dma_start3A_170 : memref<80x128xf32, #tpu.memory_space<vmem>>) target(%dma_start3A_167 : memref<80x128xf32, #tpu.memory_space<vmem_shared>>) target_semaphore(%run_scoped3A : memref<!tpu.dma_semaphore, #tpu.memory_space<semaphore_mem>>)
        %dma_wait3A_171 = arith.constant 0 : i32
        %dma_wait3A_172 = arith.constant 0 : i32
        %dma_wait3A_173 = tpu.memref_slice %arg9[%dma_wait3A_171, %dma_wait3A_172] : memref<128x128xf32, #tpu.memory_space<vmem>> -> memref<80x128xf32, #tpu.memory_space<vmem>>
        %dma_wait3A_174 = arith.constant 0 : i32
        %dma_wait3A_175 = tpu.memref_slice %arg5[%mul3A_160, %dma_wait3A_174] : memref<10000x128xf32, #tpu.memory_space<vmem_shared>> -> memref<80x128xf32, #tpu.memory_space<vmem_shared>>
        %dma_wait3A_176 = arith.constant 0 : i32
        %dma_wait3A_177 = tpu.memref_slice %arg5[%mul3A_160, %dma_wait3A_176] : memref<10000x128xf32, #tpu.memory_space<vmem_shared>> -> memref<80x128xf32, #tpu.memory_space<vmem_shared>>
        %dma_wait3A_178 = arith.constant 0 : i32
        %dma_wait3A_179 = arith.constant 0 : i32
        %dma_wait3A_180 = tpu.memref_slice %arg9[%dma_wait3A_178, %dma_wait3A_179] : memref<128x128xf32, #tpu.memory_space<vmem>> -> memref<80x128xf32, #tpu.memory_space<vmem>>
        tpu.wait_dma2 semaphore(%run_scoped3A : memref<!tpu.dma_semaphore, #tpu.memory_space<semaphore_mem>>) src(%dma_wait3A_180 : memref<80x128xf32, #tpu.memory_space<vmem>>) dst(%dma_wait3A_177 : memref<80x128xf32, #tpu.memory_space<vmem_shared>>)
        tpu.yield
      }) : () -> ()
    } else {
    }
    %add3A_39 = arith.constant 80 : i32
    %add3A_40 = arith.addi %arg1, %add3A_39 : i32
    %lt3A_41 = arith.constant 125 : i32
    %lt3A_42 = arith.cmpi slt, %add3A_40, %lt3A_41 : i32
    %convert_element_type3A_43 = arith.extui %lt3A_42 : i1 to i32
    %cond3A_44 = arith.constant 0 : i32
    %cond3A_45 = arith.cmpi ne, %convert_element_type3A_43, %cond3A_44 : i32
    scf.if %cond3A_45 {
      %mul3A_159 = arith.constant 80 : i32
      %mul3A_160 = arith.muli %add3A_40, %mul3A_159 : i32
      "tpu.region"() ({
        %run_scoped3A = tpu.sem_alloc : memref<!tpu.dma_semaphore, #tpu.memory_space<semaphore_mem>>
        %dma_start3A_161 = arith.constant 0 : i32
        %dma_start3A_162 = arith.constant 0 : i32
        %dma_start3A_163 = tpu.memref_slice %arg9[%dma_start3A_161, %dma_start3A_162] : memref<128x128xf32, #tpu.memory_space<vmem>> -> memref<80x128xf32, #tpu.memory_space<vmem>>
        %dma_start3A_164 = arith.constant 0 : i32
        %dma_start3A_165 = tpu.memref_slice %arg5[%mul3A_160, %dma_start3A_164] : memref<10000x128xf32, #tpu.memory_space<vmem_shared>> -> memref<80x128xf32, #tpu.memory_space<vmem_shared>>
        %dma_start3A_166 = arith.constant 0 : i32
        %dma_start3A_167 = tpu.memref_slice %arg5[%mul3A_160, %dma_start3A_166] : memref<10000x128xf32, #tpu.memory_space<vmem_shared>> -> memref<80x128xf32, #tpu.memory_space<vmem_shared>>
        %dma_start3A_168 = arith.constant 0 : i32
        %dma_start3A_169 = arith.constant 0 : i32
        %dma_start3A_170 = tpu.memref_slice %arg9[%dma_start3A_168, %dma_start3A_169] : memref<128x128xf32, #tpu.memory_space<vmem>> -> memref<80x128xf32, #tpu.memory_space<vmem>>
        tpu.enqueue_dma source(%dma_start3A_170 : memref<80x128xf32, #tpu.memory_space<vmem>>) target(%dma_start3A_167 : memref<80x128xf32, #tpu.memory_space<vmem_shared>>) target_semaphore(%run_scoped3A : memref<!tpu.dma_semaphore, #tpu.memory_space<semaphore_mem>>)
        %dma_wait3A_171 = arith.constant 0 : i32
        %dma_wait3A_172 = arith.constant 0 : i32
        %dma_wait3A_173 = tpu.memref_slice %arg9[%dma_wait3A_171, %dma_wait3A_172] : memref<128x128xf32, #tpu.memory_space<vmem>> -> memref<80x128xf32, #tpu.memory_space<vmem>>
        %dma_wait3A_174 = arith.constant 0 : i32
        %dma_wait3A_175 = tpu.memref_slice %arg5[%mul3A_160, %dma_wait3A_174] : memref<10000x128xf32, #tpu.memory_space<vmem_shared>> -> memref<80x128xf32, #tpu.memory_space<vmem_shared>>
        %dma_wait3A_176 = arith.constant 0 : i32
        %dma_wait3A_177 = tpu.memref_slice %arg5[%mul3A_160, %dma_wait3A_176] : memref<10000x128xf32, #tpu.memory_space<vmem_shared>> -> memref<80x128xf32, #tpu.memory_space<vmem_shared>>
        %dma_wait3A_178 = arith.constant 0 : i32
        %dma_wait3A_179 = arith.constant 0 : i32
        %dma_wait3A_180 = tpu.memref_slice %arg9[%dma_wait3A_178, %dma_wait3A_179] : memref<128x128xf32, #tpu.memory_space<vmem>> -> memref<80x128xf32, #tpu.memory_space<vmem>>
        tpu.wait_dma2 semaphore(%run_scoped3A : memref<!tpu.dma_semaphore, #tpu.memory_space<semaphore_mem>>) src(%dma_wait3A_180 : memref<80x128xf32, #tpu.memory_space<vmem>>) dst(%dma_wait3A_177 : memref<80x128xf32, #tpu.memory_space<vmem_shared>>)
        tpu.yield
      }) : () -> ()
    } else {
    }
    %add3A_46 = arith.constant 96 : i32
    %add3A_47 = arith.addi %arg1, %add3A_46 : i32
    %lt3A_48 = arith.constant 125 : i32
    %lt3A_49 = arith.cmpi slt, %add3A_47, %lt3A_48 : i32
    %convert_element_type3A_50 = arith.extui %lt3A_49 : i1 to i32
    %cond3A_51 = arith.constant 0 : i32
    %cond3A_52 = arith.cmpi ne, %convert_element_type3A_50, %cond3A_51 : i32
    scf.if %cond3A_52 {
      %mul3A_159 = arith.constant 80 : i32
      %mul3A_160 = arith.muli %add3A_47, %mul3A_159 : i32
      "tpu.region"() ({
        %run_scoped3A = tpu.sem_alloc : memref<!tpu.dma_semaphore, #tpu.memory_space<semaphore_mem>>
        %dma_start3A_161 = arith.constant 0 : i32
        %dma_start3A_162 = arith.constant 0 : i32
        %dma_start3A_163 = tpu.memref_slice %arg9[%dma_start3A_161, %dma_start3A_162] : memref<128x128xf32, #tpu.memory_space<vmem>> -> memref<80x128xf32, #tpu.memory_space<vmem>>
        %dma_start3A_164 = arith.constant 0 : i32
        %dma_start3A_165 = tpu.memref_slice %arg5[%mul3A_160, %dma_start3A_164] : memref<10000x128xf32, #tpu.memory_space<vmem_shared>> -> memref<80x128xf32, #tpu.memory_space<vmem_shared>>
        %dma_start3A_166 = arith.constant 0 : i32
        %dma_start3A_167 = tpu.memref_slice %arg5[%mul3A_160, %dma_start3A_166] : memref<10000x128xf32, #tpu.memory_space<vmem_shared>> -> memref<80x128xf32, #tpu.memory_space<vmem_shared>>
        %dma_start3A_168 = arith.constant 0 : i32
        %dma_start3A_169 = arith.constant 0 : i32
        %dma_start3A_170 = tpu.memref_slice %arg9[%dma_start3A_168, %dma_start3A_169] : memref<128x128xf32, #tpu.memory_space<vmem>> -> memref<80x128xf32, #tpu.memory_space<vmem>>
        tpu.enqueue_dma source(%dma_start3A_170 : memref<80x128xf32, #tpu.memory_space<vmem>>) target(%dma_start3A_167 : memref<80x128xf32, #tpu.memory_space<vmem_shared>>) target_semaphore(%run_scoped3A : memref<!tpu.dma_semaphore, #tpu.memory_space<semaphore_mem>>)
        %dma_wait3A_171 = arith.constant 0 : i32
        %dma_wait3A_172 = arith.constant 0 : i32
        %dma_wait3A_173 = tpu.memref_slice %arg9[%dma_wait3A_171, %dma_wait3A_172] : memref<128x128xf32, #tpu.memory_space<vmem>> -> memref<80x128xf32, #tpu.memory_space<vmem>>
        %dma_wait3A_174 = arith.constant 0 : i32
        %dma_wait3A_175 = tpu.memref_slice %arg5[%mul3A_160, %dma_wait3A_174] : memref<10000x128xf32, #tpu.memory_space<vmem_shared>> -> memref<80x128xf32, #tpu.memory_space<vmem_shared>>
        %dma_wait3A_176 = arith.constant 0 : i32
        %dma_wait3A_177 = tpu.memref_slice %arg5[%mul3A_160, %dma_wait3A_176] : memref<10000x128xf32, #tpu.memory_space<vmem_shared>> -> memref<80x128xf32, #tpu.memory_space<vmem_shared>>
        %dma_wait3A_178 = arith.constant 0 : i32
        %dma_wait3A_179 = arith.constant 0 : i32
        %dma_wait3A_180 = tpu.memref_slice %arg9[%dma_wait3A_178, %dma_wait3A_179] : memref<128x128xf32, #tpu.memory_space<vmem>> -> memref<80x128xf32, #tpu.memory_space<vmem>>
        tpu.wait_dma2 semaphore(%run_scoped3A : memref<!tpu.dma_semaphore, #tpu.memory_space<semaphore_mem>>) src(%dma_wait3A_180 : memref<80x128xf32, #tpu.memory_space<vmem>>) dst(%dma_wait3A_177 : memref<80x128xf32, #tpu.memory_space<vmem_shared>>)
        tpu.yield
      }) : () -> ()
    } else {
    }
    %add3A_53 = arith.constant 112 : i32
    %add3A_54 = arith.addi %arg1, %add3A_53 : i32
    %lt3A_55 = arith.constant 125 : i32
    %lt3A_56 = arith.cmpi slt, %add3A_54, %lt3A_55 : i32
    %convert_element_type3A_57 = arith.extui %lt3A_56 : i1 to i32
    %cond3A_58 = arith.constant 0 : i32
    %cond3A_59 = arith.cmpi ne, %convert_element_type3A_57, %cond3A_58 : i32
    scf.if %cond3A_59 {
      %mul3A_159 = arith.constant 80 : i32
      %mul3A_160 = arith.muli %add3A_54, %mul3A_159 : i32
      "tpu.region"() ({
        %run_scoped3A = tpu.sem_alloc : memref<!tpu.dma_semaphore, #tpu.memory_space<semaphore_mem>>
        %dma_start3A_161 = arith.constant 0 : i32
        %dma_start3A_162 = arith.constant 0 : i32
        %dma_start3A_163 = tpu.memref_slice %arg9[%dma_start3A_161, %dma_start3A_162] : memref<128x128xf32, #tpu.memory_space<vmem>> -> memref<80x128xf32, #tpu.memory_space<vmem>>
        %dma_start3A_164 = arith.constant 0 : i32
        %dma_start3A_165 = tpu.memref_slice %arg5[%mul3A_160, %dma_start3A_164] : memref<10000x128xf32, #tpu.memory_space<vmem_shared>> -> memref<80x128xf32, #tpu.memory_space<vmem_shared>>
        %dma_start3A_166 = arith.constant 0 : i32
        %dma_start3A_167 = tpu.memref_slice %arg5[%mul3A_160, %dma_start3A_166] : memref<10000x128xf32, #tpu.memory_space<vmem_shared>> -> memref<80x128xf32, #tpu.memory_space<vmem_shared>>
        %dma_start3A_168 = arith.constant 0 : i32
        %dma_start3A_169 = arith.constant 0 : i32
        %dma_start3A_170 = tpu.memref_slice %arg9[%dma_start3A_168, %dma_start3A_169] : memref<128x128xf32, #tpu.memory_space<vmem>> -> memref<80x128xf32, #tpu.memory_space<vmem>>
        tpu.enqueue_dma source(%dma_start3A_170 : memref<80x128xf32, #tpu.memory_space<vmem>>) target(%dma_start3A_167 : memref<80x128xf32, #tpu.memory_space<vmem_shared>>) target_semaphore(%run_scoped3A : memref<!tpu.dma_semaphore, #tpu.memory_space<semaphore_mem>>)
        %dma_wait3A_171 = arith.constant 0 : i32
        %dma_wait3A_172 = arith.constant 0 : i32
        %dma_wait3A_173 = tpu.memref_slice %arg9[%dma_wait3A_171, %dma_wait3A_172] : memref<128x128xf32, #tpu.memory_space<vmem>> -> memref<80x128xf32, #tpu.memory_space<vmem>>
        %dma_wait3A_174 = arith.constant 0 : i32
        %dma_wait3A_175 = tpu.memref_slice %arg5[%mul3A_160, %dma_wait3A_174] : memref<10000x128xf32, #tpu.memory_space<vmem_shared>> -> memref<80x128xf32, #tpu.memory_space<vmem_shared>>
        %dma_wait3A_176 = arith.constant 0 : i32
        %dma_wait3A_177 = tpu.memref_slice %arg5[%mul3A_160, %dma_wait3A_176] : memref<10000x128xf32, #tpu.memory_space<vmem_shared>> -> memref<80x128xf32, #tpu.memory_space<vmem_shared>>
        %dma_wait3A_178 = arith.constant 0 : i32
        %dma_wait3A_179 = arith.constant 0 : i32
        %dma_wait3A_180 = tpu.memref_slice %arg9[%dma_wait3A_178, %dma_wait3A_179] : memref<128x128xf32, #tpu.memory_space<vmem>> -> memref<80x128xf32, #tpu.memory_space<vmem>>
        tpu.wait_dma2 semaphore(%run_scoped3A : memref<!tpu.dma_semaphore, #tpu.memory_space<semaphore_mem>>) src(%dma_wait3A_180 : memref<80x128xf32, #tpu.memory_space<vmem>>) dst(%dma_wait3A_177 : memref<80x128xf32, #tpu.memory_space<vmem_shared>>)
        tpu.yield
      }) : () -> ()
    } else {
    }
    %barrier3A = arith.constant 0 : index
    tpu.barrier barrier_id(%barrier3A)
    %lt3A_60 = arith.constant 4 : i32
    %lt3A_61 = arith.cmpi slt, %add3A, %lt3A_60 : i32
    %jit3A = arith.constant 79 : i32
    %jit3A_62 = arith.constant 78 : i32
    %select_n3A = arith.select %lt3A_61, %jit3A, %jit3A_62 : i32
    %add3A_63 = arith.constant 0 : i32
    %add3A_64 = arith.addi %add3A, %add3A_63 : i32
    "tpu.region"() ({
      %run_scoped3A = tpu.sem_alloc : memref<!tpu.dma_semaphore, #tpu.memory_space<semaphore_mem>>
      %dma_start3A_159 = arith.constant 0 : i32
      %dma_start3A_160 = arith.constant 0 : i32
      %dma_start3A_161 = tpu.memref_slice %arg3[%add3A_64, %dma_start3A_159, %dma_start3A_160] : memref<2500x2x128xi32, #tpu.memory_space<hbm>> -> memref<1x2x128xi32, #tpu.memory_space<hbm>>
      %dma_start3A_162 = tpu.memref_squeeze %dma_start3A_161 : memref<1x2x128xi32, #tpu.memory_space<hbm>> -> memref<2x128xi32, #tpu.memory_space<hbm>>
      %dma_start3A_163 = arith.constant 0 : i32
      %dma_start3A_164 = arith.constant 0 : i32
      %dma_start3A_165 = tpu.memref_slice %arg3[%add3A_64, %dma_start3A_163, %dma_start3A_164] : memref<2500x2x128xi32, #tpu.memory_space<hbm>> -> memref<1x2x128xi32, #tpu.memory_space<hbm>>
      %dma_start3A_166 = tpu.memref_squeeze %dma_start3A_165 : memref<1x2x128xi32, #tpu.memory_space<hbm>> -> memref<2x128xi32, #tpu.memory_space<hbm>>
      tpu.enqueue_dma source(%dma_start3A_166 : memref<2x128xi32, #tpu.memory_space<hbm>>) target(%arg6 : memref<2x128xi32, #tpu.memory_space<vmem>>) target_semaphore(%run_scoped3A : memref<!tpu.dma_semaphore, #tpu.memory_space<semaphore_mem>>)
      %dma_wait3A_167 = arith.constant 0 : i32
      %dma_wait3A_168 = arith.constant 0 : i32
      %dma_wait3A_169 = tpu.memref_slice %arg3[%add3A_64, %dma_wait3A_167, %dma_wait3A_168] : memref<2500x2x128xi32, #tpu.memory_space<hbm>> -> memref<1x2x128xi32, #tpu.memory_space<hbm>>
      %dma_wait3A_170 = tpu.memref_squeeze %dma_wait3A_169 : memref<1x2x128xi32, #tpu.memory_space<hbm>> -> memref<2x128xi32, #tpu.memory_space<hbm>>
      %dma_wait3A_171 = arith.constant 0 : i32
      %dma_wait3A_172 = arith.constant 0 : i32
      %dma_wait3A_173 = tpu.memref_slice %arg3[%add3A_64, %dma_wait3A_171, %dma_wait3A_172] : memref<2500x2x128xi32, #tpu.memory_space<hbm>> -> memref<1x2x128xi32, #tpu.memory_space<hbm>>
      %dma_wait3A_174 = tpu.memref_squeeze %dma_wait3A_173 : memref<1x2x128xi32, #tpu.memory_space<hbm>> -> memref<2x128xi32, #tpu.memory_space<hbm>>
      tpu.wait_dma2 semaphore(%run_scoped3A : memref<!tpu.dma_semaphore, #tpu.memory_space<semaphore_mem>>) src(%dma_wait3A_174 : memref<2x128xi32, #tpu.memory_space<hbm>>) dst(%arg6 : memref<2x128xi32, #tpu.memory_space<vmem>>)
      tpu.yield
    }) : () -> ()
    %dma_start3A = arith.constant 0 : i32
    %dma_start3A_65 = arith.constant 0 : i32
    %dma_start3A_66 = tpu.memref_slice %arg6[%dma_start3A, %dma_start3A_65] : memref<2x128xi32, #tpu.memory_space<vmem>> -> memref<1x128xi32, #tpu.memory_space<vmem>>
    %dma_start3A_67 = tpu.memref_squeeze %dma_start3A_66 : memref<1x128xi32, #tpu.memory_space<vmem>> -> memref<128xi32, #tpu.memory_space<vmem>>
    %dma_start3A_68 = arith.constant 0 : i32
    %dma_start3A_69 = arith.constant 0 : i32
    %dma_start3A_70 = tpu.memref_slice %arg2[%dma_start3A_68, %dma_start3A_69] : memref<10000x128xf32, #tpu.memory_space<hbm>> -> memref<10000x128xf32, #tpu.memory_space<hbm>>
    tpu.enqueue_indirect_dma source(%dma_start3A_70 : memref<10000x128xf32, #tpu.memory_space<hbm>>) target(%arg9 : memref<128x128xf32, #tpu.memory_space<vmem>>) offsets(%dma_start3A_67 : memref<128xi32, #tpu.memory_space<vmem>>) semaphore(%arg12 : memref<!tpu.dma_semaphore, #tpu.memory_space<semaphore_mem>>)
    %while3A = arith.constant 0 : i32
    %while3A_71 = arith.constant 0 : i32
    %while3A_72 = arith.subi %select_n3A, %while3A : i32
    %while3A_73 = arith.addi %while3A, %while3A_72 : i32
    %while3A_74 = arith.constant 1 : i32
    %while3A_75 = arith.divsi %while3A_72, %while3A_74 : i32
    %while3A_76 = arith.muli %while3A_75, %while3A_74 : i32
    %while3A_77 = arith.addi %while3A, %while3A_76 : i32
    %while3A_78 = arith.constant 1 : i32
    %while3A_79 = scf.for %while3A_159 = %while3A to %while3A_77 step %while3A_78 iter_args(%while3A_160 = %while3A_71) -> (i32)  : i32 {
      %jit3A_161 = arith.constant 3 : i32
      %eq3A = arith.constant 0 : i32
      %eq3A_162 = arith.cmpi eq, %jit3A_161, %eq3A : i32
      %jit3A_163 = arith.constant 1 : i32
      %select_n3A_164 = arith.select %eq3A_162, %jit3A_163, %jit3A_161 : i32
      %rem3A = arith.remsi %while3A_159, %select_n3A_164 : i32
      %ne3A = arith.constant 0 : i32
      %ne3A_165 = arith.cmpi ne, %rem3A, %ne3A : i32
      %lt3A_166 = arith.constant 0 : i32
      %lt3A_167 = arith.cmpi slt, %rem3A, %lt3A_166 : i32
      %lt3A_168 = arith.constant 0 : i32
      %lt3A_169 = arith.cmpi slt, %select_n3A_164, %lt3A_168 : i32
      %ne3A_170 = arith.xori %lt3A_167, %lt3A_169 : i1
      %and3A = arith.andi %ne3A_170, %ne3A_165 : i1
      %add3A_171 = arith.addi %rem3A, %select_n3A_164 : i32
      %select_n3A_172 = arith.select %and3A, %add3A_171, %rem3A : i32
      %eq3A_173 = arith.constant 0 : i32
      %eq3A_174 = arith.cmpi eq, %select_n3A_172, %eq3A_173 : i32
      %convert_element_type3A_175 = arith.extui %eq3A_174 : i1 to i32
      %cond3A_176 = arith.constant 0 : i32
      %cond3A_177 = arith.cmpi ne, %convert_element_type3A_175, %cond3A_176 : i32
      scf.if %cond3A_177 {
        %add3A_221 = arith.constant 1 : i32
        %add3A_222 = arith.addi %while3A_159, %add3A_221 : i32
        %lt3A_223 = arith.cmpi slt, %add3A_222, %select_n3A : i32
        %convert_element_type3A_224 = arith.extui %lt3A_223 : i1 to i32
        %cond3A_225 = arith.constant 0 : i32
        %cond3A_226 = arith.cmpi ne, %convert_element_type3A_224, %cond3A_225 : i32
        scf.if %cond3A_226 {
          %ge3A = arith.constant 2 : i32
          %ge3A_240 = arith.cmpi sge, %while3A_159, %ge3A : i32
          %convert_element_type3A_241 = arith.extui %ge3A_240 : i1 to i32
          %cond3A_242 = arith.constant 0 : i32
          %cond3A_243 = arith.cmpi ne, %convert_element_type3A_241, %cond3A_242 : i32
          scf.if %cond3A_243 {
            %dma_wait3A_256 = arith.constant 1 : i32
            %dma_wait3A_257 = arith.constant 0 : i32
            %dma_wait3A_258 = tpu.memref_slice %arg7[%dma_wait3A_256, %dma_wait3A_257] : memref<2x128xi32, #tpu.memory_space<vmem>> -> memref<1x128xi32, #tpu.memory_space<vmem>>
            %dma_wait3A_259 = tpu.memref_squeeze %dma_wait3A_258 : memref<1x128xi32, #tpu.memory_space<vmem>> -> memref<128xi32, #tpu.memory_space<vmem>>
            %dma_wait3A_260 = arith.constant 0 : i32
            %dma_wait3A_261 = arith.constant 0 : i32
            %dma_wait3A_262 = tpu.memref_slice %arg5[%dma_wait3A_260, %dma_wait3A_261] : memref<10000x128xf32, #tpu.memory_space<vmem_shared>> -> memref<10000x128xf32, #tpu.memory_space<vmem_shared>>
            tpu.wait_indirect_dma semaphore(%arg16 : memref<!tpu.dma_semaphore, #tpu.memory_space<semaphore_mem>>) src(%arg10 : memref<128x128xf32, #tpu.memory_space<vmem>>) dst(%dma_wait3A_262 : memref<10000x128xf32, #tpu.memory_space<vmem_shared>>)
          } else {
          }
          %add3A_244 = arith.constant 1 : i32
          %add3A_245 = arith.addi %while3A_159, %add3A_244 : i32
          %mul3A_246 = arith.constant 32 : i32
          %mul3A_247 = arith.muli %add3A_245, %mul3A_246 : i32
          %add3A_248 = arith.addi %add3A, %mul3A_247 : i32
          "tpu.region"() ({
            %run_scoped3A = tpu.sem_alloc : memref<!tpu.dma_semaphore, #tpu.memory_space<semaphore_mem>>
            %dma_start3A_256 = arith.constant 0 : i32
            %dma_start3A_257 = arith.constant 0 : i32
            %dma_start3A_258 = tpu.memref_slice %arg3[%add3A_248, %dma_start3A_256, %dma_start3A_257] : memref<2500x2x128xi32, #tpu.memory_space<hbm>> -> memref<1x2x128xi32, #tpu.memory_space<hbm>>
            %dma_start3A_259 = tpu.memref_squeeze %dma_start3A_258 : memref<1x2x128xi32, #tpu.memory_space<hbm>> -> memref<2x128xi32, #tpu.memory_space<hbm>>
            %dma_start3A_260 = arith.constant 0 : i32
            %dma_start3A_261 = arith.constant 0 : i32
            %dma_start3A_262 = tpu.memref_slice %arg3[%add3A_248, %dma_start3A_260, %dma_start3A_261] : memref<2500x2x128xi32, #tpu.memory_space<hbm>> -> memref<1x2x128xi32, #tpu.memory_space<hbm>>
            %dma_start3A_263 = tpu.memref_squeeze %dma_start3A_262 : memref<1x2x128xi32, #tpu.memory_space<hbm>> -> memref<2x128xi32, #tpu.memory_space<hbm>>
            tpu.enqueue_dma source(%dma_start3A_263 : memref<2x128xi32, #tpu.memory_space<hbm>>) target(%arg7 : memref<2x128xi32, #tpu.memory_space<vmem>>) target_semaphore(%run_scoped3A : memref<!tpu.dma_semaphore, #tpu.memory_space<semaphore_mem>>)
            %dma_wait3A_264 = arith.constant 0 : i32
            %dma_wait3A_265 = arith.constant 0 : i32
            %dma_wait3A_266 = tpu.memref_slice %arg3[%add3A_248, %dma_wait3A_264, %dma_wait3A_265] : memref<2500x2x128xi32, #tpu.memory_space<hbm>> -> memref<1x2x128xi32, #tpu.memory_space<hbm>>
            %dma_wait3A_267 = tpu.memref_squeeze %dma_wait3A_266 : memref<1x2x128xi32, #tpu.memory_space<hbm>> -> memref<2x128xi32, #tpu.memory_space<hbm>>
            %dma_wait3A_268 = arith.constant 0 : i32
            %dma_wait3A_269 = arith.constant 0 : i32
            %dma_wait3A_270 = tpu.memref_slice %arg3[%add3A_248, %dma_wait3A_268, %dma_wait3A_269] : memref<2500x2x128xi32, #tpu.memory_space<hbm>> -> memref<1x2x128xi32, #tpu.memory_space<hbm>>
            %dma_wait3A_271 = tpu.memref_squeeze %dma_wait3A_270 : memref<1x2x128xi32, #tpu.memory_space<hbm>> -> memref<2x128xi32, #tpu.memory_space<hbm>>
            tpu.wait_dma2 semaphore(%run_scoped3A : memref<!tpu.dma_semaphore, #tpu.memory_space<semaphore_mem>>) src(%dma_wait3A_271 : memref<2x128xi32, #tpu.memory_space<hbm>>) dst(%arg7 : memref<2x128xi32, #tpu.memory_space<vmem>>)
            tpu.yield
          }) : () -> ()
          %dma_start3A_249 = arith.constant 0 : i32
          %dma_start3A_250 = arith.constant 0 : i32
          %dma_start3A_251 = tpu.memref_slice %arg7[%dma_start3A_249, %dma_start3A_250] : memref<2x128xi32, #tpu.memory_space<vmem>> -> memref<1x128xi32, #tpu.memory_space<vmem>>
          %dma_start3A_252 = tpu.memref_squeeze %dma_start3A_251 : memref<1x128xi32, #tpu.memory_space<vmem>> -> memref<128xi32, #tpu.memory_space<vmem>>
          %dma_start3A_253 = arith.constant 0 : i32
          %dma_start3A_254 = arith.constant 0 : i32
          %dma_start3A_255 = tpu.memref_slice %arg2[%dma_start3A_253, %dma_start3A_254] : memref<10000x128xf32, #tpu.memory_space<hbm>> -> memref<10000x128xf32, #tpu.memory_space<hbm>>
          tpu.enqueue_indirect_dma source(%dma_start3A_255 : memref<10000x128xf32, #tpu.memory_space<hbm>>) target(%arg10 : memref<128x128xf32, #tpu.memory_space<vmem>>) offsets(%dma_start3A_252 : memref<128xi32, #tpu.memory_space<vmem>>) semaphore(%arg13 : memref<!tpu.dma_semaphore, #tpu.memory_space<semaphore_mem>>)
        } else {
        }
        %dma_wait3A_227 = arith.constant 0 : i32
        %dma_wait3A_228 = arith.constant 0 : i32
        %dma_wait3A_229 = tpu.memref_slice %arg2[%dma_wait3A_227, %dma_wait3A_228] : memref<10000x128xf32, #tpu.memory_space<hbm>> -> memref<128x128xf32, #tpu.memory_space<hbm>>
        %dma_wait3A_230 = arith.constant 0 : i32
        %dma_wait3A_231 = arith.constant 0 : i32
        %dma_wait3A_232 = tpu.memref_slice %arg2[%dma_wait3A_230, %dma_wait3A_231] : memref<10000x128xf32, #tpu.memory_space<hbm>> -> memref<128x128xf32, #tpu.memory_space<hbm>>
        tpu.wait_dma2 semaphore(%arg12 : memref<!tpu.dma_semaphore, #tpu.memory_space<semaphore_mem>>) src(%dma_wait3A_232 : memref<128x128xf32, #tpu.memory_space<hbm>>) dst(%arg9 : memref<128x128xf32, #tpu.memory_space<vmem>>)
        %dma_start3A_233 = arith.constant 1 : i32
        %dma_start3A_234 = arith.constant 0 : i32
        %dma_start3A_235 = tpu.memref_slice %arg6[%dma_start3A_233, %dma_start3A_234] : memref<2x128xi32, #tpu.memory_space<vmem>> -> memref<1x128xi32, #tpu.memory_space<vmem>>
        %dma_start3A_236 = tpu.memref_squeeze %dma_start3A_235 : memref<1x128xi32, #tpu.memory_space<vmem>> -> memref<128xi32, #tpu.memory_space<vmem>>
        %dma_start3A_237 = arith.constant 0 : i32
        %dma_start3A_238 = arith.constant 0 : i32
        %dma_start3A_239 = tpu.memref_slice %arg5[%dma_start3A_237, %dma_start3A_238] : memref<10000x128xf32, #tpu.memory_space<vmem_shared>> -> memref<10000x128xf32, #tpu.memory_space<vmem_shared>>
        tpu.enqueue_indirect_dma source(%arg9 : memref<128x128xf32, #tpu.memory_space<vmem>>) target(%dma_start3A_239 : memref<10000x128xf32, #tpu.memory_space<vmem_shared>>) offsets(%dma_start3A_236 : memref<128xi32, #tpu.memory_space<vmem>>) semaphore(%arg15 : memref<!tpu.dma_semaphore, #tpu.memory_space<semaphore_mem>>) {add = true}
      } else {
      }
      %jit3A_178 = arith.constant 3 : i32
      %eq3A_179 = arith.constant 0 : i32
      %eq3A_180 = arith.cmpi eq, %jit3A_178, %eq3A_179 : i32
      %jit3A_181 = arith.constant 1 : i32
      %select_n3A_182 = arith.select %eq3A_180, %jit3A_181, %jit3A_178 : i32
      %rem3A_183 = arith.remsi %while3A_159, %select_n3A_182 : i32
      %ne3A_184 = arith.constant 0 : i32
      %ne3A_185 = arith.cmpi ne, %rem3A_183, %ne3A_184 : i32
      %lt3A_186 = arith.constant 0 : i32
      %lt3A_187 = arith.cmpi slt, %rem3A_183, %lt3A_186 : i32
      %lt3A_188 = arith.constant 0 : i32
      %lt3A_189 = arith.cmpi slt, %select_n3A_182, %lt3A_188 : i32
      %ne3A_190 = arith.xori %lt3A_187, %lt3A_189 : i1
      %and3A_191 = arith.andi %ne3A_190, %ne3A_185 : i1
      %add3A_192 = arith.addi %rem3A_183, %select_n3A_182 : i32
      %select_n3A_193 = arith.select %and3A_191, %add3A_192, %rem3A_183 : i32
      %eq3A_194 = arith.constant 1 : i32
      %eq3A_195 = arith.cmpi eq, %select_n3A_193, %eq3A_194 : i32
      %convert_element_type3A_196 = arith.extui %eq3A_195 : i1 to i32
      %cond3A_197 = arith.constant 0 : i32
      %cond3A_198 = arith.cmpi ne, %convert_element_type3A_196, %cond3A_197 : i32
      scf.if %cond3A_198 {
        %add3A_221 = arith.constant 1 : i32
        %add3A_222 = arith.addi %while3A_159, %add3A_221 : i32
        %lt3A_223 = arith.cmpi slt, %add3A_222, %select_n3A : i32
        %convert_element_type3A_224 = arith.extui %lt3A_223 : i1 to i32
        %cond3A_225 = arith.constant 0 : i32
        %cond3A_226 = arith.cmpi ne, %convert_element_type3A_224, %cond3A_225 : i32
        scf.if %cond3A_226 {
          %ge3A = arith.constant 2 : i32
          %ge3A_240 = arith.cmpi sge, %while3A_159, %ge3A : i32
          %convert_element_type3A_241 = arith.extui %ge3A_240 : i1 to i32
          %cond3A_242 = arith.constant 0 : i32
          %cond3A_243 = arith.cmpi ne, %convert_element_type3A_241, %cond3A_242 : i32
          scf.if %cond3A_243 {
            %dma_wait3A_256 = arith.constant 1 : i32
            %dma_wait3A_257 = arith.constant 0 : i32
            %dma_wait3A_258 = tpu.memref_slice %arg8[%dma_wait3A_256, %dma_wait3A_257] : memref<2x128xi32, #tpu.memory_space<vmem>> -> memref<1x128xi32, #tpu.memory_space<vmem>>
            %dma_wait3A_259 = tpu.memref_squeeze %dma_wait3A_258 : memref<1x128xi32, #tpu.memory_space<vmem>> -> memref<128xi32, #tpu.memory_space<vmem>>
            %dma_wait3A_260 = arith.constant 0 : i32
            %dma_wait3A_261 = arith.constant 0 : i32
            %dma_wait3A_262 = tpu.memref_slice %arg5[%dma_wait3A_260, %dma_wait3A_261] : memref<10000x128xf32, #tpu.memory_space<vmem_shared>> -> memref<10000x128xf32, #tpu.memory_space<vmem_shared>>
            tpu.wait_indirect_dma semaphore(%arg17 : memref<!tpu.dma_semaphore, #tpu.memory_space<semaphore_mem>>) src(%arg11 : memref<128x128xf32, #tpu.memory_space<vmem>>) dst(%dma_wait3A_262 : memref<10000x128xf32, #tpu.memory_space<vmem_shared>>)
          } else {
          }
          %add3A_244 = arith.constant 1 : i32
          %add3A_245 = arith.addi %while3A_159, %add3A_244 : i32
          %mul3A_246 = arith.constant 32 : i32
          %mul3A_247 = arith.muli %add3A_245, %mul3A_246 : i32
          %add3A_248 = arith.addi %add3A, %mul3A_247 : i32
          "tpu.region"() ({
            %run_scoped3A = tpu.sem_alloc : memref<!tpu.dma_semaphore, #tpu.memory_space<semaphore_mem>>
            %dma_start3A_256 = arith.constant 0 : i32
            %dma_start3A_257 = arith.constant 0 : i32
            %dma_start3A_258 = tpu.memref_slice %arg3[%add3A_248, %dma_start3A_256, %dma_start3A_257] : memref<2500x2x128xi32, #tpu.memory_space<hbm>> -> memref<1x2x128xi32, #tpu.memory_space<hbm>>
            %dma_start3A_259 = tpu.memref_squeeze %dma_start3A_258 : memref<1x2x128xi32, #tpu.memory_space<hbm>> -> memref<2x128xi32, #tpu.memory_space<hbm>>
            %dma_start3A_260 = arith.constant 0 : i32
            %dma_start3A_261 = arith.constant 0 : i32
            %dma_start3A_262 = tpu.memref_slice %arg3[%add3A_248, %dma_start3A_260, %dma_start3A_261] : memref<2500x2x128xi32, #tpu.memory_space<hbm>> -> memref<1x2x128xi32, #tpu.memory_space<hbm>>
            %dma_start3A_263 = tpu.memref_squeeze %dma_start3A_262 : memref<1x2x128xi32, #tpu.memory_space<hbm>> -> memref<2x128xi32, #tpu.memory_space<hbm>>
            tpu.enqueue_dma source(%dma_start3A_263 : memref<2x128xi32, #tpu.memory_space<hbm>>) target(%arg8 : memref<2x128xi32, #tpu.memory_space<vmem>>) target_semaphore(%run_scoped3A : memref<!tpu.dma_semaphore, #tpu.memory_space<semaphore_mem>>)
            %dma_wait3A_264 = arith.constant 0 : i32
            %dma_wait3A_265 = arith.constant 0 : i32
            %dma_wait3A_266 = tpu.memref_slice %arg3[%add3A_248, %dma_wait3A_264, %dma_wait3A_265] : memref<2500x2x128xi32, #tpu.memory_space<hbm>> -> memref<1x2x128xi32, #tpu.memory_space<hbm>>
            %dma_wait3A_267 = tpu.memref_squeeze %dma_wait3A_266 : memref<1x2x128xi32, #tpu.memory_space<hbm>> -> memref<2x128xi32, #tpu.memory_space<hbm>>
            %dma_wait3A_268 = arith.constant 0 : i32
            %dma_wait3A_269 = arith.constant 0 : i32
            %dma_wait3A_270 = tpu.memref_slice %arg3[%add3A_248, %dma_wait3A_268, %dma_wait3A_269] : memref<2500x2x128xi32, #tpu.memory_space<hbm>> -> memref<1x2x128xi32, #tpu.memory_space<hbm>>
            %dma_wait3A_271 = tpu.memref_squeeze %dma_wait3A_270 : memref<1x2x128xi32, #tpu.memory_space<hbm>> -> memref<2x128xi32, #tpu.memory_space<hbm>>
            tpu.wait_dma2 semaphore(%run_scoped3A : memref<!tpu.dma_semaphore, #tpu.memory_space<semaphore_mem>>) src(%dma_wait3A_271 : memref<2x128xi32, #tpu.memory_space<hbm>>) dst(%arg8 : memref<2x128xi32, #tpu.memory_space<vmem>>)
            tpu.yield
          }) : () -> ()
          %dma_start3A_249 = arith.constant 0 : i32
          %dma_start3A_250 = arith.constant 0 : i32
          %dma_start3A_251 = tpu.memref_slice %arg8[%dma_start3A_249, %dma_start3A_250] : memref<2x128xi32, #tpu.memory_space<vmem>> -> memref<1x128xi32, #tpu.memory_space<vmem>>
          %dma_start3A_252 = tpu.memref_squeeze %dma_start3A_251 : memref<1x128xi32, #tpu.memory_space<vmem>> -> memref<128xi32, #tpu.memory_space<vmem>>
          %dma_start3A_253 = arith.constant 0 : i32
          %dma_start3A_254 = arith.constant 0 : i32
          %dma_start3A_255 = tpu.memref_slice %arg2[%dma_start3A_253, %dma_start3A_254] : memref<10000x128xf32, #tpu.memory_space<hbm>> -> memref<10000x128xf32, #tpu.memory_space<hbm>>
          tpu.enqueue_indirect_dma source(%dma_start3A_255 : memref<10000x128xf32, #tpu.memory_space<hbm>>) target(%arg11 : memref<128x128xf32, #tpu.memory_space<vmem>>) offsets(%dma_start3A_252 : memref<128xi32, #tpu.memory_space<vmem>>) semaphore(%arg14 : memref<!tpu.dma_semaphore, #tpu.memory_space<semaphore_mem>>)
        } else {
        }
        %dma_wait3A_227 = arith.constant 0 : i32
        %dma_wait3A_228 = arith.constant 0 : i32
        %dma_wait3A_229 = tpu.memref_slice %arg2[%dma_wait3A_227, %dma_wait3A_228] : memref<10000x128xf32, #tpu.memory_space<hbm>> -> memref<128x128xf32, #tpu.memory_space<hbm>>
        %dma_wait3A_230 = arith.constant 0 : i32
        %dma_wait3A_231 = arith.constant 0 : i32
        %dma_wait3A_232 = tpu.memref_slice %arg2[%dma_wait3A_230, %dma_wait3A_231] : memref<10000x128xf32, #tpu.memory_space<hbm>> -> memref<128x128xf32, #tpu.memory_space<hbm>>
        tpu.wait_dma2 semaphore(%arg13 : memref<!tpu.dma_semaphore, #tpu.memory_space<semaphore_mem>>) src(%dma_wait3A_232 : memref<128x128xf32, #tpu.memory_space<hbm>>) dst(%arg10 : memref<128x128xf32, #tpu.memory_space<vmem>>)
        %dma_start3A_233 = arith.constant 1 : i32
        %dma_start3A_234 = arith.constant 0 : i32
        %dma_start3A_235 = tpu.memref_slice %arg7[%dma_start3A_233, %dma_start3A_234] : memref<2x128xi32, #tpu.memory_space<vmem>> -> memref<1x128xi32, #tpu.memory_space<vmem>>
        %dma_start3A_236 = tpu.memref_squeeze %dma_start3A_235 : memref<1x128xi32, #tpu.memory_space<vmem>> -> memref<128xi32, #tpu.memory_space<vmem>>
        %dma_start3A_237 = arith.constant 0 : i32
        %dma_start3A_238 = arith.constant 0 : i32
        %dma_start3A_239 = tpu.memref_slice %arg5[%dma_start3A_237, %dma_start3A_238] : memref<10000x128xf32, #tpu.memory_space<vmem_shared>> -> memref<10000x128xf32, #tpu.memory_space<vmem_shared>>
        tpu.enqueue_indirect_dma source(%arg10 : memref<128x128xf32, #tpu.memory_space<vmem>>) target(%dma_start3A_239 : memref<10000x128xf32, #tpu.memory_space<vmem_shared>>) offsets(%dma_start3A_236 : memref<128xi32, #tpu.memory_space<vmem>>) semaphore(%arg16 : memref<!tpu.dma_semaphore, #tpu.memory_space<semaphore_mem>>) {add = true}
      } else {
      }
      %jit3A_199 = arith.constant 3 : i32
      %eq3A_200 = arith.constant 0 : i32
      %eq3A_201 = arith.cmpi eq, %jit3A_199, %eq3A_200 : i32
      %jit3A_202 = arith.constant 1 : i32
      %select_n3A_203 = arith.select %eq3A_201, %jit3A_202, %jit3A_199 : i32
      %rem3A_204 = arith.remsi %while3A_159, %select_n3A_203 : i32
      %ne3A_205 = arith.constant 0 : i32
      %ne3A_206 = arith.cmpi ne, %rem3A_204, %ne3A_205 : i32
      %lt3A_207 = arith.constant 0 : i32
      %lt3A_208 = arith.cmpi slt, %rem3A_204, %lt3A_207 : i32
      %lt3A_209 = arith.constant 0 : i32
      %lt3A_210 = arith.cmpi slt, %select_n3A_203, %lt3A_209 : i32
      %ne3A_211 = arith.xori %lt3A_208, %lt3A_210 : i1
      %and3A_212 = arith.andi %ne3A_211, %ne3A_206 : i1
      %add3A_213 = arith.addi %rem3A_204, %select_n3A_203 : i32
      %select_n3A_214 = arith.select %and3A_212, %add3A_213, %rem3A_204 : i32
      %eq3A_215 = arith.constant 2 : i32
      %eq3A_216 = arith.cmpi eq, %select_n3A_214, %eq3A_215 : i32
      %convert_element_type3A_217 = arith.extui %eq3A_216 : i1 to i32
      %cond3A_218 = arith.constant 0 : i32
      %cond3A_219 = arith.cmpi ne, %convert_element_type3A_217, %cond3A_218 : i32
      scf.if %cond3A_219 {
        %add3A_221 = arith.constant 1 : i32
        %add3A_222 = arith.addi %while3A_159, %add3A_221 : i32
        %lt3A_223 = arith.cmpi slt, %add3A_222, %select_n3A : i32
        %convert_element_type3A_224 = arith.extui %lt3A_223 : i1 to i32
        %cond3A_225 = arith.constant 0 : i32
        %cond3A_226 = arith.cmpi ne, %convert_element_type3A_224, %cond3A_225 : i32
        scf.if %cond3A_226 {
          %ge3A = arith.constant 2 : i32
          %ge3A_240 = arith.cmpi sge, %while3A_159, %ge3A : i32
          %convert_element_type3A_241 = arith.extui %ge3A_240 : i1 to i32
          %cond3A_242 = arith.constant 0 : i32
          %cond3A_243 = arith.cmpi ne, %convert_element_type3A_241, %cond3A_242 : i32
          scf.if %cond3A_243 {
            %dma_wait3A_256 = arith.constant 1 : i32
            %dma_wait3A_257 = arith.constant 0 : i32
            %dma_wait3A_258 = tpu.memref_slice %arg6[%dma_wait3A_256, %dma_wait3A_257] : memref<2x128xi32, #tpu.memory_space<vmem>> -> memref<1x128xi32, #tpu.memory_space<vmem>>
            %dma_wait3A_259 = tpu.memref_squeeze %dma_wait3A_258 : memref<1x128xi32, #tpu.memory_space<vmem>> -> memref<128xi32, #tpu.memory_space<vmem>>
            %dma_wait3A_260 = arith.constant 0 : i32
            %dma_wait3A_261 = arith.constant 0 : i32
            %dma_wait3A_262 = tpu.memref_slice %arg5[%dma_wait3A_260, %dma_wait3A_261] : memref<10000x128xf32, #tpu.memory_space<vmem_shared>> -> memref<10000x128xf32, #tpu.memory_space<vmem_shared>>
            tpu.wait_indirect_dma semaphore(%arg15 : memref<!tpu.dma_semaphore, #tpu.memory_space<semaphore_mem>>) src(%arg9 : memref<128x128xf32, #tpu.memory_space<vmem>>) dst(%dma_wait3A_262 : memref<10000x128xf32, #tpu.memory_space<vmem_shared>>)
          } else {
          }
          %add3A_244 = arith.constant 1 : i32
          %add3A_245 = arith.addi %while3A_159, %add3A_244 : i32
          %mul3A_246 = arith.constant 32 : i32
          %mul3A_247 = arith.muli %add3A_245, %mul3A_246 : i32
          %add3A_248 = arith.addi %add3A, %mul3A_247 : i32
          "tpu.region"() ({
            %run_scoped3A = tpu.sem_alloc : memref<!tpu.dma_semaphore, #tpu.memory_space<semaphore_mem>>
            %dma_start3A_256 = arith.constant 0 : i32
            %dma_start3A_257 = arith.constant 0 : i32
            %dma_start3A_258 = tpu.memref_slice %arg3[%add3A_248, %dma_start3A_256, %dma_start3A_257] : memref<2500x2x128xi32, #tpu.memory_space<hbm>> -> memref<1x2x128xi32, #tpu.memory_space<hbm>>
            %dma_start3A_259 = tpu.memref_squeeze %dma_start3A_258 : memref<1x2x128xi32, #tpu.memory_space<hbm>> -> memref<2x128xi32, #tpu.memory_space<hbm>>
            %dma_start3A_260 = arith.constant 0 : i32
            %dma_start3A_261 = arith.constant 0 : i32
            %dma_start3A_262 = tpu.memref_slice %arg3[%add3A_248, %dma_start3A_260, %dma_start3A_261] : memref<2500x2x128xi32, #tpu.memory_space<hbm>> -> memref<1x2x128xi32, #tpu.memory_space<hbm>>
            %dma_start3A_263 = tpu.memref_squeeze %dma_start3A_262 : memref<1x2x128xi32, #tpu.memory_space<hbm>> -> memref<2x128xi32, #tpu.memory_space<hbm>>
            tpu.enqueue_dma source(%dma_start3A_263 : memref<2x128xi32, #tpu.memory_space<hbm>>) target(%arg6 : memref<2x128xi32, #tpu.memory_space<vmem>>) target_semaphore(%run_scoped3A : memref<!tpu.dma_semaphore, #tpu.memory_space<semaphore_mem>>)
            %dma_wait3A_264 = arith.constant 0 : i32
            %dma_wait3A_265 = arith.constant 0 : i32
            %dma_wait3A_266 = tpu.memref_slice %arg3[%add3A_248, %dma_wait3A_264, %dma_wait3A_265] : memref<2500x2x128xi32, #tpu.memory_space<hbm>> -> memref<1x2x128xi32, #tpu.memory_space<hbm>>
            %dma_wait3A_267 = tpu.memref_squeeze %dma_wait3A_266 : memref<1x2x128xi32, #tpu.memory_space<hbm>> -> memref<2x128xi32, #tpu.memory_space<hbm>>
            %dma_wait3A_268 = arith.constant 0 : i32
            %dma_wait3A_269 = arith.constant 0 : i32
            %dma_wait3A_270 = tpu.memref_slice %arg3[%add3A_248, %dma_wait3A_268, %dma_wait3A_269] : memref<2500x2x128xi32, #tpu.memory_space<hbm>> -> memref<1x2x128xi32, #tpu.memory_space<hbm>>
            %dma_wait3A_271 = tpu.memref_squeeze %dma_wait3A_270 : memref<1x2x128xi32, #tpu.memory_space<hbm>> -> memref<2x128xi32, #tpu.memory_space<hbm>>
            tpu.wait_dma2 semaphore(%run_scoped3A : memref<!tpu.dma_semaphore, #tpu.memory_space<semaphore_mem>>) src(%dma_wait3A_271 : memref<2x128xi32, #tpu.memory_space<hbm>>) dst(%arg6 : memref<2x128xi32, #tpu.memory_space<vmem>>)
            tpu.yield
          }) : () -> ()
          %dma_start3A_249 = arith.constant 0 : i32
          %dma_start3A_250 = arith.constant 0 : i32
          %dma_start3A_251 = tpu.memref_slice %arg6[%dma_start3A_249, %dma_start3A_250] : memref<2x128xi32, #tpu.memory_space<vmem>> -> memref<1x128xi32, #tpu.memory_space<vmem>>
          %dma_start3A_252 = tpu.memref_squeeze %dma_start3A_251 : memref<1x128xi32, #tpu.memory_space<vmem>> -> memref<128xi32, #tpu.memory_space<vmem>>
          %dma_start3A_253 = arith.constant 0 : i32
          %dma_start3A_254 = arith.constant 0 : i32
          %dma_start3A_255 = tpu.memref_slice %arg2[%dma_start3A_253, %dma_start3A_254] : memref<10000x128xf32, #tpu.memory_space<hbm>> -> memref<10000x128xf32, #tpu.memory_space<hbm>>
          tpu.enqueue_indirect_dma source(%dma_start3A_255 : memref<10000x128xf32, #tpu.memory_space<hbm>>) target(%arg9 : memref<128x128xf32, #tpu.memory_space<vmem>>) offsets(%dma_start3A_252 : memref<128xi32, #tpu.memory_space<vmem>>) semaphore(%arg12 : memref<!tpu.dma_semaphore, #tpu.memory_space<semaphore_mem>>)
        } else {
        }
        %dma_wait3A_227 = arith.constant 0 : i32
        %dma_wait3A_228 = arith.constant 0 : i32
        %dma_wait3A_229 = tpu.memref_slice %arg2[%dma_wait3A_227, %dma_wait3A_228] : memref<10000x128xf32, #tpu.memory_space<hbm>> -> memref<128x128xf32, #tpu.memory_space<hbm>>
        %dma_wait3A_230 = arith.constant 0 : i32
        %dma_wait3A_231 = arith.constant 0 : i32
        %dma_wait3A_232 = tpu.memref_slice %arg2[%dma_wait3A_230, %dma_wait3A_231] : memref<10000x128xf32, #tpu.memory_space<hbm>> -> memref<128x128xf32, #tpu.memory_space<hbm>>
        tpu.wait_dma2 semaphore(%arg14 : memref<!tpu.dma_semaphore, #tpu.memory_space<semaphore_mem>>) src(%dma_wait3A_232 : memref<128x128xf32, #tpu.memory_space<hbm>>) dst(%arg11 : memref<128x128xf32, #tpu.memory_space<vmem>>)
        %dma_start3A_233 = arith.constant 1 : i32
        %dma_start3A_234 = arith.constant 0 : i32
        %dma_start3A_235 = tpu.memref_slice %arg8[%dma_start3A_233, %dma_start3A_234] : memref<2x128xi32, #tpu.memory_space<vmem>> -> memref<1x128xi32, #tpu.memory_space<vmem>>
        %dma_start3A_236 = tpu.memref_squeeze %dma_start3A_235 : memref<1x128xi32, #tpu.memory_space<vmem>> -> memref<128xi32, #tpu.memory_space<vmem>>
        %dma_start3A_237 = arith.constant 0 : i32
        %dma_start3A_238 = arith.constant 0 : i32
        %dma_start3A_239 = tpu.memref_slice %arg5[%dma_start3A_237, %dma_start3A_238] : memref<10000x128xf32, #tpu.memory_space<vmem_shared>> -> memref<10000x128xf32, #tpu.memory_space<vmem_shared>>
        tpu.enqueue_indirect_dma source(%arg11 : memref<128x128xf32, #tpu.memory_space<vmem>>) target(%dma_start3A_239 : memref<10000x128xf32, #tpu.memory_space<vmem_shared>>) offsets(%dma_start3A_236 : memref<128xi32, #tpu.memory_space<vmem>>) semaphore(%arg17 : memref<!tpu.dma_semaphore, #tpu.memory_space<semaphore_mem>>) {add = true}
      } else {
      }
      %while3A_220 = arith.constant 0 : i32
      scf.yield %while3A_220 : i32
    }
    %while3A_80 = arith.constant 1 : i32
    %while3A_81 = scf.for %while3A_159 = %while3A_77 to %while3A_73 step %while3A_80 iter_args(%while3A_160 = %while3A_79) -> (i32)  : i32 {
      %jit3A_161 = arith.constant 3 : i32
      %eq3A = arith.constant 0 : i32
      %eq3A_162 = arith.cmpi eq, %jit3A_161, %eq3A : i32
      %jit3A_163 = arith.constant 1 : i32
      %select_n3A_164 = arith.select %eq3A_162, %jit3A_163, %jit3A_161 : i32
      %rem3A = arith.remsi %while3A_159, %select_n3A_164 : i32
      %ne3A = arith.constant 0 : i32
      %ne3A_165 = arith.cmpi ne, %rem3A, %ne3A : i32
      %lt3A_166 = arith.constant 0 : i32
      %lt3A_167 = arith.cmpi slt, %rem3A, %lt3A_166 : i32
      %lt3A_168 = arith.constant 0 : i32
      %lt3A_169 = arith.cmpi slt, %select_n3A_164, %lt3A_168 : i32
      %ne3A_170 = arith.xori %lt3A_167, %lt3A_169 : i1
      %and3A = arith.andi %ne3A_170, %ne3A_165 : i1
      %add3A_171 = arith.addi %rem3A, %select_n3A_164 : i32
      %select_n3A_172 = arith.select %and3A, %add3A_171, %rem3A : i32
      %eq3A_173 = arith.constant 0 : i32
      %eq3A_174 = arith.cmpi eq, %select_n3A_172, %eq3A_173 : i32
      %convert_element_type3A_175 = arith.extui %eq3A_174 : i1 to i32
      %cond3A_176 = arith.constant 0 : i32
      %cond3A_177 = arith.cmpi ne, %convert_element_type3A_175, %cond3A_176 : i32
      scf.if %cond3A_177 {
        %add3A_221 = arith.constant 1 : i32
        %add3A_222 = arith.addi %while3A_159, %add3A_221 : i32
        %lt3A_223 = arith.cmpi slt, %add3A_222, %select_n3A : i32
        %convert_element_type3A_224 = arith.extui %lt3A_223 : i1 to i32
        %cond3A_225 = arith.constant 0 : i32
        %cond3A_226 = arith.cmpi ne, %convert_element_type3A_224, %cond3A_225 : i32
        scf.if %cond3A_226 {
          %ge3A = arith.constant 2 : i32
          %ge3A_240 = arith.cmpi sge, %while3A_159, %ge3A : i32
          %convert_element_type3A_241 = arith.extui %ge3A_240 : i1 to i32
          %cond3A_242 = arith.constant 0 : i32
          %cond3A_243 = arith.cmpi ne, %convert_element_type3A_241, %cond3A_242 : i32
          scf.if %cond3A_243 {
            %dma_wait3A_256 = arith.constant 1 : i32
            %dma_wait3A_257 = arith.constant 0 : i32
            %dma_wait3A_258 = tpu.memref_slice %arg7[%dma_wait3A_256, %dma_wait3A_257] : memref<2x128xi32, #tpu.memory_space<vmem>> -> memref<1x128xi32, #tpu.memory_space<vmem>>
            %dma_wait3A_259 = tpu.memref_squeeze %dma_wait3A_258 : memref<1x128xi32, #tpu.memory_space<vmem>> -> memref<128xi32, #tpu.memory_space<vmem>>
            %dma_wait3A_260 = arith.constant 0 : i32
            %dma_wait3A_261 = arith.constant 0 : i32
            %dma_wait3A_262 = tpu.memref_slice %arg5[%dma_wait3A_260, %dma_wait3A_261] : memref<10000x128xf32, #tpu.memory_space<vmem_shared>> -> memref<10000x128xf32, #tpu.memory_space<vmem_shared>>
            tpu.wait_indirect_dma semaphore(%arg16 : memref<!tpu.dma_semaphore, #tpu.memory_space<semaphore_mem>>) src(%arg10 : memref<128x128xf32, #tpu.memory_space<vmem>>) dst(%dma_wait3A_262 : memref<10000x128xf32, #tpu.memory_space<vmem_shared>>)
          } else {
          }
          %add3A_244 = arith.constant 1 : i32
          %add3A_245 = arith.addi %while3A_159, %add3A_244 : i32
          %mul3A_246 = arith.constant 32 : i32
          %mul3A_247 = arith.muli %add3A_245, %mul3A_246 : i32
          %add3A_248 = arith.addi %add3A, %mul3A_247 : i32
          "tpu.region"() ({
            %run_scoped3A = tpu.sem_alloc : memref<!tpu.dma_semaphore, #tpu.memory_space<semaphore_mem>>
            %dma_start3A_256 = arith.constant 0 : i32
            %dma_start3A_257 = arith.constant 0 : i32
            %dma_start3A_258 = tpu.memref_slice %arg3[%add3A_248, %dma_start3A_256, %dma_start3A_257] : memref<2500x2x128xi32, #tpu.memory_space<hbm>> -> memref<1x2x128xi32, #tpu.memory_space<hbm>>
            %dma_start3A_259 = tpu.memref_squeeze %dma_start3A_258 : memref<1x2x128xi32, #tpu.memory_space<hbm>> -> memref<2x128xi32, #tpu.memory_space<hbm>>
            %dma_start3A_260 = arith.constant 0 : i32
            %dma_start3A_261 = arith.constant 0 : i32
            %dma_start3A_262 = tpu.memref_slice %arg3[%add3A_248, %dma_start3A_260, %dma_start3A_261] : memref<2500x2x128xi32, #tpu.memory_space<hbm>> -> memref<1x2x128xi32, #tpu.memory_space<hbm>>
            %dma_start3A_263 = tpu.memref_squeeze %dma_start3A_262 : memref<1x2x128xi32, #tpu.memory_space<hbm>> -> memref<2x128xi32, #tpu.memory_space<hbm>>
            tpu.enqueue_dma source(%dma_start3A_263 : memref<2x128xi32, #tpu.memory_space<hbm>>) target(%arg7 : memref<2x128xi32, #tpu.memory_space<vmem>>) target_semaphore(%run_scoped3A : memref<!tpu.dma_semaphore, #tpu.memory_space<semaphore_mem>>)
            %dma_wait3A_264 = arith.constant 0 : i32
            %dma_wait3A_265 = arith.constant 0 : i32
            %dma_wait3A_266 = tpu.memref_slice %arg3[%add3A_248, %dma_wait3A_264, %dma_wait3A_265] : memref<2500x2x128xi32, #tpu.memory_space<hbm>> -> memref<1x2x128xi32, #tpu.memory_space<hbm>>
            %dma_wait3A_267 = tpu.memref_squeeze %dma_wait3A_266 : memref<1x2x128xi32, #tpu.memory_space<hbm>> -> memref<2x128xi32, #tpu.memory_space<hbm>>
            %dma_wait3A_268 = arith.constant 0 : i32
            %dma_wait3A_269 = arith.constant 0 : i32
            %dma_wait3A_270 = tpu.memref_slice %arg3[%add3A_248, %dma_wait3A_268, %dma_wait3A_269] : memref<2500x2x128xi32, #tpu.memory_space<hbm>> -> memref<1x2x128xi32, #tpu.memory_space<hbm>>
            %dma_wait3A_271 = tpu.memref_squeeze %dma_wait3A_270 : memref<1x2x128xi32, #tpu.memory_space<hbm>> -> memref<2x128xi32, #tpu.memory_space<hbm>>
            tpu.wait_dma2 semaphore(%run_scoped3A : memref<!tpu.dma_semaphore, #tpu.memory_space<semaphore_mem>>) src(%dma_wait3A_271 : memref<2x128xi32, #tpu.memory_space<hbm>>) dst(%arg7 : memref<2x128xi32, #tpu.memory_space<vmem>>)
            tpu.yield
          }) : () -> ()
          %dma_start3A_249 = arith.constant 0 : i32
          %dma_start3A_250 = arith.constant 0 : i32
          %dma_start3A_251 = tpu.memref_slice %arg7[%dma_start3A_249, %dma_start3A_250] : memref<2x128xi32, #tpu.memory_space<vmem>> -> memref<1x128xi32, #tpu.memory_space<vmem>>
          %dma_start3A_252 = tpu.memref_squeeze %dma_start3A_251 : memref<1x128xi32, #tpu.memory_space<vmem>> -> memref<128xi32, #tpu.memory_space<vmem>>
          %dma_start3A_253 = arith.constant 0 : i32
          %dma_start3A_254 = arith.constant 0 : i32
          %dma_start3A_255 = tpu.memref_slice %arg2[%dma_start3A_253, %dma_start3A_254] : memref<10000x128xf32, #tpu.memory_space<hbm>> -> memref<10000x128xf32, #tpu.memory_space<hbm>>
          tpu.enqueue_indirect_dma source(%dma_start3A_255 : memref<10000x128xf32, #tpu.memory_space<hbm>>) target(%arg10 : memref<128x128xf32, #tpu.memory_space<vmem>>) offsets(%dma_start3A_252 : memref<128xi32, #tpu.memory_space<vmem>>) semaphore(%arg13 : memref<!tpu.dma_semaphore, #tpu.memory_space<semaphore_mem>>)
        } else {
        }
        %dma_wait3A_227 = arith.constant 0 : i32
        %dma_wait3A_228 = arith.constant 0 : i32
        %dma_wait3A_229 = tpu.memref_slice %arg2[%dma_wait3A_227, %dma_wait3A_228] : memref<10000x128xf32, #tpu.memory_space<hbm>> -> memref<128x128xf32, #tpu.memory_space<hbm>>
        %dma_wait3A_230 = arith.constant 0 : i32
        %dma_wait3A_231 = arith.constant 0 : i32
        %dma_wait3A_232 = tpu.memref_slice %arg2[%dma_wait3A_230, %dma_wait3A_231] : memref<10000x128xf32, #tpu.memory_space<hbm>> -> memref<128x128xf32, #tpu.memory_space<hbm>>
        tpu.wait_dma2 semaphore(%arg12 : memref<!tpu.dma_semaphore, #tpu.memory_space<semaphore_mem>>) src(%dma_wait3A_232 : memref<128x128xf32, #tpu.memory_space<hbm>>) dst(%arg9 : memref<128x128xf32, #tpu.memory_space<vmem>>)
        %dma_start3A_233 = arith.constant 1 : i32
        %dma_start3A_234 = arith.constant 0 : i32
        %dma_start3A_235 = tpu.memref_slice %arg6[%dma_start3A_233, %dma_start3A_234] : memref<2x128xi32, #tpu.memory_space<vmem>> -> memref<1x128xi32, #tpu.memory_space<vmem>>
        %dma_start3A_236 = tpu.memref_squeeze %dma_start3A_235 : memref<1x128xi32, #tpu.memory_space<vmem>> -> memref<128xi32, #tpu.memory_space<vmem>>
        %dma_start3A_237 = arith.constant 0 : i32
        %dma_start3A_238 = arith.constant 0 : i32
        %dma_start3A_239 = tpu.memref_slice %arg5[%dma_start3A_237, %dma_start3A_238] : memref<10000x128xf32, #tpu.memory_space<vmem_shared>> -> memref<10000x128xf32, #tpu.memory_space<vmem_shared>>
        tpu.enqueue_indirect_dma source(%arg9 : memref<128x128xf32, #tpu.memory_space<vmem>>) target(%dma_start3A_239 : memref<10000x128xf32, #tpu.memory_space<vmem_shared>>) offsets(%dma_start3A_236 : memref<128xi32, #tpu.memory_space<vmem>>) semaphore(%arg15 : memref<!tpu.dma_semaphore, #tpu.memory_space<semaphore_mem>>) {add = true}
      } else {
      }
      %jit3A_178 = arith.constant 3 : i32
      %eq3A_179 = arith.constant 0 : i32
      %eq3A_180 = arith.cmpi eq, %jit3A_178, %eq3A_179 : i32
      %jit3A_181 = arith.constant 1 : i32
      %select_n3A_182 = arith.select %eq3A_180, %jit3A_181, %jit3A_178 : i32
      %rem3A_183 = arith.remsi %while3A_159, %select_n3A_182 : i32
      %ne3A_184 = arith.constant 0 : i32
      %ne3A_185 = arith.cmpi ne, %rem3A_183, %ne3A_184 : i32
      %lt3A_186 = arith.constant 0 : i32
      %lt3A_187 = arith.cmpi slt, %rem3A_183, %lt3A_186 : i32
      %lt3A_188 = arith.constant 0 : i32
      %lt3A_189 = arith.cmpi slt, %select_n3A_182, %lt3A_188 : i32
      %ne3A_190 = arith.xori %lt3A_187, %lt3A_189 : i1
      %and3A_191 = arith.andi %ne3A_190, %ne3A_185 : i1
      %add3A_192 = arith.addi %rem3A_183, %select_n3A_182 : i32
      %select_n3A_193 = arith.select %and3A_191, %add3A_192, %rem3A_183 : i32
      %eq3A_194 = arith.constant 1 : i32
      %eq3A_195 = arith.cmpi eq, %select_n3A_193, %eq3A_194 : i32
      %convert_element_type3A_196 = arith.extui %eq3A_195 : i1 to i32
      %cond3A_197 = arith.constant 0 : i32
      %cond3A_198 = arith.cmpi ne, %convert_element_type3A_196, %cond3A_197 : i32
      scf.if %cond3A_198 {
        %add3A_221 = arith.constant 1 : i32
        %add3A_222 = arith.addi %while3A_159, %add3A_221 : i32
        %lt3A_223 = arith.cmpi slt, %add3A_222, %select_n3A : i32
        %convert_element_type3A_224 = arith.extui %lt3A_223 : i1 to i32
        %cond3A_225 = arith.constant 0 : i32
        %cond3A_226 = arith.cmpi ne, %convert_element_type3A_224, %cond3A_225 : i32
        scf.if %cond3A_226 {
          %ge3A = arith.constant 2 : i32
          %ge3A_240 = arith.cmpi sge, %while3A_159, %ge3A : i32
          %convert_element_type3A_241 = arith.extui %ge3A_240 : i1 to i32
          %cond3A_242 = arith.constant 0 : i32
          %cond3A_243 = arith.cmpi ne, %convert_element_type3A_241, %cond3A_242 : i32
          scf.if %cond3A_243 {
            %dma_wait3A_256 = arith.constant 1 : i32
            %dma_wait3A_257 = arith.constant 0 : i32
            %dma_wait3A_258 = tpu.memref_slice %arg8[%dma_wait3A_256, %dma_wait3A_257] : memref<2x128xi32, #tpu.memory_space<vmem>> -> memref<1x128xi32, #tpu.memory_space<vmem>>
            %dma_wait3A_259 = tpu.memref_squeeze %dma_wait3A_258 : memref<1x128xi32, #tpu.memory_space<vmem>> -> memref<128xi32, #tpu.memory_space<vmem>>
            %dma_wait3A_260 = arith.constant 0 : i32
            %dma_wait3A_261 = arith.constant 0 : i32
            %dma_wait3A_262 = tpu.memref_slice %arg5[%dma_wait3A_260, %dma_wait3A_261] : memref<10000x128xf32, #tpu.memory_space<vmem_shared>> -> memref<10000x128xf32, #tpu.memory_space<vmem_shared>>
            tpu.wait_indirect_dma semaphore(%arg17 : memref<!tpu.dma_semaphore, #tpu.memory_space<semaphore_mem>>) src(%arg11 : memref<128x128xf32, #tpu.memory_space<vmem>>) dst(%dma_wait3A_262 : memref<10000x128xf32, #tpu.memory_space<vmem_shared>>)
          } else {
          }
          %add3A_244 = arith.constant 1 : i32
          %add3A_245 = arith.addi %while3A_159, %add3A_244 : i32
          %mul3A_246 = arith.constant 32 : i32
          %mul3A_247 = arith.muli %add3A_245, %mul3A_246 : i32
          %add3A_248 = arith.addi %add3A, %mul3A_247 : i32
          "tpu.region"() ({
            %run_scoped3A = tpu.sem_alloc : memref<!tpu.dma_semaphore, #tpu.memory_space<semaphore_mem>>
            %dma_start3A_256 = arith.constant 0 : i32
            %dma_start3A_257 = arith.constant 0 : i32
            %dma_start3A_258 = tpu.memref_slice %arg3[%add3A_248, %dma_start3A_256, %dma_start3A_257] : memref<2500x2x128xi32, #tpu.memory_space<hbm>> -> memref<1x2x128xi32, #tpu.memory_space<hbm>>
            %dma_start3A_259 = tpu.memref_squeeze %dma_start3A_258 : memref<1x2x128xi32, #tpu.memory_space<hbm>> -> memref<2x128xi32, #tpu.memory_space<hbm>>
            %dma_start3A_260 = arith.constant 0 : i32
            %dma_start3A_261 = arith.constant 0 : i32
            %dma_start3A_262 = tpu.memref_slice %arg3[%add3A_248, %dma_start3A_260, %dma_start3A_261] : memref<2500x2x128xi32, #tpu.memory_space<hbm>> -> memref<1x2x128xi32, #tpu.memory_space<hbm>>
            %dma_start3A_263 = tpu.memref_squeeze %dma_start3A_262 : memref<1x2x128xi32, #tpu.memory_space<hbm>> -> memref<2x128xi32, #tpu.memory_space<hbm>>
            tpu.enqueue_dma source(%dma_start3A_263 : memref<2x128xi32, #tpu.memory_space<hbm>>) target(%arg8 : memref<2x128xi32, #tpu.memory_space<vmem>>) target_semaphore(%run_scoped3A : memref<!tpu.dma_semaphore, #tpu.memory_space<semaphore_mem>>)
            %dma_wait3A_264 = arith.constant 0 : i32
            %dma_wait3A_265 = arith.constant 0 : i32
            %dma_wait3A_266 = tpu.memref_slice %arg3[%add3A_248, %dma_wait3A_264, %dma_wait3A_265] : memref<2500x2x128xi32, #tpu.memory_space<hbm>> -> memref<1x2x128xi32, #tpu.memory_space<hbm>>
            %dma_wait3A_267 = tpu.memref_squeeze %dma_wait3A_266 : memref<1x2x128xi32, #tpu.memory_space<hbm>> -> memref<2x128xi32, #tpu.memory_space<hbm>>
            %dma_wait3A_268 = arith.constant 0 : i32
            %dma_wait3A_269 = arith.constant 0 : i32
            %dma_wait3A_270 = tpu.memref_slice %arg3[%add3A_248, %dma_wait3A_268, %dma_wait3A_269] : memref<2500x2x128xi32, #tpu.memory_space<hbm>> -> memref<1x2x128xi32, #tpu.memory_space<hbm>>
            %dma_wait3A_271 = tpu.memref_squeeze %dma_wait3A_270 : memref<1x2x128xi32, #tpu.memory_space<hbm>> -> memref<2x128xi32, #tpu.memory_space<hbm>>
            tpu.wait_dma2 semaphore(%run_scoped3A : memref<!tpu.dma_semaphore, #tpu.memory_space<semaphore_mem>>) src(%dma_wait3A_271 : memref<2x128xi32, #tpu.memory_space<hbm>>) dst(%arg8 : memref<2x128xi32, #tpu.memory_space<vmem>>)
            tpu.yield
          }) : () -> ()
          %dma_start3A_249 = arith.constant 0 : i32
          %dma_start3A_250 = arith.constant 0 : i32
          %dma_start3A_251 = tpu.memref_slice %arg8[%dma_start3A_249, %dma_start3A_250] : memref<2x128xi32, #tpu.memory_space<vmem>> -> memref<1x128xi32, #tpu.memory_space<vmem>>
          %dma_start3A_252 = tpu.memref_squeeze %dma_start3A_251 : memref<1x128xi32, #tpu.memory_space<vmem>> -> memref<128xi32, #tpu.memory_space<vmem>>
          %dma_start3A_253 = arith.constant 0 : i32
          %dma_start3A_254 = arith.constant 0 : i32
          %dma_start3A_255 = tpu.memref_slice %arg2[%dma_start3A_253, %dma_start3A_254] : memref<10000x128xf32, #tpu.memory_space<hbm>> -> memref<10000x128xf32, #tpu.memory_space<hbm>>
          tpu.enqueue_indirect_dma source(%dma_start3A_255 : memref<10000x128xf32, #tpu.memory_space<hbm>>) target(%arg11 : memref<128x128xf32, #tpu.memory_space<vmem>>) offsets(%dma_start3A_252 : memref<128xi32, #tpu.memory_space<vmem>>) semaphore(%arg14 : memref<!tpu.dma_semaphore, #tpu.memory_space<semaphore_mem>>)
        } else {
        }
        %dma_wait3A_227 = arith.constant 0 : i32
        %dma_wait3A_228 = arith.constant 0 : i32
        %dma_wait3A_229 = tpu.memref_slice %arg2[%dma_wait3A_227, %dma_wait3A_228] : memref<10000x128xf32, #tpu.memory_space<hbm>> -> memref<128x128xf32, #tpu.memory_space<hbm>>
        %dma_wait3A_230 = arith.constant 0 : i32
        %dma_wait3A_231 = arith.constant 0 : i32
        %dma_wait3A_232 = tpu.memref_slice %arg2[%dma_wait3A_230, %dma_wait3A_231] : memref<10000x128xf32, #tpu.memory_space<hbm>> -> memref<128x128xf32, #tpu.memory_space<hbm>>
        tpu.wait_dma2 semaphore(%arg13 : memref<!tpu.dma_semaphore, #tpu.memory_space<semaphore_mem>>) src(%dma_wait3A_232 : memref<128x128xf32, #tpu.memory_space<hbm>>) dst(%arg10 : memref<128x128xf32, #tpu.memory_space<vmem>>)
        %dma_start3A_233 = arith.constant 1 : i32
        %dma_start3A_234 = arith.constant 0 : i32
        %dma_start3A_235 = tpu.memref_slice %arg7[%dma_start3A_233, %dma_start3A_234] : memref<2x128xi32, #tpu.memory_space<vmem>> -> memref<1x128xi32, #tpu.memory_space<vmem>>
        %dma_start3A_236 = tpu.memref_squeeze %dma_start3A_235 : memref<1x128xi32, #tpu.memory_space<vmem>> -> memref<128xi32, #tpu.memory_space<vmem>>
        %dma_start3A_237 = arith.constant 0 : i32
        %dma_start3A_238 = arith.constant 0 : i32
        %dma_start3A_239 = tpu.memref_slice %arg5[%dma_start3A_237, %dma_start3A_238] : memref<10000x128xf32, #tpu.memory_space<vmem_shared>> -> memref<10000x128xf32, #tpu.memory_space<vmem_shared>>
        tpu.enqueue_indirect_dma source(%arg10 : memref<128x128xf32, #tpu.memory_space<vmem>>) target(%dma_start3A_239 : memref<10000x128xf32, #tpu.memory_space<vmem_shared>>) offsets(%dma_start3A_236 : memref<128xi32, #tpu.memory_space<vmem>>) semaphore(%arg16 : memref<!tpu.dma_semaphore, #tpu.memory_space<semaphore_mem>>) {add = true}
      } else {
      }
      %jit3A_199 = arith.constant 3 : i32
      %eq3A_200 = arith.constant 0 : i32
      %eq3A_201 = arith.cmpi eq, %jit3A_199, %eq3A_200 : i32
      %jit3A_202 = arith.constant 1 : i32
      %select_n3A_203 = arith.select %eq3A_201, %jit3A_202, %jit3A_199 : i32
      %rem3A_204 = arith.remsi %while3A_159, %select_n3A_203 : i32
      %ne3A_205 = arith.constant 0 : i32
      %ne3A_206 = arith.cmpi ne, %rem3A_204, %ne3A_205 : i32
      %lt3A_207 = arith.constant 0 : i32
      %lt3A_208 = arith.cmpi slt, %rem3A_204, %lt3A_207 : i32
      %lt3A_209 = arith.constant 0 : i32
      %lt3A_210 = arith.cmpi slt, %select_n3A_203, %lt3A_209 : i32
      %ne3A_211 = arith.xori %lt3A_208, %lt3A_210 : i1
      %and3A_212 = arith.andi %ne3A_211, %ne3A_206 : i1
      %add3A_213 = arith.addi %rem3A_204, %select_n3A_203 : i32
      %select_n3A_214 = arith.select %and3A_212, %add3A_213, %rem3A_204 : i32
      %eq3A_215 = arith.constant 2 : i32
      %eq3A_216 = arith.cmpi eq, %select_n3A_214, %eq3A_215 : i32
      %convert_element_type3A_217 = arith.extui %eq3A_216 : i1 to i32
      %cond3A_218 = arith.constant 0 : i32
      %cond3A_219 = arith.cmpi ne, %convert_element_type3A_217, %cond3A_218 : i32
      scf.if %cond3A_219 {
        %add3A_221 = arith.constant 1 : i32
        %add3A_222 = arith.addi %while3A_159, %add3A_221 : i32
        %lt3A_223 = arith.cmpi slt, %add3A_222, %select_n3A : i32
        %convert_element_type3A_224 = arith.extui %lt3A_223 : i1 to i32
        %cond3A_225 = arith.constant 0 : i32
        %cond3A_226 = arith.cmpi ne, %convert_element_type3A_224, %cond3A_225 : i32
        scf.if %cond3A_226 {
          %ge3A = arith.constant 2 : i32
          %ge3A_240 = arith.cmpi sge, %while3A_159, %ge3A : i32
          %convert_element_type3A_241 = arith.extui %ge3A_240 : i1 to i32
          %cond3A_242 = arith.constant 0 : i32
          %cond3A_243 = arith.cmpi ne, %convert_element_type3A_241, %cond3A_242 : i32
          scf.if %cond3A_243 {
            %dma_wait3A_256 = arith.constant 1 : i32
            %dma_wait3A_257 = arith.constant 0 : i32
            %dma_wait3A_258 = tpu.memref_slice %arg6[%dma_wait3A_256, %dma_wait3A_257] : memref<2x128xi32, #tpu.memory_space<vmem>> -> memref<1x128xi32, #tpu.memory_space<vmem>>
            %dma_wait3A_259 = tpu.memref_squeeze %dma_wait3A_258 : memref<1x128xi32, #tpu.memory_space<vmem>> -> memref<128xi32, #tpu.memory_space<vmem>>
            %dma_wait3A_260 = arith.constant 0 : i32
            %dma_wait3A_261 = arith.constant 0 : i32
            %dma_wait3A_262 = tpu.memref_slice %arg5[%dma_wait3A_260, %dma_wait3A_261] : memref<10000x128xf32, #tpu.memory_space<vmem_shared>> -> memref<10000x128xf32, #tpu.memory_space<vmem_shared>>
            tpu.wait_indirect_dma semaphore(%arg15 : memref<!tpu.dma_semaphore, #tpu.memory_space<semaphore_mem>>) src(%arg9 : memref<128x128xf32, #tpu.memory_space<vmem>>) dst(%dma_wait3A_262 : memref<10000x128xf32, #tpu.memory_space<vmem_shared>>)
          } else {
          }
          %add3A_244 = arith.constant 1 : i32
          %add3A_245 = arith.addi %while3A_159, %add3A_244 : i32
          %mul3A_246 = arith.constant 32 : i32
          %mul3A_247 = arith.muli %add3A_245, %mul3A_246 : i32
          %add3A_248 = arith.addi %add3A, %mul3A_247 : i32
          "tpu.region"() ({
            %run_scoped3A = tpu.sem_alloc : memref<!tpu.dma_semaphore, #tpu.memory_space<semaphore_mem>>
            %dma_start3A_256 = arith.constant 0 : i32
            %dma_start3A_257 = arith.constant 0 : i32
            %dma_start3A_258 = tpu.memref_slice %arg3[%add3A_248, %dma_start3A_256, %dma_start3A_257] : memref<2500x2x128xi32, #tpu.memory_space<hbm>> -> memref<1x2x128xi32, #tpu.memory_space<hbm>>
            %dma_start3A_259 = tpu.memref_squeeze %dma_start3A_258 : memref<1x2x128xi32, #tpu.memory_space<hbm>> -> memref<2x128xi32, #tpu.memory_space<hbm>>
            %dma_start3A_260 = arith.constant 0 : i32
            %dma_start3A_261 = arith.constant 0 : i32
            %dma_start3A_262 = tpu.memref_slice %arg3[%add3A_248, %dma_start3A_260, %dma_start3A_261] : memref<2500x2x128xi32, #tpu.memory_space<hbm>> -> memref<1x2x128xi32, #tpu.memory_space<hbm>>
            %dma_start3A_263 = tpu.memref_squeeze %dma_start3A_262 : memref<1x2x128xi32, #tpu.memory_space<hbm>> -> memref<2x128xi32, #tpu.memory_space<hbm>>
            tpu.enqueue_dma source(%dma_start3A_263 : memref<2x128xi32, #tpu.memory_space<hbm>>) target(%arg6 : memref<2x128xi32, #tpu.memory_space<vmem>>) target_semaphore(%run_scoped3A : memref<!tpu.dma_semaphore, #tpu.memory_space<semaphore_mem>>)
            %dma_wait3A_264 = arith.constant 0 : i32
            %dma_wait3A_265 = arith.constant 0 : i32
            %dma_wait3A_266 = tpu.memref_slice %arg3[%add3A_248, %dma_wait3A_264, %dma_wait3A_265] : memref<2500x2x128xi32, #tpu.memory_space<hbm>> -> memref<1x2x128xi32, #tpu.memory_space<hbm>>
            %dma_wait3A_267 = tpu.memref_squeeze %dma_wait3A_266 : memref<1x2x128xi32, #tpu.memory_space<hbm>> -> memref<2x128xi32, #tpu.memory_space<hbm>>
            %dma_wait3A_268 = arith.constant 0 : i32
            %dma_wait3A_269 = arith.constant 0 : i32
            %dma_wait3A_270 = tpu.memref_slice %arg3[%add3A_248, %dma_wait3A_268, %dma_wait3A_269] : memref<2500x2x128xi32, #tpu.memory_space<hbm>> -> memref<1x2x128xi32, #tpu.memory_space<hbm>>
            %dma_wait3A_271 = tpu.memref_squeeze %dma_wait3A_270 : memref<1x2x128xi32, #tpu.memory_space<hbm>> -> memref<2x128xi32, #tpu.memory_space<hbm>>
            tpu.wait_dma2 semaphore(%run_scoped3A : memref<!tpu.dma_semaphore, #tpu.memory_space<semaphore_mem>>) src(%dma_wait3A_271 : memref<2x128xi32, #tpu.memory_space<hbm>>) dst(%arg6 : memref<2x128xi32, #tpu.memory_space<vmem>>)
            tpu.yield
          }) : () -> ()
          %dma_start3A_249 = arith.constant 0 : i32
          %dma_start3A_250 = arith.constant 0 : i32
          %dma_start3A_251 = tpu.memref_slice %arg6[%dma_start3A_249, %dma_start3A_250] : memref<2x128xi32, #tpu.memory_space<vmem>> -> memref<1x128xi32, #tpu.memory_space<vmem>>
          %dma_start3A_252 = tpu.memref_squeeze %dma_start3A_251 : memref<1x128xi32, #tpu.memory_space<vmem>> -> memref<128xi32, #tpu.memory_space<vmem>>
          %dma_start3A_253 = arith.constant 0 : i32
          %dma_start3A_254 = arith.constant 0 : i32
          %dma_start3A_255 = tpu.memref_slice %arg2[%dma_start3A_253, %dma_start3A_254] : memref<10000x128xf32, #tpu.memory_space<hbm>> -> memref<10000x128xf32, #tpu.memory_space<hbm>>
          tpu.enqueue_indirect_dma source(%dma_start3A_255 : memref<10000x128xf32, #tpu.memory_space<hbm>>) target(%arg9 : memref<128x128xf32, #tpu.memory_space<vmem>>) offsets(%dma_start3A_252 : memref<128xi32, #tpu.memory_space<vmem>>) semaphore(%arg12 : memref<!tpu.dma_semaphore, #tpu.memory_space<semaphore_mem>>)
        } else {
        }
        %dma_wait3A_227 = arith.constant 0 : i32
        %dma_wait3A_228 = arith.constant 0 : i32
        %dma_wait3A_229 = tpu.memref_slice %arg2[%dma_wait3A_227, %dma_wait3A_228] : memref<10000x128xf32, #tpu.memory_space<hbm>> -> memref<128x128xf32, #tpu.memory_space<hbm>>
        %dma_wait3A_230 = arith.constant 0 : i32
        %dma_wait3A_231 = arith.constant 0 : i32
        %dma_wait3A_232 = tpu.memref_slice %arg2[%dma_wait3A_230, %dma_wait3A_231] : memref<10000x128xf32, #tpu.memory_space<hbm>> -> memref<128x128xf32, #tpu.memory_space<hbm>>
        tpu.wait_dma2 semaphore(%arg14 : memref<!tpu.dma_semaphore, #tpu.memory_space<semaphore_mem>>) src(%dma_wait3A_232 : memref<128x128xf32, #tpu.memory_space<hbm>>) dst(%arg11 : memref<128x128xf32, #tpu.memory_space<vmem>>)
        %dma_start3A_233 = arith.constant 1 : i32
        %dma_start3A_234 = arith.constant 0 : i32
        %dma_start3A_235 = tpu.memref_slice %arg8[%dma_start3A_233, %dma_start3A_234] : memref<2x128xi32, #tpu.memory_space<vmem>> -> memref<1x128xi32, #tpu.memory_space<vmem>>
        %dma_start3A_236 = tpu.memref_squeeze %dma_start3A_235 : memref<1x128xi32, #tpu.memory_space<vmem>> -> memref<128xi32, #tpu.memory_space<vmem>>
        %dma_start3A_237 = arith.constant 0 : i32
        %dma_start3A_238 = arith.constant 0 : i32
        %dma_start3A_239 = tpu.memref_slice %arg5[%dma_start3A_237, %dma_start3A_238] : memref<10000x128xf32, #tpu.memory_space<vmem_shared>> -> memref<10000x128xf32, #tpu.memory_space<vmem_shared>>
        tpu.enqueue_indirect_dma source(%arg11 : memref<128x128xf32, #tpu.memory_space<vmem>>) target(%dma_start3A_239 : memref<10000x128xf32, #tpu.memory_space<vmem_shared>>) offsets(%dma_start3A_236 : memref<128xi32, #tpu.memory_space<vmem>>) semaphore(%arg17 : memref<!tpu.dma_semaphore, #tpu.memory_space<semaphore_mem>>) {add = true}
      } else {
      }
      %while3A_220 = arith.constant 0 : i32
      scf.yield %while3A_220 : i32
    }
    %dma_wait3A = arith.constant 1 : i32
    %dma_wait3A_82 = arith.constant 0 : i32
    %dma_wait3A_83 = tpu.memref_slice %arg6[%dma_wait3A, %dma_wait3A_82] : memref<2x128xi32, #tpu.memory_space<vmem>> -> memref<1x128xi32, #tpu.memory_space<vmem>>
    %dma_wait3A_84 = tpu.memref_squeeze %dma_wait3A_83 : memref<1x128xi32, #tpu.memory_space<vmem>> -> memref<128xi32, #tpu.memory_space<vmem>>
    %dma_wait3A_85 = arith.constant 0 : i32
    %dma_wait3A_86 = arith.constant 0 : i32
    %dma_wait3A_87 = tpu.memref_slice %arg5[%dma_wait3A_85, %dma_wait3A_86] : memref<10000x128xf32, #tpu.memory_space<vmem_shared>> -> memref<10000x128xf32, #tpu.memory_space<vmem_shared>>
    tpu.wait_indirect_dma semaphore(%arg15 : memref<!tpu.dma_semaphore, #tpu.memory_space<semaphore_mem>>) src(%arg9 : memref<128x128xf32, #tpu.memory_space<vmem>>) dst(%dma_wait3A_87 : memref<10000x128xf32, #tpu.memory_space<vmem_shared>>)
    %dma_wait3A_88 = arith.constant 1 : i32
    %dma_wait3A_89 = arith.constant 0 : i32
    %dma_wait3A_90 = tpu.memref_slice %arg7[%dma_wait3A_88, %dma_wait3A_89] : memref<2x128xi32, #tpu.memory_space<vmem>> -> memref<1x128xi32, #tpu.memory_space<vmem>>
    %dma_wait3A_91 = tpu.memref_squeeze %dma_wait3A_90 : memref<1x128xi32, #tpu.memory_space<vmem>> -> memref<128xi32, #tpu.memory_space<vmem>>
    %dma_wait3A_92 = arith.constant 0 : i32
    %dma_wait3A_93 = arith.constant 0 : i32
    %dma_wait3A_94 = tpu.memref_slice %arg5[%dma_wait3A_92, %dma_wait3A_93] : memref<10000x128xf32, #tpu.memory_space<vmem_shared>> -> memref<10000x128xf32, #tpu.memory_space<vmem_shared>>
    tpu.wait_indirect_dma semaphore(%arg16 : memref<!tpu.dma_semaphore, #tpu.memory_space<semaphore_mem>>) src(%arg10 : memref<128x128xf32, #tpu.memory_space<vmem>>) dst(%dma_wait3A_94 : memref<10000x128xf32, #tpu.memory_space<vmem_shared>>)
    %dma_wait3A_95 = arith.constant 1 : i32
    %dma_wait3A_96 = arith.constant 0 : i32
    %dma_wait3A_97 = tpu.memref_slice %arg8[%dma_wait3A_95, %dma_wait3A_96] : memref<2x128xi32, #tpu.memory_space<vmem>> -> memref<1x128xi32, #tpu.memory_space<vmem>>
    %dma_wait3A_98 = tpu.memref_squeeze %dma_wait3A_97 : memref<1x128xi32, #tpu.memory_space<vmem>> -> memref<128xi32, #tpu.memory_space<vmem>>
    %dma_wait3A_99 = arith.constant 0 : i32
    %dma_wait3A_100 = arith.constant 0 : i32
    %dma_wait3A_101 = tpu.memref_slice %arg5[%dma_wait3A_99, %dma_wait3A_100] : memref<10000x128xf32, #tpu.memory_space<vmem_shared>> -> memref<10000x128xf32, #tpu.memory_space<vmem_shared>>
    tpu.wait_indirect_dma semaphore(%arg17 : memref<!tpu.dma_semaphore, #tpu.memory_space<semaphore_mem>>) src(%arg11 : memref<128x128xf32, #tpu.memory_space<vmem>>) dst(%dma_wait3A_101 : memref<10000x128xf32, #tpu.memory_space<vmem_shared>>)
    %barrier3A_102 = arith.constant 0 : index
    tpu.barrier barrier_id(%barrier3A_102)
    %add3A_103 = arith.constant 0 : i32
    %add3A_104 = arith.addi %arg1, %add3A_103 : i32
    %lt3A_105 = arith.constant 125 : i32
    %lt3A_106 = arith.cmpi slt, %add3A_104, %lt3A_105 : i32
    %convert_element_type3A_107 = arith.extui %lt3A_106 : i1 to i32
    %cond3A_108 = arith.constant 0 : i32
    %cond3A_109 = arith.cmpi ne, %convert_element_type3A_107, %cond3A_108 : i32
    scf.if %cond3A_109 {
      %mul3A_159 = arith.constant 80 : i32
      %mul3A_160 = arith.muli %add3A_104, %mul3A_159 : i32
      %mul3A_161 = arith.constant 10000 : i32
      %mul3A_162 = arith.muli %arg0, %mul3A_161 : i32
      %mul3A_163 = arith.constant 80 : i32
      %mul3A_164 = arith.muli %add3A_104, %mul3A_163 : i32
      %add3A_165 = arith.addi %mul3A_162, %mul3A_164 : i32
      "tpu.region"() ({
        %run_scoped3A = tpu.sem_alloc : memref<!tpu.dma_semaphore, #tpu.memory_space<semaphore_mem>>
        %dma_start3A_166 = arith.constant 0 : i32
        %dma_start3A_167 = tpu.memref_slice %arg4[%add3A_165, %dma_start3A_166] : memref<20000x128xf32, #tpu.memory_space<hbm>> -> memref<80x128xf32, #tpu.memory_space<hbm>>
        %dma_start3A_168 = arith.constant 0 : i32
        %dma_start3A_169 = tpu.memref_slice %arg5[%mul3A_160, %dma_start3A_168] : memref<10000x128xf32, #tpu.memory_space<vmem_shared>> -> memref<80x128xf32, #tpu.memory_space<vmem_shared>>
        tpu.enqueue_dma source(%dma_start3A_169 : memref<80x128xf32, #tpu.memory_space<vmem_shared>>) target(%dma_start3A_167 : memref<80x128xf32, #tpu.memory_space<hbm>>) target_semaphore(%run_scoped3A : memref<!tpu.dma_semaphore, #tpu.memory_space<semaphore_mem>>)
        %dma_wait3A_170 = arith.constant 0 : i32
        %dma_wait3A_171 = tpu.memref_slice %arg4[%add3A_165, %dma_wait3A_170] : memref<20000x128xf32, #tpu.memory_space<hbm>> -> memref<80x128xf32, #tpu.memory_space<hbm>>
        %dma_wait3A_172 = arith.constant 0 : i32
        %dma_wait3A_173 = tpu.memref_slice %arg5[%mul3A_160, %dma_wait3A_172] : memref<10000x128xf32, #tpu.memory_space<vmem_shared>> -> memref<80x128xf32, #tpu.memory_space<vmem_shared>>
        tpu.wait_dma2 semaphore(%run_scoped3A : memref<!tpu.dma_semaphore, #tpu.memory_space<semaphore_mem>>) src(%dma_wait3A_173 : memref<80x128xf32, #tpu.memory_space<vmem_shared>>) dst(%dma_wait3A_171 : memref<80x128xf32, #tpu.memory_space<hbm>>)
        tpu.yield
      }) : () -> ()
    } else {
    }
    %add3A_110 = arith.constant 16 : i32
    %add3A_111 = arith.addi %arg1, %add3A_110 : i32
    %lt3A_112 = arith.constant 125 : i32
    %lt3A_113 = arith.cmpi slt, %add3A_111, %lt3A_112 : i32
    %convert_element_type3A_114 = arith.extui %lt3A_113 : i1 to i32
    %cond3A_115 = arith.constant 0 : i32
    %cond3A_116 = arith.cmpi ne, %convert_element_type3A_114, %cond3A_115 : i32
    scf.if %cond3A_116 {
      %mul3A_159 = arith.constant 80 : i32
      %mul3A_160 = arith.muli %add3A_111, %mul3A_159 : i32
      %mul3A_161 = arith.constant 10000 : i32
      %mul3A_162 = arith.muli %arg0, %mul3A_161 : i32
      %mul3A_163 = arith.constant 80 : i32
      %mul3A_164 = arith.muli %add3A_111, %mul3A_163 : i32
      %add3A_165 = arith.addi %mul3A_162, %mul3A_164 : i32
      "tpu.region"() ({
        %run_scoped3A = tpu.sem_alloc : memref<!tpu.dma_semaphore, #tpu.memory_space<semaphore_mem>>
        %dma_start3A_166 = arith.constant 0 : i32
        %dma_start3A_167 = tpu.memref_slice %arg4[%add3A_165, %dma_start3A_166] : memref<20000x128xf32, #tpu.memory_space<hbm>> -> memref<80x128xf32, #tpu.memory_space<hbm>>
        %dma_start3A_168 = arith.constant 0 : i32
        %dma_start3A_169 = tpu.memref_slice %arg5[%mul3A_160, %dma_start3A_168] : memref<10000x128xf32, #tpu.memory_space<vmem_shared>> -> memref<80x128xf32, #tpu.memory_space<vmem_shared>>
        tpu.enqueue_dma source(%dma_start3A_169 : memref<80x128xf32, #tpu.memory_space<vmem_shared>>) target(%dma_start3A_167 : memref<80x128xf32, #tpu.memory_space<hbm>>) target_semaphore(%run_scoped3A : memref<!tpu.dma_semaphore, #tpu.memory_space<semaphore_mem>>)
        %dma_wait3A_170 = arith.constant 0 : i32
        %dma_wait3A_171 = tpu.memref_slice %arg4[%add3A_165, %dma_wait3A_170] : memref<20000x128xf32, #tpu.memory_space<hbm>> -> memref<80x128xf32, #tpu.memory_space<hbm>>
        %dma_wait3A_172 = arith.constant 0 : i32
        %dma_wait3A_173 = tpu.memref_slice %arg5[%mul3A_160, %dma_wait3A_172] : memref<10000x128xf32, #tpu.memory_space<vmem_shared>> -> memref<80x128xf32, #tpu.memory_space<vmem_shared>>
        tpu.wait_dma2 semaphore(%run_scoped3A : memref<!tpu.dma_semaphore, #tpu.memory_space<semaphore_mem>>) src(%dma_wait3A_173 : memref<80x128xf32, #tpu.memory_space<vmem_shared>>) dst(%dma_wait3A_171 : memref<80x128xf32, #tpu.memory_space<hbm>>)
        tpu.yield
      }) : () -> ()
    } else {
    }
    %add3A_117 = arith.constant 32 : i32
    %add3A_118 = arith.addi %arg1, %add3A_117 : i32
    %lt3A_119 = arith.constant 125 : i32
    %lt3A_120 = arith.cmpi slt, %add3A_118, %lt3A_119 : i32
    %convert_element_type3A_121 = arith.extui %lt3A_120 : i1 to i32
    %cond3A_122 = arith.constant 0 : i32
    %cond3A_123 = arith.cmpi ne, %convert_element_type3A_121, %cond3A_122 : i32
    scf.if %cond3A_123 {
      %mul3A_159 = arith.constant 80 : i32
      %mul3A_160 = arith.muli %add3A_118, %mul3A_159 : i32
      %mul3A_161 = arith.constant 10000 : i32
      %mul3A_162 = arith.muli %arg0, %mul3A_161 : i32
      %mul3A_163 = arith.constant 80 : i32
      %mul3A_164 = arith.muli %add3A_118, %mul3A_163 : i32
      %add3A_165 = arith.addi %mul3A_162, %mul3A_164 : i32
      "tpu.region"() ({
        %run_scoped3A = tpu.sem_alloc : memref<!tpu.dma_semaphore, #tpu.memory_space<semaphore_mem>>
        %dma_start3A_166 = arith.constant 0 : i32
        %dma_start3A_167 = tpu.memref_slice %arg4[%add3A_165, %dma_start3A_166] : memref<20000x128xf32, #tpu.memory_space<hbm>> -> memref<80x128xf32, #tpu.memory_space<hbm>>
        %dma_start3A_168 = arith.constant 0 : i32
        %dma_start3A_169 = tpu.memref_slice %arg5[%mul3A_160, %dma_start3A_168] : memref<10000x128xf32, #tpu.memory_space<vmem_shared>> -> memref<80x128xf32, #tpu.memory_space<vmem_shared>>
        tpu.enqueue_dma source(%dma_start3A_169 : memref<80x128xf32, #tpu.memory_space<vmem_shared>>) target(%dma_start3A_167 : memref<80x128xf32, #tpu.memory_space<hbm>>) target_semaphore(%run_scoped3A : memref<!tpu.dma_semaphore, #tpu.memory_space<semaphore_mem>>)
        %dma_wait3A_170 = arith.constant 0 : i32
        %dma_wait3A_171 = tpu.memref_slice %arg4[%add3A_165, %dma_wait3A_170] : memref<20000x128xf32, #tpu.memory_space<hbm>> -> memref<80x128xf32, #tpu.memory_space<hbm>>
        %dma_wait3A_172 = arith.constant 0 : i32
        %dma_wait3A_173 = tpu.memref_slice %arg5[%mul3A_160, %dma_wait3A_172] : memref<10000x128xf32, #tpu.memory_space<vmem_shared>> -> memref<80x128xf32, #tpu.memory_space<vmem_shared>>
        tpu.wait_dma2 semaphore(%run_scoped3A : memref<!tpu.dma_semaphore, #tpu.memory_space<semaphore_mem>>) src(%dma_wait3A_173 : memref<80x128xf32, #tpu.memory_space<vmem_shared>>) dst(%dma_wait3A_171 : memref<80x128xf32, #tpu.memory_space<hbm>>)
        tpu.yield
      }) : () -> ()
    } else {
    }
    %add3A_124 = arith.constant 48 : i32
    %add3A_125 = arith.addi %arg1, %add3A_124 : i32
    %lt3A_126 = arith.constant 125 : i32
    %lt3A_127 = arith.cmpi slt, %add3A_125, %lt3A_126 : i32
    %convert_element_type3A_128 = arith.extui %lt3A_127 : i1 to i32
    %cond3A_129 = arith.constant 0 : i32
    %cond3A_130 = arith.cmpi ne, %convert_element_type3A_128, %cond3A_129 : i32
    scf.if %cond3A_130 {
      %mul3A_159 = arith.constant 80 : i32
      %mul3A_160 = arith.muli %add3A_125, %mul3A_159 : i32
      %mul3A_161 = arith.constant 10000 : i32
      %mul3A_162 = arith.muli %arg0, %mul3A_161 : i32
      %mul3A_163 = arith.constant 80 : i32
      %mul3A_164 = arith.muli %add3A_125, %mul3A_163 : i32
      %add3A_165 = arith.addi %mul3A_162, %mul3A_164 : i32
      "tpu.region"() ({
        %run_scoped3A = tpu.sem_alloc : memref<!tpu.dma_semaphore, #tpu.memory_space<semaphore_mem>>
        %dma_start3A_166 = arith.constant 0 : i32
        %dma_start3A_167 = tpu.memref_slice %arg4[%add3A_165, %dma_start3A_166] : memref<20000x128xf32, #tpu.memory_space<hbm>> -> memref<80x128xf32, #tpu.memory_space<hbm>>
        %dma_start3A_168 = arith.constant 0 : i32
        %dma_start3A_169 = tpu.memref_slice %arg5[%mul3A_160, %dma_start3A_168] : memref<10000x128xf32, #tpu.memory_space<vmem_shared>> -> memref<80x128xf32, #tpu.memory_space<vmem_shared>>
        tpu.enqueue_dma source(%dma_start3A_169 : memref<80x128xf32, #tpu.memory_space<vmem_shared>>) target(%dma_start3A_167 : memref<80x128xf32, #tpu.memory_space<hbm>>) target_semaphore(%run_scoped3A : memref<!tpu.dma_semaphore, #tpu.memory_space<semaphore_mem>>)
        %dma_wait3A_170 = arith.constant 0 : i32
        %dma_wait3A_171 = tpu.memref_slice %arg4[%add3A_165, %dma_wait3A_170] : memref<20000x128xf32, #tpu.memory_space<hbm>> -> memref<80x128xf32, #tpu.memory_space<hbm>>
        %dma_wait3A_172 = arith.constant 0 : i32
        %dma_wait3A_173 = tpu.memref_slice %arg5[%mul3A_160, %dma_wait3A_172] : memref<10000x128xf32, #tpu.memory_space<vmem_shared>> -> memref<80x128xf32, #tpu.memory_space<vmem_shared>>
        tpu.wait_dma2 semaphore(%run_scoped3A : memref<!tpu.dma_semaphore, #tpu.memory_space<semaphore_mem>>) src(%dma_wait3A_173 : memref<80x128xf32, #tpu.memory_space<vmem_shared>>) dst(%dma_wait3A_171 : memref<80x128xf32, #tpu.memory_space<hbm>>)
        tpu.yield
      }) : () -> ()
    } else {
    }
    %add3A_131 = arith.constant 64 : i32
    %add3A_132 = arith.addi %arg1, %add3A_131 : i32
    %lt3A_133 = arith.constant 125 : i32
    %lt3A_134 = arith.cmpi slt, %add3A_132, %lt3A_133 : i32
    %convert_element_type3A_135 = arith.extui %lt3A_134 : i1 to i32
    %cond3A_136 = arith.constant 0 : i32
    %cond3A_137 = arith.cmpi ne, %convert_element_type3A_135, %cond3A_136 : i32
    scf.if %cond3A_137 {
      %mul3A_159 = arith.constant 80 : i32
      %mul3A_160 = arith.muli %add3A_132, %mul3A_159 : i32
      %mul3A_161 = arith.constant 10000 : i32
      %mul3A_162 = arith.muli %arg0, %mul3A_161 : i32
      %mul3A_163 = arith.constant 80 : i32
      %mul3A_164 = arith.muli %add3A_132, %mul3A_163 : i32
      %add3A_165 = arith.addi %mul3A_162, %mul3A_164 : i32
      "tpu.region"() ({
        %run_scoped3A = tpu.sem_alloc : memref<!tpu.dma_semaphore, #tpu.memory_space<semaphore_mem>>
        %dma_start3A_166 = arith.constant 0 : i32
        %dma_start3A_167 = tpu.memref_slice %arg4[%add3A_165, %dma_start3A_166] : memref<20000x128xf32, #tpu.memory_space<hbm>> -> memref<80x128xf32, #tpu.memory_space<hbm>>
        %dma_start3A_168 = arith.constant 0 : i32
        %dma_start3A_169 = tpu.memref_slice %arg5[%mul3A_160, %dma_start3A_168] : memref<10000x128xf32, #tpu.memory_space<vmem_shared>> -> memref<80x128xf32, #tpu.memory_space<vmem_shared>>
        tpu.enqueue_dma source(%dma_start3A_169 : memref<80x128xf32, #tpu.memory_space<vmem_shared>>) target(%dma_start3A_167 : memref<80x128xf32, #tpu.memory_space<hbm>>) target_semaphore(%run_scoped3A : memref<!tpu.dma_semaphore, #tpu.memory_space<semaphore_mem>>)
        %dma_wait3A_170 = arith.constant 0 : i32
        %dma_wait3A_171 = tpu.memref_slice %arg4[%add3A_165, %dma_wait3A_170] : memref<20000x128xf32, #tpu.memory_space<hbm>> -> memref<80x128xf32, #tpu.memory_space<hbm>>
        %dma_wait3A_172 = arith.constant 0 : i32
        %dma_wait3A_173 = tpu.memref_slice %arg5[%mul3A_160, %dma_wait3A_172] : memref<10000x128xf32, #tpu.memory_space<vmem_shared>> -> memref<80x128xf32, #tpu.memory_space<vmem_shared>>
        tpu.wait_dma2 semaphore(%run_scoped3A : memref<!tpu.dma_semaphore, #tpu.memory_space<semaphore_mem>>) src(%dma_wait3A_173 : memref<80x128xf32, #tpu.memory_space<vmem_shared>>) dst(%dma_wait3A_171 : memref<80x128xf32, #tpu.memory_space<hbm>>)
        tpu.yield
      }) : () -> ()
    } else {
    }
    %add3A_138 = arith.constant 80 : i32
    %add3A_139 = arith.addi %arg1, %add3A_138 : i32
    %lt3A_140 = arith.constant 125 : i32
    %lt3A_141 = arith.cmpi slt, %add3A_139, %lt3A_140 : i32
    %convert_element_type3A_142 = arith.extui %lt3A_141 : i1 to i32
    %cond3A_143 = arith.constant 0 : i32
    %cond3A_144 = arith.cmpi ne, %convert_element_type3A_142, %cond3A_143 : i32
    scf.if %cond3A_144 {
      %mul3A_159 = arith.constant 80 : i32
      %mul3A_160 = arith.muli %add3A_139, %mul3A_159 : i32
      %mul3A_161 = arith.constant 10000 : i32
      %mul3A_162 = arith.muli %arg0, %mul3A_161 : i32
      %mul3A_163 = arith.constant 80 : i32
      %mul3A_164 = arith.muli %add3A_139, %mul3A_163 : i32
      %add3A_165 = arith.addi %mul3A_162, %mul3A_164 : i32
      "tpu.region"() ({
        %run_scoped3A = tpu.sem_alloc : memref<!tpu.dma_semaphore, #tpu.memory_space<semaphore_mem>>
        %dma_start3A_166 = arith.constant 0 : i32
        %dma_start3A_167 = tpu.memref_slice %arg4[%add3A_165, %dma_start3A_166] : memref<20000x128xf32, #tpu.memory_space<hbm>> -> memref<80x128xf32, #tpu.memory_space<hbm>>
        %dma_start3A_168 = arith.constant 0 : i32
        %dma_start3A_169 = tpu.memref_slice %arg5[%mul3A_160, %dma_start3A_168] : memref<10000x128xf32, #tpu.memory_space<vmem_shared>> -> memref<80x128xf32, #tpu.memory_space<vmem_shared>>
        tpu.enqueue_dma source(%dma_start3A_169 : memref<80x128xf32, #tpu.memory_space<vmem_shared>>) target(%dma_start3A_167 : memref<80x128xf32, #tpu.memory_space<hbm>>) target_semaphore(%run_scoped3A : memref<!tpu.dma_semaphore, #tpu.memory_space<semaphore_mem>>)
        %dma_wait3A_170 = arith.constant 0 : i32
        %dma_wait3A_171 = tpu.memref_slice %arg4[%add3A_165, %dma_wait3A_170] : memref<20000x128xf32, #tpu.memory_space<hbm>> -> memref<80x128xf32, #tpu.memory_space<hbm>>
        %dma_wait3A_172 = arith.constant 0 : i32
        %dma_wait3A_173 = tpu.memref_slice %arg5[%mul3A_160, %dma_wait3A_172] : memref<10000x128xf32, #tpu.memory_space<vmem_shared>> -> memref<80x128xf32, #tpu.memory_space<vmem_shared>>
        tpu.wait_dma2 semaphore(%run_scoped3A : memref<!tpu.dma_semaphore, #tpu.memory_space<semaphore_mem>>) src(%dma_wait3A_173 : memref<80x128xf32, #tpu.memory_space<vmem_shared>>) dst(%dma_wait3A_171 : memref<80x128xf32, #tpu.memory_space<hbm>>)
        tpu.yield
      }) : () -> ()
    } else {
    }
    %add3A_145 = arith.constant 96 : i32
    %add3A_146 = arith.addi %arg1, %add3A_145 : i32
    %lt3A_147 = arith.constant 125 : i32
    %lt3A_148 = arith.cmpi slt, %add3A_146, %lt3A_147 : i32
    %convert_element_type3A_149 = arith.extui %lt3A_148 : i1 to i32
    %cond3A_150 = arith.constant 0 : i32
    %cond3A_151 = arith.cmpi ne, %convert_element_type3A_149, %cond3A_150 : i32
    scf.if %cond3A_151 {
      %mul3A_159 = arith.constant 80 : i32
      %mul3A_160 = arith.muli %add3A_146, %mul3A_159 : i32
      %mul3A_161 = arith.constant 10000 : i32
      %mul3A_162 = arith.muli %arg0, %mul3A_161 : i32
      %mul3A_163 = arith.constant 80 : i32
      %mul3A_164 = arith.muli %add3A_146, %mul3A_163 : i32
      %add3A_165 = arith.addi %mul3A_162, %mul3A_164 : i32
      "tpu.region"() ({
        %run_scoped3A = tpu.sem_alloc : memref<!tpu.dma_semaphore, #tpu.memory_space<semaphore_mem>>
        %dma_start3A_166 = arith.constant 0 : i32
        %dma_start3A_167 = tpu.memref_slice %arg4[%add3A_165, %dma_start3A_166] : memref<20000x128xf32, #tpu.memory_space<hbm>> -> memref<80x128xf32, #tpu.memory_space<hbm>>
        %dma_start3A_168 = arith.constant 0 : i32
        %dma_start3A_169 = tpu.memref_slice %arg5[%mul3A_160, %dma_start3A_168] : memref<10000x128xf32, #tpu.memory_space<vmem_shared>> -> memref<80x128xf32, #tpu.memory_space<vmem_shared>>
        tpu.enqueue_dma source(%dma_start3A_169 : memref<80x128xf32, #tpu.memory_space<vmem_shared>>) target(%dma_start3A_167 : memref<80x128xf32, #tpu.memory_space<hbm>>) target_semaphore(%run_scoped3A : memref<!tpu.dma_semaphore, #tpu.memory_space<semaphore_mem>>)
        %dma_wait3A_170 = arith.constant 0 : i32
        %dma_wait3A_171 = tpu.memref_slice %arg4[%add3A_165, %dma_wait3A_170] : memref<20000x128xf32, #tpu.memory_space<hbm>> -> memref<80x128xf32, #tpu.memory_space<hbm>>
        %dma_wait3A_172 = arith.constant 0 : i32
        %dma_wait3A_173 = tpu.memref_slice %arg5[%mul3A_160, %dma_wait3A_172] : memref<10000x128xf32, #tpu.memory_space<vmem_shared>> -> memref<80x128xf32, #tpu.memory_space<vmem_shared>>
        tpu.wait_dma2 semaphore(%run_scoped3A : memref<!tpu.dma_semaphore, #tpu.memory_space<semaphore_mem>>) src(%dma_wait3A_173 : memref<80x128xf32, #tpu.memory_space<vmem_shared>>) dst(%dma_wait3A_171 : memref<80x128xf32, #tpu.memory_space<hbm>>)
        tpu.yield
      }) : () -> ()
    } else {
    }
    %add3A_152 = arith.constant 112 : i32
    %add3A_153 = arith.addi %arg1, %add3A_152 : i32
    %lt3A_154 = arith.constant 125 : i32
    %lt3A_155 = arith.cmpi slt, %add3A_153, %lt3A_154 : i32
    %convert_element_type3A_156 = arith.extui %lt3A_155 : i1 to i32
    %cond3A_157 = arith.constant 0 : i32
    %cond3A_158 = arith.cmpi ne, %convert_element_type3A_156, %cond3A_157 : i32
    scf.if %cond3A_158 {
      %mul3A_159 = arith.constant 80 : i32
      %mul3A_160 = arith.muli %add3A_153, %mul3A_159 : i32
      %mul3A_161 = arith.constant 10000 : i32
      %mul3A_162 = arith.muli %arg0, %mul3A_161 : i32
      %mul3A_163 = arith.constant 80 : i32
      %mul3A_164 = arith.muli %add3A_153, %mul3A_163 : i32
      %add3A_165 = arith.addi %mul3A_162, %mul3A_164 : i32
      "tpu.region"() ({
        %run_scoped3A = tpu.sem_alloc : memref<!tpu.dma_semaphore, #tpu.memory_space<semaphore_mem>>
        %dma_start3A_166 = arith.constant 0 : i32
        %dma_start3A_167 = tpu.memref_slice %arg4[%add3A_165, %dma_start3A_166] : memref<20000x128xf32, #tpu.memory_space<hbm>> -> memref<80x128xf32, #tpu.memory_space<hbm>>
        %dma_start3A_168 = arith.constant 0 : i32
        %dma_start3A_169 = tpu.memref_slice %arg5[%mul3A_160, %dma_start3A_168] : memref<10000x128xf32, #tpu.memory_space<vmem_shared>> -> memref<80x128xf32, #tpu.memory_space<vmem_shared>>
        tpu.enqueue_dma source(%dma_start3A_169 : memref<80x128xf32, #tpu.memory_space<vmem_shared>>) target(%dma_start3A_167 : memref<80x128xf32, #tpu.memory_space<hbm>>) target_semaphore(%run_scoped3A : memref<!tpu.dma_semaphore, #tpu.memory_space<semaphore_mem>>)
        %dma_wait3A_170 = arith.constant 0 : i32
        %dma_wait3A_171 = tpu.memref_slice %arg4[%add3A_165, %dma_wait3A_170] : memref<20000x128xf32, #tpu.memory_space<hbm>> -> memref<80x128xf32, #tpu.memory_space<hbm>>
        %dma_wait3A_172 = arith.constant 0 : i32
        %dma_wait3A_173 = tpu.memref_slice %arg5[%mul3A_160, %dma_wait3A_172] : memref<10000x128xf32, #tpu.memory_space<vmem_shared>> -> memref<80x128xf32, #tpu.memory_space<vmem_shared>>
        tpu.wait_dma2 semaphore(%run_scoped3A : memref<!tpu.dma_semaphore, #tpu.memory_space<semaphore_mem>>) src(%dma_wait3A_173 : memref<80x128xf32, #tpu.memory_space<vmem_shared>>) dst(%dma_wait3A_171 : memref<80x128xf32, #tpu.memory_space<hbm>>)
        tpu.yield
      }) : () -> ()
    } else {
    }
    return
  }
}

module attributes {stable_mosaic.version = 14 : i64} {
  func.func @_layer_body(%arg0: i32, %arg1: memref<1000x128xf32, #tpu.memory_space<vmem>>, %arg2: memref<1000x128xf32, #tpu.memory_space<vmem>>, %arg3: memref<1000x128xf32, #tpu.memory_space<vmem>>, %arg4: memref<128x128xf32, #tpu.memory_space<vmem>>, %arg5: memref<1x128xf32, #tpu.memory_space<vmem>>, %arg6: memref<128x128xf32, #tpu.memory_space<vmem>>, %arg7: memref<1000x128xf32, #tpu.memory_space<vmem>>) attributes {dimension_semantics = [#tpu.dimension_semantics<arbitrary>], iteration_bounds = array<i64: 10>, scalar_prefetch = 0 : i64, scratch_operands = 0 : i64, tpu.core_type = #tpu.core_type<tc>, window_params = [{transform_indices = @transform_0, window_bounds = array<i64: 1000, 128>}, {transform_indices = @transform_1, window_bounds = array<i64: 1000, 128>}, {transform_indices = @transform_2, window_bounds = array<i64: 1000, 128>}, {pipeline_mode = #tpu.pipeline_mode<synchronous>, transform_indices = @transform_3, window_bounds = array<i64: 128, 128>}, {pipeline_mode = #tpu.pipeline_mode<synchronous>, transform_indices = @transform_4, window_bounds = array<i64: 1, 128>}, {pipeline_mode = #tpu.pipeline_mode<synchronous>, transform_indices = @transform_5, window_bounds = array<i64: 128, 128>}, {transform_indices = @transform_6, window_bounds = array<i64: 1000, 128>}]} {
    %get3A = arith.constant 0 : index
    %get3A_0 = arith.constant 0 : index
    %get3A_1 = vector.load %arg1[%get3A, %get3A_0] : memref<1000x128xf32, #tpu.memory_space<vmem>>, vector<1000x128xf32>
    %get3A_2 = arith.constant 0 : index
    %get3A_3 = arith.constant 0 : index
    %get3A_4 = vector.load %arg2[%get3A_2, %get3A_3] : memref<1000x128xf32, #tpu.memory_space<vmem>>, vector<1000x128xf32>
    %add3A = arith.addf %get3A_1, %get3A_4 : vector<1000x128xf32>
    %get3A_5 = arith.constant 0 : index
    %get3A_6 = arith.constant 0 : index
    %get3A_7 = vector.load %arg4[%get3A_5, %get3A_6] : memref<128x128xf32, #tpu.memory_space<vmem>>, vector<128x128xf32>
    %dot_general3A = arith.constant dense<0.000000e+00> : vector<1000x128xf32>
    %dot_general3A_8 = tpu.matmul %add3A, %get3A_7, %dot_general3A {dimension_numbers = #tpu.dot_dimension_numbers<[1], [1], [0], [0], [0, 0, 1, 0], [], []>, precision = #tpu.contract_precision<fp32>, transpose_lhs_hint = false} : vector<1000x128xf32>, vector<128x128xf32>, vector<1000x128xf32> -> vector<1000x128xf32>
    %get3A_9 = arith.constant 0 : index
    %get3A_10 = arith.constant 0 : index
    %get3A_11 = vector.load %arg5[%get3A_9, %get3A_10] : memref<1x128xf32, #tpu.memory_space<vmem>>, vector<1x128xf32>
    %add3A_12 = vector.broadcast %get3A_11 : vector<1x128xf32> to vector<1000x128xf32>
    %add3A_13 = arith.addf %dot_general3A_8, %add3A_12 : vector<1000x128xf32>
    %get3A_14 = arith.constant 0 : index
    %get3A_15 = arith.constant 0 : index
    %get3A_16 = vector.load %arg3[%get3A_14, %get3A_15] : memref<1000x128xf32, #tpu.memory_space<vmem>>, vector<1000x128xf32>
    %get3A_17 = arith.constant 0 : index
    %get3A_18 = arith.constant 0 : index
    %get3A_19 = vector.load %arg6[%get3A_17, %get3A_18] : memref<128x128xf32, #tpu.memory_space<vmem>>, vector<128x128xf32>
    %dot_general3A_20 = arith.constant dense<0.000000e+00> : vector<1000x128xf32>
    %dot_general3A_21 = tpu.matmul %get3A_16, %get3A_19, %dot_general3A_20 {dimension_numbers = #tpu.dot_dimension_numbers<[1], [1], [0], [0], [0, 0, 1, 0], [], []>, precision = #tpu.contract_precision<fp32>, transpose_lhs_hint = false} : vector<1000x128xf32>, vector<128x128xf32>, vector<1000x128xf32> -> vector<1000x128xf32>
    %add3A_22 = arith.addf %add3A_13, %dot_general3A_21 : vector<1000x128xf32>
    %max3A = arith.constant 0.000000e+00 : f32
    %max3A_23 = vector.broadcast %max3A : f32 to vector<1000x128xf32>
    %max3A_24 = arith.maximumf %add3A_22, %max3A_23 : vector<1000x128xf32>
    %swap3A = arith.constant 0 : index
    %swap3A_25 = arith.constant 0 : index
    %swap3A_26 = vector.load %arg7[%swap3A, %swap3A_25] : memref<1000x128xf32, #tpu.memory_space<vmem>>, vector<1000x128xf32>
    tpu.vector_store %arg7[%swap3A, %swap3A_25], %max3A_24 {strides = array<i32>} : memref<1000x128xf32, #tpu.memory_space<vmem>>, vector<1000x128xf32>,
    return
  }
  func.func @transform_0(%arg0: i32) -> (i32, i32) {
    %c0_i32 = arith.constant 0 : i32
    %c0_i32_0 = arith.constant 0 : i32
    return %arg0, %c0_i32 : i32, i32
  }
  func.func @transform_1(%arg0: i32) -> (i32, i32) {
    %add3A = arith.constant 10 : i32
    %add3A_0 = arith.addi %arg0, %add3A : i32
    %c0_i32 = arith.constant 0 : i32
    %c0_i32_1 = arith.constant 0 : i32
    return %add3A_0, %c0_i32 : i32, i32
  }
  func.func @transform_2(%arg0: i32) -> (i32, i32) {
    %c0_i32 = arith.constant 0 : i32
    %c0_i32_0 = arith.constant 0 : i32
    return %arg0, %c0_i32 : i32, i32
  }
  func.func @transform_3(%arg0: i32) -> (i32, i32) {
    %c0_i32 = arith.constant 0 : i32
    %c0_i32_0 = arith.constant 0 : i32
    %c0_i32_1 = arith.constant 0 : i32
    return %c0_i32, %c0_i32_0 : i32, i32
  }
  func.func @transform_4(%arg0: i32) -> (i32, i32) {
    %c0_i32 = arith.constant 0 : i32
    %c0_i32_0 = arith.constant 0 : i32
    %c0_i32_1 = arith.constant 0 : i32
    return %c0_i32, %c0_i32_0 : i32, i32
  }
  func.func @transform_5(%arg0: i32) -> (i32, i32) {
    %c0_i32 = arith.constant 0 : i32
    %c0_i32_0 = arith.constant 0 : i32
    %c0_i32_1 = arith.constant 0 : i32
    return %c0_i32, %c0_i32_0 : i32, i32
  }
  func.func @transform_6(%arg0: i32) -> (i32, i32) {
    %c0_i32 = arith.constant 0 : i32
    %c0_i32_0 = arith.constant 0 : i32
    return %arg0, %c0_i32 : i32, i32
  }
}

module attributes {stable_mosaic.version = 14 : i64} {
  func.func @_final_body(%arg0: i32, %arg1: memref<1000x128xf32, #tpu.memory_space<vmem>>, %arg2: memref<1000x128xf32, #tpu.memory_space<vmem>>, %arg3: memref<1000x128xf32, #tpu.memory_space<vmem>>, %arg4: memref<1x1x1000xi32, #tpu.memory_space<vmem>>, %arg5: memref<128x128xf32, #tpu.memory_space<vmem>>, %arg6: memref<1x128xf32, #tpu.memory_space<vmem>>, %arg7: memref<128x128xf32, #tpu.memory_space<vmem>>, %arg8: memref<10x128xf32, #tpu.memory_space<vmem>>, %arg9: memref<1x10xf32, #tpu.memory_space<vmem>>, %arg10: memref<64x10xf32, #tpu.memory_space<vmem>>, %arg11: memref<64x128xf32, #tpu.memory_space<vmem>>, %arg12: memref<1x64xf32, #tpu.memory_space<vmem>>) attributes {dimension_semantics = [#tpu.dimension_semantics<arbitrary>], iteration_bounds = array<i64: 10>, scalar_prefetch = 0 : i64, scratch_operands = 2 : i64, tpu.core_type = #tpu.core_type<tc>, window_params = [{transform_indices = @transform_0, window_bounds = array<i64: 1000, 128>}, {transform_indices = @transform_1, window_bounds = array<i64: 1000, 128>}, {transform_indices = @transform_2, window_bounds = array<i64: 1000, 128>}, {transform_indices = @transform_3, window_bounds = array<i64: 1, 1, 1000>}, {pipeline_mode = #tpu.pipeline_mode<synchronous>, transform_indices = @transform_4, window_bounds = array<i64: 128, 128>}, {pipeline_mode = #tpu.pipeline_mode<synchronous>, transform_indices = @transform_5, window_bounds = array<i64: 1, 128>}, {pipeline_mode = #tpu.pipeline_mode<synchronous>, transform_indices = @transform_6, window_bounds = array<i64: 128, 128>}, {pipeline_mode = #tpu.pipeline_mode<synchronous>, transform_indices = @transform_7, window_bounds = array<i64: 10, 128>}, {pipeline_mode = #tpu.pipeline_mode<synchronous>, transform_indices = @transform_8, window_bounds = array<i64: 1, 10>}, {pipeline_mode = #tpu.pipeline_mode<synchronous>, transform_indices = @transform_9, window_bounds = array<i64: 64, 10>}]} {
    %eq3A = arith.constant 0 : i32
    %eq3A_0 = arith.cmpi eq, %arg0, %eq3A : i32
    %convert_element_type3A = arith.extui %eq3A_0 : i1 to i32
    %cond3A = arith.constant 0 : i32
    %cond3A_1 = arith.cmpi ne, %convert_element_type3A, %cond3A : i32
    scf.if %cond3A_1 {
      %broadcast_in_dim3A_56 = arith.constant 0.000000e+00 : f32
      %broadcast_in_dim3A_57 = vector.broadcast %broadcast_in_dim3A_56 : f32 to vector<64x128xf32>
      %swap3A_58 = arith.constant 0 : index
      %swap3A_59 = arith.constant 0 : index
      %swap3A_60 = vector.load %arg11[%swap3A_58, %swap3A_59] : memref<64x128xf32, #tpu.memory_space<vmem>>, vector<64x128xf32>
      tpu.vector_store %arg11[%swap3A_58, %swap3A_59], %broadcast_in_dim3A_57 {strides = array<i32>} : memref<64x128xf32, #tpu.memory_space<vmem>>, vector<64x128xf32>,
      %broadcast_in_dim3A_61 = arith.constant 0.000000e+00 : f32
      %broadcast_in_dim3A_62 = vector.broadcast %broadcast_in_dim3A_61 : f32 to vector<1x64xf32>
      %swap3A_63 = arith.constant 0 : index
      %swap3A_64 = arith.constant 0 : index
      %swap3A_65 = vector.load %arg12[%swap3A_63, %swap3A_64] : memref<1x64xf32, #tpu.memory_space<vmem>>, vector<1x64xf32>
      tpu.vector_store %arg12[%swap3A_63, %swap3A_64], %broadcast_in_dim3A_62 {strides = array<i32>} : memref<1x64xf32, #tpu.memory_space<vmem>>, vector<1x64xf32>,
    } else {
    }
    %get3A = arith.constant 0 : index
    %get3A_2 = arith.constant 0 : index
    %get3A_3 = vector.load %arg1[%get3A, %get3A_2] : memref<1000x128xf32, #tpu.memory_space<vmem>>, vector<1000x128xf32>
    %get3A_4 = arith.constant 0 : index
    %get3A_5 = arith.constant 0 : index
    %get3A_6 = vector.load %arg2[%get3A_4, %get3A_5] : memref<1000x128xf32, #tpu.memory_space<vmem>>, vector<1000x128xf32>
    %add3A = arith.addf %get3A_3, %get3A_6 : vector<1000x128xf32>
    %get3A_7 = arith.constant 0 : index
    %get3A_8 = arith.constant 0 : index
    %get3A_9 = vector.load %arg5[%get3A_7, %get3A_8] : memref<128x128xf32, #tpu.memory_space<vmem>>, vector<128x128xf32>
    %dot_general3A = arith.constant dense<0.000000e+00> : vector<1000x128xf32>
    %dot_general3A_10 = tpu.matmul %add3A, %get3A_9, %dot_general3A {dimension_numbers = #tpu.dot_dimension_numbers<[1], [1], [0], [0], [0, 0, 1, 0], [], []>, precision = #tpu.contract_precision<fp32>, transpose_lhs_hint = false} : vector<1000x128xf32>, vector<128x128xf32>, vector<1000x128xf32> -> vector<1000x128xf32>
    %get3A_11 = arith.constant 0 : index
    %get3A_12 = arith.constant 0 : index
    %get3A_13 = vector.load %arg6[%get3A_11, %get3A_12] : memref<1x128xf32, #tpu.memory_space<vmem>>, vector<1x128xf32>
    %add3A_14 = vector.broadcast %get3A_13 : vector<1x128xf32> to vector<1000x128xf32>
    %add3A_15 = arith.addf %dot_general3A_10, %add3A_14 : vector<1000x128xf32>
    %get3A_16 = arith.constant 0 : index
    %get3A_17 = arith.constant 0 : index
    %get3A_18 = vector.load %arg3[%get3A_16, %get3A_17] : memref<1000x128xf32, #tpu.memory_space<vmem>>, vector<1000x128xf32>
    %get3A_19 = arith.constant 0 : index
    %get3A_20 = arith.constant 0 : index
    %get3A_21 = vector.load %arg7[%get3A_19, %get3A_20] : memref<128x128xf32, #tpu.memory_space<vmem>>, vector<128x128xf32>
    %dot_general3A_22 = arith.constant dense<0.000000e+00> : vector<1000x128xf32>
    %dot_general3A_23 = tpu.matmul %get3A_18, %get3A_21, %dot_general3A_22 {dimension_numbers = #tpu.dot_dimension_numbers<[1], [1], [0], [0], [0, 0, 1, 0], [], []>, precision = #tpu.contract_precision<fp32>, transpose_lhs_hint = false} : vector<1000x128xf32>, vector<128x128xf32>, vector<1000x128xf32> -> vector<1000x128xf32>
    %add3A_24 = arith.addf %add3A_15, %dot_general3A_23 : vector<1000x128xf32>
    %get3A_25 = arith.constant 0 : index
    %get3A_26 = arith.constant 0 : index
    %get3A_27 = arith.constant 0 : index
    %get3A_28 = vector.load %arg4[%get3A_25, %get3A_26, %get3A_27] : memref<1x1x1000xi32, #tpu.memory_space<vmem>>, vector<1x1x1000xi32>
    %get3A_29 = vector.shape_cast %get3A_28 : vector<1x1x1000xi32> to vector<1000xi32>
    %broadcast_in_dim3A = vector.shape_cast %get3A_29 : vector<1000xi32> to vector<1000x1xi32>
    %iota3A = tpu.iota {dimensions = array<i32: 1>} : vector<1000x64xi32>
    %eq3A_30 = vector.broadcast %broadcast_in_dim3A : vector<1000x1xi32> to vector<1000x64xi32>
    %eq3A_31 = arith.cmpi eq, %eq3A_30, %iota3A : vector<1000x64xi32>
    %convert_element_type3A_32 = arith.extui %eq3A_31 : vector<1000x64xi1> to vector<1000x64xi32>
    %convert_element_type3A_33 = arith.sitofp %convert_element_type3A_32 : vector<1000x64xi32> to vector<1000x64xf32>
    %get3A_34 = arith.constant 0 : index
    %get3A_35 = arith.constant 0 : index
    %get3A_36 = vector.load %arg11[%get3A_34, %get3A_35] : memref<64x128xf32, #tpu.memory_space<vmem>>, vector<64x128xf32>
    %dot_general3A_37 = arith.constant dense<0.000000e+00> : vector<64x128xf32>
    %dot_general3A_38 = tpu.matmul %convert_element_type3A_33, %add3A_24, %dot_general3A_37 {dimension_numbers = #tpu.dot_dimension_numbers<[0], [0], [1], [1], [0, 1, 1, 1], [], []>, precision = #tpu.contract_precision<fp32>, transpose_lhs_hint = false} : vector<1000x64xf32>, vector<1000x128xf32>, vector<64x128xf32> -> vector<64x128xf32>
    %add3A_39 = arith.addf %get3A_36, %dot_general3A_38 : vector<64x128xf32>
    %swap3A = arith.constant 0 : index
    %swap3A_40 = arith.constant 0 : index
    %swap3A_41 = vector.load %arg11[%swap3A, %swap3A_40] : memref<64x128xf32, #tpu.memory_space<vmem>>, vector<64x128xf32>
    tpu.vector_store %arg11[%swap3A, %swap3A_40], %add3A_39 {strides = array<i32>} : memref<64x128xf32, #tpu.memory_space<vmem>>, vector<64x128xf32>,
    %get3A_42 = arith.constant 0 : index
    %get3A_43 = arith.constant 0 : index
    %get3A_44 = vector.load %arg12[%get3A_42, %get3A_43] : memref<1x64xf32, #tpu.memory_space<vmem>>, vector<1x64xf32>
    %reduce_sum3A = arith.constant dense<0.000000e+00> : vector<64xf32>
    %reduce_sum3A_45 = vector.multi_reduction <add>, %convert_element_type3A_33, %reduce_sum3A [0] : vector<1000x64xf32> to vector<64xf32>
    %broadcast_in_dim3A_46 = vector.shape_cast %reduce_sum3A_45 : vector<64xf32> to vector<1x64xf32>
    %add3A_47 = arith.addf %get3A_44, %broadcast_in_dim3A_46 : vector<1x64xf32>
    %swap3A_48 = arith.constant 0 : index
    %swap3A_49 = arith.constant 0 : index
    %swap3A_50 = vector.load %arg12[%swap3A_48, %swap3A_49] : memref<1x64xf32, #tpu.memory_space<vmem>>, vector<1x64xf32>
    tpu.vector_store %arg12[%swap3A_48, %swap3A_49], %add3A_47 {strides = array<i32>} : memref<1x64xf32, #tpu.memory_space<vmem>>, vector<1x64xf32>,
    %eq3A_51 = arith.constant 9 : i32
    %eq3A_52 = arith.cmpi eq, %arg0, %eq3A_51 : i32
    %convert_element_type3A_53 = arith.extui %eq3A_52 : i1 to i32
    %cond3A_54 = arith.constant 0 : i32
    %cond3A_55 = arith.cmpi ne, %convert_element_type3A_53, %cond3A_54 : i32
    scf.if %cond3A_55 {
      %get3A_56 = arith.constant 0 : index
      %get3A_57 = arith.constant 0 : index
      %get3A_58 = vector.load %arg12[%get3A_56, %get3A_57] : memref<1x64xf32, #tpu.memory_space<vmem>>, vector<1x64xf32>
      %get3A_59 = arith.constant 0 : index
      %get3A_60 = arith.constant 0 : index
      %get3A_61 = vector.load %arg11[%get3A_59, %get3A_60] : memref<64x128xf32, #tpu.memory_space<vmem>>, vector<64x128xf32>
      %gt3A = arith.constant 0.000000e+00 : f32
      %gt3A_62 = vector.broadcast %gt3A : f32 to vector<1x64xf32>
      %gt3A_63 = arith.cmpf ogt, %get3A_58, %gt3A_62 : vector<1x64xf32>
      %jit3A = arith.constant 1.000000e+00 : f32
      %broadcast_in_dim3A_64 = vector.broadcast %jit3A : f32 to vector<1x64xf32>
      %select_n3A = arith.select %gt3A_63, %get3A_58, %broadcast_in_dim3A_64 : vector<1x64xi1>, vector<1x64xf32>
      %reshape3A = vector.shape_cast %select_n3A : vector<1x64xf32> to vector<64x1xf32>
      %div3A = vector.broadcast %reshape3A : vector<64x1xf32> to vector<64x128xf32>
      %div3A_65 = arith.divf %get3A_61, %div3A : vector<64x128xf32>
      %get3A_66 = arith.constant 0 : index
      %get3A_67 = arith.constant 0 : index
      %get3A_68 = vector.load %arg8[%get3A_66, %get3A_67] : memref<10x128xf32, #tpu.memory_space<vmem>>, vector<10x128xf32>
      %dot_general3A_69 = arith.constant dense<0.000000e+00> : vector<64x10xf32>
      %dot_general3A_70 = tpu.matmul %div3A_65, %get3A_68, %dot_general3A_69 {dimension_numbers = #tpu.dot_dimension_numbers<[1], [1], [0], [0], [0, 0, 1, 0], [], []>, precision = #tpu.contract_precision<fp32>, transpose_lhs_hint = false} : vector<64x128xf32>, vector<10x128xf32>, vector<64x10xf32> -> vector<64x10xf32>
      %get3A_71 = arith.constant 0 : index
      %get3A_72 = arith.constant 0 : index
      %get3A_73 = vector.load %arg9[%get3A_71, %get3A_72] : memref<1x10xf32, #tpu.memory_space<vmem>>, vector<1x10xf32>
      %add3A_74 = vector.broadcast %get3A_73 : vector<1x10xf32> to vector<64x10xf32>
      %add3A_75 = arith.addf %dot_general3A_70, %add3A_74 : vector<64x10xf32>
      %swap3A_76 = arith.constant 0 : index
      %swap3A_77 = arith.constant 0 : index
      %swap3A_78 = vector.load %arg10[%swap3A_76, %swap3A_77] : memref<64x10xf32, #tpu.memory_space<vmem>>, vector<64x10xf32>
      tpu.vector_store %arg10[%swap3A_76, %swap3A_77], %add3A_75 {strides = array<i32>} : memref<64x10xf32, #tpu.memory_space<vmem>>, vector<64x10xf32>,
    } else {
    }
    return
  }
  func.func @transform_0(%arg0: i32) -> (i32, i32) {
    %c0_i32 = arith.constant 0 : i32
    %c0_i32_0 = arith.constant 0 : i32
    return %arg0, %c0_i32 : i32, i32
  }
  func.func @transform_1(%arg0: i32) -> (i32, i32) {
    %add3A = arith.constant 10 : i32
    %add3A_0 = arith.addi %arg0, %add3A : i32
    %c0_i32 = arith.constant 0 : i32
    %c0_i32_1 = arith.constant 0 : i32
    return %add3A_0, %c0_i32 : i32, i32
  }
  func.func @transform_2(%arg0: i32) -> (i32, i32) {
    %c0_i32 = arith.constant 0 : i32
    %c0_i32_0 = arith.constant 0 : i32
    return %arg0, %c0_i32 : i32, i32
  }
  func.func @transform_3(%arg0: i32) -> (i32, i32, i32) {
    %c0_i32 = arith.constant 0 : i32
    %c0_i32_0 = arith.constant 0 : i32
    %c0_i32_1 = arith.constant 0 : i32
    return %arg0, %c0_i32, %c0_i32_0 : i32, i32, i32
  }
  func.func @transform_4(%arg0: i32) -> (i32, i32) {
    %c0_i32 = arith.constant 0 : i32
    %c0_i32_0 = arith.constant 0 : i32
    %c0_i32_1 = arith.constant 0 : i32
    return %c0_i32, %c0_i32_0 : i32, i32
  }
  func.func @transform_5(%arg0: i32) -> (i32, i32) {
    %c0_i32 = arith.constant 0 : i32
    %c0_i32_0 = arith.constant 0 : i32
    %c0_i32_1 = arith.constant 0 : i32
    return %c0_i32, %c0_i32_0 : i32, i32
  }
  func.func @transform_6(%arg0: i32) -> (i32, i32) {
    %c0_i32 = arith.constant 0 : i32
    %c0_i32_0 = arith.constant 0 : i32
    %c0_i32_1 = arith.constant 0 : i32
    return %c0_i32, %c0_i32_0 : i32, i32
  }
  func.func @transform_7(%arg0: i32) -> (i32, i32) {
    %c0_i32 = arith.constant 0 : i32
    %c0_i32_0 = arith.constant 0 : i32
    %c0_i32_1 = arith.constant 0 : i32
    return %c0_i32, %c0_i32_0 : i32, i32
  }
  func.func @transform_8(%arg0: i32) -> (i32, i32) {
    %c0_i32 = arith.constant 0 : i32
    %c0_i32_0 = arith.constant 0 : i32
    %c0_i32_1 = arith.constant 0 : i32
    return %c0_i32, %c0_i32_0 : i32, i32
  }
  func.func @transform_9(%arg0: i32) -> (i32, i32) {
    %c0_i32 = arith.constant 0 : i32
    %c0_i32_0 = arith.constant 0 : i32
    %c0_i32_1 = arith.constant 0 : i32
    return %c0_i32, %c0_i32_0 : i32, i32
  }
}

</mosaic_0001>

<sc_bundles>
// kernel: kernel.11.cloned.1.call-start
scs
__scs_entry_jumppad:
0x0: {  	(pc) =	sbr.rel $0x88, $3  }
0x1: {  	(tag) =	ssettag $0x0;
	lr =	simm.s32 $0x1  }
0x2: {  	[smem:$0x3F93] =	sst lr;
	_ =	strace $0xD0000000  }
0x3: {  	_ = 	snop  }
0x4: {  	_ = 	snop  }
0x5: {  	_ = 	snop  }
0x6: {  	_ = 	snop  }
0x7: {  	_ = 	snop  }
__scs_overlays_trampoline_lowered:
0x8: {  	[smem:$0x3FA2] =	sst s0  }
0x9: {  	[smem:$0x3FA3] =	sst s1  }
0xa: {  	[smem:$0x3FA4] =	sst s2  }
0xb: {  	[smem:$0x3FA5] =	sst s3  }
0xc: {  	[smem:$0x3FA6] =	sst s4  }
0xd: {  	[smem:$0x3FA7] =	sst s5  }
0xe: {  	[smem:$0x3FA8] =	sst s6  }
0xf: {  	[smem:$0x3FA9] =	sst s7  }
0x10: {  	[smem:$0x3FAA] =	sst s8  }
0x11: {  	[smem:$0x3FAB] =	sst s9;
	s0 =	simm.s32 @!p0 $0x0  }
0x12: {  	s1 =	sld [smem:$0x3F91];
	s0 =	simm.s32 @p0 $0x1  }
0x13: {  	[smem:$0x3FAC] =	sst s0;
	s0 =	simm.s32 @!p1 $0x0  }
0x14: {  	s2 =	sld [smem:$0x3F90];
	s0 =	simm.s32 @p1 $0x1  }
0x15: {  	[smem:$0x3FAD] =	sst s0;
	s0 =	simm.s32 @!p2 $0x0  }
0x16: {  	s3 =	sld [smem:$0x3FDB];
	s0 =	simm.s32 @p2 $0x1  }
0x17: {  	s4 =	simm.s32 $0x1BF5;
	[smem:$0x3FAF] =	sst s0  }
0x18: {  	s0 =	sld [smem:$0x3F92];
	_ =	swait.ge [sflag:s4], $0x0  }
0x19: {  	s7 =	sld [smem:$0x3F93]  }
0x1a: {  	s8 =	sadd.s32 $0xFFFFE003, lr  }
0x1b: {  	s9 =	sadd.s32 $0xFFFFFEF7, lr;
	s5 =	simm.s32 $0xFFFFFFFF;
	p2 =	slt.u32 s8, $0xFFFFF086  }
0x1c: {  	p1 =	slt.u32 s9, $0xF7A;
	s5 =	simm.s32 @!p2 $0x0  }
0x1d: {  	s5 =	simm.s32 @p1 $0x1;
	p0 =	seq.s32 s7, s2  }
0x1e: {  	s7 =	smul.u32 @!p0 $0xF7A, s2;
	p2 =	seq.s32 @!p0 s5, $0x0  }
0x1f: {  	s9 =	smul.u32 $0xF7A, s1;
	s8 =	simm.s32 @!p0 $0x1BF5;
	p2 =	por !p2, p0  }
0x20: {  	[sflag:s8] =	ssyncset.s32 @!p0 $0xFFFFF086;
	s6 =	sadd.s32 @!p0 s3, s7;
	s7 =	simm.s32 @!p0 $0x108  }
0x21: {  	s3 =	sadd.s32 s3, s9;
	s6 =	sadd.s32 @!p0 $0x88, s6;
	s7 =	simm.s32 @p2 $0x1082  }
0x22: {  	[simem:s7], [sflag:s8] =	dma.local @!p0 [hbm:s6], $0xF7A  }
0x23: {  	s9 =	sor.u32 $0xD0000000, s2;
	s6 =	simm.s32 $0x108;
	_ =	swait.ge @!p0 [sflag:s8], $0x0  }
0x24: {  	s3 =	sadd.s32 $0x88, s3;
	s6 =	simm.s32 @!p1 $0x1082;
	[sflag:s4] =	ssyncset.s32 $0xFFFFF086  }
0x25: {  	[simem:s6], [sflag:s4] =	dma.local [hbm:s3], $0xF7A  }
0x26: {  	[smem:$0x3F93] =	sst s1;
	(tag) =	ssettag s2;
	_ =	strace s9  }
0x27: {  	s1 =	sld [smem:$0x3FA3]  }
0x28: {  	s2 =	sld [smem:$0x3FA4]  }
0x29: {  	s4 =	sld [smem:$0x3FA6]  }
0x2a: {  	p0 =	seq.s32 s5, $0x0;
	s5 =	sld [smem:$0x3FA7]  }
0x2b: {  	s6 =	sld [smem:$0x3FA8]  }
0x2c: {  	s7 =	sld [smem:$0x3FA9]  }
0x2d: {  	s3 =	simm.s32 $0x108;
	s8 =	sld [smem:$0x3FAA]  }
0x2e: {  	s3 =	simm.s32 @!p0 $0x1082;
	s9 =	sld [smem:$0x3FAB]  }
0x2f: {  	lr =	sadd.s32 s0, s3;
	s0 =	sld [smem:$0x3FA2]  }
0x30: {  	s3 =	sld [smem:$0x3FA5]  }
0x31: {  	[smem:$0x3FAE] =	sst s10  }
0x32: {  	s10 =	sld [smem:$0x3FAC];
	_ =	sdelay $0x3  }
0x33: {  	p0 =	seq.s32 s10, $0x1;
	s10 =	sld [smem:$0x3FAE];
	_ =	sdelay $0x3  }
0x34: {  	[smem:$0x3FAE] =	sst s10  }
0x35: {  	s10 =	sld [smem:$0x3FAD];
	_ =	sdelay $0x3  }
0x36: {  	p1 =	seq.s32 s10, $0x1;
	s10 =	sld [smem:$0x3FAE];
	_ =	sdelay $0x3  }
0x37: {  	[smem:$0x3FAE] =	sst s10  }
0x38: {  	s10 =	sld [smem:$0x3FAF]  }
0x39: {  	_ = 	snop;
	(pc) =	sbr.ind lr, $3  }
0x3a: {  	_ = 	snop  }
0x3b: {  	_ = 	snop  }
0x3c: {  	p2 =	seq.s32 s10, $0x1;
	s10 =	sld [smem:$0x3FAE]  }
0x3d: {  	_ =	shalt  }
0x3e: {  	_ =	shalt  }
0x3f: {  	_ =	shalt  }
0x40: {  	_ =	shalt  }
0x41: {  	_ =	shalt  }
0x42: {  	_ =	shalt  }
0x43: {  	_ =	shalt  }
0x44: {  	_ =	shalt  }
0x45: {  	_ =	shalt  }
0x46: {  	_ =	shalt  }
0x47: {  	_ =	shalt  }
0x48: {  	_ =	shalt  }
0x49: {  	_ =	shalt  }
0x4a: {  	_ =	shalt  }
0x4b: {  	_ =	shalt  }
0x4c: {  	_ =	shalt  }
0x4d: {  	_ =	shalt  }
0x4e: {  	_ =	shalt  }
0x4f: {  	_ =	shalt  }
0x50: {  	_ =	shalt  }
0x51: {  	_ =	shalt  }
0x52: {  	_ =	shalt  }
0x53: {  	_ =	shalt  }
0x54: {  	_ =	shalt  }
0x55: {  	_ =	shalt  }
0x56: {  	_ =	shalt  }
0x57: {  	_ =	shalt  }
0x58: {  	_ =	shalt  }
0x59: {  	_ =	shalt  }
0x5a: {  	_ =	shalt  }
0x5b: {  	_ =	shalt  }
0x5c: {  	_ =	shalt  }
0x5d: {  	_ =	shalt  }
0x5e: {  	_ =	shalt  }
0x5f: {  	_ =	shalt  }
0x60: {  	_ =	shalt  }
0x61: {  	_ =	shalt  }
0x62: {  	_ =	shalt  }
0x63: {  	_ =	shalt  }
0x64: {  	_ =	shalt  }
0x65: {  	_ =	shalt  }
0x66: {  	_ =	shalt  }
0x67: {  	_ =	shalt  }
0x68: {  	_ =	shalt  }
0x69: {  	_ =	shalt  }
0x6a: {  	_ =	shalt  }
0x6b: {  	_ =	shalt  }
0x6c: {  	_ =	shalt  }
0x6d: {  	_ =	shalt  }
0x6e: {  	_ =	shalt  }
0x6f: {  	_ =	shalt  }
0x70: {  	_ =	shalt  }
0x71: {  	_ =	shalt  }
0x72: {  	_ =	shalt  }
0x73: {  	_ =	shalt  }
0x74: {  	_ =	shalt  }
0x75: {  	_ =	shalt  }
0x76: {  	_ =	shalt  }
0x77: {  	_ =	shalt  }
0x78: {  	_ =	shalt  }
0x79: {  	_ =	shalt  }
0x7a: {  	_ =	shalt  }
0x7b: {  	_ =	shalt  }
0x7c: {  	_ =	shalt  }
0x7d: {  	_ =	shalt  }
0x7e: {  	_ =	shalt  }
0x7f: {  	_ =	shalt  }
0x80: {  	_ =	shalt  }
0x81: {  	_ =	shalt  }
0x82: {  	_ =	shalt  }
0x83: {  	_ =	shalt  }
0x84: {  	_ =	shalt  }
0x85: {  	_ =	shalt  }
0x86: {  	_ =	shalt  }
0x87: {  	_ =	shalt  }
.Lfunc_end0:
.L_simem_size_0:
called_computation.1_lowered:
.L_overlay_start_0:
0x88: {  	s2 =	sld [smem:$0x3FD9]  }
0x89: {  	s3 =	sld [smem:$0x3FFE];
	_ =	sdelay $0x1  }
0x8a: {  	s1 =	srdreg.scid  }
0x8b: {  	s0 =	sand.u32 $0x1, s1  }
0x8c: {  	s16 =	sshll.u32 s0, $0xA;
	s2 =	sadd.s32 s3, s2  }
0x8d: {  	s2 =	sadd.s32 s2, s16  }
0x8e: {  	[smem:$0x3FBA] =	sst s2  }
0x8f: {  	_ = 	snop  }
0x90: {  	(tm) =	ssettm $0x1  }
0x91: {  	s17 =	sld [smem:$0x3FFB];
	_ =	sdelay $0x3  }
0x92: {  	_ =	strace s17  }
0x93: {  	s2 =	sld [smem:$0x3FFC];
	_ =	sdelay $0x3  }
0x94: {  	_ =	strace s2  }
0x95: {  	s2 =	sld [smem:$0x3FFD];
	_ =	sdelay $0x3  }
0x96: {  	_ =	strace s2  }
0x97: {  	_ =	strace $0x8FFFFFFF  }
0x98: {  	s18 =	sld [smem:$0x3FDB];
	_ =	sdelay $0x1  }
0x99: {  	s19 =	simm.s32 $_scs_section_size  }
0x9a: {  	s4 =	simm.s32 $_size__tile_overlayer_lowered;
	s5 =	simm.s32 $_tile_overlayer_lowered  }
0x9b: {  	s22 =	simm.s32 $0x1BFF;
	s21 =	sshll.u32 s5, $0x1;
	s2 =	sadd.s32 s19, s18  }
0x9c: {  	s6 =	simm.s32 $0x0;
	s20 =	sshll.u32 s4, $0x1;
	s4 =	sadd.s32 s21, s2  }
0x9d: {  	[timem:s6], [sflag:s22] =	dma.local [hbm:s4], s20  }
0x9e: {  	_ =	swait.ge [sflag:s22], s20  }
0x9f: {  	s3 =	ssub.s32 $0x0, s20;
	[sflag:s22] =	ssyncset.done $0x0  }
0xa0: {  	[sflag:s22] =	ssyncadd.s32 s3;
	_ =	sdelay $0x1  }
0xa1: {  	s23 =	simm.s32 $0x1B8B  }
0xa2: {  	_ =	swait.ge [sflag:s23], $0x1  }
0xa3: {  	[sflag:s23] =	ssyncset.done $0x0  }
0xa4: {  	s25 =	simm.s32 $0x1B8E;
	s24 =	sld [smem:$0x3FFE];
	[sflag:s23] =	ssyncadd.s32 $0xFFFFFFFF  }
0xa5: {  	s26 =	simm.s32 $execute0_lowered;
	[smem:$0x3FD2] =	sst s25  }
0xa6: {  	s4 =	sshll.u32 s26, $0x1;
	_ =	strace $0x80000049;
	[dreg:$0x1] =	wrdreg $0xFFFFFFFF  }
0xa7: {  	s28 =	simm.s32 $_size_execute0_lowered;
	s2 =	sadd.s32 s2, s4;
	[dreg:$0x0] =	wrdreg $0x0  }
0xa8: {  	s4 =	sshll.u32 s28, $0x1;
	[dreg:$0x2] =	wrdreg s2  }
0xa9: {  	[dreg:$0x3] =	wrdreg s4  }
0xaa: {  	[dreg:$0x4] =	wrdreg $0xC0  }
0xab: {  	_ =	task [dreg:s6], $0x5FFFF  }
0xac: {  	[dreg:$0x1] =	wrdreg $0xFFFFFFFF  }
0xad: {  	[dreg:$0x0] =	wrdreg $0x60  }
0xae: {  	[dreg:$0x2] =	wrdreg s24  }
0xaf: {  	[dreg:$0x3] =	wrdreg $0x0  }
0xb0: {  	[dreg:$0x4] =	wrdreg $0x9  }
0xb1: {  	_ =	task.clear_ibuf [dreg:s6], $0x5FFFF;
	_ =	strace $0x90000049  }
0xb2: {  	s29 =	simm.s32 $0x9;
	_ =	strace $0x8000004B  }
0xb3: {  	_ =	swait.ge [sflag:s29], $0x1  }
0xb4: {  	[sflag:s29] =	ssyncadd.s32 $0xFFFFFFFF  }
0xb5: {  	_ =	strace $0x9000004B  }
0xb6: {  	_ =	sfence  }
0xb7: {  	s30 =	sld [smem:$0x0];
	_ =	sdelay $0x2  }
0xb8: {  	s31 =	sshll.u32 s1, $0xD;
	s1 =	sshrl.u32 s1, $0x2  }
0xb9: {  	s3 =	sand.u32 $0x4000, s31;
	s1 =	sadd.s32 s1, s30  }
0xba: {  	s0 =	sor.u32 s3, s0;
	s1 =	sshll.u32 s1, $0x11  }
0xbb: {  	s0 =	sor.u32 s1, s0  }
0xbc: {  	s0 =	sadd.s32 $0x8F2B, s0  }
0xbd: {  	[sflag:s0] =	ssyncadd.remote.s32 $0x1  }
0xbe: {  	_ =	sfence.sel $0xFFFF  }
0xbf: {  	[dreg:$0x0] =	wrdreg $0xFFFFFFFF;
	(pc) =	sbr.abs _section_cstart, $3  }
0xc0: {  	[dreg:$0x1] =	wrdreg $0xFFFFFFFF  }
0xc1: {  	_ =	task.clear_ibuf [dreg:s6], $0x2FFFF;
	_ =	strace $0x9FFFFFFF  }
0xc2: {  	(tm) =	ssettm $0x7FFFFFFF  }
0xc3: {  	_ =	shalt  }
tec
execute0_lowered:
.L_overlay_start_1:
0x0: {  	(tag) =	ssettag $0x1  }
0x1: {  	s3 =	rddreg [dreg:$0x0]  }
0x2: {  	s1 =	rddreg [dreg:$0x1];
	s25 =	stileid.u32  }
0x3: {  	s2 =	simm.s32 $0x0;
	s8 =	smul.u32 $0xA000, s25;
	s12 =	sor.u32 $0x10, s25  }
0x4: {  	s0 =	srdreg.scid;
	s14 =	sor.u32 $0x20, s25;
	s23 =	smul.u32 $0xA000, s12  }
0x5: {  	s28 =	simm.s32 $0x13B80;
	s15 =	sor.u32 $0x30, s25;
	s24 =	smul.u32 $0xA000, s14  }
0x6: {  	s29 =	simm.s32 $0x7;
	s16 =	sor.u32 $0x40, s25;
	s9 =	smul.u32 $0xA000, s15  }
0x7: {  	s31 =	simm.s32 $0x80;
	s17 =	sor.u32 $0x50, s25;
	s10 =	smul.u32 $0xA000, s16  }
0x8: {  	[smem:$0x7FF] =	sst s2;
	s18 =	sor.u32 $0x60, s25;
	s11 =	smul.u32 $0xA000, s17  }
0x9: {  	s0 =	sand.u32 $0x1, s0;
	s4 =	sadd.s32 $0x17600, s3;
	s19 =	smul.u32 $0xA000, s18  }
0xa: {  	s5 =	sadd.s32 $0x3C00, s3;
	s13 =	sadd.s32 $0x3E800, s3;
	s20 =	smul.u32 $0x2710, s0  }
0xb: {  	s21 =	sor.u32 $0x70, s25;
	p0 =	slt.u32 s25, $0x2;
	s14 =	smul.u32 $0x50, s14  }
0xc: {  	_ =	strace $0x8000004A;
	s6 =	ssub.s32 $0x2, s0;
	s15 =	smul.u32 $0x50, s15  }
0xd: {  	s16 =	smul.u32 $0x50, s16;
	s7 =	sshrl.u32 s6, $0x1;
	s22 =	sshrl.u32 s8, $0x2  }
0xe: {  	s3 =	ssub.s32 s6, s7;
	s6 =	sadd.s32 s22, s1;
	s7 =	sshrl.u32 s23, $0x2  }
0xf: {  	s8 =	sshrl.u32 s24, $0x2;
	s9 =	sshrl.u32 s9, $0x2;
	s22 =	smul.u32 $0x50, s25  }
0x10: {  	s10 =	sshrl.u32 s10, $0x2;
	s11 =	sshrl.u32 s11, $0x2;
	s23 =	smul.u32 $0xA000, s21  }
0x11: {  	s19 =	sshrl.u32 s19, $0x2;
	s24 =	smul.u32 $0x50, s12;
	s14 =	sadd.s32 s20, s14  }
0x12: {  	s16 =	sadd.s32 s20, s16;
	s7 =	sadd.s32 s7, s1;
	s8 =	sadd.s32 s8, s1  }
0x13: {  	s9 =	sadd.s32 s9, s1;
	s10 =	sadd.s32 s10, s1;
	s11 =	sadd.s32 s11, s1  }
0x14: {  	s12 =	sadd.s32 s19, s1;
	s14 =	sshll.u32 s14, $0x4;
	s22 =	sadd.s32 s22, s20  }
0x15: {  	s23 =	sshrl.u32 s23, $0x2;
	s30 =	sadd.s32 s20, s24;
	s14 =	sadd.s32 s13, s14  }
0x16: {  	s24 =	smul.u32 $0x50, s18;
	s26 =	sshll.u32 s22, $0x4;
	[dreg:$0x5] =	wrdreg s14  }
0x17: {  	s22 =	smul.u32 $0x50, s17;
	s23 =	sadd.s32 s23, s1;
	s17 =	simm.s32 $0x2  }
0x18: {  	s19 =	sadd.s32 s13, s26;
	s26 =	sshll.u32 s16, $0x4;
	s18 =	sadd.s32 s20, s24  }
0x19: {  	s24 =	sshll.u32 s25, $0x6;
	[dreg:$0x3] =	wrdreg s19;
	s19 =	sshll.u32 s30, $0x4  }
0x1a: {  	s30 =	smul.u32 $0x50, s21;
	[dreg:$0xb] =	wrdreg s24;
	s19 =	sadd.s32 s13, s19  }
0x1b: {  	s21 =	sshll.u32 s25, $0x9;
	[dreg:$0x4] =	wrdreg s19;
	s19 =	sadd.s32 s20, s15  }
0x1c: {  	s15 =	sadd.s32 s20, s22;
	s16 =	sadd.s32 s20, s30;
	s22 =	sshll.u32 s0, $0x8  }
0x1d: {  	s0 =	sshll.u32 s0, $0x5;
	s14 =	sshll.u32 s19, $0x4;
	s20 =	sshll.u32 s16, $0x4  }
0x1e: {  	s0 =	sor.u32 s0, s24;
	s16 =	simm.s32 $0x6;
	s14 =	sadd.s32 s13, s14  }
0x1f: {  	s24 =	simm.s32 $0x13900;
	s0 =	sadd.s32 s5, s0;
	[dreg:$0x6] =	wrdreg s14  }
0x20: {  	s14 =	sadd.s32 s13, s26;
	[dreg:$0xc] =	wrdreg s0;
	s26 =	smax.u32 s3, $0x1  }
0x21: {  	s0 =	simm.s32 $0x3;
	s3 =	simm.s32 $0x13B00;
	[dreg:$0x7] =	wrdreg s14  }
0x22: {  	s14 =	sshll.u32 s15, $0x4;
	s15 =	sshll.u32 s18, $0x4;
	[dreg:$0xd] =	wrdreg s26  }
0x23: {  	s18 =	simm.s32 $0x13A00;
	s14 =	sadd.s32 s13, s14;
	s19 =	sadd.s32 s13, s15  }
.Ltmp0:
0x24: {  	s13 =	sadd.s32 s13, s20;
	[dreg:$0x8] =	wrdreg s14;
	(pc) =	sbr.rel .LBB2_1-.Ltmp0, $4  }
0x25: {  	s15 =	simm.s32 $0x5;
	s20 =	simm.s32 $0x1;
	[dreg:$0x9] =	wrdreg s19  }
0x26: {  	[dreg:$0xa] =	wrdreg s13;
	s13 =	sor.u32 s22, s21;
	s22 =	simm.s32 $0x4F  }
0x27: {  	s19 =	simm.s32 $0x17B80;
	s22 =	simm.s32 @!p0 $0x4E;
	s30 =	sor.u32 $0x2000, s13  }
0x28: {  	v0 =	vimm.f32 $0.0e+00;
	p0 =	sgt.u32 s25, $0xC;
	s13 =	simm.s32 $0x1BB80;
	[dreg:$0xe] =	wrdreg s30  }
.LBB2_10:
0x29: {  	s14 =	simm.s32 $0x4  }
0x2a: {  	_ =	swait.ge [sflag:s14], $0x4000  }
0x2b: {  	[sflag:s14] =	ssyncset.done $0x0  }
0x2c: {  	[sflag:s14] =	ssyncadd.s32 $0xFFFFC000  }
0x2d: {  	_ =	swait.ge [sflag:s15], $0x4000  }
0x2e: {  	[sflag:s15] =	ssyncset.done $0x0  }
0x2f: {  	[sflag:s15] =	ssyncadd.s32 $0xFFFFC000  }
0x30: {  	_ =	swait.ge [sflag:s16], $0x4000  }
0x31: {  	[sflag:s16] =	ssyncset.done $0x0  }
0x32: {  	[sflag:s16] =	ssyncadd.s32 $0xFFFFC000  }
0x33: {  	[bflag:$0x0] =	sbarrier.arrive $0xFFFF  }
0x34: {  	s25 =	rddreg [dreg:$0xb]  }
0x35: {  	s21 =	sshrl.u32 s6, $0x3;
	s14 =	sor.u32 $0x1C07, s25;
	s25 =	rddreg [dreg:$0x3]  }
0x36: {  	[hbm:s25], [sflag:s14] =	dma.local [spmem:s21], $0x500  }
0x37: {  	_ =	swait.ge [sflag:s29], $0x500  }
0x38: {  	[sflag:s29] =	ssyncset.done $0x0  }
0x39: {  	s26 =	sshrl.u32 s7, $0x3;
	s30 =	rddreg [dreg:$0x4];
	[sflag:s29] =	ssyncadd.s32 $0xFFFFFB00  }
0x3a: {  	[hbm:s30], [sflag:s14] =	dma.local [spmem:s26], $0x500  }
0x3b: {  	_ =	swait.ge [sflag:s29], $0x500  }
0x3c: {  	[sflag:s29] =	ssyncset.done $0x0  }
0x3d: {  	s26 =	sshrl.u32 s8, $0x3;
	s30 =	rddreg [dreg:$0x5];
	[sflag:s29] =	ssyncadd.s32 $0xFFFFFB00  }
0x3e: {  	[hbm:s30], [sflag:s14] =	dma.local [spmem:s26], $0x500  }
0x3f: {  	_ =	swait.ge [sflag:s29], $0x500  }
0x40: {  	[sflag:s29] =	ssyncset.done $0x0  }
0x41: {  	s26 =	sshrl.u32 s9, $0x3;
	s30 =	rddreg [dreg:$0x6];
	[sflag:s29] =	ssyncadd.s32 $0xFFFFFB00  }
0x42: {  	[hbm:s30], [sflag:s14] =	dma.local [spmem:s26], $0x500  }
0x43: {  	_ =	swait.ge [sflag:s29], $0x500  }
0x44: {  	[sflag:s29] =	ssyncset.done $0x0  }
0x45: {  	s26 =	sshrl.u32 s10, $0x3;
	s30 =	rddreg [dreg:$0x7];
	[sflag:s29] =	ssyncadd.s32 $0xFFFFFB00  }
0x46: {  	[hbm:s30], [sflag:s14] =	dma.local [spmem:s26], $0x500  }
0x47: {  	_ =	swait.ge [sflag:s29], $0x500  }
0x48: {  	[sflag:s29] =	ssyncset.done $0x0  }
0x49: {  	s26 =	sshrl.u32 s11, $0x3;
	s30 =	rddreg [dreg:$0x8];
	[sflag:s29] =	ssyncadd.s32 $0xFFFFFB00  }
0x4a: {  	[hbm:s30], [sflag:s14] =	dma.local [spmem:s26], $0x500  }
0x4b: {  	_ =	swait.ge [sflag:s29], $0x500  }
0x4c: {  	[sflag:s29] =	ssyncset.done $0x0  }
0x4d: {  	s25 =	sshrl.u32 s12, $0x3;
	s26 =	rddreg [dreg:$0x9];
	[sflag:s29] =	ssyncadd.s32 $0xFFFFFB00  }
0x4e: {  	[hbm:s26], [sflag:s14] =	dma.local [spmem:s25], $0x500  }
0x4f: {  	_ =	swait.ge [sflag:s29], $0x500  }
0x50: {  	[sflag:s29] =	ssyncset.done $0x0  }
0x51: {  	s21 =	sshrl.u32 @!p0 s23, $0x3;
	s25 =	rddreg [dreg:$0xa];
	[sflag:s29] =	ssyncadd.s32 $0xFFFFFB00  }
0x52: {  	[hbm:s25], [sflag:s14] =	dma.local @!p0 [spmem:s21], $0x500  }
0x53: {  	s14 =	simm.s32 @!p0 $0x7  }
0x54: {  	_ =	swait.ge @!p0 [sflag:s14], $0x500  }
0x55: {  	s2 =	sadd.s32 $0x1, s2;
	s30 =	rddreg [dreg:$0xd]  }
0x56: {  	p1 =	sne.s32 s2, s30  }
.Ltmp1:
0x57: {  	_ = 	snop;
	(pc) =	sbr.rel @!p1 .LBB2_11-.Ltmp1, $3  }
0x58: {  	_ =	sdelay $0x1  }
0x59: {  	[sflag:s14] =	ssyncset.done @!p0 $0x0  }
0x5a: {  	[sflag:s14] =	ssyncadd.s32 @!p0 $0xFFFFFB00  }
.LBB2_1:
0x5b: {  	s21 =	simm.s32 $0x0;
	s26 =	simm.s32 $0x200  }
.LBB2_2:
0x5c: {  	p1 =	sne.s32 s26, $0x9E00;
	[tilespmem:s21+$0x13BF0] =	vst v0  }
0x5d: {  	[tilespmem:s21+$0x13B80] =	vst v0  }
0x5e: {  	[tilespmem:s21+$0x13B90] =	vst v0  }
.Ltmp2:
0x5f: {  	[tilespmem:s21+$0x13BA0] =	vst v0;
	(pc) =	sbr.rel @p1 .LBB2_2-.Ltmp2, $4  }
0x60: {  	[tilespmem:s21+$0x13BB0] =	vst v0  }
0x61: {  	[tilespmem:s21+$0x13BC0] =	vst v0  }
0x62: {  	[tilespmem:s21+$0x13BD0] =	vst v0  }
0x63: {  	[tilespmem:s21+$0x13BE0] =	vst v0;
	s21 =	sshra.s32 s26, $0x2;
	s26 =	sadd.s32 $0x200, s26  }
0x64: {  	[tilespmem:s21+$0x13BF0] =	vst v0  }
0x65: {  	[tilespmem:s21+$0x13B80] =	vst v0  }
0x66: {  	[tilespmem:s21+$0x13B90] =	vst v0  }
0x67: {  	[tilespmem:s21+$0x13BA0] =	vst v0  }
0x68: {  	[tilespmem:s21+$0x13BB0] =	vst v0  }
0x69: {  	[tilespmem:s21+$0x13BC0] =	vst v0  }
0x6a: {  	[tilespmem:s21+$0x13BD0] =	vst v0  }
0x6b: {  	[tilespmem:s21+$0x13BE0] =	vst v0  }
0x6c: {  	[spmem:s6] =	stream.linear.scatter [tilespmem:s28], [sflag:$0x7], $0x2800, $0x38;
	[tilespmem:$0x1FB80] =	vst v63  }
0x6d: {  	_ =	swait.ge [sflag:s29], $0x2800  }
0x6e: {  	[sflag:s29] =	ssyncset.done $0x0  }
0x6f: {  	[sflag:s29] =	ssyncadd.s32 $0xFFFFD800  }
0x70: {  	[spmem:s7] =	stream.linear.scatter [tilespmem:s28], [sflag:$0x7], $0x2800, $0x38;
	[tilespmem:$0x1FB80] =	vst v63  }
0x71: {  	_ =	swait.ge [sflag:s29], $0x2800  }
0x72: {  	[sflag:s29] =	ssyncset.done $0x0  }
0x73: {  	[sflag:s29] =	ssyncadd.s32 $0xFFFFD800  }
0x74: {  	[spmem:s8] =	stream.linear.scatter [tilespmem:s28], [sflag:$0x7], $0x2800, $0x38;
	[tilespmem:$0x1FB80] =	vst v63  }
0x75: {  	_ =	swait.ge [sflag:s29], $0x2800  }
0x76: {  	[sflag:s29] =	ssyncset.done $0x0  }
0x77: {  	[sflag:s29] =	ssyncadd.s32 $0xFFFFD800  }
0x78: {  	[spmem:s9] =	stream.linear.scatter [tilespmem:s28], [sflag:$0x7], $0x2800, $0x38;
	[tilespmem:$0x1FB80] =	vst v63  }
0x79: {  	_ =	swait.ge [sflag:s29], $0x2800  }
0x7a: {  	[sflag:s29] =	ssyncset.done $0x0  }
0x7b: {  	[sflag:s29] =	ssyncadd.s32 $0xFFFFD800  }
0x7c: {  	[spmem:s10] =	stream.linear.scatter [tilespmem:s28], [sflag:$0x7], $0x2800, $0x38;
	[tilespmem:$0x1FB80] =	vst v63  }
0x7d: {  	_ =	swait.ge [sflag:s29], $0x2800  }
0x7e: {  	[sflag:s29] =	ssyncset.done $0x0  }
0x7f: {  	[sflag:s29] =	ssyncadd.s32 $0xFFFFD800  }
0x80: {  	[spmem:s11] =	stream.linear.scatter [tilespmem:s28], [sflag:$0x7], $0x2800, $0x38;
	[tilespmem:$0x1FB80] =	vst v63  }
0x81: {  	_ =	swait.ge [sflag:s29], $0x2800  }
0x82: {  	[sflag:s29] =	ssyncset.done $0x0  }
0x83: {  	[sflag:s29] =	ssyncadd.s32 $0xFFFFD800  }
0x84: {  	[spmem:s12] =	stream.linear.scatter [tilespmem:s28], [sflag:$0x7], $0x2800, $0x38;
	[tilespmem:$0x1FB80] =	vst v63  }
0x85: {  	_ =	swait.ge [sflag:s29], $0x2800  }
0x86: {  	[sflag:s29] =	ssyncset.done $0x0  }
0x87: {  	s21 =	simm.s32 @!p0 $0x13B80;
	[sflag:s29] =	ssyncadd.s32 $0xFFFFD800  }
0x88: {  	[spmem:s23] =	stream.linear.scatter @!p0 [tilespmem:s21], [sflag:$0x7], $0x2800, $0x38;
	[tilespmem:$0x1FB80] =	vst v63  }
0x89: {  	s21 =	simm.s32 @!p0 $0x7  }
0x8a: {  	_ =	swait.ge @!p0 [sflag:s21], $0x2800  }
0x8b: {  	[sflag:s21] =	ssyncset.done @!p0 $0x0  }
0x8c: {  	[sflag:s21] =	ssyncadd.s32 @!p0 $0xFFFFD800  }
0x8d: {  	[bflag:$0x0] =	sbarrier.arrive $0xFFFF  }
0x8e: {  	s30 =	simm.s32 $0x0;
	s26 =	simm.s32 $0x13880;
	s14 =	rddreg [dreg:$0xc]  }
0x8f: {  	[tilespmem:s26], [sflag:$0x7] =	stream.linear.gather [hbm4b:s14+s30], $0x100, $0x38;
	[tilespmem:$0x1FB80] =	vst v63  }
.Ltmp3:
0x90: {  	_ =	swait.ge [sflag:s29], $0x100;
	(pc) =	sbr.rel .LBB2_4-.Ltmp3, $4  }
0x91: {  	[sflag:s29] =	ssyncset.done $0x0  }
0x92: {  	[sflag:s29] =	ssyncadd.s32 $0xFFFFFF00  }
0x93: {  	[tilespmem:s28], [sflag:$0x1] =	stream.indirect.gather [hbm4b:s4+s31], $0x80, s26, s31, $0xb8;
	[tilespmem:$0x1FB80] =	vst v63  }
0x94: {  	s26 =	rddreg [dreg:$0xe]  }
.LBB2_8:
0x95: {  	p1 =	sge.u32 s30, s22  }
0x96: {  	s14 =	simm.s32 @!p1 $0x4  }
0x97: {  	_ =	swait.ge @!p1 [sflag:s14], $0x4000  }
0x98: {  	[sflag:s14] =	ssyncset.done @!p1 $0x0  }
0x99: {  	[sflag:s14] =	ssyncadd.s32 @!p1 $0xFFFFC000;
	s14 =	sshrl.u32 @!p1 s26, $0x3  }
0x9a: {  	s21 =	simm.s32 @!p1 $0x0;
	s25 =	simm.s32 @!p1 $0x13880;
	s14 =	sadd.s32 @!p1 s5, s14  }
0x9b: {  	[tilespmem:s25], [sflag:$0x7] =	stream.linear.gather @!p1 [hbm4b:s14+s21], $0x100, $0x38;
	[tilespmem:$0x1FB80] =	vst v63  }
0x9c: {  	s14 =	simm.s32 @!p1 $0x7  }
0x9d: {  	_ =	swait.ge @!p1 [sflag:s14], $0x100  }
0x9e: {  	[sflag:s14] =	ssyncset.done @!p1 $0x0  }
0x9f: {  	s21 =	simm.s32 @!p1 $0x13B80;
	[sflag:s14] =	ssyncadd.s32 @!p1 $0xFFFFFF00;
	s14 =	simm.s32 @!p1 $0x80  }
0xa0: {  	[tilespmem:s21], [sflag:$0x1] =	stream.indirect.gather @!p1 [hbm4b:s4+s14], $0x80, s25, s14, $0xb8;
	[tilespmem:$0x1FB80] =	vst v63  }
0xa1: {  	_ =	swait.ge [sflag:s0], $0x4000  }
0xa2: {  	[sflag:s0] =	ssyncset.done $0x0  }
0xa3: {  	[sflag:s0] =	ssyncadd.s32 $0xFFFFC000  }
0xa4: {  	[spmem:s1] =	stream.indirect.scatter.add.f32 [tilespmem:s13], [sflag:$0x6], $0x80, s3, s31, $0xb8;
	[tilespmem:$0x1FB80] =	vst v63  }
.LBB2_9:
0xa5: {  	p1 =	sne.s32 s22, s30  }
.Ltmp4:
0xa6: {  	_ = 	snop;
	(pc) =	sbr.rel @!p1 .LBB2_10-.Ltmp4, $2  }
0xa7: {  	_ =	sdelay $0x2  }
0xa8: {  	s26 =	sadd.s32 $0x2000, s26  }
.LBB2_4:
0xa9: {  	s25 =	smulhi.u32 $0xAAAAAAAB, s30;
	_ =	sdelay $0x1  }
0xaa: {  	s25 =	sshrl.u32 s25, $0x1  }
0xab: {  	s25 =	smul.u32 $0xFFFFFFFD, s25;
	_ =	sdelay $0x1  }
0xac: {  	s25 =	sadd.s32 s25, s30  }
0xad: {  	p1 =	seq.s32 s25, $0x2  }
.Ltmp5:
0xae: {  	_ = 	snop;
	(pc) =	sbr.rel @p1 .LBB2_8-.Ltmp5, $2  }
0xaf: {  	_ =	sdelay $0x2  }
0xb0: {  	s21 =	smov.u32 s30;
	s30 =	sadd.s32 $0x1, s30  }
0xb1: {  	p1 =	seq.s32 s25, $0x1  }
.Ltmp6:
0xb2: {  	_ = 	snop;
	(pc) =	sbr.rel @!p1 .LBB2_6-.Ltmp6, $1  }
0xb3: {  	_ =	sdelay $0x3  }
0xb4: {  	p1 =	sge.u32 s30, s22  }
0xb5: {  	p2 =	slt.u32 @!p1 s21, $0x2  }
0xb6: {  	p2 =	por p2, p1  }
0xb7: {  	s14 =	simm.s32 @!p2 $0x6  }
0xb8: {  	_ =	swait.ge @!p2 [sflag:s14], $0x4000  }
0xb9: {  	[sflag:s14] =	ssyncset.done @!p2 $0x0  }
0xba: {  	[sflag:s14] =	ssyncadd.s32 @!p2 $0xFFFFC000;
	s14 =	sshrl.u32 @!p1 s26, $0x3  }
0xbb: {  	s21 =	simm.s32 @!p1 $0x0;
	s25 =	simm.s32 @!p1 $0x13A80;
	s14 =	sadd.s32 @!p1 s5, s14  }
0xbc: {  	[tilespmem:s25], [sflag:$0x7] =	stream.linear.gather @!p1 [hbm4b:s14+s21], $0x100, $0x38;
	[tilespmem:$0x1FB80] =	vst v63  }
0xbd: {  	s14 =	simm.s32 @!p1 $0x7  }
0xbe: {  	_ =	swait.ge @!p1 [sflag:s14], $0x100  }
0xbf: {  	[sflag:s14] =	ssyncset.done @!p1 $0x0  }
0xc0: {  	s21 =	simm.s32 @!p1 $0x1BB80;
	[sflag:s14] =	ssyncadd.s32 @!p1 $0xFFFFFF00;
	s14 =	simm.s32 @!p1 $0x80  }
0xc1: {  	[tilespmem:s21], [sflag:$0x3] =	stream.indirect.gather @!p1 [hbm4b:s4+s14], $0x80, s25, s14, $0xb8;
	[tilespmem:$0x1FB80] =	vst v63  }
.Ltmp7:
0xc2: {  	_ = 	snop;
	(pc) =	sbr.rel .LBB2_9-.Ltmp7, $4  }
0xc3: {  	_ =	swait.ge [sflag:s17], $0x4000  }
0xc4: {  	[sflag:s17] =	ssyncset.done $0x0  }
0xc5: {  	[sflag:s17] =	ssyncadd.s32 $0xFFFFC000  }
0xc6: {  	[spmem:s1] =	stream.indirect.scatter.add.f32 [tilespmem:s19], [sflag:$0x5], $0x80, s18, s31, $0xb8;
	[tilespmem:$0x1FB80] =	vst v63  }
.LBB2_6:
0xc7: {  	p1 =	sge.u32 s30, s22  }
0xc8: {  	p2 =	slt.u32 @!p1 s21, $0x2  }
0xc9: {  	p2 =	por p2, p1  }
0xca: {  	s21 =	simm.s32 @!p2 $0x5  }
0xcb: {  	_ =	swait.ge @!p2 [sflag:s21], $0x4000  }
0xcc: {  	[sflag:s21] =	ssyncset.done @!p2 $0x0  }
0xcd: {  	[sflag:s21] =	ssyncadd.s32 @!p2 $0xFFFFC000;
	s21 =	sshrl.u32 @!p1 s26, $0x3  }
0xce: {  	s25 =	simm.s32 @!p1 $0x0;
	s14 =	simm.s32 @!p1 $0x13980;
	s21 =	sadd.s32 @!p1 s5, s21  }
0xcf: {  	[tilespmem:s14], [sflag:$0x7] =	stream.linear.gather @!p1 [hbm4b:s21+s25], $0x100, $0x38;
	[tilespmem:$0x1FB80] =	vst v63  }
0xd0: {  	s21 =	simm.s32 @!p1 $0x7  }
0xd1: {  	_ =	swait.ge @!p1 [sflag:s21], $0x100  }
0xd2: {  	[sflag:s21] =	ssyncset.done @!p1 $0x0  }
0xd3: {  	s25 =	simm.s32 @!p1 $0x17B80;
	[sflag:s21] =	ssyncadd.s32 @!p1 $0xFFFFFF00;
	s21 =	simm.s32 @!p1 $0x80  }
0xd4: {  	[tilespmem:s25], [sflag:$0x2] =	stream.indirect.gather @!p1 [hbm4b:s4+s21], $0x80, s14, s21, $0xb8;
	[tilespmem:$0x1FB80] =	vst v63  }
.Ltmp8:
0xd5: {  	_ = 	snop;
	(pc) =	sbr.rel .LBB2_9-.Ltmp8, $4  }
0xd6: {  	_ =	swait.ge [sflag:s20], $0x4000  }
0xd7: {  	[sflag:s20] =	ssyncset.done $0x0  }
0xd8: {  	[sflag:s20] =	ssyncadd.s32 $0xFFFFC000  }
0xd9: {  	[spmem:s1] =	stream.indirect.scatter.add.f32 [tilespmem:s28], [sflag:$0x4], $0x80, s24, s31, $0xb8;
	[tilespmem:$0x1FB80] =	vst v63  }
.LBB2_11:
0xda: {  	_ =	sfence.sel $0x180000  }
0xdb: {  	[bflag:$0x0] =	sbarrier.arrive $0xFFFF  }
0xdc: {  	_ =	strace $0x9000004A  }
0xdd: {  	s0 =	stileid.u32;
	[bflag:$0x2] =	sbarrier.arrive $0xFFFF  }
0xde: {  	p0 =	sne.s32 s0, $0x0;
	s0 =	rddreg [dreg:$0x2]  }
0xdf: {  	s0 =	sadd.s32 @!p0 $0x100000, s0  }
0xe0: {  	[sflag:s0] =	ssyncadd.tile.s32 @!p0 $0x1;
	_ =	shalt  }
.Lfunc_end2:
_tile_overlayer_lowered:
.L_overlay_start_2:
0xe1: {  	(tag) =	ssettag $0x2  }
0xe2: {  	s0 =	rddreg [dreg:$0x0];
	s2 =	stileid.u32  }
0xe3: {  	s1 =	rddreg [dreg:$0x1];
	p0 =	sne.s32 s2, $0x0  }
0xe4: {  	s3 =	rddreg [dreg:$0x2];
	[bflag:$0x3] =	sbarrier.arrive $0xFFFF;
	s2 =	simm.s32 @!p0 $0x1C07  }
0xe5: {  	[timem:s3], [sflag:s2] =	dma.local @!p0 [hbm:s0], s1  }
0xe6: {  	s0 =	simm.s32 @!p0 $0x7  }
0xe7: {  	_ =	swait.ge @!p0 [sflag:s0], s1  }
0xe8: {  	s1 =	ssub.s32 @!p0 $0x0, s1;
	[sflag:s0] =	ssyncset.done @!p0 $0x0  }
0xe9: {  	[sflag:s0] =	ssyncadd.s32 @!p0 s1  }
0xea: {  	[bflag:$0x3] =	sbarrier.arrive $0xFFFF  }
0xeb: {  	_ =	shalt  }

// kernel: kernel.14.cloned.1.call-start
scs
__scs_entry_jumppad:
0x0: {  	(pc) =	sbr.rel $0x88, $3  }
0x1: {  	(tag) =	ssettag $0x0;
	lr =	simm.s32 $0x1  }
0x2: {  	[smem:$0x3F93] =	sst lr;
	_ =	strace $0xD0000000  }
0x3: {  	_ = 	snop  }
0x4: {  	_ = 	snop  }
0x5: {  	_ = 	snop  }
0x6: {  	_ = 	snop  }
0x7: {  	_ = 	snop  }
__scs_overlays_trampoline_lowered:
0x8: {  	[smem:$0x3FA2] =	sst s0  }
0x9: {  	[smem:$0x3FA3] =	sst s1  }
0xa: {  	[smem:$0x3FA4] =	sst s2  }
0xb: {  	[smem:$0x3FA5] =	sst s3  }
0xc: {  	[smem:$0x3FA6] =	sst s4  }
0xd: {  	[smem:$0x3FA7] =	sst s5  }
0xe: {  	[smem:$0x3FA8] =	sst s6  }
0xf: {  	[smem:$0x3FA9] =	sst s7  }
0x10: {  	[smem:$0x3FAA] =	sst s8  }
0x11: {  	[smem:$0x3FAB] =	sst s9;
	s0 =	simm.s32 @!p0 $0x0  }
0x12: {  	s1 =	sld [smem:$0x3F91];
	s0 =	simm.s32 @p0 $0x1  }
0x13: {  	[smem:$0x3FAC] =	sst s0;
	s0 =	simm.s32 @!p1 $0x0  }
0x14: {  	s2 =	sld [smem:$0x3F90];
	s0 =	simm.s32 @p1 $0x1  }
0x15: {  	[smem:$0x3FAD] =	sst s0;
	s0 =	simm.s32 @!p2 $0x0  }
0x16: {  	s3 =	sld [smem:$0x3FDB];
	s0 =	simm.s32 @p2 $0x1  }
0x17: {  	s4 =	simm.s32 $0x1BF5;
	[smem:$0x3FAF] =	sst s0  }
0x18: {  	s0 =	sld [smem:$0x3F92];
	_ =	swait.ge [sflag:s4], $0x0  }
0x19: {  	s7 =	sld [smem:$0x3F93]  }
0x1a: {  	s8 =	sadd.s32 $0xFFFFE003, lr  }
0x1b: {  	s9 =	sadd.s32 $0xFFFFFEF7, lr;
	s5 =	simm.s32 $0xFFFFFFFF;
	p2 =	slt.u32 s8, $0xFFFFF086  }
0x1c: {  	p1 =	slt.u32 s9, $0xF7A;
	s5 =	simm.s32 @!p2 $0x0  }
0x1d: {  	s5 =	simm.s32 @p1 $0x1;
	p0 =	seq.s32 s7, s2  }
0x1e: {  	s7 =	smul.u32 @!p0 $0xF7A, s2;
	p2 =	seq.s32 @!p0 s5, $0x0  }
0x1f: {  	s9 =	smul.u32 $0xF7A, s1;
	s8 =	simm.s32 @!p0 $0x1BF5;
	p2 =	por !p2, p0  }
0x20: {  	[sflag:s8] =	ssyncset.s32 @!p0 $0xFFFFF086;
	s6 =	sadd.s32 @!p0 s3, s7;
	s7 =	simm.s32 @!p0 $0x108  }
0x21: {  	s3 =	sadd.s32 s3, s9;
	s6 =	sadd.s32 @!p0 $0x88, s6;
	s7 =	simm.s32 @p2 $0x1082  }
0x22: {  	[simem:s7], [sflag:s8] =	dma.local @!p0 [hbm:s6], $0xF7A  }
0x23: {  	s9 =	sor.u32 $0xD0000000, s2;
	s6 =	simm.s32 $0x108;
	_ =	swait.ge @!p0 [sflag:s8], $0x0  }
0x24: {  	s3 =	sadd.s32 $0x88, s3;
	s6 =	simm.s32 @!p1 $0x1082;
	[sflag:s4] =	ssyncset.s32 $0xFFFFF086  }
0x25: {  	[simem:s6], [sflag:s4] =	dma.local [hbm:s3], $0xF7A  }
0x26: {  	[smem:$0x3F93] =	sst s1;
	(tag) =	ssettag s2;
	_ =	strace s9  }
0x27: {  	s1 =	sld [smem:$0x3FA3]  }
0x28: {  	s2 =	sld [smem:$0x3FA4]  }
0x29: {  	s4 =	sld [smem:$0x3FA6]  }
0x2a: {  	p0 =	seq.s32 s5, $0x0;
	s5 =	sld [smem:$0x3FA7]  }
0x2b: {  	s6 =	sld [smem:$0x3FA8]  }
0x2c: {  	s7 =	sld [smem:$0x3FA9]  }
0x2d: {  	s3 =	simm.s32 $0x108;
	s8 =	sld [smem:$0x3FAA]  }
0x2e: {  	s3 =	simm.s32 @!p0 $0x1082;
	s9 =	sld [smem:$0x3FAB]  }
0x2f: {  	lr =	sadd.s32 s0, s3;
	s0 =	sld [smem:$0x3FA2]  }
0x30: {  	s3 =	sld [smem:$0x3FA5]  }
0x31: {  	[smem:$0x3FAE] =	sst s10  }
0x32: {  	s10 =	sld [smem:$0x3FAC];
	_ =	sdelay $0x3  }
0x33: {  	p0 =	seq.s32 s10, $0x1;
	s10 =	sld [smem:$0x3FAE];
	_ =	sdelay $0x3  }
0x34: {  	[smem:$0x3FAE] =	sst s10  }
0x35: {  	s10 =	sld [smem:$0x3FAD];
	_ =	sdelay $0x3  }
0x36: {  	p1 =	seq.s32 s10, $0x1;
	s10 =	sld [smem:$0x3FAE];
	_ =	sdelay $0x3  }
0x37: {  	[smem:$0x3FAE] =	sst s10  }
0x38: {  	s10 =	sld [smem:$0x3FAF]  }
0x39: {  	_ = 	snop;
	(pc) =	sbr.ind lr, $3  }
0x3a: {  	_ = 	snop  }
0x3b: {  	_ = 	snop  }
0x3c: {  	p2 =	seq.s32 s10, $0x1;
	s10 =	sld [smem:$0x3FAE]  }
0x3d: {  	_ =	shalt  }
0x3e: {  	_ =	shalt  }
0x3f: {  	_ =	shalt  }
0x40: {  	_ =	shalt  }
0x41: {  	_ =	shalt  }
0x42: {  	_ =	shalt  }
0x43: {  	_ =	shalt  }
0x44: {  	_ =	shalt  }
0x45: {  	_ =	shalt  }
0x46: {  	_ =	shalt  }
0x47: {  	_ =	shalt  }
0x48: {  	_ =	shalt  }
0x49: {  	_ =	shalt  }
0x4a: {  	_ =	shalt  }
0x4b: {  	_ =	shalt  }
0x4c: {  	_ =	shalt  }
0x4d: {  	_ =	shalt  }
0x4e: {  	_ =	shalt  }
0x4f: {  	_ =	shalt  }
0x50: {  	_ =	shalt  }
0x51: {  	_ =	shalt  }
0x52: {  	_ =	shalt  }
0x53: {  	_ =	shalt  }
0x54: {  	_ =	shalt  }
0x55: {  	_ =	shalt  }
0x56: {  	_ =	shalt  }
0x57: {  	_ =	shalt  }
0x58: {  	_ =	shalt  }
0x59: {  	_ =	shalt  }
0x5a: {  	_ =	shalt  }
0x5b: {  	_ =	shalt  }
0x5c: {  	_ =	shalt  }
0x5d: {  	_ =	shalt  }
0x5e: {  	_ =	shalt  }
0x5f: {  	_ =	shalt  }
0x60: {  	_ =	shalt  }
0x61: {  	_ =	shalt  }
0x62: {  	_ =	shalt  }
0x63: {  	_ =	shalt  }
0x64: {  	_ =	shalt  }
0x65: {  	_ =	shalt  }
0x66: {  	_ =	shalt  }
0x67: {  	_ =	shalt  }
0x68: {  	_ =	shalt  }
0x69: {  	_ =	shalt  }
0x6a: {  	_ =	shalt  }
0x6b: {  	_ =	shalt  }
0x6c: {  	_ =	shalt  }
0x6d: {  	_ =	shalt  }
0x6e: {  	_ =	shalt  }
0x6f: {  	_ =	shalt  }
0x70: {  	_ =	shalt  }
0x71: {  	_ =	shalt  }
0x72: {  	_ =	shalt  }
0x73: {  	_ =	shalt  }
0x74: {  	_ =	shalt  }
0x75: {  	_ =	shalt  }
0x76: {  	_ =	shalt  }
0x77: {  	_ =	shalt  }
0x78: {  	_ =	shalt  }
0x79: {  	_ =	shalt  }
0x7a: {  	_ =	shalt  }
0x7b: {  	_ =	shalt  }
0x7c: {  	_ =	shalt  }
0x7d: {  	_ =	shalt  }
0x7e: {  	_ =	shalt  }
0x7f: {  	_ =	shalt  }
0x80: {  	_ =	shalt  }
0x81: {  	_ =	shalt  }
0x82: {  	_ =	shalt  }
0x83: {  	_ =	shalt  }
0x84: {  	_ =	shalt  }
0x85: {  	_ =	shalt  }
0x86: {  	_ =	shalt  }
0x87: {  	_ =	shalt  }
.Lfunc_end0:
.L_simem_size_0:
called_computation.2_lowered:
.L_overlay_start_0:
0x88: {  	s2 =	sld [smem:$0x3FD9]  }
0x89: {  	s3 =	sld [smem:$0x3FFE];
	_ =	sdelay $0x1  }
0x8a: {  	s1 =	srdreg.scid  }
0x8b: {  	s0 =	sand.u32 $0x1, s1  }
0x8c: {  	s16 =	sshll.u32 s0, $0xA;
	s2 =	sadd.s32 s3, s2  }
0x8d: {  	s2 =	sadd.s32 s2, s16  }
0x8e: {  	[smem:$0x3FBA] =	sst s2  }
0x8f: {  	_ = 	snop  }
0x90: {  	(tm) =	ssettm $0x1  }
0x91: {  	s17 =	sld [smem:$0x3FFB];
	_ =	sdelay $0x3  }
0x92: {  	_ =	strace s17  }
0x93: {  	s2 =	sld [smem:$0x3FFC];
	_ =	sdelay $0x3  }
0x94: {  	_ =	strace s2  }
0x95: {  	s2 =	sld [smem:$0x3FFD];
	_ =	sdelay $0x3  }
0x96: {  	_ =	strace s2  }
0x97: {  	_ =	strace $0x8FFFFFFF  }
0x98: {  	s18 =	sld [smem:$0x3FDB];
	_ =	sdelay $0x1  }
0x99: {  	s19 =	simm.s32 $_scs_section_size  }
0x9a: {  	s4 =	simm.s32 $_size__tile_overlayer_lowered;
	s5 =	simm.s32 $_tile_overlayer_lowered  }
0x9b: {  	s22 =	simm.s32 $0x1BFF;
	s21 =	sshll.u32 s5, $0x1;
	s2 =	sadd.s32 s19, s18  }
0x9c: {  	s6 =	simm.s32 $0x0;
	s20 =	sshll.u32 s4, $0x1;
	s4 =	sadd.s32 s21, s2  }
0x9d: {  	[timem:s6], [sflag:s22] =	dma.local [hbm:s4], s20  }
0x9e: {  	_ =	swait.ge [sflag:s22], s20  }
0x9f: {  	s3 =	ssub.s32 $0x0, s20;
	[sflag:s22] =	ssyncset.done $0x0  }
0xa0: {  	[sflag:s22] =	ssyncadd.s32 s3;
	_ =	sdelay $0x1  }
0xa1: {  	s23 =	simm.s32 $0x1B8B  }
0xa2: {  	_ =	swait.ge [sflag:s23], $0x1  }
0xa3: {  	[sflag:s23] =	ssyncset.done $0x0  }
0xa4: {  	s25 =	simm.s32 $0x1B8E;
	s24 =	sld [smem:$0x3FFE];
	[sflag:s23] =	ssyncadd.s32 $0xFFFFFFFF  }
0xa5: {  	s26 =	simm.s32 $execute0_lowered;
	[smem:$0x3FD2] =	sst s25  }
0xa6: {  	s4 =	sshll.u32 s26, $0x1;
	_ =	strace $0x8000004C;
	[dreg:$0x1] =	wrdreg $0xFFFFFFFF  }
0xa7: {  	s28 =	simm.s32 $_size_execute0_lowered;
	s2 =	sadd.s32 s2, s4;
	[dreg:$0x0] =	wrdreg $0x0  }
0xa8: {  	s4 =	sshll.u32 s28, $0x1;
	[dreg:$0x2] =	wrdreg s2  }
0xa9: {  	[dreg:$0x3] =	wrdreg s4  }
0xaa: {  	[dreg:$0x4] =	wrdreg $0xC0  }
0xab: {  	_ =	task [dreg:s6], $0x5FFFF  }
0xac: {  	[dreg:$0x1] =	wrdreg $0xFFFFFFFF  }
0xad: {  	[dreg:$0x0] =	wrdreg $0x60  }
0xae: {  	[dreg:$0x2] =	wrdreg s24  }
0xaf: {  	[dreg:$0x3] =	wrdreg $0x0  }
0xb0: {  	[dreg:$0x4] =	wrdreg $0x9  }
0xb1: {  	_ =	task.clear_ibuf [dreg:s6], $0x5FFFF;
	_ =	strace $0x9000004C  }
0xb2: {  	s29 =	simm.s32 $0x9;
	_ =	strace $0x8000004E  }
0xb3: {  	_ =	swait.ge [sflag:s29], $0x1  }
0xb4: {  	[sflag:s29] =	ssyncadd.s32 $0xFFFFFFFF  }
0xb5: {  	_ =	strace $0x9000004E  }
0xb6: {  	_ =	sfence  }
0xb7: {  	s30 =	sld [smem:$0x0];
	_ =	sdelay $0x2  }
0xb8: {  	s31 =	sshll.u32 s1, $0xD;
	s1 =	sshrl.u32 s1, $0x2  }
0xb9: {  	s3 =	sand.u32 $0x4000, s31;
	s1 =	sadd.s32 s1, s30  }
0xba: {  	s0 =	sor.u32 s3, s0;
	s1 =	sshll.u32 s1, $0x11  }
0xbb: {  	s0 =	sor.u32 s1, s0  }
0xbc: {  	s0 =	sadd.s32 $0x8F2B, s0  }
0xbd: {  	[sflag:s0] =	ssyncadd.remote.s32 $0x1  }
0xbe: {  	_ =	sfence.sel $0xFFFF  }
0xbf: {  	[dreg:$0x0] =	wrdreg $0xFFFFFFFF;
	(pc) =	sbr.abs _section_cstart, $3  }
0xc0: {  	[dreg:$0x1] =	wrdreg $0xFFFFFFFF  }
0xc1: {  	_ =	task.clear_ibuf [dreg:s6], $0x2FFFF;
	_ =	strace $0x9FFFFFFF  }
0xc2: {  	(tm) =	ssettm $0x7FFFFFFF  }
0xc3: {  	_ =	shalt  }
tec
execute0_lowered:
.L_overlay_start_1:
0x0: {  	(tag) =	ssettag $0x1  }
0x1: {  	s3 =	rddreg [dreg:$0x0]  }
0x2: {  	s1 =	rddreg [dreg:$0x1];
	s25 =	stileid.u32  }
0x3: {  	s2 =	simm.s32 $0x0;
	s8 =	smul.u32 $0xA000, s25;
	s12 =	sor.u32 $0x10, s25  }
0x4: {  	s0 =	srdreg.scid;
	s14 =	sor.u32 $0x20, s25;
	s23 =	smul.u32 $0xA000, s12  }
0x5: {  	s28 =	simm.s32 $0x13B80;
	s15 =	sor.u32 $0x30, s25;
	s24 =	smul.u32 $0xA000, s14  }
0x6: {  	s29 =	simm.s32 $0x7;
	s16 =	sor.u32 $0x40, s25;
	s9 =	smul.u32 $0xA000, s15  }
0x7: {  	s31 =	simm.s32 $0x80;
	s17 =	sor.u32 $0x50, s25;
	s10 =	smul.u32 $0xA000, s16  }
0x8: {  	[smem:$0x7FF] =	sst s2;
	s18 =	sor.u32 $0x60, s25;
	s11 =	smul.u32 $0xA000, s17  }
0x9: {  	s0 =	sand.u32 $0x1, s0;
	s4 =	sadd.s32 $0x17600, s3;
	s19 =	smul.u32 $0xA000, s18  }
0xa: {  	s5 =	sadd.s32 $0x3C00, s3;
	s13 =	sadd.s32 $0x3E800, s3;
	s20 =	smul.u32 $0x2710, s0  }
0xb: {  	s21 =	sor.u32 $0x70, s25;
	p0 =	slt.u32 s25, $0x2;
	s14 =	smul.u32 $0x50, s14  }
0xc: {  	_ =	strace $0x8000004D;
	s6 =	ssub.s32 $0x2, s0;
	s15 =	smul.u32 $0x50, s15  }
0xd: {  	s16 =	smul.u32 $0x50, s16;
	s7 =	sshrl.u32 s6, $0x1;
	s22 =	sshrl.u32 s8, $0x2  }
0xe: {  	s3 =	ssub.s32 s6, s7;
	s6 =	sadd.s32 s22, s1;
	s7 =	sshrl.u32 s23, $0x2  }
0xf: {  	s8 =	sshrl.u32 s24, $0x2;
	s9 =	sshrl.u32 s9, $0x2;
	s22 =	smul.u32 $0x50, s25  }
0x10: {  	s10 =	sshrl.u32 s10, $0x2;
	s11 =	sshrl.u32 s11, $0x2;
	s23 =	smul.u32 $0xA000, s21  }
0x11: {  	s19 =	sshrl.u32 s19, $0x2;
	s24 =	smul.u32 $0x50, s12;
	s14 =	sadd.s32 s20, s14  }
0x12: {  	s16 =	sadd.s32 s20, s16;
	s7 =	sadd.s32 s7, s1;
	s8 =	sadd.s32 s8, s1  }
0x13: {  	s9 =	sadd.s32 s9, s1;
	s10 =	sadd.s32 s10, s1;
	s11 =	sadd.s32 s11, s1  }
0x14: {  	s12 =	sadd.s32 s19, s1;
	s14 =	sshll.u32 s14, $0x4;
	s22 =	sadd.s32 s22, s20  }
0x15: {  	s23 =	sshrl.u32 s23, $0x2;
	s30 =	sadd.s32 s20, s24;
	s14 =	sadd.s32 s13, s14  }
0x16: {  	s24 =	smul.u32 $0x50, s18;
	s26 =	sshll.u32 s22, $0x4;
	[dreg:$0x5] =	wrdreg s14  }
0x17: {  	s22 =	smul.u32 $0x50, s17;
	s23 =	sadd.s32 s23, s1;
	s17 =	simm.s32 $0x2  }
0x18: {  	s19 =	sadd.s32 s13, s26;
	s26 =	sshll.u32 s16, $0x4;
	s18 =	sadd.s32 s20, s24  }
0x19: {  	s24 =	sshll.u32 s25, $0x6;
	[dreg:$0x3] =	wrdreg s19;
	s19 =	sshll.u32 s30, $0x4  }
0x1a: {  	s30 =	smul.u32 $0x50, s21;
	[dreg:$0xb] =	wrdreg s24;
	s19 =	sadd.s32 s13, s19  }
0x1b: {  	s21 =	sshll.u32 s25, $0x9;
	[dreg:$0x4] =	wrdreg s19;
	s19 =	sadd.s32 s20, s15  }
0x1c: {  	s15 =	sadd.s32 s20, s22;
	s16 =	sadd.s32 s20, s30;
	s22 =	sshll.u32 s0, $0x8  }
0x1d: {  	s0 =	sshll.u32 s0, $0x5;
	s14 =	sshll.u32 s19, $0x4;
	s20 =	sshll.u32 s16, $0x4  }
0x1e: {  	s0 =	sor.u32 s0, s24;
	s16 =	simm.s32 $0x6;
	s14 =	sadd.s32 s13, s14  }
0x1f: {  	s24 =	simm.s32 $0x13900;
	s0 =	sadd.s32 s5, s0;
	[dreg:$0x6] =	wrdreg s14  }
0x20: {  	s14 =	sadd.s32 s13, s26;
	[dreg:$0xc] =	wrdreg s0;
	s26 =	smax.u32 s3, $0x1  }
0x21: {  	s0 =	simm.s32 $0x3;
	s3 =	simm.s32 $0x13B00;
	[dreg:$0x7] =	wrdreg s14  }
0x22: {  	s14 =	sshll.u32 s15, $0x4;
	s15 =	sshll.u32 s18, $0x4;
	[dreg:$0xd] =	wrdreg s26  }
0x23: {  	s18 =	simm.s32 $0x13A00;
	s14 =	sadd.s32 s13, s14;
	s19 =	sadd.s32 s13, s15  }
.Ltmp0:
0x24: {  	s13 =	sadd.s32 s13, s20;
	[dreg:$0x8] =	wrdreg s14;
	(pc) =	sbr.rel .LBB2_1-.Ltmp0, $4  }
0x25: {  	s15 =	simm.s32 $0x5;
	s20 =	simm.s32 $0x1;
	[dreg:$0x9] =	wrdreg s19  }
0x26: {  	[dreg:$0xa] =	wrdreg s13;
	s13 =	sor.u32 s22, s21;
	s22 =	simm.s32 $0x4F  }
0x27: {  	s19 =	simm.s32 $0x17B80;
	s22 =	simm.s32 @!p0 $0x4E;
	s30 =	sor.u32 $0x2000, s13  }
0x28: {  	v0 =	vimm.f32 $0.0e+00;
	p0 =	sgt.u32 s25, $0xC;
	s13 =	simm.s32 $0x1BB80;
	[dreg:$0xe] =	wrdreg s30  }
.LBB2_10:
0x29: {  	s14 =	simm.s32 $0x4  }
0x2a: {  	_ =	swait.ge [sflag:s14], $0x4000  }
0x2b: {  	[sflag:s14] =	ssyncset.done $0x0  }
0x2c: {  	[sflag:s14] =	ssyncadd.s32 $0xFFFFC000  }
0x2d: {  	_ =	swait.ge [sflag:s15], $0x4000  }
0x2e: {  	[sflag:s15] =	ssyncset.done $0x0  }
0x2f: {  	[sflag:s15] =	ssyncadd.s32 $0xFFFFC000  }
0x30: {  	_ =	swait.ge [sflag:s16], $0x4000  }
0x31: {  	[sflag:s16] =	ssyncset.done $0x0  }
0x32: {  	[sflag:s16] =	ssyncadd.s32 $0xFFFFC000  }
0x33: {  	[bflag:$0x0] =	sbarrier.arrive $0xFFFF  }
0x34: {  	s25 =	rddreg [dreg:$0xb]  }
0x35: {  	s21 =	sshrl.u32 s6, $0x3;
	s14 =	sor.u32 $0x1C07, s25;
	s25 =	rddreg [dreg:$0x3]  }
0x36: {  	[hbm:s25], [sflag:s14] =	dma.local [spmem:s21], $0x500  }
0x37: {  	_ =	swait.ge [sflag:s29], $0x500  }
0x38: {  	[sflag:s29] =	ssyncset.done $0x0  }
0x39: {  	s26 =	sshrl.u32 s7, $0x3;
	s30 =	rddreg [dreg:$0x4];
	[sflag:s29] =	ssyncadd.s32 $0xFFFFFB00  }
0x3a: {  	[hbm:s30], [sflag:s14] =	dma.local [spmem:s26], $0x500  }
0x3b: {  	_ =	swait.ge [sflag:s29], $0x500  }
0x3c: {  	[sflag:s29] =	ssyncset.done $0x0  }
0x3d: {  	s26 =	sshrl.u32 s8, $0x3;
	s30 =	rddreg [dreg:$0x5];
	[sflag:s29] =	ssyncadd.s32 $0xFFFFFB00  }
0x3e: {  	[hbm:s30], [sflag:s14] =	dma.local [spmem:s26], $0x500  }
0x3f: {  	_ =	swait.ge [sflag:s29], $0x500  }
0x40: {  	[sflag:s29] =	ssyncset.done $0x0  }
0x41: {  	s26 =	sshrl.u32 s9, $0x3;
	s30 =	rddreg [dreg:$0x6];
	[sflag:s29] =	ssyncadd.s32 $0xFFFFFB00  }
0x42: {  	[hbm:s30], [sflag:s14] =	dma.local [spmem:s26], $0x500  }
0x43: {  	_ =	swait.ge [sflag:s29], $0x500  }
0x44: {  	[sflag:s29] =	ssyncset.done $0x0  }
0x45: {  	s26 =	sshrl.u32 s10, $0x3;
	s30 =	rddreg [dreg:$0x7];
	[sflag:s29] =	ssyncadd.s32 $0xFFFFFB00  }
0x46: {  	[hbm:s30], [sflag:s14] =	dma.local [spmem:s26], $0x500  }
0x47: {  	_ =	swait.ge [sflag:s29], $0x500  }
0x48: {  	[sflag:s29] =	ssyncset.done $0x0  }
0x49: {  	s26 =	sshrl.u32 s11, $0x3;
	s30 =	rddreg [dreg:$0x8];
	[sflag:s29] =	ssyncadd.s32 $0xFFFFFB00  }
0x4a: {  	[hbm:s30], [sflag:s14] =	dma.local [spmem:s26], $0x500  }
0x4b: {  	_ =	swait.ge [sflag:s29], $0x500  }
0x4c: {  	[sflag:s29] =	ssyncset.done $0x0  }
0x4d: {  	s25 =	sshrl.u32 s12, $0x3;
	s26 =	rddreg [dreg:$0x9];
	[sflag:s29] =	ssyncadd.s32 $0xFFFFFB00  }
0x4e: {  	[hbm:s26], [sflag:s14] =	dma.local [spmem:s25], $0x500  }
0x4f: {  	_ =	swait.ge [sflag:s29], $0x500  }
0x50: {  	[sflag:s29] =	ssyncset.done $0x0  }
0x51: {  	s21 =	sshrl.u32 @!p0 s23, $0x3;
	s25 =	rddreg [dreg:$0xa];
	[sflag:s29] =	ssyncadd.s32 $0xFFFFFB00  }
0x52: {  	[hbm:s25], [sflag:s14] =	dma.local @!p0 [spmem:s21], $0x500  }
0x53: {  	s14 =	simm.s32 @!p0 $0x7  }
0x54: {  	_ =	swait.ge @!p0 [sflag:s14], $0x500  }
0x55: {  	s2 =	sadd.s32 $0x1, s2;
	s30 =	rddreg [dreg:$0xd]  }
0x56: {  	p1 =	sne.s32 s2, s30  }
.Ltmp1:
0x57: {  	_ = 	snop;
	(pc) =	sbr.rel @!p1 .LBB2_11-.Ltmp1, $3  }
0x58: {  	_ =	sdelay $0x1  }
0x59: {  	[sflag:s14] =	ssyncset.done @!p0 $0x0  }
0x5a: {  	[sflag:s14] =	ssyncadd.s32 @!p0 $0xFFFFFB00  }
.LBB2_1:
0x5b: {  	s21 =	simm.s32 $0x0;
	s26 =	simm.s32 $0x200  }
.LBB2_2:
0x5c: {  	p1 =	sne.s32 s26, $0x9E00;
	[tilespmem:s21+$0x13BF0] =	vst v0  }
0x5d: {  	[tilespmem:s21+$0x13B80] =	vst v0  }
0x5e: {  	[tilespmem:s21+$0x13B90] =	vst v0  }
.Ltmp2:
0x5f: {  	[tilespmem:s21+$0x13BA0] =	vst v0;
	(pc) =	sbr.rel @p1 .LBB2_2-.Ltmp2, $4  }
0x60: {  	[tilespmem:s21+$0x13BB0] =	vst v0  }
0x61: {  	[tilespmem:s21+$0x13BC0] =	vst v0  }
0x62: {  	[tilespmem:s21+$0x13BD0] =	vst v0  }
0x63: {  	[tilespmem:s21+$0x13BE0] =	vst v0;
	s21 =	sshra.s32 s26, $0x2;
	s26 =	sadd.s32 $0x200, s26  }
0x64: {  	[tilespmem:s21+$0x13BF0] =	vst v0  }
0x65: {  	[tilespmem:s21+$0x13B80] =	vst v0  }
0x66: {  	[tilespmem:s21+$0x13B90] =	vst v0  }
0x67: {  	[tilespmem:s21+$0x13BA0] =	vst v0  }
0x68: {  	[tilespmem:s21+$0x13BB0] =	vst v0  }
0x69: {  	[tilespmem:s21+$0x13BC0] =	vst v0  }
0x6a: {  	[tilespmem:s21+$0x13BD0] =	vst v0  }
0x6b: {  	[tilespmem:s21+$0x13BE0] =	vst v0  }
0x6c: {  	[spmem:s6] =	stream.linear.scatter [tilespmem:s28], [sflag:$0x7], $0x2800, $0x38;
	[tilespmem:$0x1FB80] =	vst v63  }
0x6d: {  	_ =	swait.ge [sflag:s29], $0x2800  }
0x6e: {  	[sflag:s29] =	ssyncset.done $0x0  }
0x6f: {  	[sflag:s29] =	ssyncadd.s32 $0xFFFFD800  }
0x70: {  	[spmem:s7] =	stream.linear.scatter [tilespmem:s28], [sflag:$0x7], $0x2800, $0x38;
	[tilespmem:$0x1FB80] =	vst v63  }
0x71: {  	_ =	swait.ge [sflag:s29], $0x2800  }
0x72: {  	[sflag:s29] =	ssyncset.done $0x0  }
0x73: {  	[sflag:s29] =	ssyncadd.s32 $0xFFFFD800  }
0x74: {  	[spmem:s8] =	stream.linear.scatter [tilespmem:s28], [sflag:$0x7], $0x2800, $0x38;
	[tilespmem:$0x1FB80] =	vst v63  }
0x75: {  	_ =	swait.ge [sflag:s29], $0x2800  }
0x76: {  	[sflag:s29] =	ssyncset.done $0x0  }
0x77: {  	[sflag:s29] =	ssyncadd.s32 $0xFFFFD800  }
0x78: {  	[spmem:s9] =	stream.linear.scatter [tilespmem:s28], [sflag:$0x7], $0x2800, $0x38;
	[tilespmem:$0x1FB80] =	vst v63  }
0x79: {  	_ =	swait.ge [sflag:s29], $0x2800  }
0x7a: {  	[sflag:s29] =	ssyncset.done $0x0  }
0x7b: {  	[sflag:s29] =	ssyncadd.s32 $0xFFFFD800  }
0x7c: {  	[spmem:s10] =	stream.linear.scatter [tilespmem:s28], [sflag:$0x7], $0x2800, $0x38;
	[tilespmem:$0x1FB80] =	vst v63  }
0x7d: {  	_ =	swait.ge [sflag:s29], $0x2800  }
0x7e: {  	[sflag:s29] =	ssyncset.done $0x0  }
0x7f: {  	[sflag:s29] =	ssyncadd.s32 $0xFFFFD800  }
0x80: {  	[spmem:s11] =	stream.linear.scatter [tilespmem:s28], [sflag:$0x7], $0x2800, $0x38;
	[tilespmem:$0x1FB80] =	vst v63  }
0x81: {  	_ =	swait.ge [sflag:s29], $0x2800  }
0x82: {  	[sflag:s29] =	ssyncset.done $0x0  }
0x83: {  	[sflag:s29] =	ssyncadd.s32 $0xFFFFD800  }
0x84: {  	[spmem:s12] =	stream.linear.scatter [tilespmem:s28], [sflag:$0x7], $0x2800, $0x38;
	[tilespmem:$0x1FB80] =	vst v63  }
0x85: {  	_ =	swait.ge [sflag:s29], $0x2800  }
0x86: {  	[sflag:s29] =	ssyncset.done $0x0  }
0x87: {  	s21 =	simm.s32 @!p0 $0x13B80;
	[sflag:s29] =	ssyncadd.s32 $0xFFFFD800  }
0x88: {  	[spmem:s23] =	stream.linear.scatter @!p0 [tilespmem:s21], [sflag:$0x7], $0x2800, $0x38;
	[tilespmem:$0x1FB80] =	vst v63  }
0x89: {  	s21 =	simm.s32 @!p0 $0x7  }
0x8a: {  	_ =	swait.ge @!p0 [sflag:s21], $0x2800  }
0x8b: {  	[sflag:s21] =	ssyncset.done @!p0 $0x0  }
0x8c: {  	[sflag:s21] =	ssyncadd.s32 @!p0 $0xFFFFD800  }
0x8d: {  	[bflag:$0x0] =	sbarrier.arrive $0xFFFF  }
0x8e: {  	s30 =	simm.s32 $0x0;
	s26 =	simm.s32 $0x13880;
	s14 =	rddreg [dreg:$0xc]  }
0x8f: {  	[tilespmem:s26], [sflag:$0x7] =	stream.linear.gather [hbm4b:s14+s30], $0x100, $0x38;
	[tilespmem:$0x1FB80] =	vst v63  }
.Ltmp3:
0x90: {  	_ =	swait.ge [sflag:s29], $0x100;
	(pc) =	sbr.rel .LBB2_4-.Ltmp3, $4  }
0x91: {  	[sflag:s29] =	ssyncset.done $0x0  }
0x92: {  	[sflag:s29] =	ssyncadd.s32 $0xFFFFFF00  }
0x93: {  	[tilespmem:s28], [sflag:$0x1] =	stream.indirect.gather [hbm4b:s4+s31], $0x80, s26, s31, $0xb8;
	[tilespmem:$0x1FB80] =	vst v63  }
0x94: {  	s26 =	rddreg [dreg:$0xe]  }
.LBB2_8:
0x95: {  	p1 =	sge.u32 s30, s22  }
0x96: {  	s14 =	simm.s32 @!p1 $0x4  }
0x97: {  	_ =	swait.ge @!p1 [sflag:s14], $0x4000  }
0x98: {  	[sflag:s14] =	ssyncset.done @!p1 $0x0  }
0x99: {  	[sflag:s14] =	ssyncadd.s32 @!p1 $0xFFFFC000;
	s14 =	sshrl.u32 @!p1 s26, $0x3  }
0x9a: {  	s21 =	simm.s32 @!p1 $0x0;
	s25 =	simm.s32 @!p1 $0x13880;
	s14 =	sadd.s32 @!p1 s5, s14  }
0x9b: {  	[tilespmem:s25], [sflag:$0x7] =	stream.linear.gather @!p1 [hbm4b:s14+s21], $0x100, $0x38;
	[tilespmem:$0x1FB80] =	vst v63  }
0x9c: {  	s14 =	simm.s32 @!p1 $0x7  }
0x9d: {  	_ =	swait.ge @!p1 [sflag:s14], $0x100  }
0x9e: {  	[sflag:s14] =	ssyncset.done @!p1 $0x0  }
0x9f: {  	s21 =	simm.s32 @!p1 $0x13B80;
	[sflag:s14] =	ssyncadd.s32 @!p1 $0xFFFFFF00;
	s14 =	simm.s32 @!p1 $0x80  }
0xa0: {  	[tilespmem:s21], [sflag:$0x1] =	stream.indirect.gather @!p1 [hbm4b:s4+s14], $0x80, s25, s14, $0xb8;
	[tilespmem:$0x1FB80] =	vst v63  }
0xa1: {  	_ =	swait.ge [sflag:s0], $0x4000  }
0xa2: {  	[sflag:s0] =	ssyncset.done $0x0  }
0xa3: {  	[sflag:s0] =	ssyncadd.s32 $0xFFFFC000  }
0xa4: {  	[spmem:s1] =	stream.indirect.scatter.add.f32 [tilespmem:s13], [sflag:$0x6], $0x80, s3, s31, $0xb8;
	[tilespmem:$0x1FB80] =	vst v63  }
.LBB2_9:
0xa5: {  	p1 =	sne.s32 s22, s30  }
.Ltmp4:
0xa6: {  	_ = 	snop;
	(pc) =	sbr.rel @!p1 .LBB2_10-.Ltmp4, $2  }
0xa7: {  	_ =	sdelay $0x2  }
0xa8: {  	s26 =	sadd.s32 $0x2000, s26  }
.LBB2_4:
0xa9: {  	s25 =	smulhi.u32 $0xAAAAAAAB, s30;
	_ =	sdelay $0x1  }
0xaa: {  	s25 =	sshrl.u32 s25, $0x1  }
0xab: {  	s25 =	smul.u32 $0xFFFFFFFD, s25;
	_ =	sdelay $0x1  }
0xac: {  	s25 =	sadd.s32 s25, s30  }
0xad: {  	p1 =	seq.s32 s25, $0x2  }
.Ltmp5:
0xae: {  	_ = 	snop;
	(pc) =	sbr.rel @p1 .LBB2_8-.Ltmp5, $2  }
0xaf: {  	_ =	sdelay $0x2  }
0xb0: {  	s21 =	smov.u32 s30;
	s30 =	sadd.s32 $0x1, s30  }
0xb1: {  	p1 =	seq.s32 s25, $0x1  }
.Ltmp6:
0xb2: {  	_ = 	snop;
	(pc) =	sbr.rel @!p1 .LBB2_6-.Ltmp6, $1  }
0xb3: {  	_ =	sdelay $0x3  }
0xb4: {  	p1 =	sge.u32 s30, s22  }
0xb5: {  	p2 =	slt.u32 @!p1 s21, $0x2  }
0xb6: {  	p2 =	por p2, p1  }
0xb7: {  	s14 =	simm.s32 @!p2 $0x6  }
0xb8: {  	_ =	swait.ge @!p2 [sflag:s14], $0x4000  }
0xb9: {  	[sflag:s14] =	ssyncset.done @!p2 $0x0  }
0xba: {  	[sflag:s14] =	ssyncadd.s32 @!p2 $0xFFFFC000;
	s14 =	sshrl.u32 @!p1 s26, $0x3  }
0xbb: {  	s21 =	simm.s32 @!p1 $0x0;
	s25 =	simm.s32 @!p1 $0x13A80;
	s14 =	sadd.s32 @!p1 s5, s14  }
0xbc: {  	[tilespmem:s25], [sflag:$0x7] =	stream.linear.gather @!p1 [hbm4b:s14+s21], $0x100, $0x38;
	[tilespmem:$0x1FB80] =	vst v63  }
0xbd: {  	s14 =	simm.s32 @!p1 $0x7  }
0xbe: {  	_ =	swait.ge @!p1 [sflag:s14], $0x100  }
0xbf: {  	[sflag:s14] =	ssyncset.done @!p1 $0x0  }
0xc0: {  	s21 =	simm.s32 @!p1 $0x1BB80;
	[sflag:s14] =	ssyncadd.s32 @!p1 $0xFFFFFF00;
	s14 =	simm.s32 @!p1 $0x80  }
0xc1: {  	[tilespmem:s21], [sflag:$0x3] =	stream.indirect.gather @!p1 [hbm4b:s4+s14], $0x80, s25, s14, $0xb8;
	[tilespmem:$0x1FB80] =	vst v63  }
.Ltmp7:
0xc2: {  	_ = 	snop;
	(pc) =	sbr.rel .LBB2_9-.Ltmp7, $4  }
0xc3: {  	_ =	swait.ge [sflag:s17], $0x4000  }
0xc4: {  	[sflag:s17] =	ssyncset.done $0x0  }
0xc5: {  	[sflag:s17] =	ssyncadd.s32 $0xFFFFC000  }
0xc6: {  	[spmem:s1] =	stream.indirect.scatter.add.f32 [tilespmem:s19], [sflag:$0x5], $0x80, s18, s31, $0xb8;
	[tilespmem:$0x1FB80] =	vst v63  }
.LBB2_6:
0xc7: {  	p1 =	sge.u32 s30, s22  }
0xc8: {  	p2 =	slt.u32 @!p1 s21, $0x2  }
0xc9: {  	p2 =	por p2, p1  }
0xca: {  	s21 =	simm.s32 @!p2 $0x5  }
0xcb: {  	_ =	swait.ge @!p2 [sflag:s21], $0x4000  }
0xcc: {  	[sflag:s21] =	ssyncset.done @!p2 $0x0  }
0xcd: {  	[sflag:s21] =	ssyncadd.s32 @!p2 $0xFFFFC000;
	s21 =	sshrl.u32 @!p1 s26, $0x3  }
0xce: {  	s25 =	simm.s32 @!p1 $0x0;
	s14 =	simm.s32 @!p1 $0x13980;
	s21 =	sadd.s32 @!p1 s5, s21  }
0xcf: {  	[tilespmem:s14], [sflag:$0x7] =	stream.linear.gather @!p1 [hbm4b:s21+s25], $0x100, $0x38;
	[tilespmem:$0x1FB80] =	vst v63  }
0xd0: {  	s21 =	simm.s32 @!p1 $0x7  }
0xd1: {  	_ =	swait.ge @!p1 [sflag:s21], $0x100  }
0xd2: {  	[sflag:s21] =	ssyncset.done @!p1 $0x0  }
0xd3: {  	s25 =	simm.s32 @!p1 $0x17B80;
	[sflag:s21] =	ssyncadd.s32 @!p1 $0xFFFFFF00;
	s21 =	simm.s32 @!p1 $0x80  }
0xd4: {  	[tilespmem:s25], [sflag:$0x2] =	stream.indirect.gather @!p1 [hbm4b:s4+s21], $0x80, s14, s21, $0xb8;
	[tilespmem:$0x1FB80] =	vst v63  }
.Ltmp8:
0xd5: {  	_ = 	snop;
	(pc) =	sbr.rel .LBB2_9-.Ltmp8, $4  }
0xd6: {  	_ =	swait.ge [sflag:s20], $0x4000  }
0xd7: {  	[sflag:s20] =	ssyncset.done $0x0  }
0xd8: {  	[sflag:s20] =	ssyncadd.s32 $0xFFFFC000  }
0xd9: {  	[spmem:s1] =	stream.indirect.scatter.add.f32 [tilespmem:s28], [sflag:$0x4], $0x80, s24, s31, $0xb8;
	[tilespmem:$0x1FB80] =	vst v63  }
.LBB2_11:
0xda: {  	_ =	sfence.sel $0x180000  }
0xdb: {  	[bflag:$0x0] =	sbarrier.arrive $0xFFFF  }
0xdc: {  	_ =	strace $0x9000004D  }
0xdd: {  	s0 =	stileid.u32;
	[bflag:$0x2] =	sbarrier.arrive $0xFFFF  }
0xde: {  	p0 =	sne.s32 s0, $0x0;
	s0 =	rddreg [dreg:$0x2]  }
0xdf: {  	s0 =	sadd.s32 @!p0 $0x100000, s0  }
0xe0: {  	[sflag:s0] =	ssyncadd.tile.s32 @!p0 $0x1;
	_ =	shalt  }
.Lfunc_end2:
_tile_overlayer_lowered:
.L_overlay_start_2:
0xe1: {  	(tag) =	ssettag $0x2  }
0xe2: {  	s0 =	rddreg [dreg:$0x0];
	s2 =	stileid.u32  }
0xe3: {  	s1 =	rddreg [dreg:$0x1];
	p0 =	sne.s32 s2, $0x0  }
0xe4: {  	s3 =	rddreg [dreg:$0x2];
	[bflag:$0x3] =	sbarrier.arrive $0xFFFF;
	s2 =	simm.s32 @!p0 $0x1C07  }
0xe5: {  	[timem:s3], [sflag:s2] =	dma.local @!p0 [hbm:s0], s1  }
0xe6: {  	s0 =	simm.s32 @!p0 $0x7  }
0xe7: {  	_ =	swait.ge @!p0 [sflag:s0], s1  }
0xe8: {  	s1 =	ssub.s32 @!p0 $0x0, s1;
	[sflag:s0] =	ssyncset.done @!p0 $0x0  }
0xe9: {  	[sflag:s0] =	ssyncadd.s32 @!p0 s1  }
0xea: {  	[bflag:$0x3] =	sbarrier.arrive $0xFFFF  }
0xeb: {  	_ =	shalt  }

// kernel: kernel.8.cloned.1.call-start
scs
__scs_entry_jumppad:
0x0: {  	(pc) =	sbr.rel $0x88, $3  }
0x1: {  	(tag) =	ssettag $0x0;
	lr =	simm.s32 $0x1  }
0x2: {  	[smem:$0x3F93] =	sst lr;
	_ =	strace $0xD0000000  }
0x3: {  	_ = 	snop  }
0x4: {  	_ = 	snop  }
0x5: {  	_ = 	snop  }
0x6: {  	_ = 	snop  }
0x7: {  	_ = 	snop  }
__scs_overlays_trampoline_lowered:
0x8: {  	[smem:$0x3FA2] =	sst s0  }
0x9: {  	[smem:$0x3FA3] =	sst s1  }
0xa: {  	[smem:$0x3FA4] =	sst s2  }
0xb: {  	[smem:$0x3FA5] =	sst s3  }
0xc: {  	[smem:$0x3FA6] =	sst s4  }
0xd: {  	[smem:$0x3FA7] =	sst s5  }
0xe: {  	[smem:$0x3FA8] =	sst s6  }
0xf: {  	[smem:$0x3FA9] =	sst s7  }
0x10: {  	[smem:$0x3FAA] =	sst s8  }
0x11: {  	[smem:$0x3FAB] =	sst s9;
	s0 =	simm.s32 @!p0 $0x0  }
0x12: {  	s1 =	sld [smem:$0x3F91];
	s0 =	simm.s32 @p0 $0x1  }
0x13: {  	[smem:$0x3FAC] =	sst s0;
	s0 =	simm.s32 @!p1 $0x0  }
0x14: {  	s2 =	sld [smem:$0x3F90];
	s0 =	simm.s32 @p1 $0x1  }
0x15: {  	[smem:$0x3FAD] =	sst s0;
	s0 =	simm.s32 @!p2 $0x0  }
0x16: {  	s3 =	sld [smem:$0x3FDB];
	s0 =	simm.s32 @p2 $0x1  }
0x17: {  	s4 =	simm.s32 $0x1BF5;
	[smem:$0x3FAF] =	sst s0  }
0x18: {  	s0 =	sld [smem:$0x3F92];
	_ =	swait.ge [sflag:s4], $0x0  }
0x19: {  	s7 =	sld [smem:$0x3F93]  }
0x1a: {  	s8 =	sadd.s32 $0xFFFFE003, lr  }
0x1b: {  	s9 =	sadd.s32 $0xFFFFFEF7, lr;
	s5 =	simm.s32 $0xFFFFFFFF;
	p2 =	slt.u32 s8, $0xFFFFF086  }
0x1c: {  	p1 =	slt.u32 s9, $0xF7A;
	s5 =	simm.s32 @!p2 $0x0  }
0x1d: {  	s5 =	simm.s32 @p1 $0x1;
	p0 =	seq.s32 s7, s2  }
0x1e: {  	s7 =	smul.u32 @!p0 $0xF7A, s2;
	p2 =	seq.s32 @!p0 s5, $0x0  }
0x1f: {  	s9 =	smul.u32 $0xF7A, s1;
	s8 =	simm.s32 @!p0 $0x1BF5;
	p2 =	por !p2, p0  }
0x20: {  	[sflag:s8] =	ssyncset.s32 @!p0 $0xFFFFF086;
	s6 =	sadd.s32 @!p0 s3, s7;
	s7 =	simm.s32 @!p0 $0x108  }
0x21: {  	s3 =	sadd.s32 s3, s9;
	s6 =	sadd.s32 @!p0 $0x88, s6;
	s7 =	simm.s32 @p2 $0x1082  }
0x22: {  	[simem:s7], [sflag:s8] =	dma.local @!p0 [hbm:s6], $0xF7A  }
0x23: {  	s9 =	sor.u32 $0xD0000000, s2;
	s6 =	simm.s32 $0x108;
	_ =	swait.ge @!p0 [sflag:s8], $0x0  }
0x24: {  	s3 =	sadd.s32 $0x88, s3;
	s6 =	simm.s32 @!p1 $0x1082;
	[sflag:s4] =	ssyncset.s32 $0xFFFFF086  }
0x25: {  	[simem:s6], [sflag:s4] =	dma.local [hbm:s3], $0xF7A  }
0x26: {  	[smem:$0x3F93] =	sst s1;
	(tag) =	ssettag s2;
	_ =	strace s9  }
0x27: {  	s1 =	sld [smem:$0x3FA3]  }
0x28: {  	s2 =	sld [smem:$0x3FA4]  }
0x29: {  	s4 =	sld [smem:$0x3FA6]  }
0x2a: {  	p0 =	seq.s32 s5, $0x0;
	s5 =	sld [smem:$0x3FA7]  }
0x2b: {  	s6 =	sld [smem:$0x3FA8]  }
0x2c: {  	s7 =	sld [smem:$0x3FA9]  }
0x2d: {  	s3 =	simm.s32 $0x108;
	s8 =	sld [smem:$0x3FAA]  }
0x2e: {  	s3 =	simm.s32 @!p0 $0x1082;
	s9 =	sld [smem:$0x3FAB]  }
0x2f: {  	lr =	sadd.s32 s0, s3;
	s0 =	sld [smem:$0x3FA2]  }
0x30: {  	s3 =	sld [smem:$0x3FA5]  }
0x31: {  	[smem:$0x3FAE] =	sst s10  }
0x32: {  	s10 =	sld [smem:$0x3FAC];
	_ =	sdelay $0x3  }
0x33: {  	p0 =	seq.s32 s10, $0x1;
	s10 =	sld [smem:$0x3FAE];
	_ =	sdelay $0x3  }
0x34: {  	[smem:$0x3FAE] =	sst s10  }
0x35: {  	s10 =	sld [smem:$0x3FAD];
	_ =	sdelay $0x3  }
0x36: {  	p1 =	seq.s32 s10, $0x1;
	s10 =	sld [smem:$0x3FAE];
	_ =	sdelay $0x3  }
0x37: {  	[smem:$0x3FAE] =	sst s10  }
0x38: {  	s10 =	sld [smem:$0x3FAF]  }
0x39: {  	_ = 	snop;
	(pc) =	sbr.ind lr, $3  }
0x3a: {  	_ = 	snop  }
0x3b: {  	_ = 	snop  }
0x3c: {  	p2 =	seq.s32 s10, $0x1;
	s10 =	sld [smem:$0x3FAE]  }
0x3d: {  	_ =	shalt  }
0x3e: {  	_ =	shalt  }
0x3f: {  	_ =	shalt  }
0x40: {  	_ =	shalt  }
0x41: {  	_ =	shalt  }
0x42: {  	_ =	shalt  }
0x43: {  	_ =	shalt  }
0x44: {  	_ =	shalt  }
0x45: {  	_ =	shalt  }
0x46: {  	_ =	shalt  }
0x47: {  	_ =	shalt  }
0x48: {  	_ =	shalt  }
0x49: {  	_ =	shalt  }
0x4a: {  	_ =	shalt  }
0x4b: {  	_ =	shalt  }
0x4c: {  	_ =	shalt  }
0x4d: {  	_ =	shalt  }
0x4e: {  	_ =	shalt  }
0x4f: {  	_ =	shalt  }
0x50: {  	_ =	shalt  }
0x51: {  	_ =	shalt  }
0x52: {  	_ =	shalt  }
0x53: {  	_ =	shalt  }
0x54: {  	_ =	shalt  }
0x55: {  	_ =	shalt  }
0x56: {  	_ =	shalt  }
0x57: {  	_ =	shalt  }
0x58: {  	_ =	shalt  }
0x59: {  	_ =	shalt  }
0x5a: {  	_ =	shalt  }
0x5b: {  	_ =	shalt  }
0x5c: {  	_ =	shalt  }
0x5d: {  	_ =	shalt  }
0x5e: {  	_ =	shalt  }
0x5f: {  	_ =	shalt  }
0x60: {  	_ =	shalt  }
0x61: {  	_ =	shalt  }
0x62: {  	_ =	shalt  }
0x63: {  	_ =	shalt  }
0x64: {  	_ =	shalt  }
0x65: {  	_ =	shalt  }
0x66: {  	_ =	shalt  }
0x67: {  	_ =	shalt  }
0x68: {  	_ =	shalt  }
0x69: {  	_ =	shalt  }
0x6a: {  	_ =	shalt  }
0x6b: {  	_ =	shalt  }
0x6c: {  	_ =	shalt  }
0x6d: {  	_ =	shalt  }
0x6e: {  	_ =	shalt  }
0x6f: {  	_ =	shalt  }
0x70: {  	_ =	shalt  }
0x71: {  	_ =	shalt  }
0x72: {  	_ =	shalt  }
0x73: {  	_ =	shalt  }
0x74: {  	_ =	shalt  }
0x75: {  	_ =	shalt  }
0x76: {  	_ =	shalt  }
0x77: {  	_ =	shalt  }
0x78: {  	_ =	shalt  }
0x79: {  	_ =	shalt  }
0x7a: {  	_ =	shalt  }
0x7b: {  	_ =	shalt  }
0x7c: {  	_ =	shalt  }
0x7d: {  	_ =	shalt  }
0x7e: {  	_ =	shalt  }
0x7f: {  	_ =	shalt  }
0x80: {  	_ =	shalt  }
0x81: {  	_ =	shalt  }
0x82: {  	_ =	shalt  }
0x83: {  	_ =	shalt  }
0x84: {  	_ =	shalt  }
0x85: {  	_ =	shalt  }
0x86: {  	_ =	shalt  }
0x87: {  	_ =	shalt  }
.Lfunc_end0:
.L_simem_size_0:
called_computation_lowered:
.L_overlay_start_0:
0x88: {  	s2 =	sld [smem:$0x3FD9]  }
0x89: {  	s3 =	sld [smem:$0x3FFE];
	_ =	sdelay $0x1  }
0x8a: {  	s1 =	srdreg.scid  }
0x8b: {  	s0 =	sand.u32 $0x1, s1  }
0x8c: {  	s17 =	sshll.u32 s0, $0xA;
	s2 =	sadd.s32 s3, s2  }
0x8d: {  	s2 =	sadd.s32 s2, s17  }
0x8e: {  	[smem:$0x3FBA] =	sst s2  }
0x8f: {  	_ = 	snop  }
0x90: {  	s2 =	sld [smem:$0x3FC9];
	(tm) =	ssettm $0x1  }
0x91: {  	s18 =	sld [smem:$0x3FFB];
	_ =	sdelay $0x3  }
0x92: {  	_ =	strace s18  }
0x93: {  	s3 =	sld [smem:$0x3FFC];
	_ =	sdelay $0x3  }
0x94: {  	_ =	strace s3  }
0x95: {  	s3 =	sld [smem:$0x3FFD];
	_ =	sdelay $0x3  }
0x96: {  	_ =	strace s3  }
0x97: {  	_ =	strace $0x8FFFFFFF  }
0x98: {  	s19 =	sld [smem:$0x3FDB];
	_ =	sdelay $0x1  }
0x99: {  	s4 =	simm.s32 $_scs_section_size  }
0x9a: {  	s5 =	simm.s32 $_size__tile_overlayer_lowered;
	s6 =	simm.s32 $_tile_overlayer_lowered  }
0x9b: {  	s22 =	simm.s32 $0x1BFF;
	s21 =	sshll.u32 s6, $0x1;
	s3 =	sadd.s32 s4, s19  }
0x9c: {  	s7 =	simm.s32 $0x0;
	s20 =	sshll.u32 s5, $0x1;
	s5 =	sadd.s32 s21, s3  }
0x9d: {  	[timem:s7], [sflag:s22] =	dma.local [hbm:s5], s20  }
0x9e: {  	_ =	swait.ge [sflag:s22], s20  }
0x9f: {  	s4 =	ssub.s32 $0x0, s20;
	[sflag:s22] =	ssyncset.done $0x0  }
0xa0: {  	[sflag:s22] =	ssyncadd.s32 s4;
	_ =	sdelay $0x1  }
0xa1: {  	s23 =	simm.s32 $0x1B8B  }
0xa2: {  	_ =	swait.ge [sflag:s23], $0x1  }
0xa3: {  	[sflag:s23] =	ssyncset.done $0x0  }
0xa4: {  	s25 =	simm.s32 $0x1B8E;
	s24 =	sld [smem:$0x3FFE];
	[sflag:s23] =	ssyncadd.s32 $0xFFFFFFFF  }
0xa5: {  	s26 =	simm.s32 $execute0_lowered;
	[smem:$0x3FD2] =	sst s25  }
0xa6: {  	s5 =	sshll.u32 s26, $0x1;
	_ =	strace $0x80000046;
	[dreg:$0x1] =	wrdreg $0xFFFFFFFF  }
0xa7: {  	s28 =	simm.s32 $_size_execute0_lowered;
	s3 =	sadd.s32 s3, s5;
	[dreg:$0x0] =	wrdreg $0x0  }
0xa8: {  	s5 =	sshll.u32 s28, $0x1;
	[dreg:$0x2] =	wrdreg s3  }
0xa9: {  	[dreg:$0x3] =	wrdreg s5  }
0xaa: {  	[dreg:$0x4] =	wrdreg $0xC0  }
0xab: {  	_ =	task [dreg:s7], $0x5FFFF  }
0xac: {  	[dreg:$0x1] =	wrdreg $0xFFFFFFFF  }
0xad: {  	[dreg:$0x0] =	wrdreg $0x60  }
0xae: {  	[dreg:$0x2] =	wrdreg s2  }
0xaf: {  	[dreg:$0x3] =	wrdreg s24  }
0xb0: {  	[dreg:$0x4] =	wrdreg $0x0  }
0xb1: {  	[dreg:$0x5] =	wrdreg $0x9  }
0xb2: {  	_ =	task.clear_ibuf [dreg:s7], $0x6FFFF;
	_ =	strace $0x90000046  }
0xb3: {  	s29 =	simm.s32 $0x9;
	_ =	strace $0x80000048  }
0xb4: {  	_ =	swait.ge [sflag:s29], $0x1  }
0xb5: {  	[sflag:s29] =	ssyncadd.s32 $0xFFFFFFFF  }
0xb6: {  	_ =	strace $0x90000048  }
0xb7: {  	_ =	sfence  }
0xb8: {  	s30 =	sld [smem:$0x0];
	_ =	sdelay $0x2  }
0xb9: {  	s31 =	sshll.u32 s1, $0xD;
	s1 =	sshrl.u32 s1, $0x2  }
0xba: {  	s3 =	sand.u32 $0x4000, s31;
	s1 =	sadd.s32 s1, s30  }
0xbb: {  	s0 =	sor.u32 s3, s0;
	s1 =	sshll.u32 s1, $0x11  }
0xbc: {  	s0 =	sor.u32 s1, s0  }
0xbd: {  	s0 =	sadd.s32 $0x8F2B, s0  }
0xbe: {  	[sflag:s0] =	ssyncadd.remote.s32 $0x1  }
0xbf: {  	_ =	sfence.sel $0xFFFF  }
0xc0: {  	[dreg:$0x0] =	wrdreg $0xFFFFFFFF;
	(pc) =	sbr.abs _section_cstart, $3  }
0xc1: {  	[dreg:$0x1] =	wrdreg $0xFFFFFFFF  }
0xc2: {  	_ =	task.clear_ibuf [dreg:s7], $0x2FFFF;
	_ =	strace $0x9FFFFFFF  }
0xc3: {  	(tm) =	ssettm $0x7FFFFFFF  }
tec
execute0_lowered:
.L_overlay_start_1:
0x0: {  	(tag) =	ssettag $0x1  }
0x1: {  	s1 =	rddreg [dreg:$0x0]  }
0x2: {  	s4 =	rddreg [dreg:$0x1];
	s25 =	stileid.u32  }
0x3: {  	s2 =	rddreg [dreg:$0x2];
	s8 =	smul.u32 $0xA000, s25;
	s12 =	sor.u32 $0x10, s25  }
0x4: {  	s3 =	simm.s32 $0x0;
	s14 =	sor.u32 $0x20, s25;
	s23 =	smul.u32 $0xA000, s12  }
0x5: {  	s0 =	srdreg.scid;
	s15 =	sor.u32 $0x30, s25;
	s24 =	smul.u32 $0xA000, s14  }
0x6: {  	s28 =	simm.s32 $0x13B80;
	s16 =	sor.u32 $0x40, s25;
	s9 =	smul.u32 $0xA000, s15  }
0x7: {  	s29 =	simm.s32 $0x7;
	s17 =	sor.u32 $0x50, s25;
	s10 =	smul.u32 $0xA000, s16  }
0x8: {  	s31 =	simm.s32 $0x80;
	s18 =	sor.u32 $0x60, s25;
	s11 =	smul.u32 $0xA000, s17  }
0x9: {  	[smem:$0x7FF] =	sst s3;
	s0 =	sand.u32 $0x1, s0;
	s19 =	smul.u32 $0xA000, s18  }
0xa: {  	s5 =	sadd.s32 $0x3C00, s4;
	s13 =	sadd.s32 $0x17600, s4;
	s20 =	smul.u32 $0x2710, s0  }
0xb: {  	s21 =	sor.u32 $0x70, s25;
	p0 =	slt.u32 s25, $0x2;
	s14 =	smul.u32 $0x50, s14  }
0xc: {  	_ =	strace $0x80000047;
	s6 =	ssub.s32 $0x2, s0;
	s15 =	smul.u32 $0x50, s15  }
0xd: {  	s16 =	smul.u32 $0x50, s16;
	s7 =	sshrl.u32 s6, $0x1;
	s22 =	sshrl.u32 s8, $0x2  }
0xe: {  	s4 =	ssub.s32 s6, s7;
	s6 =	sadd.s32 s22, s2;
	s7 =	sshrl.u32 s23, $0x2  }
0xf: {  	s8 =	sshrl.u32 s24, $0x2;
	s9 =	sshrl.u32 s9, $0x2;
	s22 =	smul.u32 $0x50, s25  }
0x10: {  	s10 =	sshrl.u32 s10, $0x2;
	s11 =	sshrl.u32 s11, $0x2;
	s23 =	smul.u32 $0xA000, s21  }
0x11: {  	s19 =	sshrl.u32 s19, $0x2;
	s24 =	smul.u32 $0x50, s12;
	s14 =	sadd.s32 s20, s14  }
0x12: {  	s16 =	sadd.s32 s20, s16;
	s7 =	sadd.s32 s7, s2;
	s8 =	sadd.s32 s8, s2  }
0x13: {  	s9 =	sadd.s32 s9, s2;
	s10 =	sadd.s32 s10, s2;
	s11 =	sadd.s32 s11, s2  }
0x14: {  	s12 =	sadd.s32 s19, s2;
	s14 =	sshll.u32 s14, $0x4;
	s22 =	sadd.s32 s22, s20  }
0x15: {  	s23 =	sshrl.u32 s23, $0x2;
	s30 =	sadd.s32 s20, s24;
	s14 =	sadd.s32 s13, s14  }
0x16: {  	s24 =	smul.u32 $0x50, s18;
	s26 =	sshll.u32 s22, $0x4;
	[dreg:$0x6] =	wrdreg s14  }
0x17: {  	s22 =	smul.u32 $0x50, s17;
	s23 =	sadd.s32 s23, s2;
	s17 =	simm.s32 $0x2  }
0x18: {  	s19 =	sadd.s32 s13, s26;
	s26 =	sshll.u32 s16, $0x4;
	s18 =	sadd.s32 s20, s24  }
0x19: {  	s24 =	sshll.u32 s25, $0x6;
	[dreg:$0x4] =	wrdreg s19;
	s19 =	sshll.u32 s30, $0x4  }
0x1a: {  	s30 =	smul.u32 $0x50, s21;
	[dreg:$0xc] =	wrdreg s24;
	s19 =	sadd.s32 s13, s19  }
0x1b: {  	s21 =	sshll.u32 s25, $0x9;
	[dreg:$0x5] =	wrdreg s19;
	s19 =	sadd.s32 s20, s15  }
0x1c: {  	s15 =	sadd.s32 s20, s22;
	s16 =	sadd.s32 s20, s30;
	s22 =	sshll.u32 s0, $0x8  }
0x1d: {  	s0 =	sshll.u32 s0, $0x5;
	s14 =	sshll.u32 s19, $0x4;
	s20 =	sshll.u32 s16, $0x4  }
0x1e: {  	s0 =	sor.u32 s0, s24;
	s16 =	simm.s32 $0x6;
	s14 =	sadd.s32 s13, s14  }
0x1f: {  	s24 =	simm.s32 $0x13900;
	s0 =	sadd.s32 s5, s0;
	[dreg:$0x7] =	wrdreg s14  }
0x20: {  	s14 =	sadd.s32 s13, s26;
	[dreg:$0xd] =	wrdreg s0;
	s26 =	smax.u32 s4, $0x1  }
0x21: {  	s0 =	simm.s32 $0x3;
	s4 =	simm.s32 $0x13B00;
	[dreg:$0x8] =	wrdreg s14  }
0x22: {  	s14 =	sshll.u32 s15, $0x4;
	s15 =	sshll.u32 s18, $0x4;
	[dreg:$0xe] =	wrdreg s26  }
0x23: {  	s18 =	simm.s32 $0x13A00;
	s14 =	sadd.s32 s13, s14;
	s19 =	sadd.s32 s13, s15  }
.Ltmp0:
0x24: {  	s13 =	sadd.s32 s13, s20;
	[dreg:$0x9] =	wrdreg s14;
	(pc) =	sbr.rel .LBB2_1-.Ltmp0, $4  }
0x25: {  	s15 =	simm.s32 $0x5;
	s20 =	simm.s32 $0x1;
	[dreg:$0xa] =	wrdreg s19  }
0x26: {  	[dreg:$0xb] =	wrdreg s13;
	s13 =	sor.u32 s22, s21;
	s22 =	simm.s32 $0x4F  }
0x27: {  	s19 =	simm.s32 $0x17B80;
	s22 =	simm.s32 @!p0 $0x4E;
	s30 =	sor.u32 $0x2000, s13  }
0x28: {  	v0 =	vimm.f32 $0.0e+00;
	p0 =	sgt.u32 s25, $0xC;
	s13 =	simm.s32 $0x1BB80;
	[dreg:$0xf] =	wrdreg s30  }
.LBB2_10:
0x29: {  	s14 =	simm.s32 $0x4  }
0x2a: {  	_ =	swait.ge [sflag:s14], $0x4000  }
0x2b: {  	[sflag:s14] =	ssyncset.done $0x0  }
0x2c: {  	[sflag:s14] =	ssyncadd.s32 $0xFFFFC000  }
0x2d: {  	_ =	swait.ge [sflag:s15], $0x4000  }
0x2e: {  	[sflag:s15] =	ssyncset.done $0x0  }
0x2f: {  	[sflag:s15] =	ssyncadd.s32 $0xFFFFC000  }
0x30: {  	_ =	swait.ge [sflag:s16], $0x4000  }
0x31: {  	[sflag:s16] =	ssyncset.done $0x0  }
0x32: {  	[sflag:s16] =	ssyncadd.s32 $0xFFFFC000  }
0x33: {  	[bflag:$0x0] =	sbarrier.arrive $0xFFFF  }
0x34: {  	s25 =	rddreg [dreg:$0xc]  }
0x35: {  	s21 =	sshrl.u32 s6, $0x3;
	s14 =	sor.u32 $0x1C07, s25;
	s25 =	rddreg [dreg:$0x4]  }
0x36: {  	[hbm:s25], [sflag:s14] =	dma.local [spmem:s21], $0x500  }
0x37: {  	_ =	swait.ge [sflag:s29], $0x500  }
0x38: {  	[sflag:s29] =	ssyncset.done $0x0  }
0x39: {  	s26 =	sshrl.u32 s7, $0x3;
	s30 =	rddreg [dreg:$0x5];
	[sflag:s29] =	ssyncadd.s32 $0xFFFFFB00  }
0x3a: {  	[hbm:s30], [sflag:s14] =	dma.local [spmem:s26], $0x500  }
0x3b: {  	_ =	swait.ge [sflag:s29], $0x500  }
0x3c: {  	[sflag:s29] =	ssyncset.done $0x0  }
0x3d: {  	s26 =	sshrl.u32 s8, $0x3;
	s30 =	rddreg [dreg:$0x6];
	[sflag:s29] =	ssyncadd.s32 $0xFFFFFB00  }
0x3e: {  	[hbm:s30], [sflag:s14] =	dma.local [spmem:s26], $0x500  }
0x3f: {  	_ =	swait.ge [sflag:s29], $0x500  }
0x40: {  	[sflag:s29] =	ssyncset.done $0x0  }
0x41: {  	s26 =	sshrl.u32 s9, $0x3;
	s30 =	rddreg [dreg:$0x7];
	[sflag:s29] =	ssyncadd.s32 $0xFFFFFB00  }
0x42: {  	[hbm:s30], [sflag:s14] =	dma.local [spmem:s26], $0x500  }
0x43: {  	_ =	swait.ge [sflag:s29], $0x500  }
0x44: {  	[sflag:s29] =	ssyncset.done $0x0  }
0x45: {  	s26 =	sshrl.u32 s10, $0x3;
	s30 =	rddreg [dreg:$0x8];
	[sflag:s29] =	ssyncadd.s32 $0xFFFFFB00  }
0x46: {  	[hbm:s30], [sflag:s14] =	dma.local [spmem:s26], $0x500  }
0x47: {  	_ =	swait.ge [sflag:s29], $0x500  }
0x48: {  	[sflag:s29] =	ssyncset.done $0x0  }
0x49: {  	s26 =	sshrl.u32 s11, $0x3;
	s30 =	rddreg [dreg:$0x9];
	[sflag:s29] =	ssyncadd.s32 $0xFFFFFB00  }
0x4a: {  	[hbm:s30], [sflag:s14] =	dma.local [spmem:s26], $0x500  }
0x4b: {  	_ =	swait.ge [sflag:s29], $0x500  }
0x4c: {  	[sflag:s29] =	ssyncset.done $0x0  }
0x4d: {  	s25 =	sshrl.u32 s12, $0x3;
	s26 =	rddreg [dreg:$0xa];
	[sflag:s29] =	ssyncadd.s32 $0xFFFFFB00  }
0x4e: {  	[hbm:s26], [sflag:s14] =	dma.local [spmem:s25], $0x500  }
0x4f: {  	_ =	swait.ge [sflag:s29], $0x500  }
0x50: {  	[sflag:s29] =	ssyncset.done $0x0  }
0x51: {  	s21 =	sshrl.u32 @!p0 s23, $0x3;
	s25 =	rddreg [dreg:$0xb];
	[sflag:s29] =	ssyncadd.s32 $0xFFFFFB00  }
0x52: {  	[hbm:s25], [sflag:s14] =	dma.local @!p0 [spmem:s21], $0x500  }
0x53: {  	s14 =	simm.s32 @!p0 $0x7  }
0x54: {  	_ =	swait.ge @!p0 [sflag:s14], $0x500  }
0x55: {  	s3 =	sadd.s32 $0x1, s3;
	s30 =	rddreg [dreg:$0xe]  }
0x56: {  	p1 =	sne.s32 s3, s30  }
.Ltmp1:
0x57: {  	_ = 	snop;
	(pc) =	sbr.rel @!p1 .LBB2_11-.Ltmp1, $3  }
0x58: {  	_ =	sdelay $0x1  }
0x59: {  	[sflag:s14] =	ssyncset.done @!p0 $0x0  }
0x5a: {  	[sflag:s14] =	ssyncadd.s32 @!p0 $0xFFFFFB00  }
.LBB2_1:
0x5b: {  	s21 =	simm.s32 $0x0;
	s26 =	simm.s32 $0x200  }
.LBB2_2:
0x5c: {  	p1 =	sne.s32 s26, $0x9E00;
	[tilespmem:s21+$0x13BF0] =	vst v0  }
0x5d: {  	[tilespmem:s21+$0x13B80] =	vst v0  }
0x5e: {  	[tilespmem:s21+$0x13B90] =	vst v0  }
.Ltmp2:
0x5f: {  	[tilespmem:s21+$0x13BA0] =	vst v0;
	(pc) =	sbr.rel @p1 .LBB2_2-.Ltmp2, $4  }
0x60: {  	[tilespmem:s21+$0x13BB0] =	vst v0  }
0x61: {  	[tilespmem:s21+$0x13BC0] =	vst v0  }
0x62: {  	[tilespmem:s21+$0x13BD0] =	vst v0  }
0x63: {  	[tilespmem:s21+$0x13BE0] =	vst v0;
	s21 =	sshra.s32 s26, $0x2;
	s26 =	sadd.s32 $0x200, s26  }
0x64: {  	[tilespmem:s21+$0x13BF0] =	vst v0  }
0x65: {  	[tilespmem:s21+$0x13B80] =	vst v0  }
0x66: {  	[tilespmem:s21+$0x13B90] =	vst v0  }
0x67: {  	[tilespmem:s21+$0x13BA0] =	vst v0  }
0x68: {  	[tilespmem:s21+$0x13BB0] =	vst v0  }
0x69: {  	[tilespmem:s21+$0x13BC0] =	vst v0  }
0x6a: {  	[tilespmem:s21+$0x13BD0] =	vst v0  }
0x6b: {  	[tilespmem:s21+$0x13BE0] =	vst v0  }
0x6c: {  	[spmem:s6] =	stream.linear.scatter [tilespmem:s28], [sflag:$0x7], $0x2800, $0x38;
	[tilespmem:$0x1FB80] =	vst v63  }
0x6d: {  	_ =	swait.ge [sflag:s29], $0x2800  }
0x6e: {  	[sflag:s29] =	ssyncset.done $0x0  }
0x6f: {  	[sflag:s29] =	ssyncadd.s32 $0xFFFFD800  }
0x70: {  	[spmem:s7] =	stream.linear.scatter [tilespmem:s28], [sflag:$0x7], $0x2800, $0x38;
	[tilespmem:$0x1FB80] =	vst v63  }
0x71: {  	_ =	swait.ge [sflag:s29], $0x2800  }
0x72: {  	[sflag:s29] =	ssyncset.done $0x0  }
0x73: {  	[sflag:s29] =	ssyncadd.s32 $0xFFFFD800  }
0x74: {  	[spmem:s8] =	stream.linear.scatter [tilespmem:s28], [sflag:$0x7], $0x2800, $0x38;
	[tilespmem:$0x1FB80] =	vst v63  }
0x75: {  	_ =	swait.ge [sflag:s29], $0x2800  }
0x76: {  	[sflag:s29] =	ssyncset.done $0x0  }
0x77: {  	[sflag:s29] =	ssyncadd.s32 $0xFFFFD800  }
0x78: {  	[spmem:s9] =	stream.linear.scatter [tilespmem:s28], [sflag:$0x7], $0x2800, $0x38;
	[tilespmem:$0x1FB80] =	vst v63  }
0x79: {  	_ =	swait.ge [sflag:s29], $0x2800  }
0x7a: {  	[sflag:s29] =	ssyncset.done $0x0  }
0x7b: {  	[sflag:s29] =	ssyncadd.s32 $0xFFFFD800  }
0x7c: {  	[spmem:s10] =	stream.linear.scatter [tilespmem:s28], [sflag:$0x7], $0x2800, $0x38;
	[tilespmem:$0x1FB80] =	vst v63  }
0x7d: {  	_ =	swait.ge [sflag:s29], $0x2800  }
0x7e: {  	[sflag:s29] =	ssyncset.done $0x0  }
0x7f: {  	[sflag:s29] =	ssyncadd.s32 $0xFFFFD800  }
0x80: {  	[spmem:s11] =	stream.linear.scatter [tilespmem:s28], [sflag:$0x7], $0x2800, $0x38;
	[tilespmem:$0x1FB80] =	vst v63  }
0x81: {  	_ =	swait.ge [sflag:s29], $0x2800  }
0x82: {  	[sflag:s29] =	ssyncset.done $0x0  }
0x83: {  	[sflag:s29] =	ssyncadd.s32 $0xFFFFD800  }
0x84: {  	[spmem:s12] =	stream.linear.scatter [tilespmem:s28], [sflag:$0x7], $0x2800, $0x38;
	[tilespmem:$0x1FB80] =	vst v63  }
0x85: {  	_ =	swait.ge [sflag:s29], $0x2800  }
0x86: {  	[sflag:s29] =	ssyncset.done $0x0  }
0x87: {  	s21 =	simm.s32 @!p0 $0x13B80;
	[sflag:s29] =	ssyncadd.s32 $0xFFFFD800  }
0x88: {  	[spmem:s23] =	stream.linear.scatter @!p0 [tilespmem:s21], [sflag:$0x7], $0x2800, $0x38;
	[tilespmem:$0x1FB80] =	vst v63  }
0x89: {  	s21 =	simm.s32 @!p0 $0x7  }
0x8a: {  	_ =	swait.ge @!p0 [sflag:s21], $0x2800  }
0x8b: {  	[sflag:s21] =	ssyncset.done @!p0 $0x0  }
0x8c: {  	[sflag:s21] =	ssyncadd.s32 @!p0 $0xFFFFD800  }
0x8d: {  	[bflag:$0x0] =	sbarrier.arrive $0xFFFF  }
0x8e: {  	s30 =	simm.s32 $0x0;
	s26 =	simm.s32 $0x13880;
	s14 =	rddreg [dreg:$0xd]  }
0x8f: {  	[tilespmem:s26], [sflag:$0x7] =	stream.linear.gather [hbm4b:s14+s30], $0x100, $0x38;
	[tilespmem:$0x1FB80] =	vst v63  }
.Ltmp3:
0x90: {  	_ =	swait.ge [sflag:s29], $0x100;
	(pc) =	sbr.rel .LBB2_4-.Ltmp3, $4  }
0x91: {  	[sflag:s29] =	ssyncset.done $0x0  }
0x92: {  	[sflag:s29] =	ssyncadd.s32 $0xFFFFFF00  }
0x93: {  	[tilespmem:s28], [sflag:$0x1] =	stream.indirect.gather [hbm4b:s1+s31], $0x80, s26, s31, $0xb8;
	[tilespmem:$0x1FB80] =	vst v63  }
0x94: {  	s26 =	rddreg [dreg:$0xf]  }
.LBB2_8:
0x95: {  	p1 =	sge.u32 s30, s22  }
0x96: {  	s14 =	simm.s32 @!p1 $0x4  }
0x97: {  	_ =	swait.ge @!p1 [sflag:s14], $0x4000  }
0x98: {  	[sflag:s14] =	ssyncset.done @!p1 $0x0  }
0x99: {  	[sflag:s14] =	ssyncadd.s32 @!p1 $0xFFFFC000;
	s14 =	sshrl.u32 @!p1 s26, $0x3  }
0x9a: {  	s21 =	simm.s32 @!p1 $0x0;
	s25 =	simm.s32 @!p1 $0x13880;
	s14 =	sadd.s32 @!p1 s5, s14  }
0x9b: {  	[tilespmem:s25], [sflag:$0x7] =	stream.linear.gather @!p1 [hbm4b:s14+s21], $0x100, $0x38;
	[tilespmem:$0x1FB80] =	vst v63  }
0x9c: {  	s14 =	simm.s32 @!p1 $0x7  }
0x9d: {  	_ =	swait.ge @!p1 [sflag:s14], $0x100  }
0x9e: {  	[sflag:s14] =	ssyncset.done @!p1 $0x0  }
0x9f: {  	s21 =	simm.s32 @!p1 $0x13B80;
	[sflag:s14] =	ssyncadd.s32 @!p1 $0xFFFFFF00;
	s14 =	simm.s32 @!p1 $0x80  }
0xa0: {  	[tilespmem:s21], [sflag:$0x1] =	stream.indirect.gather @!p1 [hbm4b:s1+s14], $0x80, s25, s14, $0xb8;
	[tilespmem:$0x1FB80] =	vst v63  }
0xa1: {  	_ =	swait.ge [sflag:s0], $0x4000  }
0xa2: {  	[sflag:s0] =	ssyncset.done $0x0  }
0xa3: {  	[sflag:s0] =	ssyncadd.s32 $0xFFFFC000  }
0xa4: {  	[spmem:s2] =	stream.indirect.scatter.add.f32 [tilespmem:s13], [sflag:$0x6], $0x80, s4, s31, $0xb8;
	[tilespmem:$0x1FB80] =	vst v63  }
.LBB2_9:
0xa5: {  	p1 =	sne.s32 s22, s30  }
.Ltmp4:
0xa6: {  	_ = 	snop;
	(pc) =	sbr.rel @!p1 .LBB2_10-.Ltmp4, $2  }
0xa7: {  	_ =	sdelay $0x2  }
0xa8: {  	s26 =	sadd.s32 $0x2000, s26  }
.LBB2_4:
0xa9: {  	s25 =	smulhi.u32 $0xAAAAAAAB, s30;
	_ =	sdelay $0x1  }
0xaa: {  	s25 =	sshrl.u32 s25, $0x1  }
0xab: {  	s25 =	smul.u32 $0xFFFFFFFD, s25;
	_ =	sdelay $0x1  }
0xac: {  	s25 =	sadd.s32 s25, s30  }
0xad: {  	p1 =	seq.s32 s25, $0x2  }
.Ltmp5:
0xae: {  	_ = 	snop;
	(pc) =	sbr.rel @p1 .LBB2_8-.Ltmp5, $2  }
0xaf: {  	_ =	sdelay $0x2  }
0xb0: {  	s21 =	smov.u32 s30;
	s30 =	sadd.s32 $0x1, s30  }
0xb1: {  	p1 =	seq.s32 s25, $0x1  }
.Ltmp6:
0xb2: {  	_ = 	snop;
	(pc) =	sbr.rel @!p1 .LBB2_6-.Ltmp6, $1  }
0xb3: {  	_ =	sdelay $0x3  }
0xb4: {  	p1 =	sge.u32 s30, s22  }
0xb5: {  	p2 =	slt.u32 @!p1 s21, $0x2  }
0xb6: {  	p2 =	por p2, p1  }
0xb7: {  	s14 =	simm.s32 @!p2 $0x6  }
0xb8: {  	_ =	swait.ge @!p2 [sflag:s14], $0x4000  }
0xb9: {  	[sflag:s14] =	ssyncset.done @!p2 $0x0  }
0xba: {  	[sflag:s14] =	ssyncadd.s32 @!p2 $0xFFFFC000;
	s14 =	sshrl.u32 @!p1 s26, $0x3  }
0xbb: {  	s21 =	simm.s32 @!p1 $0x0;
	s25 =	simm.s32 @!p1 $0x13A80;
	s14 =	sadd.s32 @!p1 s5, s14  }
0xbc: {  	[tilespmem:s25], [sflag:$0x7] =	stream.linear.gather @!p1 [hbm4b:s14+s21], $0x100, $0x38;
	[tilespmem:$0x1FB80] =	vst v63  }
0xbd: {  	s14 =	simm.s32 @!p1 $0x7  }
0xbe: {  	_ =	swait.ge @!p1 [sflag:s14], $0x100  }
0xbf: {  	[sflag:s14] =	ssyncset.done @!p1 $0x0  }
0xc0: {  	s21 =	simm.s32 @!p1 $0x1BB80;
	[sflag:s14] =	ssyncadd.s32 @!p1 $0xFFFFFF00;
	s14 =	simm.s32 @!p1 $0x80  }
0xc1: {  	[tilespmem:s21], [sflag:$0x3] =	stream.indirect.gather @!p1 [hbm4b:s1+s14], $0x80, s25, s14, $0xb8;
	[tilespmem:$0x1FB80] =	vst v63  }
.Ltmp7:
0xc2: {  	_ = 	snop;
	(pc) =	sbr.rel .LBB2_9-.Ltmp7, $4  }
0xc3: {  	_ =	swait.ge [sflag:s17], $0x4000  }
0xc4: {  	[sflag:s17] =	ssyncset.done $0x0  }
0xc5: {  	[sflag:s17] =	ssyncadd.s32 $0xFFFFC000  }
0xc6: {  	[spmem:s2] =	stream.indirect.scatter.add.f32 [tilespmem:s19], [sflag:$0x5], $0x80, s18, s31, $0xb8;
	[tilespmem:$0x1FB80] =	vst v63  }
.LBB2_6:
0xc7: {  	p1 =	sge.u32 s30, s22  }
0xc8: {  	p2 =	slt.u32 @!p1 s21, $0x2  }
0xc9: {  	p2 =	por p2, p1  }
0xca: {  	s21 =	simm.s32 @!p2 $0x5  }
0xcb: {  	_ =	swait.ge @!p2 [sflag:s21], $0x4000  }
0xcc: {  	[sflag:s21] =	ssyncset.done @!p2 $0x0  }
0xcd: {  	[sflag:s21] =	ssyncadd.s32 @!p2 $0xFFFFC000;
	s21 =	sshrl.u32 @!p1 s26, $0x3  }
0xce: {  	s25 =	simm.s32 @!p1 $0x0;
	s14 =	simm.s32 @!p1 $0x13980;
	s21 =	sadd.s32 @!p1 s5, s21  }
0xcf: {  	[tilespmem:s14], [sflag:$0x7] =	stream.linear.gather @!p1 [hbm4b:s21+s25], $0x100, $0x38;
	[tilespmem:$0x1FB80] =	vst v63  }
0xd0: {  	s21 =	simm.s32 @!p1 $0x7  }
0xd1: {  	_ =	swait.ge @!p1 [sflag:s21], $0x100  }
0xd2: {  	[sflag:s21] =	ssyncset.done @!p1 $0x0  }
0xd3: {  	s25 =	simm.s32 @!p1 $0x17B80;
	[sflag:s21] =	ssyncadd.s32 @!p1 $0xFFFFFF00;
	s21 =	simm.s32 @!p1 $0x80  }
0xd4: {  	[tilespmem:s25], [sflag:$0x2] =	stream.indirect.gather @!p1 [hbm4b:s1+s21], $0x80, s14, s21, $0xb8;
	[tilespmem:$0x1FB80] =	vst v63  }
.Ltmp8:
0xd5: {  	_ = 	snop;
	(pc) =	sbr.rel .LBB2_9-.Ltmp8, $4  }
0xd6: {  	_ =	swait.ge [sflag:s20], $0x4000  }
0xd7: {  	[sflag:s20] =	ssyncset.done $0x0  }
0xd8: {  	[sflag:s20] =	ssyncadd.s32 $0xFFFFC000  }
0xd9: {  	[spmem:s2] =	stream.indirect.scatter.add.f32 [tilespmem:s28], [sflag:$0x4], $0x80, s24, s31, $0xb8;
	[tilespmem:$0x1FB80] =	vst v63  }
.LBB2_11:
0xda: {  	_ =	sfence.sel $0x180000  }
0xdb: {  	[bflag:$0x0] =	sbarrier.arrive $0xFFFF  }
0xdc: {  	_ =	strace $0x90000047  }
0xdd: {  	s0 =	stileid.u32;
	[bflag:$0x2] =	sbarrier.arrive $0xFFFF  }
0xde: {  	p0 =	sne.s32 s0, $0x0;
	s0 =	rddreg [dreg:$0x3]  }
0xdf: {  	s0 =	sadd.s32 @!p0 $0x100000, s0  }
0xe0: {  	[sflag:s0] =	ssyncadd.tile.s32 @!p0 $0x1;
	_ =	shalt  }
.Lfunc_end2:
_tile_overlayer_lowered:
.L_overlay_start_2:
0xe1: {  	(tag) =	ssettag $0x2  }
0xe2: {  	s0 =	rddreg [dreg:$0x0];
	s2 =	stileid.u32  }
0xe3: {  	s1 =	rddreg [dreg:$0x1];
	p0 =	sne.s32 s2, $0x0  }
0xe4: {  	s3 =	rddreg [dreg:$0x2];
	[bflag:$0x3] =	sbarrier.arrive $0xFFFF;
	s2 =	simm.s32 @!p0 $0x1C07  }
0xe5: {  	[timem:s3], [sflag:s2] =	dma.local @!p0 [hbm:s0], s1  }
0xe6: {  	s0 =	simm.s32 @!p0 $0x7  }
0xe7: {  	_ =	swait.ge @!p0 [sflag:s0], s1  }
0xe8: {  	s1 =	ssub.s32 @!p0 $0x0, s1;
	[sflag:s0] =	ssyncset.done @!p0 $0x0  }
0xe9: {  	[sflag:s0] =	ssyncadd.s32 @!p0 s1  }
0xea: {  	[bflag:$0x3] =	sbarrier.arrive $0xFFFF  }
0xeb: {  	_ =	shalt  }

</sc_bundles>
